<compile_context>
chip_gen: v7x
topology: tpu7x:2x2x1
jax: 0.10.2.dev20260603
libtpu: 0.0.44.dev20260713+nightly
codegen_flags: <defaults>
</compile_context>

<pallas_src>
import functools

import jax
import jax.numpy as jnp
from jax import lax
from jax.experimental import pallas as pl
from jax.experimental.pallas import tpu as pltpu
from jax.experimental.pallas import tpu_sc as plsc

N = 10000
E = 320000
F = 128
H = 128

NP = 10240
NC = 2
NS = 16
NW = NC * NS
EPW = E // NW
CHUNK = 80
NCHUNKS = EPW // CHUNK
NBUF = 4
NGROUP = NCHUNKS // NBUF
RPT = NP // NS
BLK = 2000
GRID = N // BLK

@functools.cache
def _mesh():
    return plsc.VectorSubcoreMesh(
        core_axis_name="c", subcore_axis_name="s", num_cores=NC, num_subcores=NS
    )


def _deg_body(ei_hbm, out_hbm, deg_v, idx_v):
    c = lax.axis_index("c")
    s = lax.axis_index("s")
    wid = s * NC + c

    zeros16 = jnp.zeros((16,), jnp.float32)

    def zloop(i, carry):
        deg_v[pl.ds(i * 16, 16)] = zeros16
        return carry

    lax.fori_loop(0, NP // 16, zloop, 0)

    pltpu.sync_copy(ei_hbm.at[1, wid], idx_v)
    ones16 = jnp.ones((16,), jnp.float32)

    def body(i, carry):
        jc = i // (CHUNK // 16)
        k = lax.rem(i, CHUNK // 16)
        idx = idx_v[jc, pl.ds(k * 16, 16)]
        plsc.addupdate_scatter(deg_v, [idx], ones16)
        return carry

    lax.fori_loop(0, EPW // 16, body, 0)
    pltpu.sync_copy(deg_v, out_hbm.at[wid])


@functools.cache
def _deg_kernel():
    return pl.kernel(
        _deg_body,
        out_type=jax.ShapeDtypeStruct((NW, NP), jnp.float32),
        mesh=_mesh(),
        scratch_types=[
            pltpu.VMEM((NP,), jnp.float32),
            pltpu.VMEM((NCHUNKS, CHUNK), jnp.int32),
        ],
        compiler_params=pltpu.CompilerParams(
            needs_layout_passes=False, use_tc_tiling_on_sc=False
        ),
    )


def _conv_body(g_hbm, ei_hbm, out_hbm,
               acc_sh, src_v, dst_v, rows_v, zero_v, gsem, ssem, isem):
    c = lax.axis_index("c")
    s = lax.axis_index("s")
    wid = s * NC + c

    pltpu.sync_copy(ei_hbm.at[0, wid, pl.ds(0, NBUF)], src_v.at[0])
    pltpu.sync_copy(ei_hbm.at[1, wid, pl.ds(0, NBUF)], dst_v.at[0])
    for b in range(NBUF):
        pltpu.async_copy(g_hbm.at[src_v.at[0, b]], rows_v.at[b], gsem)

    zeros16 = jnp.zeros((16,), jnp.float32)
    for r in range(16):
        for cc in range(H // 16):
            zero_v[r, pl.ds(cc * 16, 16)] = zeros16

    def zacc(i, carry):
        pltpu.sync_copy(zero_v, acc_sh.at[pl.ds((i * NS + s) * 16, 16)])
        return carry

    lax.fori_loop(0, RPT // 16, zacc, 0)
    plsc.subcore_barrier()

    def group(gi, carry):
        p = lax.rem(gi, 2)
        pn = lax.rem(gi + 1, 2)
        notlast = gi + 1 < NGROUP
        jn = (gi + 1) * NBUF

        @pl.when(notlast)
        def _():
            pltpu.async_copy(ei_hbm.at[0, wid, pl.ds(jn, NBUF)], src_v.at[pn], isem)
            pltpu.async_copy(ei_hbm.at[1, wid, pl.ds(jn, NBUF)], dst_v.at[pn], isem)

        for b in range(NBUF):
            pltpu.make_async_copy(
                g_hbm.at[src_v.at[p, b]], rows_v.at[b], gsem
            ).wait()
            pltpu.async_copy(
                rows_v.at[b], acc_sh.at[dst_v.at[p, b]], ssem, add=True
            )

        @pl.when(notlast)
        def _():
            pltpu.make_async_copy(
                ei_hbm.at[0, wid, pl.ds(jn, NBUF)], src_v.at[pn], isem
            ).wait()
            pltpu.make_async_copy(
                ei_hbm.at[1, wid, pl.ds(jn, NBUF)], dst_v.at[pn], isem
            ).wait()

        for b in range(NBUF):
            pltpu.make_async_copy(
                rows_v.at[b], acc_sh.at[dst_v.at[p, b]], ssem
            ).wait()

            @pl.when(notlast)
            def _():
                pltpu.async_copy(g_hbm.at[src_v.at[pn, b]], rows_v.at[b], gsem)

        return carry

    lax.fori_loop(0, NGROUP, group, 0)

    for j in range(NGROUP * NBUF, NCHUNKS):
        pltpu.sync_copy(ei_hbm.at[0, wid, pl.ds(j, 1)], src_v.at[0, pl.ds(0, 1)])
        pltpu.sync_copy(ei_hbm.at[1, wid, pl.ds(j, 1)], dst_v.at[0, pl.ds(0, 1)])
        pltpu.async_copy(g_hbm.at[src_v.at[0, 0]], rows_v.at[0], gsem).wait()
        pltpu.async_copy(
            rows_v.at[0], acc_sh.at[dst_v.at[0, 0]], ssem, add=True
        ).wait()
    plsc.subcore_barrier()

    row0 = s * RPT
    pltpu.sync_copy(acc_sh.at[pl.ds(row0, RPT)], out_hbm.at[c, pl.ds(row0, RPT)])


@functools.cache
def _conv_kernel():
    return pl.kernel(
        _conv_body,
        out_type=jax.ShapeDtypeStruct((NC, NP, H), jnp.float32),
        mesh=_mesh(),
        scratch_types=[
            pltpu.VMEM_SHARED((NP, H), jnp.float32),
            pltpu.VMEM((2, NBUF, CHUNK), jnp.int32),
            pltpu.VMEM((2, NBUF, CHUNK), jnp.int32),
            pltpu.VMEM((NBUF, CHUNK, H), jnp.float32),
            pltpu.VMEM((16, H), jnp.float32),
            pltpu.SemaphoreType.DMA,
            pltpu.SemaphoreType.DMA,
            pltpu.SemaphoreType.DMA,
        ],
        compiler_params=pltpu.CompilerParams(use_tc_tiling_on_sc=False),
    )


def _dinv_body(degp_ref, dinv_ref):
    deg = jnp.sum(degp_ref[...], axis=0) + 1.0
    dinv_ref[...] = lax.rsqrt(deg)[:, None]


_dinv_kernel = pl.pallas_call(
    _dinv_body,
    grid=(NP // 1024,),
    in_specs=[pl.BlockSpec((NW, 1024), lambda i: (0, i))],
    out_specs=[pl.BlockSpec((1024, 1), lambda i: (i, 0))],
    out_shape=[jax.ShapeDtypeStruct((NP, 1), jnp.float32)],
)


def _layer_norm_tc(t, g, b):
    mu = jnp.mean(t, axis=-1, keepdims=True)
    v = jnp.mean((t - mu) ** 2, axis=-1, keepdims=True)
    return (t - mu) / jnp.sqrt(v + 1e-5) * g + b


def _stage_a_body(dinv_ref, x_ref, wlin_ref, blin_ref, wc1_ref, g1_ref):
    dinv = dinv_ref[...]
    h0 = jnp.maximum(x_ref[...] @ wlin_ref[...] + blin_ref[...], 0.0)
    g1_ref[...] = (h0 @ wc1_ref[...]) * dinv


_stage_a = pl.pallas_call(
    _stage_a_body,
    grid=(GRID,),
    in_specs=[
        pl.BlockSpec((BLK, 1), lambda i: (i, 0)),
        pl.BlockSpec((BLK, F), lambda i: (i, 0)),
        pl.BlockSpec((F, H), lambda i: (0, 0)),
        pl.BlockSpec((1, H), lambda i: (0, 0)),
        pl.BlockSpec((H, H), lambda i: (0, 0)),
    ],
    out_specs=[
        pl.BlockSpec((BLK, H), lambda i: (i, 0)),
    ],
    out_shape=[
        jax.ShapeDtypeStruct((N, H), jnp.float32),
    ],
)


def _stage_b_body(dinv_ref, acc_ref, g1_ref, bc1_ref, wc2_ref, g2_ref):
    dinv = dinv_ref[...]
    a = acc_ref[...]
    conv = dinv * (a[0] + a[1] + g1_ref[...]) + bc1_ref[...]
    h1 = jnp.maximum(conv, 0.0)
    g2_ref[...] = (h1 @ wc2_ref[...]) * dinv


_stage_b = pl.pallas_call(
    _stage_b_body,
    grid=(GRID,),
    in_specs=[
        pl.BlockSpec((BLK, 1), lambda i: (i, 0)),
        pl.BlockSpec((NC, BLK, H), lambda i: (0, i, 0)),
        pl.BlockSpec((BLK, H), lambda i: (i, 0)),
        pl.BlockSpec((1, H), lambda i: (0, 0)),
        pl.BlockSpec((H, H), lambda i: (0, 0)),
    ],
    out_specs=[
        pl.BlockSpec((BLK, H), lambda i: (i, 0)),
    ],
    out_shape=[
        jax.ShapeDtypeStruct((N, H), jnp.float32),
    ],
)


def _stage_c_body(dinv_ref, acc_ref, g2m_ref, bc2_ref, wih_ref, bih_ref, bhh_ref,
                  wp1_ref, bp1_ref, g1_ref, bn1_ref,
                  wp2_ref, bp2_ref, g2_ref, bn2_ref,
                  wp3_ref, bp3_ref, y_ref):
    dinv = dinv_ref[...]
    a = acc_ref[...]
    conv = dinv * (a[0] + a[1] + g2m_ref[...]) + bc2_ref[...]
    h2 = jnp.maximum(conv, 0.0)
    gi = h2 @ wih_ref[...] + bih_ref[...]
    bhh = bhh_ref[...]
    r = jax.nn.sigmoid(gi[:, :H] + bhh[:, :H])
    z = jax.nn.sigmoid(gi[:, H:2 * H] + bhh[:, H:2 * H])
    n = jnp.tanh(gi[:, 2 * H:] + r * bhh[:, 2 * H:])
    hcur = (1.0 - z) * n
    t1 = jnp.maximum(
        _layer_norm_tc(hcur @ wp1_ref[...] + bp1_ref[...], g1_ref[...], bn1_ref[...]), 0.0)
    t2 = jnp.maximum(
        _layer_norm_tc(t1 @ wp2_ref[...] + bp2_ref[...], g2_ref[...], bn2_ref[...]), 0.0)
    y_ref[...] = t2 @ wp3_ref[...] + bp3_ref[...]


_stage_c = pl.pallas_call(
    _stage_c_body,
    grid=(GRID,),
    in_specs=[
        pl.BlockSpec((BLK, 1), lambda i: (i, 0)),
        pl.BlockSpec((NC, BLK, H), lambda i: (0, i, 0)),
        pl.BlockSpec((BLK, H), lambda i: (i, 0)),
        pl.BlockSpec((1, H), lambda i: (0, 0)),
        pl.BlockSpec((H, 3 * H), lambda i: (0, 0)),
        pl.BlockSpec((1, 3 * H), lambda i: (0, 0)),
        pl.BlockSpec((1, 3 * H), lambda i: (0, 0)),
        pl.BlockSpec((H, H), lambda i: (0, 0)),
        pl.BlockSpec((1, H), lambda i: (0, 0)),
        pl.BlockSpec((1, H), lambda i: (0, 0)),
        pl.BlockSpec((1, H), lambda i: (0, 0)),
        pl.BlockSpec((H, H), lambda i: (0, 0)),
        pl.BlockSpec((1, H), lambda i: (0, 0)),
        pl.BlockSpec((1, H), lambda i: (0, 0)),
        pl.BlockSpec((1, H), lambda i: (0, 0)),
        pl.BlockSpec((H, 1), lambda i: (0, 0)),
        pl.BlockSpec((1, 1), lambda i: (0, 0)),
    ],
    out_specs=[pl.BlockSpec((BLK, 1), lambda i: (i, 0))],
    out_shape=[jax.ShapeDtypeStruct((N, 1), jnp.float32)],
)


def kernel(x, edge_index, W_lin, b_lin, Wc1, bc1, Wc2, bc2, W_ih, W_hh, b_ih, b_hh,
           Wp1, bp1, g1, bn1, Wp2, bp2, g2, bn2, Wp3, bp3):
    ei = edge_index.reshape(2, NW, NCHUNKS, CHUNK)

    degp = _deg_kernel()(ei)
    (dinv,) = _dinv_kernel(degp)
    (g1m,) = _stage_a(dinv, x, W_lin, b_lin.reshape(1, H), Wc1)
    acc1 = _conv_kernel()(g1m, ei)
    (g2m,) = _stage_b(dinv, acc1, g1m, bc1.reshape(1, H), Wc2)
    acc2 = _conv_kernel()(g2m, ei)
    (y,) = _stage_c(
        dinv, acc2, g2m, bc2.reshape(1, H), W_ih, b_ih.reshape(1, 3 * H),
        b_hh.reshape(1, 3 * H),
        Wp1, bp1.reshape(1, H), g1.reshape(1, H), bn1.reshape(1, H),
        Wp2, bp2.reshape(1, H), g2.reshape(1, H), bn2.reshape(1, H),
        Wp3, bp3.reshape(1, 1),
    )
    return y

# --- scband reference (transcript-rebuilt; emitter-appended) ---
"""Pipeline reference for scband-stgnn-ghost-fusor-bg-ar-87471303950930 (READ-ONLY COPY).

The authoritative reference and input builder live on the scoring server;
editing this copy changes nothing except your own understanding.
"""

import jax, jax.numpy as jnp
import numpy as np

N = 10000
E = 320000
F = 128
H = 128


def _layer_norm(x, g, b):
    mu = jnp.mean(x, axis=-1, keepdims=True)
    v = jnp.mean((x - mu) ** 2, axis=-1, keepdims=True)
    return (x - mu) / jnp.sqrt(v + 1e-5) * g + b


def setup_inputs(seed: int = 0) -> dict:
    key = jax.random.key(seed)
    ks = jax.random.split(key, 32)
    s = 0.05
    inp = {}
    inp["x"] = jax.random.normal(ks[0], (N, F), dtype=jnp.float32)
    inp["edge_index"] = jax.random.randint(ks[1], (2, E), 0, N, dtype=jnp.int32)
    # SimpleGCNEncoder params: input lin + 2 GCN convs
    inp["W_lin"] = s * jax.random.normal(ks[2], (F, H), dtype=jnp.float32)
    inp["b_lin"] = jnp.zeros((H,), dtype=jnp.float32)
    inp["Wc1"] = s * jax.random.normal(ks[3], (H, H), dtype=jnp.float32)
    inp["bc1"] = jnp.zeros((H,), dtype=jnp.float32)
    inp["Wc2"] = s * jax.random.normal(ks[4], (H, H), dtype=jnp.float32)
    inp["bc2"] = jnp.zeros((H,), dtype=jnp.float32)
    # GRUCell params (torch gate order: r, z, n)
    inp["W_ih"] = s * jax.random.normal(ks[5], (H, 3 * H), dtype=jnp.float32)
    inp["W_hh"] = s * jax.random.normal(ks[6], (H, 3 * H), dtype=jnp.float32)
    inp["b_ih"] = jnp.zeros((3 * H,), dtype=jnp.float32)
    inp["b_hh"] = jnp.zeros((3 * H,), dtype=jnp.float32)
    # MLPHead params: Linear-LN-ReLU-Linear-LN-ReLU-Linear(out=1)
    inp["Wp1"] = s * jax.random.normal(ks[7], (H, H), dtype=jnp.float32)
    inp["bp1"] = jnp.zeros((H,), dtype=jnp.float32)
    inp["g1"] = jnp.ones((H,), dtype=jnp.float32)
    inp["bn1"] = jnp.zeros((H,), dtype=jnp.float32)
    inp["Wp2"] = s * jax.random.normal(ks[8], (H, H), dtype=jnp.float32)
    inp["bp2"] = jnp.zeros((H,), dtype=jnp.float32)
    inp["g2"] = jnp.ones((H,), dtype=jnp.float32)
    inp["bn2"] = jnp.zeros((H,), dtype=jnp.float32)
    inp["Wp3"] = s * jax.random.normal(ks[9], (H, 1), dtype=jnp.float32)
    inp["bp3"] = jnp.zeros((1,), dtype=jnp.float32)
    return inp


def _gcn_conv(h, src, dst, norm, W, b):
    hw = h @ W
    m = hw[src] * norm[:, None]
    out = jnp.zeros((N, W.shape[1]), h.dtype).at[dst].add(m)
    return out + b


def reference(x, edge_index, W_lin, b_lin, Wc1, bc1, Wc2, bc2, W_ih, W_hh, b_ih, b_hh,
              Wp1, bp1, g1, bn1, Wp2, bp2, g2, bn2, Wp3, bp3):
    # build GCN normalization with self-loops (symmetric deg norm)
    loop = jnp.arange(N, dtype=edge_index.dtype)
    src = jnp.concatenate([edge_index[0], loop])
    dst = jnp.concatenate([edge_index[1], loop])
    deg = jnp.zeros((N,), jnp.float32).at[dst].add(1.0)
    dinv = jnp.where(deg > 0, 1.0 / jnp.sqrt(deg), 0.0)
    norm = dinv[src] * dinv[dst]
    # SimpleGCNEncoder (eval mode: dropout disabled)
    h = jax.nn.relu(x @ W_lin + b_lin)
    h = jax.nn.relu(_gcn_conv(h, src, dst, norm, Wc1, bc1))
    h = jax.nn.relu(_gcn_conv(h, src, dst, norm, Wc2, bc2))
    # one GRUCell step with zero initial hidden state
    hprev = jnp.zeros((N, H), jnp.float32)
    gi = h @ W_ih + b_ih
    gh = hprev @ W_hh + b_hh
    i_r, i_z, i_n = gi[:, :H], gi[:, H:2 * H], gi[:, 2 * H:]
    h_r, h_z, h_n = gh[:, :H], gh[:, H:2 * H], gh[:, 2 * H:]
    r = jax.nn.sigmoid(i_r + h_r)
    z = jax.nn.sigmoid(i_z + h_z)
    n = jnp.tanh(i_n + r * h_n)
    hcur = (1.0 - z) * n + z * hprev
    # MLPHead prediction
    y = jax.nn.relu(_layer_norm(hcur @ Wp1 + bp1, g1, bn1))
    y = jax.nn.relu(_layer_norm(y @ Wp2 + bp2, g2, bn2))
    y = y @ Wp3 + bp3
    return y

if __name__ == "__main__":
    import jax
    _d = setup_inputs()
    print(jax.jit(kernel)(*tuple(_d.values())))

</pallas_src>

<mosaic_0001>
#map = affine_map<(d0, d1) -> (0, 0)>
#map1 = affine_map<(d0, d1) -> (0, 0, 0, 0)>
#map2 = affine_map<(d0, d1) -> (0, 0, 0)>
module attributes {stable_mosaic.version = 14 : i64} {
  func.func @_conv_body(%arg0: i32, %arg1: i32, %arg2: memref<10000x128xf32, #tpu.memory_space<hbm>>, %arg3: memref<2x32x125x80xi32, #tpu.memory_space<hbm>>, %arg4: memref<2x10240x128xf32, #tpu.memory_space<hbm>>, %arg5: memref<10240x128xf32, #tpu.memory_space<vmem_shared>>, %arg6: memref<2x4x80xi32, #tpu.memory_space<vmem>>, %arg7: memref<2x4x80xi32, #tpu.memory_space<vmem>>, %arg8: memref<4x80x128xf32, #tpu.memory_space<vmem>>, %arg9: memref<16x128xf32, #tpu.memory_space<vmem>>, %arg10: memref<!tpu.dma_semaphore, #tpu.memory_space<semaphore_mem>>, %arg11: memref<!tpu.dma_semaphore, #tpu.memory_space<semaphore_mem>>, %arg12: memref<!tpu.dma_semaphore, #tpu.memory_space<semaphore_mem>>) attributes {dimension_semantics = [#tpu.dimension_semantics<core_parallel>, #tpu.dimension_semantics<subcore_parallel>], iteration_bounds = array<i64: 2, 16>, scalar_prefetch = 0 : i64, scratch_operands = 8 : i64, tpu.core_type = #tpu.core_type<sc_vector_subcore>, window_params = [{transform_indices = #map}, {transform_indices = #map1}, {transform_indices = #map2}]} {
    %mul3A = arith.constant 2 : i32
    %mul3A_0 = arith.muli %arg1, %mul3A : i32
    %add3A = arith.addi %mul3A_0, %arg0 : i32
    %run_scoped3A = arith.constant 0 : i32
    %run_scoped3A_1 = arith.constant 0 : i32
    "tpu.region"() ({
      %run_scoped3A_892 = tpu.sem_alloc : memref<!tpu.dma_semaphore, #tpu.memory_space<semaphore_mem>>
      %dma_start3A_893 = arith.constant 0 : i32
      %dma_start3A_894 = arith.constant 0 : i32
      %dma_start3A_895 = tpu.memref_slice %arg6[%run_scoped3A_1, %dma_start3A_893, %dma_start3A_894] : memref<2x4x80xi32, #tpu.memory_space<vmem>> -> memref<1x4x80xi32, #tpu.memory_space<vmem>>
      %dma_start3A_896 = tpu.memref_squeeze %dma_start3A_895 : memref<1x4x80xi32, #tpu.memory_space<vmem>> -> memref<4x80xi32, #tpu.memory_space<vmem>>
      %dma_start3A_897 = arith.constant 0 : i32
      %dma_start3A_898 = arith.constant 0 : i32
      %dma_start3A_899 = tpu.memref_slice %arg3[%run_scoped3A, %add3A, %dma_start3A_897, %dma_start3A_898] : memref<2x32x125x80xi32, #tpu.memory_space<hbm>> -> memref<1x1x4x80xi32, #tpu.memory_space<hbm>>
      %dma_start3A_900 = tpu.memref_squeeze %dma_start3A_899 : memref<1x1x4x80xi32, #tpu.memory_space<hbm>> -> memref<4x80xi32, #tpu.memory_space<hbm>>
      %dma_start3A_901 = arith.constant 0 : i32
      %dma_start3A_902 = arith.constant 0 : i32
      %dma_start3A_903 = tpu.memref_slice %arg6[%run_scoped3A_1, %dma_start3A_901, %dma_start3A_902] : memref<2x4x80xi32, #tpu.memory_space<vmem>> -> memref<1x4x80xi32, #tpu.memory_space<vmem>>
      %dma_start3A_904 = tpu.memref_squeeze %dma_start3A_903 : memref<1x4x80xi32, #tpu.memory_space<vmem>> -> memref<4x80xi32, #tpu.memory_space<vmem>>
      %dma_start3A_905 = arith.constant 0 : i32
      %dma_start3A_906 = arith.constant 0 : i32
      %dma_start3A_907 = tpu.memref_slice %arg3[%run_scoped3A, %add3A, %dma_start3A_905, %dma_start3A_906] : memref<2x32x125x80xi32, #tpu.memory_space<hbm>> -> memref<1x1x4x80xi32, #tpu.memory_space<hbm>>
      %dma_start3A_908 = tpu.memref_squeeze %dma_start3A_907 : memref<1x1x4x80xi32, #tpu.memory_space<hbm>> -> memref<4x80xi32, #tpu.memory_space<hbm>>
      tpu.enqueue_dma source(%dma_start3A_908 : memref<4x80xi32, #tpu.memory_space<hbm>>) target(%dma_start3A_904 : memref<4x80xi32, #tpu.memory_space<vmem>>) target_semaphore(%run_scoped3A_892 : memref<!tpu.dma_semaphore, #tpu.memory_space<semaphore_mem>>)
      %dma_wait3A_909 = arith.constant 0 : i32
      %dma_wait3A_910 = arith.constant 0 : i32
      %dma_wait3A_911 = tpu.memref_slice %arg6[%run_scoped3A_1, %dma_wait3A_909, %dma_wait3A_910] : memref<2x4x80xi32, #tpu.memory_space<vmem>> -> memref<1x4x80xi32, #tpu.memory_space<vmem>>
      %dma_wait3A_912 = tpu.memref_squeeze %dma_wait3A_911 : memref<1x4x80xi32, #tpu.memory_space<vmem>> -> memref<4x80xi32, #tpu.memory_space<vmem>>
      %dma_wait3A_913 = arith.constant 0 : i32
      %dma_wait3A_914 = arith.constant 0 : i32
      %dma_wait3A_915 = tpu.memref_slice %arg3[%run_scoped3A, %add3A, %dma_wait3A_913, %dma_wait3A_914] : memref<2x32x125x80xi32, #tpu.memory_space<hbm>> -> memref<1x1x4x80xi32, #tpu.memory_space<hbm>>
      %dma_wait3A_916 = tpu.memref_squeeze %dma_wait3A_915 : memref<1x1x4x80xi32, #tpu.memory_space<hbm>> -> memref<4x80xi32, #tpu.memory_space<hbm>>
      %dma_wait3A_917 = arith.constant 0 : i32
      %dma_wait3A_918 = arith.constant 0 : i32
      %dma_wait3A_919 = tpu.memref_slice %arg6[%run_scoped3A_1, %dma_wait3A_917, %dma_wait3A_918] : memref<2x4x80xi32, #tpu.memory_space<vmem>> -> memref<1x4x80xi32, #tpu.memory_space<vmem>>
      %dma_wait3A_920 = tpu.memref_squeeze %dma_wait3A_919 : memref<1x4x80xi32, #tpu.memory_space<vmem>> -> memref<4x80xi32, #tpu.memory_space<vmem>>
      %dma_wait3A_921 = arith.constant 0 : i32
      %dma_wait3A_922 = arith.constant 0 : i32
      %dma_wait3A_923 = tpu.memref_slice %arg3[%run_scoped3A, %add3A, %dma_wait3A_921, %dma_wait3A_922] : memref<2x32x125x80xi32, #tpu.memory_space<hbm>> -> memref<1x1x4x80xi32, #tpu.memory_space<hbm>>
      %dma_wait3A_924 = tpu.memref_squeeze %dma_wait3A_923 : memref<1x1x4x80xi32, #tpu.memory_space<hbm>> -> memref<4x80xi32, #tpu.memory_space<hbm>>
      tpu.wait_dma2 semaphore(%run_scoped3A_892 : memref<!tpu.dma_semaphore, #tpu.memory_space<semaphore_mem>>) src(%dma_wait3A_924 : memref<4x80xi32, #tpu.memory_space<hbm>>) dst(%dma_wait3A_920 : memref<4x80xi32, #tpu.memory_space<vmem>>)
      tpu.yield
    }) : () -> ()
    %run_scoped3A_2 = arith.constant 1 : i32
    %run_scoped3A_3 = arith.constant 0 : i32
    "tpu.region"() ({
      %run_scoped3A_892 = tpu.sem_alloc : memref<!tpu.dma_semaphore, #tpu.memory_space<semaphore_mem>>
      %dma_start3A_893 = arith.constant 0 : i32
      %dma_start3A_894 = arith.constant 0 : i32
      %dma_start3A_895 = tpu.memref_slice %arg7[%run_scoped3A_3, %dma_start3A_893, %dma_start3A_894] : memref<2x4x80xi32, #tpu.memory_space<vmem>> -> memref<1x4x80xi32, #tpu.memory_space<vmem>>
      %dma_start3A_896 = tpu.memref_squeeze %dma_start3A_895 : memref<1x4x80xi32, #tpu.memory_space<vmem>> -> memref<4x80xi32, #tpu.memory_space<vmem>>
      %dma_start3A_897 = arith.constant 0 : i32
      %dma_start3A_898 = arith.constant 0 : i32
      %dma_start3A_899 = tpu.memref_slice %arg3[%run_scoped3A_2, %add3A, %dma_start3A_897, %dma_start3A_898] : memref<2x32x125x80xi32, #tpu.memory_space<hbm>> -> memref<1x1x4x80xi32, #tpu.memory_space<hbm>>
      %dma_start3A_900 = tpu.memref_squeeze %dma_start3A_899 : memref<1x1x4x80xi32, #tpu.memory_space<hbm>> -> memref<4x80xi32, #tpu.memory_space<hbm>>
      %dma_start3A_901 = arith.constant 0 : i32
      %dma_start3A_902 = arith.constant 0 : i32
      %dma_start3A_903 = tpu.memref_slice %arg7[%run_scoped3A_3, %dma_start3A_901, %dma_start3A_902] : memref<2x4x80xi32, #tpu.memory_space<vmem>> -> memref<1x4x80xi32, #tpu.memory_space<vmem>>
      %dma_start3A_904 = tpu.memref_squeeze %dma_start3A_903 : memref<1x4x80xi32, #tpu.memory_space<vmem>> -> memref<4x80xi32, #tpu.memory_space<vmem>>
      %dma_start3A_905 = arith.constant 0 : i32
      %dma_start3A_906 = arith.constant 0 : i32
      %dma_start3A_907 = tpu.memref_slice %arg3[%run_scoped3A_2, %add3A, %dma_start3A_905, %dma_start3A_906] : memref<2x32x125x80xi32, #tpu.memory_space<hbm>> -> memref<1x1x4x80xi32, #tpu.memory_space<hbm>>
      %dma_start3A_908 = tpu.memref_squeeze %dma_start3A_907 : memref<1x1x4x80xi32, #tpu.memory_space<hbm>> -> memref<4x80xi32, #tpu.memory_space<hbm>>
      tpu.enqueue_dma source(%dma_start3A_908 : memref<4x80xi32, #tpu.memory_space<hbm>>) target(%dma_start3A_904 : memref<4x80xi32, #tpu.memory_space<vmem>>) target_semaphore(%run_scoped3A_892 : memref<!tpu.dma_semaphore, #tpu.memory_space<semaphore_mem>>)
      %dma_wait3A_909 = arith.constant 0 : i32
      %dma_wait3A_910 = arith.constant 0 : i32
      %dma_wait3A_911 = tpu.memref_slice %arg7[%run_scoped3A_3, %dma_wait3A_909, %dma_wait3A_910] : memref<2x4x80xi32, #tpu.memory_space<vmem>> -> memref<1x4x80xi32, #tpu.memory_space<vmem>>
      %dma_wait3A_912 = tpu.memref_squeeze %dma_wait3A_911 : memref<1x4x80xi32, #tpu.memory_space<vmem>> -> memref<4x80xi32, #tpu.memory_space<vmem>>
      %dma_wait3A_913 = arith.constant 0 : i32
      %dma_wait3A_914 = arith.constant 0 : i32
      %dma_wait3A_915 = tpu.memref_slice %arg3[%run_scoped3A_2, %add3A, %dma_wait3A_913, %dma_wait3A_914] : memref<2x32x125x80xi32, #tpu.memory_space<hbm>> -> memref<1x1x4x80xi32, #tpu.memory_space<hbm>>
      %dma_wait3A_916 = tpu.memref_squeeze %dma_wait3A_915 : memref<1x1x4x80xi32, #tpu.memory_space<hbm>> -> memref<4x80xi32, #tpu.memory_space<hbm>>
      %dma_wait3A_917 = arith.constant 0 : i32
      %dma_wait3A_918 = arith.constant 0 : i32
      %dma_wait3A_919 = tpu.memref_slice %arg7[%run_scoped3A_3, %dma_wait3A_917, %dma_wait3A_918] : memref<2x4x80xi32, #tpu.memory_space<vmem>> -> memref<1x4x80xi32, #tpu.memory_space<vmem>>
      %dma_wait3A_920 = tpu.memref_squeeze %dma_wait3A_919 : memref<1x4x80xi32, #tpu.memory_space<vmem>> -> memref<4x80xi32, #tpu.memory_space<vmem>>
      %dma_wait3A_921 = arith.constant 0 : i32
      %dma_wait3A_922 = arith.constant 0 : i32
      %dma_wait3A_923 = tpu.memref_slice %arg3[%run_scoped3A_2, %add3A, %dma_wait3A_921, %dma_wait3A_922] : memref<2x32x125x80xi32, #tpu.memory_space<hbm>> -> memref<1x1x4x80xi32, #tpu.memory_space<hbm>>
      %dma_wait3A_924 = tpu.memref_squeeze %dma_wait3A_923 : memref<1x1x4x80xi32, #tpu.memory_space<hbm>> -> memref<4x80xi32, #tpu.memory_space<hbm>>
      tpu.wait_dma2 semaphore(%run_scoped3A_892 : memref<!tpu.dma_semaphore, #tpu.memory_space<semaphore_mem>>) src(%dma_wait3A_924 : memref<4x80xi32, #tpu.memory_space<hbm>>) dst(%dma_wait3A_920 : memref<4x80xi32, #tpu.memory_space<vmem>>)
      tpu.yield
    }) : () -> ()
    %dma_start3A = arith.constant 0 : i32
    %dma_start3A_4 = arith.constant 0 : i32
    %dma_start3A_5 = arith.constant 0 : i32
    %dma_start3A_6 = arith.constant 0 : i32
    %dma_start3A_7 = arith.constant 0 : i32
    %dma_start3A_8 = tpu.memref_slice %arg8[%dma_start3A_5, %dma_start3A_6, %dma_start3A_7] : memref<4x80x128xf32, #tpu.memory_space<vmem>> -> memref<1x80x128xf32, #tpu.memory_space<vmem>>
    %dma_start3A_9 = tpu.memref_squeeze %dma_start3A_8 : memref<1x80x128xf32, #tpu.memory_space<vmem>> -> memref<80x128xf32, #tpu.memory_space<vmem>>
    %dma_start3A_10 = arith.constant 0 : i32
    %dma_start3A_11 = tpu.memref_slice %arg6[%dma_start3A, %dma_start3A_4, %dma_start3A_10] : memref<2x4x80xi32, #tpu.memory_space<vmem>> -> memref<1x1x80xi32, #tpu.memory_space<vmem>>
    %dma_start3A_12 = tpu.memref_squeeze %dma_start3A_11 : memref<1x1x80xi32, #tpu.memory_space<vmem>> -> memref<80xi32, #tpu.memory_space<vmem>>
    %dma_start3A_13 = arith.constant 0 : i32
    %dma_start3A_14 = arith.constant 0 : i32
    %dma_start3A_15 = tpu.memref_slice %arg2[%dma_start3A_13, %dma_start3A_14] : memref<10000x128xf32, #tpu.memory_space<hbm>> -> memref<10000x128xf32, #tpu.memory_space<hbm>>
    tpu.enqueue_indirect_dma source(%dma_start3A_15 : memref<10000x128xf32, #tpu.memory_space<hbm>>) target(%dma_start3A_9 : memref<80x128xf32, #tpu.memory_space<vmem>>) offsets(%dma_start3A_12 : memref<80xi32, #tpu.memory_space<vmem>>) semaphore(%arg10 : memref<!tpu.dma_semaphore, #tpu.memory_space<semaphore_mem>>)
    %dma_start3A_16 = arith.constant 0 : i32
    %dma_start3A_17 = arith.constant 1 : i32
    %dma_start3A_18 = arith.constant 1 : i32
    %dma_start3A_19 = arith.constant 0 : i32
    %dma_start3A_20 = arith.constant 0 : i32
    %dma_start3A_21 = tpu.memref_slice %arg8[%dma_start3A_18, %dma_start3A_19, %dma_start3A_20] : memref<4x80x128xf32, #tpu.memory_space<vmem>> -> memref<1x80x128xf32, #tpu.memory_space<vmem>>
    %dma_start3A_22 = tpu.memref_squeeze %dma_start3A_21 : memref<1x80x128xf32, #tpu.memory_space<vmem>> -> memref<80x128xf32, #tpu.memory_space<vmem>>
    %dma_start3A_23 = arith.constant 0 : i32
    %dma_start3A_24 = tpu.memref_slice %arg6[%dma_start3A_16, %dma_start3A_17, %dma_start3A_23] : memref<2x4x80xi32, #tpu.memory_space<vmem>> -> memref<1x1x80xi32, #tpu.memory_space<vmem>>
    %dma_start3A_25 = tpu.memref_squeeze %dma_start3A_24 : memref<1x1x80xi32, #tpu.memory_space<vmem>> -> memref<80xi32, #tpu.memory_space<vmem>>
    %dma_start3A_26 = arith.constant 0 : i32
    %dma_start3A_27 = arith.constant 0 : i32
    %dma_start3A_28 = tpu.memref_slice %arg2[%dma_start3A_26, %dma_start3A_27] : memref<10000x128xf32, #tpu.memory_space<hbm>> -> memref<10000x128xf32, #tpu.memory_space<hbm>>
    tpu.enqueue_indirect_dma source(%dma_start3A_28 : memref<10000x128xf32, #tpu.memory_space<hbm>>) target(%dma_start3A_22 : memref<80x128xf32, #tpu.memory_space<vmem>>) offsets(%dma_start3A_25 : memref<80xi32, #tpu.memory_space<vmem>>) semaphore(%arg10 : memref<!tpu.dma_semaphore, #tpu.memory_space<semaphore_mem>>)
    %dma_start3A_29 = arith.constant 0 : i32
    %dma_start3A_30 = arith.constant 2 : i32
    %dma_start3A_31 = arith.constant 2 : i32
    %dma_start3A_32 = arith.constant 0 : i32
    %dma_start3A_33 = arith.constant 0 : i32
    %dma_start3A_34 = tpu.memref_slice %arg8[%dma_start3A_31, %dma_start3A_32, %dma_start3A_33] : memref<4x80x128xf32, #tpu.memory_space<vmem>> -> memref<1x80x128xf32, #tpu.memory_space<vmem>>
    %dma_start3A_35 = tpu.memref_squeeze %dma_start3A_34 : memref<1x80x128xf32, #tpu.memory_space<vmem>> -> memref<80x128xf32, #tpu.memory_space<vmem>>
    %dma_start3A_36 = arith.constant 0 : i32
    %dma_start3A_37 = tpu.memref_slice %arg6[%dma_start3A_29, %dma_start3A_30, %dma_start3A_36] : memref<2x4x80xi32, #tpu.memory_space<vmem>> -> memref<1x1x80xi32, #tpu.memory_space<vmem>>
    %dma_start3A_38 = tpu.memref_squeeze %dma_start3A_37 : memref<1x1x80xi32, #tpu.memory_space<vmem>> -> memref<80xi32, #tpu.memory_space<vmem>>
    %dma_start3A_39 = arith.constant 0 : i32
    %dma_start3A_40 = arith.constant 0 : i32
    %dma_start3A_41 = tpu.memref_slice %arg2[%dma_start3A_39, %dma_start3A_40] : memref<10000x128xf32, #tpu.memory_space<hbm>> -> memref<10000x128xf32, #tpu.memory_space<hbm>>
    tpu.enqueue_indirect_dma source(%dma_start3A_41 : memref<10000x128xf32, #tpu.memory_space<hbm>>) target(%dma_start3A_35 : memref<80x128xf32, #tpu.memory_space<vmem>>) offsets(%dma_start3A_38 : memref<80xi32, #tpu.memory_space<vmem>>) semaphore(%arg10 : memref<!tpu.dma_semaphore, #tpu.memory_space<semaphore_mem>>)
    %dma_start3A_42 = arith.constant 0 : i32
    %dma_start3A_43 = arith.constant 3 : i32
    %dma_start3A_44 = arith.constant 3 : i32
    %dma_start3A_45 = arith.constant 0 : i32
    %dma_start3A_46 = arith.constant 0 : i32
    %dma_start3A_47 = tpu.memref_slice %arg8[%dma_start3A_44, %dma_start3A_45, %dma_start3A_46] : memref<4x80x128xf32, #tpu.memory_space<vmem>> -> memref<1x80x128xf32, #tpu.memory_space<vmem>>
    %dma_start3A_48 = tpu.memref_squeeze %dma_start3A_47 : memref<1x80x128xf32, #tpu.memory_space<vmem>> -> memref<80x128xf32, #tpu.memory_space<vmem>>
    %dma_start3A_49 = arith.constant 0 : i32
    %dma_start3A_50 = tpu.memref_slice %arg6[%dma_start3A_42, %dma_start3A_43, %dma_start3A_49] : memref<2x4x80xi32, #tpu.memory_space<vmem>> -> memref<1x1x80xi32, #tpu.memory_space<vmem>>
    %dma_start3A_51 = tpu.memref_squeeze %dma_start3A_50 : memref<1x1x80xi32, #tpu.memory_space<vmem>> -> memref<80xi32, #tpu.memory_space<vmem>>
    %dma_start3A_52 = arith.constant 0 : i32
    %dma_start3A_53 = arith.constant 0 : i32
    %dma_start3A_54 = tpu.memref_slice %arg2[%dma_start3A_52, %dma_start3A_53] : memref<10000x128xf32, #tpu.memory_space<hbm>> -> memref<10000x128xf32, #tpu.memory_space<hbm>>
    tpu.enqueue_indirect_dma source(%dma_start3A_54 : memref<10000x128xf32, #tpu.memory_space<hbm>>) target(%dma_start3A_48 : memref<80x128xf32, #tpu.memory_space<vmem>>) offsets(%dma_start3A_51 : memref<80xi32, #tpu.memory_space<vmem>>) semaphore(%arg10 : memref<!tpu.dma_semaphore, #tpu.memory_space<semaphore_mem>>)
    %broadcast_in_dim3A = arith.constant 0.000000e+00 : f32
    %broadcast_in_dim3A_55 = vector.broadcast %broadcast_in_dim3A : f32 to vector<16xf32>
    %swap3A = arith.constant 0 : i32
    %swap3A_56 = arith.index_cast %swap3A : i32 to index
    %swap3A_57 = arith.constant 0 : index
    %swap3A_58 = tpu.vector_load %arg9[%swap3A_56, %swap3A_57] {strides = array<i32>} : memref<16x128xf32, #tpu.memory_space<vmem>>, vector<1x16xf32>,
    %swap3A_59 = vector.shape_cast %swap3A_58 : vector<1x16xf32> to vector<16xf32>
    %swap3A_60 = vector.shape_cast %broadcast_in_dim3A_55 : vector<16xf32> to vector<1x16xf32>
    tpu.vector_store %arg9[%swap3A_56, %swap3A_57], %swap3A_60 {strides = array<i32>} : memref<16x128xf32, #tpu.memory_space<vmem>>, vector<1x16xf32>,
    %swap3A_61 = arith.constant 0 : i32
    %swap3A_62 = arith.index_cast %swap3A_61 : i32 to index
    %swap3A_63 = arith.constant 16 : index
    %swap3A_64 = tpu.vector_load %arg9[%swap3A_62, %swap3A_63] {strides = array<i32>} : memref<16x128xf32, #tpu.memory_space<vmem>>, vector<1x16xf32>,
    %swap3A_65 = vector.shape_cast %swap3A_64 : vector<1x16xf32> to vector<16xf32>
    %swap3A_66 = vector.shape_cast %broadcast_in_dim3A_55 : vector<16xf32> to vector<1x16xf32>
    tpu.vector_store %arg9[%swap3A_62, %swap3A_63], %swap3A_66 {strides = array<i32>} : memref<16x128xf32, #tpu.memory_space<vmem>>, vector<1x16xf32>,
    %swap3A_67 = arith.constant 0 : i32
    %swap3A_68 = arith.index_cast %swap3A_67 : i32 to index
    %swap3A_69 = arith.constant 32 : index
    %swap3A_70 = tpu.vector_load %arg9[%swap3A_68, %swap3A_69] {strides = array<i32>} : memref<16x128xf32, #tpu.memory_space<vmem>>, vector<1x16xf32>,
    %swap3A_71 = vector.shape_cast %swap3A_70 : vector<1x16xf32> to vector<16xf32>
    %swap3A_72 = vector.shape_cast %broadcast_in_dim3A_55 : vector<16xf32> to vector<1x16xf32>
    tpu.vector_store %arg9[%swap3A_68, %swap3A_69], %swap3A_72 {strides = array<i32>} : memref<16x128xf32, #tpu.memory_space<vmem>>, vector<1x16xf32>,
    %swap3A_73 = arith.constant 0 : i32
    %swap3A_74 = arith.index_cast %swap3A_73 : i32 to index
    %swap3A_75 = arith.constant 48 : index
    %swap3A_76 = tpu.vector_load %arg9[%swap3A_74, %swap3A_75] {strides = array<i32>} : memref<16x128xf32, #tpu.memory_space<vmem>>, vector<1x16xf32>,
    %swap3A_77 = vector.shape_cast %swap3A_76 : vector<1x16xf32> to vector<16xf32>
    %swap3A_78 = vector.shape_cast %broadcast_in_dim3A_55 : vector<16xf32> to vector<1x16xf32>
    tpu.vector_store %arg9[%swap3A_74, %swap3A_75], %swap3A_78 {strides = array<i32>} : memref<16x128xf32, #tpu.memory_space<vmem>>, vector<1x16xf32>,
    %swap3A_79 = arith.constant 0 : i32
    %swap3A_80 = arith.index_cast %swap3A_79 : i32 to index
    %swap3A_81 = arith.constant 64 : index
    %swap3A_82 = tpu.vector_load %arg9[%swap3A_80, %swap3A_81] {strides = array<i32>} : memref<16x128xf32, #tpu.memory_space<vmem>>, vector<1x16xf32>,
    %swap3A_83 = vector.shape_cast %swap3A_82 : vector<1x16xf32> to vector<16xf32>
    %swap3A_84 = vector.shape_cast %broadcast_in_dim3A_55 : vector<16xf32> to vector<1x16xf32>
    tpu.vector_store %arg9[%swap3A_80, %swap3A_81], %swap3A_84 {strides = array<i32>} : memref<16x128xf32, #tpu.memory_space<vmem>>, vector<1x16xf32>,
    %swap3A_85 = arith.constant 0 : i32
    %swap3A_86 = arith.index_cast %swap3A_85 : i32 to index
    %swap3A_87 = arith.constant 80 : index
    %swap3A_88 = tpu.vector_load %arg9[%swap3A_86, %swap3A_87] {strides = array<i32>} : memref<16x128xf32, #tpu.memory_space<vmem>>, vector<1x16xf32>,
    %swap3A_89 = vector.shape_cast %swap3A_88 : vector<1x16xf32> to vector<16xf32>
    %swap3A_90 = vector.shape_cast %broadcast_in_dim3A_55 : vector<16xf32> to vector<1x16xf32>
    tpu.vector_store %arg9[%swap3A_86, %swap3A_87], %swap3A_90 {strides = array<i32>} : memref<16x128xf32, #tpu.memory_space<vmem>>, vector<1x16xf32>,
    %swap3A_91 = arith.constant 0 : i32
    %swap3A_92 = arith.index_cast %swap3A_91 : i32 to index
    %swap3A_93 = arith.constant 96 : index
    %swap3A_94 = tpu.vector_load %arg9[%swap3A_92, %swap3A_93] {strides = array<i32>} : memref<16x128xf32, #tpu.memory_space<vmem>>, vector<1x16xf32>,
    %swap3A_95 = vector.shape_cast %swap3A_94 : vector<1x16xf32> to vector<16xf32>
    %swap3A_96 = vector.shape_cast %broadcast_in_dim3A_55 : vector<16xf32> to vector<1x16xf32>
    tpu.vector_store %arg9[%swap3A_92, %swap3A_93], %swap3A_96 {strides = array<i32>} : memref<16x128xf32, #tpu.memory_space<vmem>>, vector<1x16xf32>,
    %swap3A_97 = arith.constant 0 : i32
    %swap3A_98 = arith.index_cast %swap3A_97 : i32 to index
    %swap3A_99 = arith.constant 112 : index
    %swap3A_100 = tpu.vector_load %arg9[%swap3A_98, %swap3A_99] {strides = array<i32>} : memref<16x128xf32, #tpu.memory_space<vmem>>, vector<1x16xf32>,
    %swap3A_101 = vector.shape_cast %swap3A_100 : vector<1x16xf32> to vector<16xf32>
    %swap3A_102 = vector.shape_cast %broadcast_in_dim3A_55 : vector<16xf32> to vector<1x16xf32>
    tpu.vector_store %arg9[%swap3A_98, %swap3A_99], %swap3A_102 {strides = array<i32>} : memref<16x128xf32, #tpu.memory_space<vmem>>, vector<1x16xf32>,
    %swap3A_103 = arith.constant 1 : i32
    %swap3A_104 = arith.index_cast %swap3A_103 : i32 to index
    %swap3A_105 = arith.constant 0 : index
    %swap3A_106 = tpu.vector_load %arg9[%swap3A_104, %swap3A_105] {strides = array<i32>} : memref<16x128xf32, #tpu.memory_space<vmem>>, vector<1x16xf32>,
    %swap3A_107 = vector.shape_cast %swap3A_106 : vector<1x16xf32> to vector<16xf32>
    %swap3A_108 = vector.shape_cast %broadcast_in_dim3A_55 : vector<16xf32> to vector<1x16xf32>
    tpu.vector_store %arg9[%swap3A_104, %swap3A_105], %swap3A_108 {strides = array<i32>} : memref<16x128xf32, #tpu.memory_space<vmem>>, vector<1x16xf32>,
    %swap3A_109 = arith.constant 1 : i32
    %swap3A_110 = arith.index_cast %swap3A_109 : i32 to index
    %swap3A_111 = arith.constant 16 : index
    %swap3A_112 = tpu.vector_load %arg9[%swap3A_110, %swap3A_111] {strides = array<i32>} : memref<16x128xf32, #tpu.memory_space<vmem>>, vector<1x16xf32>,
    %swap3A_113 = vector.shape_cast %swap3A_112 : vector<1x16xf32> to vector<16xf32>
    %swap3A_114 = vector.shape_cast %broadcast_in_dim3A_55 : vector<16xf32> to vector<1x16xf32>
    tpu.vector_store %arg9[%swap3A_110, %swap3A_111], %swap3A_114 {strides = array<i32>} : memref<16x128xf32, #tpu.memory_space<vmem>>, vector<1x16xf32>,
    %swap3A_115 = arith.constant 1 : i32
    %swap3A_116 = arith.index_cast %swap3A_115 : i32 to index
    %swap3A_117 = arith.constant 32 : index
    %swap3A_118 = tpu.vector_load %arg9[%swap3A_116, %swap3A_117] {strides = array<i32>} : memref<16x128xf32, #tpu.memory_space<vmem>>, vector<1x16xf32>,
    %swap3A_119 = vector.shape_cast %swap3A_118 : vector<1x16xf32> to vector<16xf32>
    %swap3A_120 = vector.shape_cast %broadcast_in_dim3A_55 : vector<16xf32> to vector<1x16xf32>
    tpu.vector_store %arg9[%swap3A_116, %swap3A_117], %swap3A_120 {strides = array<i32>} : memref<16x128xf32, #tpu.memory_space<vmem>>, vector<1x16xf32>,
    %swap3A_121 = arith.constant 1 : i32
    %swap3A_122 = arith.index_cast %swap3A_121 : i32 to index
    %swap3A_123 = arith.constant 48 : index
    %swap3A_124 = tpu.vector_load %arg9[%swap3A_122, %swap3A_123] {strides = array<i32>} : memref<16x128xf32, #tpu.memory_space<vmem>>, vector<1x16xf32>,
    %swap3A_125 = vector.shape_cast %swap3A_124 : vector<1x16xf32> to vector<16xf32>
    %swap3A_126 = vector.shape_cast %broadcast_in_dim3A_55 : vector<16xf32> to vector<1x16xf32>
    tpu.vector_store %arg9[%swap3A_122, %swap3A_123], %swap3A_126 {strides = array<i32>} : memref<16x128xf32, #tpu.memory_space<vmem>>, vector<1x16xf32>,
    %swap3A_127 = arith.constant 1 : i32
    %swap3A_128 = arith.index_cast %swap3A_127 : i32 to index
    %swap3A_129 = arith.constant 64 : index
    %swap3A_130 = tpu.vector_load %arg9[%swap3A_128, %swap3A_129] {strides = array<i32>} : memref<16x128xf32, #tpu.memory_space<vmem>>, vector<1x16xf32>,
    %swap3A_131 = vector.shape_cast %swap3A_130 : vector<1x16xf32> to vector<16xf32>
    %swap3A_132 = vector.shape_cast %broadcast_in_dim3A_55 : vector<16xf32> to vector<1x16xf32>
    tpu.vector_store %arg9[%swap3A_128, %swap3A_129], %swap3A_132 {strides = array<i32>} : memref<16x128xf32, #tpu.memory_space<vmem>>, vector<1x16xf32>,
    %swap3A_133 = arith.constant 1 : i32
    %swap3A_134 = arith.index_cast %swap3A_133 : i32 to index
    %swap3A_135 = arith.constant 80 : index
    %swap3A_136 = tpu.vector_load %arg9[%swap3A_134, %swap3A_135] {strides = array<i32>} : memref<16x128xf32, #tpu.memory_space<vmem>>, vector<1x16xf32>,
    %swap3A_137 = vector.shape_cast %swap3A_136 : vector<1x16xf32> to vector<16xf32>
    %swap3A_138 = vector.shape_cast %broadcast_in_dim3A_55 : vector<16xf32> to vector<1x16xf32>
    tpu.vector_store %arg9[%swap3A_134, %swap3A_135], %swap3A_138 {strides = array<i32>} : memref<16x128xf32, #tpu.memory_space<vmem>>, vector<1x16xf32>,
    %swap3A_139 = arith.constant 1 : i32
    %swap3A_140 = arith.index_cast %swap3A_139 : i32 to index
    %swap3A_141 = arith.constant 96 : index
    %swap3A_142 = tpu.vector_load %arg9[%swap3A_140, %swap3A_141] {strides = array<i32>} : memref<16x128xf32, #tpu.memory_space<vmem>>, vector<1x16xf32>,
    %swap3A_143 = vector.shape_cast %swap3A_142 : vector<1x16xf32> to vector<16xf32>
    %swap3A_144 = vector.shape_cast %broadcast_in_dim3A_55 : vector<16xf32> to vector<1x16xf32>
    tpu.vector_store %arg9[%swap3A_140, %swap3A_141], %swap3A_144 {strides = array<i32>} : memref<16x128xf32, #tpu.memory_space<vmem>>, vector<1x16xf32>,
    %swap3A_145 = arith.constant 1 : i32
    %swap3A_146 = arith.index_cast %swap3A_145 : i32 to index
    %swap3A_147 = arith.constant 112 : index
    %swap3A_148 = tpu.vector_load %arg9[%swap3A_146, %swap3A_147] {strides = array<i32>} : memref<16x128xf32, #tpu.memory_space<vmem>>, vector<1x16xf32>,
    %swap3A_149 = vector.shape_cast %swap3A_148 : vector<1x16xf32> to vector<16xf32>
    %swap3A_150 = vector.shape_cast %broadcast_in_dim3A_55 : vector<16xf32> to vector<1x16xf32>
    tpu.vector_store %arg9[%swap3A_146, %swap3A_147], %swap3A_150 {strides = array<i32>} : memref<16x128xf32, #tpu.memory_space<vmem>>, vector<1x16xf32>,
    %swap3A_151 = arith.constant 2 : i32
    %swap3A_152 = arith.index_cast %swap3A_151 : i32 to index
    %swap3A_153 = arith.constant 0 : index
    %swap3A_154 = tpu.vector_load %arg9[%swap3A_152, %swap3A_153] {strides = array<i32>} : memref<16x128xf32, #tpu.memory_space<vmem>>, vector<1x16xf32>,
    %swap3A_155 = vector.shape_cast %swap3A_154 : vector<1x16xf32> to vector<16xf32>
    %swap3A_156 = vector.shape_cast %broadcast_in_dim3A_55 : vector<16xf32> to vector<1x16xf32>
    tpu.vector_store %arg9[%swap3A_152, %swap3A_153], %swap3A_156 {strides = array<i32>} : memref<16x128xf32, #tpu.memory_space<vmem>>, vector<1x16xf32>,
    %swap3A_157 = arith.constant 2 : i32
    %swap3A_158 = arith.index_cast %swap3A_157 : i32 to index
    %swap3A_159 = arith.constant 16 : index
    %swap3A_160 = tpu.vector_load %arg9[%swap3A_158, %swap3A_159] {strides = array<i32>} : memref<16x128xf32, #tpu.memory_space<vmem>>, vector<1x16xf32>,
    %swap3A_161 = vector.shape_cast %swap3A_160 : vector<1x16xf32> to vector<16xf32>
    %swap3A_162 = vector.shape_cast %broadcast_in_dim3A_55 : vector<16xf32> to vector<1x16xf32>
    tpu.vector_store %arg9[%swap3A_158, %swap3A_159], %swap3A_162 {strides = array<i32>} : memref<16x128xf32, #tpu.memory_space<vmem>>, vector<1x16xf32>,
    %swap3A_163 = arith.constant 2 : i32
    %swap3A_164 = arith.index_cast %swap3A_163 : i32 to index
    %swap3A_165 = arith.constant 32 : index
    %swap3A_166 = tpu.vector_load %arg9[%swap3A_164, %swap3A_165] {strides = array<i32>} : memref<16x128xf32, #tpu.memory_space<vmem>>, vector<1x16xf32>,
    %swap3A_167 = vector.shape_cast %swap3A_166 : vector<1x16xf32> to vector<16xf32>
    %swap3A_168 = vector.shape_cast %broadcast_in_dim3A_55 : vector<16xf32> to vector<1x16xf32>
    tpu.vector_store %arg9[%swap3A_164, %swap3A_165], %swap3A_168 {strides = array<i32>} : memref<16x128xf32, #tpu.memory_space<vmem>>, vector<1x16xf32>,
    %swap3A_169 = arith.constant 2 : i32
    %swap3A_170 = arith.index_cast %swap3A_169 : i32 to index
    %swap3A_171 = arith.constant 48 : index
    %swap3A_172 = tpu.vector_load %arg9[%swap3A_170, %swap3A_171] {strides = array<i32>} : memref<16x128xf32, #tpu.memory_space<vmem>>, vector<1x16xf32>,
    %swap3A_173 = vector.shape_cast %swap3A_172 : vector<1x16xf32> to vector<16xf32>
    %swap3A_174 = vector.shape_cast %broadcast_in_dim3A_55 : vector<16xf32> to vector<1x16xf32>
    tpu.vector_store %arg9[%swap3A_170, %swap3A_171], %swap3A_174 {strides = array<i32>} : memref<16x128xf32, #tpu.memory_space<vmem>>, vector<1x16xf32>,
    %swap3A_175 = arith.constant 2 : i32
    %swap3A_176 = arith.index_cast %swap3A_175 : i32 to index
    %swap3A_177 = arith.constant 64 : index
    %swap3A_178 = tpu.vector_load %arg9[%swap3A_176, %swap3A_177] {strides = array<i32>} : memref<16x128xf32, #tpu.memory_space<vmem>>, vector<1x16xf32>,
    %swap3A_179 = vector.shape_cast %swap3A_178 : vector<1x16xf32> to vector<16xf32>
    %swap3A_180 = vector.shape_cast %broadcast_in_dim3A_55 : vector<16xf32> to vector<1x16xf32>
    tpu.vector_store %arg9[%swap3A_176, %swap3A_177], %swap3A_180 {strides = array<i32>} : memref<16x128xf32, #tpu.memory_space<vmem>>, vector<1x16xf32>,
    %swap3A_181 = arith.constant 2 : i32
    %swap3A_182 = arith.index_cast %swap3A_181 : i32 to index
    %swap3A_183 = arith.constant 80 : index
    %swap3A_184 = tpu.vector_load %arg9[%swap3A_182, %swap3A_183] {strides = array<i32>} : memref<16x128xf32, #tpu.memory_space<vmem>>, vector<1x16xf32>,
    %swap3A_185 = vector.shape_cast %swap3A_184 : vector<1x16xf32> to vector<16xf32>
    %swap3A_186 = vector.shape_cast %broadcast_in_dim3A_55 : vector<16xf32> to vector<1x16xf32>
    tpu.vector_store %arg9[%swap3A_182, %swap3A_183], %swap3A_186 {strides = array<i32>} : memref<16x128xf32, #tpu.memory_space<vmem>>, vector<1x16xf32>,
    %swap3A_187 = arith.constant 2 : i32
    %swap3A_188 = arith.index_cast %swap3A_187 : i32 to index
    %swap3A_189 = arith.constant 96 : index
    %swap3A_190 = tpu.vector_load %arg9[%swap3A_188, %swap3A_189] {strides = array<i32>} : memref<16x128xf32, #tpu.memory_space<vmem>>, vector<1x16xf32>,
    %swap3A_191 = vector.shape_cast %swap3A_190 : vector<1x16xf32> to vector<16xf32>
    %swap3A_192 = vector.shape_cast %broadcast_in_dim3A_55 : vector<16xf32> to vector<1x16xf32>
    tpu.vector_store %arg9[%swap3A_188, %swap3A_189], %swap3A_192 {strides = array<i32>} : memref<16x128xf32, #tpu.memory_space<vmem>>, vector<1x16xf32>,
    %swap3A_193 = arith.constant 2 : i32
    %swap3A_194 = arith.index_cast %swap3A_193 : i32 to index
    %swap3A_195 = arith.constant 112 : index
    %swap3A_196 = tpu.vector_load %arg9[%swap3A_194, %swap3A_195] {strides = array<i32>} : memref<16x128xf32, #tpu.memory_space<vmem>>, vector<1x16xf32>,
    %swap3A_197 = vector.shape_cast %swap3A_196 : vector<1x16xf32> to vector<16xf32>
    %swap3A_198 = vector.shape_cast %broadcast_in_dim3A_55 : vector<16xf32> to vector<1x16xf32>
    tpu.vector_store %arg9[%swap3A_194, %swap3A_195], %swap3A_198 {strides = array<i32>} : memref<16x128xf32, #tpu.memory_space<vmem>>, vector<1x16xf32>,
    %swap3A_199 = arith.constant 3 : i32
    %swap3A_200 = arith.index_cast %swap3A_199 : i32 to index
    %swap3A_201 = arith.constant 0 : index
    %swap3A_202 = tpu.vector_load %arg9[%swap3A_200, %swap3A_201] {strides = array<i32>} : memref<16x128xf32, #tpu.memory_space<vmem>>, vector<1x16xf32>,
    %swap3A_203 = vector.shape_cast %swap3A_202 : vector<1x16xf32> to vector<16xf32>
    %swap3A_204 = vector.shape_cast %broadcast_in_dim3A_55 : vector<16xf32> to vector<1x16xf32>
    tpu.vector_store %arg9[%swap3A_200, %swap3A_201], %swap3A_204 {strides = array<i32>} : memref<16x128xf32, #tpu.memory_space<vmem>>, vector<1x16xf32>,
    %swap3A_205 = arith.constant 3 : i32
    %swap3A_206 = arith.index_cast %swap3A_205 : i32 to index
    %swap3A_207 = arith.constant 16 : index
    %swap3A_208 = tpu.vector_load %arg9[%swap3A_206, %swap3A_207] {strides = array<i32>} : memref<16x128xf32, #tpu.memory_space<vmem>>, vector<1x16xf32>,
    %swap3A_209 = vector.shape_cast %swap3A_208 : vector<1x16xf32> to vector<16xf32>
    %swap3A_210 = vector.shape_cast %broadcast_in_dim3A_55 : vector<16xf32> to vector<1x16xf32>
    tpu.vector_store %arg9[%swap3A_206, %swap3A_207], %swap3A_210 {strides = array<i32>} : memref<16x128xf32, #tpu.memory_space<vmem>>, vector<1x16xf32>,
    %swap3A_211 = arith.constant 3 : i32
    %swap3A_212 = arith.index_cast %swap3A_211 : i32 to index
    %swap3A_213 = arith.constant 32 : index
    %swap3A_214 = tpu.vector_load %arg9[%swap3A_212, %swap3A_213] {strides = array<i32>} : memref<16x128xf32, #tpu.memory_space<vmem>>, vector<1x16xf32>,
    %swap3A_215 = vector.shape_cast %swap3A_214 : vector<1x16xf32> to vector<16xf32>
    %swap3A_216 = vector.shape_cast %broadcast_in_dim3A_55 : vector<16xf32> to vector<1x16xf32>
    tpu.vector_store %arg9[%swap3A_212, %swap3A_213], %swap3A_216 {strides = array<i32>} : memref<16x128xf32, #tpu.memory_space<vmem>>, vector<1x16xf32>,
    %swap3A_217 = arith.constant 3 : i32
    %swap3A_218 = arith.index_cast %swap3A_217 : i32 to index
    %swap3A_219 = arith.constant 48 : index
    %swap3A_220 = tpu.vector_load %arg9[%swap3A_218, %swap3A_219] {strides = array<i32>} : memref<16x128xf32, #tpu.memory_space<vmem>>, vector<1x16xf32>,
    %swap3A_221 = vector.shape_cast %swap3A_220 : vector<1x16xf32> to vector<16xf32>
    %swap3A_222 = vector.shape_cast %broadcast_in_dim3A_55 : vector<16xf32> to vector<1x16xf32>
    tpu.vector_store %arg9[%swap3A_218, %swap3A_219], %swap3A_222 {strides = array<i32>} : memref<16x128xf32, #tpu.memory_space<vmem>>, vector<1x16xf32>,
    %swap3A_223 = arith.constant 3 : i32
    %swap3A_224 = arith.index_cast %swap3A_223 : i32 to index
    %swap3A_225 = arith.constant 64 : index
    %swap3A_226 = tpu.vector_load %arg9[%swap3A_224, %swap3A_225] {strides = array<i32>} : memref<16x128xf32, #tpu.memory_space<vmem>>, vector<1x16xf32>,
    %swap3A_227 = vector.shape_cast %swap3A_226 : vector<1x16xf32> to vector<16xf32>
    %swap3A_228 = vector.shape_cast %broadcast_in_dim3A_55 : vector<16xf32> to vector<1x16xf32>
    tpu.vector_store %arg9[%swap3A_224, %swap3A_225], %swap3A_228 {strides = array<i32>} : memref<16x128xf32, #tpu.memory_space<vmem>>, vector<1x16xf32>,
    %swap3A_229 = arith.constant 3 : i32
    %swap3A_230 = arith.index_cast %swap3A_229 : i32 to index
    %swap3A_231 = arith.constant 80 : index
    %swap3A_232 = tpu.vector_load %arg9[%swap3A_230, %swap3A_231] {strides = array<i32>} : memref<16x128xf32, #tpu.memory_space<vmem>>, vector<1x16xf32>,
    %swap3A_233 = vector.shape_cast %swap3A_232 : vector<1x16xf32> to vector<16xf32>
    %swap3A_234 = vector.shape_cast %broadcast_in_dim3A_55 : vector<16xf32> to vector<1x16xf32>
    tpu.vector_store %arg9[%swap3A_230, %swap3A_231], %swap3A_234 {strides = array<i32>} : memref<16x128xf32, #tpu.memory_space<vmem>>, vector<1x16xf32>,
    %swap3A_235 = arith.constant 3 : i32
    %swap3A_236 = arith.index_cast %swap3A_235 : i32 to index
    %swap3A_237 = arith.constant 96 : index
    %swap3A_238 = tpu.vector_load %arg9[%swap3A_236, %swap3A_237] {strides = array<i32>} : memref<16x128xf32, #tpu.memory_space<vmem>>, vector<1x16xf32>,
    %swap3A_239 = vector.shape_cast %swap3A_238 : vector<1x16xf32> to vector<16xf32>
    %swap3A_240 = vector.shape_cast %broadcast_in_dim3A_55 : vector<16xf32> to vector<1x16xf32>
    tpu.vector_store %arg9[%swap3A_236, %swap3A_237], %swap3A_240 {strides = array<i32>} : memref<16x128xf32, #tpu.memory_space<vmem>>, vector<1x16xf32>,
    %swap3A_241 = arith.constant 3 : i32
    %swap3A_242 = arith.index_cast %swap3A_241 : i32 to index
    %swap3A_243 = arith.constant 112 : index
    %swap3A_244 = tpu.vector_load %arg9[%swap3A_242, %swap3A_243] {strides = array<i32>} : memref<16x128xf32, #tpu.memory_space<vmem>>, vector<1x16xf32>,
    %swap3A_245 = vector.shape_cast %swap3A_244 : vector<1x16xf32> to vector<16xf32>
    %swap3A_246 = vector.shape_cast %broadcast_in_dim3A_55 : vector<16xf32> to vector<1x16xf32>
    tpu.vector_store %arg9[%swap3A_242, %swap3A_243], %swap3A_246 {strides = array<i32>} : memref<16x128xf32, #tpu.memory_space<vmem>>, vector<1x16xf32>,
    %swap3A_247 = arith.constant 4 : i32
    %swap3A_248 = arith.index_cast %swap3A_247 : i32 to index
    %swap3A_249 = arith.constant 0 : index
    %swap3A_250 = tpu.vector_load %arg9[%swap3A_248, %swap3A_249] {strides = array<i32>} : memref<16x128xf32, #tpu.memory_space<vmem>>, vector<1x16xf32>,
    %swap3A_251 = vector.shape_cast %swap3A_250 : vector<1x16xf32> to vector<16xf32>
    %swap3A_252 = vector.shape_cast %broadcast_in_dim3A_55 : vector<16xf32> to vector<1x16xf32>
    tpu.vector_store %arg9[%swap3A_248, %swap3A_249], %swap3A_252 {strides = array<i32>} : memref<16x128xf32, #tpu.memory_space<vmem>>, vector<1x16xf32>,
    %swap3A_253 = arith.constant 4 : i32
    %swap3A_254 = arith.index_cast %swap3A_253 : i32 to index
    %swap3A_255 = arith.constant 16 : index
    %swap3A_256 = tpu.vector_load %arg9[%swap3A_254, %swap3A_255] {strides = array<i32>} : memref<16x128xf32, #tpu.memory_space<vmem>>, vector<1x16xf32>,
    %swap3A_257 = vector.shape_cast %swap3A_256 : vector<1x16xf32> to vector<16xf32>
    %swap3A_258 = vector.shape_cast %broadcast_in_dim3A_55 : vector<16xf32> to vector<1x16xf32>
    tpu.vector_store %arg9[%swap3A_254, %swap3A_255], %swap3A_258 {strides = array<i32>} : memref<16x128xf32, #tpu.memory_space<vmem>>, vector<1x16xf32>,
    %swap3A_259 = arith.constant 4 : i32
    %swap3A_260 = arith.index_cast %swap3A_259 : i32 to index
    %swap3A_261 = arith.constant 32 : index
    %swap3A_262 = tpu.vector_load %arg9[%swap3A_260, %swap3A_261] {strides = array<i32>} : memref<16x128xf32, #tpu.memory_space<vmem>>, vector<1x16xf32>,
    %swap3A_263 = vector.shape_cast %swap3A_262 : vector<1x16xf32> to vector<16xf32>
    %swap3A_264 = vector.shape_cast %broadcast_in_dim3A_55 : vector<16xf32> to vector<1x16xf32>
    tpu.vector_store %arg9[%swap3A_260, %swap3A_261], %swap3A_264 {strides = array<i32>} : memref<16x128xf32, #tpu.memory_space<vmem>>, vector<1x16xf32>,
    %swap3A_265 = arith.constant 4 : i32
    %swap3A_266 = arith.index_cast %swap3A_265 : i32 to index
    %swap3A_267 = arith.constant 48 : index
    %swap3A_268 = tpu.vector_load %arg9[%swap3A_266, %swap3A_267] {strides = array<i32>} : memref<16x128xf32, #tpu.memory_space<vmem>>, vector<1x16xf32>,
    %swap3A_269 = vector.shape_cast %swap3A_268 : vector<1x16xf32> to vector<16xf32>
    %swap3A_270 = vector.shape_cast %broadcast_in_dim3A_55 : vector<16xf32> to vector<1x16xf32>
    tpu.vector_store %arg9[%swap3A_266, %swap3A_267], %swap3A_270 {strides = array<i32>} : memref<16x128xf32, #tpu.memory_space<vmem>>, vector<1x16xf32>,
    %swap3A_271 = arith.constant 4 : i32
    %swap3A_272 = arith.index_cast %swap3A_271 : i32 to index
    %swap3A_273 = arith.constant 64 : index
    %swap3A_274 = tpu.vector_load %arg9[%swap3A_272, %swap3A_273] {strides = array<i32>} : memref<16x128xf32, #tpu.memory_space<vmem>>, vector<1x16xf32>,
    %swap3A_275 = vector.shape_cast %swap3A_274 : vector<1x16xf32> to vector<16xf32>
    %swap3A_276 = vector.shape_cast %broadcast_in_dim3A_55 : vector<16xf32> to vector<1x16xf32>
    tpu.vector_store %arg9[%swap3A_272, %swap3A_273], %swap3A_276 {strides = array<i32>} : memref<16x128xf32, #tpu.memory_space<vmem>>, vector<1x16xf32>,
    %swap3A_277 = arith.constant 4 : i32
    %swap3A_278 = arith.index_cast %swap3A_277 : i32 to index
    %swap3A_279 = arith.constant 80 : index
    %swap3A_280 = tpu.vector_load %arg9[%swap3A_278, %swap3A_279] {strides = array<i32>} : memref<16x128xf32, #tpu.memory_space<vmem>>, vector<1x16xf32>,
    %swap3A_281 = vector.shape_cast %swap3A_280 : vector<1x16xf32> to vector<16xf32>
    %swap3A_282 = vector.shape_cast %broadcast_in_dim3A_55 : vector<16xf32> to vector<1x16xf32>
    tpu.vector_store %arg9[%swap3A_278, %swap3A_279], %swap3A_282 {strides = array<i32>} : memref<16x128xf32, #tpu.memory_space<vmem>>, vector<1x16xf32>,
    %swap3A_283 = arith.constant 4 : i32
    %swap3A_284 = arith.index_cast %swap3A_283 : i32 to index
    %swap3A_285 = arith.constant 96 : index
    %swap3A_286 = tpu.vector_load %arg9[%swap3A_284, %swap3A_285] {strides = array<i32>} : memref<16x128xf32, #tpu.memory_space<vmem>>, vector<1x16xf32>,
    %swap3A_287 = vector.shape_cast %swap3A_286 : vector<1x16xf32> to vector<16xf32>
    %swap3A_288 = vector.shape_cast %broadcast_in_dim3A_55 : vector<16xf32> to vector<1x16xf32>
    tpu.vector_store %arg9[%swap3A_284, %swap3A_285], %swap3A_288 {strides = array<i32>} : memref<16x128xf32, #tpu.memory_space<vmem>>, vector<1x16xf32>,
    %swap3A_289 = arith.constant 4 : i32
    %swap3A_290 = arith.index_cast %swap3A_289 : i32 to index
    %swap3A_291 = arith.constant 112 : index
    %swap3A_292 = tpu.vector_load %arg9[%swap3A_290, %swap3A_291] {strides = array<i32>} : memref<16x128xf32, #tpu.memory_space<vmem>>, vector<1x16xf32>,
    %swap3A_293 = vector.shape_cast %swap3A_292 : vector<1x16xf32> to vector<16xf32>
    %swap3A_294 = vector.shape_cast %broadcast_in_dim3A_55 : vector<16xf32> to vector<1x16xf32>
    tpu.vector_store %arg9[%swap3A_290, %swap3A_291], %swap3A_294 {strides = array<i32>} : memref<16x128xf32, #tpu.memory_space<vmem>>, vector<1x16xf32>,
    %swap3A_295 = arith.constant 5 : i32
    %swap3A_296 = arith.index_cast %swap3A_295 : i32 to index
    %swap3A_297 = arith.constant 0 : index
    %swap3A_298 = tpu.vector_load %arg9[%swap3A_296, %swap3A_297] {strides = array<i32>} : memref<16x128xf32, #tpu.memory_space<vmem>>, vector<1x16xf32>,
    %swap3A_299 = vector.shape_cast %swap3A_298 : vector<1x16xf32> to vector<16xf32>
    %swap3A_300 = vector.shape_cast %broadcast_in_dim3A_55 : vector<16xf32> to vector<1x16xf32>
    tpu.vector_store %arg9[%swap3A_296, %swap3A_297], %swap3A_300 {strides = array<i32>} : memref<16x128xf32, #tpu.memory_space<vmem>>, vector<1x16xf32>,
    %swap3A_301 = arith.constant 5 : i32
    %swap3A_302 = arith.index_cast %swap3A_301 : i32 to index
    %swap3A_303 = arith.constant 16 : index
    %swap3A_304 = tpu.vector_load %arg9[%swap3A_302, %swap3A_303] {strides = array<i32>} : memref<16x128xf32, #tpu.memory_space<vmem>>, vector<1x16xf32>,
    %swap3A_305 = vector.shape_cast %swap3A_304 : vector<1x16xf32> to vector<16xf32>
    %swap3A_306 = vector.shape_cast %broadcast_in_dim3A_55 : vector<16xf32> to vector<1x16xf32>
    tpu.vector_store %arg9[%swap3A_302, %swap3A_303], %swap3A_306 {strides = array<i32>} : memref<16x128xf32, #tpu.memory_space<vmem>>, vector<1x16xf32>,
    %swap3A_307 = arith.constant 5 : i32
    %swap3A_308 = arith.index_cast %swap3A_307 : i32 to index
    %swap3A_309 = arith.constant 32 : index
    %swap3A_310 = tpu.vector_load %arg9[%swap3A_308, %swap3A_309] {strides = array<i32>} : memref<16x128xf32, #tpu.memory_space<vmem>>, vector<1x16xf32>,
    %swap3A_311 = vector.shape_cast %swap3A_310 : vector<1x16xf32> to vector<16xf32>
    %swap3A_312 = vector.shape_cast %broadcast_in_dim3A_55 : vector<16xf32> to vector<1x16xf32>
    tpu.vector_store %arg9[%swap3A_308, %swap3A_309], %swap3A_312 {strides = array<i32>} : memref<16x128xf32, #tpu.memory_space<vmem>>, vector<1x16xf32>,
    %swap3A_313 = arith.constant 5 : i32
    %swap3A_314 = arith.index_cast %swap3A_313 : i32 to index
    %swap3A_315 = arith.constant 48 : index
    %swap3A_316 = tpu.vector_load %arg9[%swap3A_314, %swap3A_315] {strides = array<i32>} : memref<16x128xf32, #tpu.memory_space<vmem>>, vector<1x16xf32>,
    %swap3A_317 = vector.shape_cast %swap3A_316 : vector<1x16xf32> to vector<16xf32>
    %swap3A_318 = vector.shape_cast %broadcast_in_dim3A_55 : vector<16xf32> to vector<1x16xf32>
    tpu.vector_store %arg9[%swap3A_314, %swap3A_315], %swap3A_318 {strides = array<i32>} : memref<16x128xf32, #tpu.memory_space<vmem>>, vector<1x16xf32>,
    %swap3A_319 = arith.constant 5 : i32
    %swap3A_320 = arith.index_cast %swap3A_319 : i32 to index
    %swap3A_321 = arith.constant 64 : index
    %swap3A_322 = tpu.vector_load %arg9[%swap3A_320, %swap3A_321] {strides = array<i32>} : memref<16x128xf32, #tpu.memory_space<vmem>>, vector<1x16xf32>,
    %swap3A_323 = vector.shape_cast %swap3A_322 : vector<1x16xf32> to vector<16xf32>
    %swap3A_324 = vector.shape_cast %broadcast_in_dim3A_55 : vector<16xf32> to vector<1x16xf32>
    tpu.vector_store %arg9[%swap3A_320, %swap3A_321], %swap3A_324 {strides = array<i32>} : memref<16x128xf32, #tpu.memory_space<vmem>>, vector<1x16xf32>,
    %swap3A_325 = arith.constant 5 : i32
    %swap3A_326 = arith.index_cast %swap3A_325 : i32 to index
    %swap3A_327 = arith.constant 80 : index
    %swap3A_328 = tpu.vector_load %arg9[%swap3A_326, %swap3A_327] {strides = array<i32>} : memref<16x128xf32, #tpu.memory_space<vmem>>, vector<1x16xf32>,
    %swap3A_329 = vector.shape_cast %swap3A_328 : vector<1x16xf32> to vector<16xf32>
    %swap3A_330 = vector.shape_cast %broadcast_in_dim3A_55 : vector<16xf32> to vector<1x16xf32>
    tpu.vector_store %arg9[%swap3A_326, %swap3A_327], %swap3A_330 {strides = array<i32>} : memref<16x128xf32, #tpu.memory_space<vmem>>, vector<1x16xf32>,
    %swap3A_331 = arith.constant 5 : i32
    %swap3A_332 = arith.index_cast %swap3A_331 : i32 to index
    %swap3A_333 = arith.constant 96 : index
    %swap3A_334 = tpu.vector_load %arg9[%swap3A_332, %swap3A_333] {strides = array<i32>} : memref<16x128xf32, #tpu.memory_space<vmem>>, vector<1x16xf32>,
    %swap3A_335 = vector.shape_cast %swap3A_334 : vector<1x16xf32> to vector<16xf32>
    %swap3A_336 = vector.shape_cast %broadcast_in_dim3A_55 : vector<16xf32> to vector<1x16xf32>
    tpu.vector_store %arg9[%swap3A_332, %swap3A_333], %swap3A_336 {strides = array<i32>} : memref<16x128xf32, #tpu.memory_space<vmem>>, vector<1x16xf32>,
    %swap3A_337 = arith.constant 5 : i32
    %swap3A_338 = arith.index_cast %swap3A_337 : i32 to index
    %swap3A_339 = arith.constant 112 : index
    %swap3A_340 = tpu.vector_load %arg9[%swap3A_338, %swap3A_339] {strides = array<i32>} : memref<16x128xf32, #tpu.memory_space<vmem>>, vector<1x16xf32>,
    %swap3A_341 = vector.shape_cast %swap3A_340 : vector<1x16xf32> to vector<16xf32>
    %swap3A_342 = vector.shape_cast %broadcast_in_dim3A_55 : vector<16xf32> to vector<1x16xf32>
    tpu.vector_store %arg9[%swap3A_338, %swap3A_339], %swap3A_342 {strides = array<i32>} : memref<16x128xf32, #tpu.memory_space<vmem>>, vector<1x16xf32>,
    %swap3A_343 = arith.constant 6 : i32
    %swap3A_344 = arith.index_cast %swap3A_343 : i32 to index
    %swap3A_345 = arith.constant 0 : index
    %swap3A_346 = tpu.vector_load %arg9[%swap3A_344, %swap3A_345] {strides = array<i32>} : memref<16x128xf32, #tpu.memory_space<vmem>>, vector<1x16xf32>,
    %swap3A_347 = vector.shape_cast %swap3A_346 : vector<1x16xf32> to vector<16xf32>
    %swap3A_348 = vector.shape_cast %broadcast_in_dim3A_55 : vector<16xf32> to vector<1x16xf32>
    tpu.vector_store %arg9[%swap3A_344, %swap3A_345], %swap3A_348 {strides = array<i32>} : memref<16x128xf32, #tpu.memory_space<vmem>>, vector<1x16xf32>,
    %swap3A_349 = arith.constant 6 : i32
    %swap3A_350 = arith.index_cast %swap3A_349 : i32 to index
    %swap3A_351 = arith.constant 16 : index
    %swap3A_352 = tpu.vector_load %arg9[%swap3A_350, %swap3A_351] {strides = array<i32>} : memref<16x128xf32, #tpu.memory_space<vmem>>, vector<1x16xf32>,
    %swap3A_353 = vector.shape_cast %swap3A_352 : vector<1x16xf32> to vector<16xf32>
    %swap3A_354 = vector.shape_cast %broadcast_in_dim3A_55 : vector<16xf32> to vector<1x16xf32>
    tpu.vector_store %arg9[%swap3A_350, %swap3A_351], %swap3A_354 {strides = array<i32>} : memref<16x128xf32, #tpu.memory_space<vmem>>, vector<1x16xf32>,
    %swap3A_355 = arith.constant 6 : i32
    %swap3A_356 = arith.index_cast %swap3A_355 : i32 to index
    %swap3A_357 = arith.constant 32 : index
    %swap3A_358 = tpu.vector_load %arg9[%swap3A_356, %swap3A_357] {strides = array<i32>} : memref<16x128xf32, #tpu.memory_space<vmem>>, vector<1x16xf32>,
    %swap3A_359 = vector.shape_cast %swap3A_358 : vector<1x16xf32> to vector<16xf32>
    %swap3A_360 = vector.shape_cast %broadcast_in_dim3A_55 : vector<16xf32> to vector<1x16xf32>
    tpu.vector_store %arg9[%swap3A_356, %swap3A_357], %swap3A_360 {strides = array<i32>} : memref<16x128xf32, #tpu.memory_space<vmem>>, vector<1x16xf32>,
    %swap3A_361 = arith.constant 6 : i32
    %swap3A_362 = arith.index_cast %swap3A_361 : i32 to index
    %swap3A_363 = arith.constant 48 : index
    %swap3A_364 = tpu.vector_load %arg9[%swap3A_362, %swap3A_363] {strides = array<i32>} : memref<16x128xf32, #tpu.memory_space<vmem>>, vector<1x16xf32>,
    %swap3A_365 = vector.shape_cast %swap3A_364 : vector<1x16xf32> to vector<16xf32>
    %swap3A_366 = vector.shape_cast %broadcast_in_dim3A_55 : vector<16xf32> to vector<1x16xf32>
    tpu.vector_store %arg9[%swap3A_362, %swap3A_363], %swap3A_366 {strides = array<i32>} : memref<16x128xf32, #tpu.memory_space<vmem>>, vector<1x16xf32>,
    %swap3A_367 = arith.constant 6 : i32
    %swap3A_368 = arith.index_cast %swap3A_367 : i32 to index
    %swap3A_369 = arith.constant 64 : index
    %swap3A_370 = tpu.vector_load %arg9[%swap3A_368, %swap3A_369] {strides = array<i32>} : memref<16x128xf32, #tpu.memory_space<vmem>>, vector<1x16xf32>,
    %swap3A_371 = vector.shape_cast %swap3A_370 : vector<1x16xf32> to vector<16xf32>
    %swap3A_372 = vector.shape_cast %broadcast_in_dim3A_55 : vector<16xf32> to vector<1x16xf32>
    tpu.vector_store %arg9[%swap3A_368, %swap3A_369], %swap3A_372 {strides = array<i32>} : memref<16x128xf32, #tpu.memory_space<vmem>>, vector<1x16xf32>,
    %swap3A_373 = arith.constant 6 : i32
    %swap3A_374 = arith.index_cast %swap3A_373 : i32 to index
    %swap3A_375 = arith.constant 80 : index
    %swap3A_376 = tpu.vector_load %arg9[%swap3A_374, %swap3A_375] {strides = array<i32>} : memref<16x128xf32, #tpu.memory_space<vmem>>, vector<1x16xf32>,
    %swap3A_377 = vector.shape_cast %swap3A_376 : vector<1x16xf32> to vector<16xf32>
    %swap3A_378 = vector.shape_cast %broadcast_in_dim3A_55 : vector<16xf32> to vector<1x16xf32>
    tpu.vector_store %arg9[%swap3A_374, %swap3A_375], %swap3A_378 {strides = array<i32>} : memref<16x128xf32, #tpu.memory_space<vmem>>, vector<1x16xf32>,
    %swap3A_379 = arith.constant 6 : i32
    %swap3A_380 = arith.index_cast %swap3A_379 : i32 to index
    %swap3A_381 = arith.constant 96 : index
    %swap3A_382 = tpu.vector_load %arg9[%swap3A_380, %swap3A_381] {strides = array<i32>} : memref<16x128xf32, #tpu.memory_space<vmem>>, vector<1x16xf32>,
    %swap3A_383 = vector.shape_cast %swap3A_382 : vector<1x16xf32> to vector<16xf32>
    %swap3A_384 = vector.shape_cast %broadcast_in_dim3A_55 : vector<16xf32> to vector<1x16xf32>
    tpu.vector_store %arg9[%swap3A_380, %swap3A_381], %swap3A_384 {strides = array<i32>} : memref<16x128xf32, #tpu.memory_space<vmem>>, vector<1x16xf32>,
    %swap3A_385 = arith.constant 6 : i32
    %swap3A_386 = arith.index_cast %swap3A_385 : i32 to index
    %swap3A_387 = arith.constant 112 : index
    %swap3A_388 = tpu.vector_load %arg9[%swap3A_386, %swap3A_387] {strides = array<i32>} : memref<16x128xf32, #tpu.memory_space<vmem>>, vector<1x16xf32>,
    %swap3A_389 = vector.shape_cast %swap3A_388 : vector<1x16xf32> to vector<16xf32>
    %swap3A_390 = vector.shape_cast %broadcast_in_dim3A_55 : vector<16xf32> to vector<1x16xf32>
    tpu.vector_store %arg9[%swap3A_386, %swap3A_387], %swap3A_390 {strides = array<i32>} : memref<16x128xf32, #tpu.memory_space<vmem>>, vector<1x16xf32>,
    %swap3A_391 = arith.constant 7 : i32
    %swap3A_392 = arith.index_cast %swap3A_391 : i32 to index
    %swap3A_393 = arith.constant 0 : index
    %swap3A_394 = tpu.vector_load %arg9[%swap3A_392, %swap3A_393] {strides = array<i32>} : memref<16x128xf32, #tpu.memory_space<vmem>>, vector<1x16xf32>,
    %swap3A_395 = vector.shape_cast %swap3A_394 : vector<1x16xf32> to vector<16xf32>
    %swap3A_396 = vector.shape_cast %broadcast_in_dim3A_55 : vector<16xf32> to vector<1x16xf32>
    tpu.vector_store %arg9[%swap3A_392, %swap3A_393], %swap3A_396 {strides = array<i32>} : memref<16x128xf32, #tpu.memory_space<vmem>>, vector<1x16xf32>,
    %swap3A_397 = arith.constant 7 : i32
    %swap3A_398 = arith.index_cast %swap3A_397 : i32 to index
    %swap3A_399 = arith.constant 16 : index
    %swap3A_400 = tpu.vector_load %arg9[%swap3A_398, %swap3A_399] {strides = array<i32>} : memref<16x128xf32, #tpu.memory_space<vmem>>, vector<1x16xf32>,
    %swap3A_401 = vector.shape_cast %swap3A_400 : vector<1x16xf32> to vector<16xf32>
    %swap3A_402 = vector.shape_cast %broadcast_in_dim3A_55 : vector<16xf32> to vector<1x16xf32>
    tpu.vector_store %arg9[%swap3A_398, %swap3A_399], %swap3A_402 {strides = array<i32>} : memref<16x128xf32, #tpu.memory_space<vmem>>, vector<1x16xf32>,
    %swap3A_403 = arith.constant 7 : i32
    %swap3A_404 = arith.index_cast %swap3A_403 : i32 to index
    %swap3A_405 = arith.constant 32 : index
    %swap3A_406 = tpu.vector_load %arg9[%swap3A_404, %swap3A_405] {strides = array<i32>} : memref<16x128xf32, #tpu.memory_space<vmem>>, vector<1x16xf32>,
    %swap3A_407 = vector.shape_cast %swap3A_406 : vector<1x16xf32> to vector<16xf32>
    %swap3A_408 = vector.shape_cast %broadcast_in_dim3A_55 : vector<16xf32> to vector<1x16xf32>
    tpu.vector_store %arg9[%swap3A_404, %swap3A_405], %swap3A_408 {strides = array<i32>} : memref<16x128xf32, #tpu.memory_space<vmem>>, vector<1x16xf32>,
    %swap3A_409 = arith.constant 7 : i32
    %swap3A_410 = arith.index_cast %swap3A_409 : i32 to index
    %swap3A_411 = arith.constant 48 : index
    %swap3A_412 = tpu.vector_load %arg9[%swap3A_410, %swap3A_411] {strides = array<i32>} : memref<16x128xf32, #tpu.memory_space<vmem>>, vector<1x16xf32>,
    %swap3A_413 = vector.shape_cast %swap3A_412 : vector<1x16xf32> to vector<16xf32>
    %swap3A_414 = vector.shape_cast %broadcast_in_dim3A_55 : vector<16xf32> to vector<1x16xf32>
    tpu.vector_store %arg9[%swap3A_410, %swap3A_411], %swap3A_414 {strides = array<i32>} : memref<16x128xf32, #tpu.memory_space<vmem>>, vector<1x16xf32>,
    %swap3A_415 = arith.constant 7 : i32
    %swap3A_416 = arith.index_cast %swap3A_415 : i32 to index
    %swap3A_417 = arith.constant 64 : index
    %swap3A_418 = tpu.vector_load %arg9[%swap3A_416, %swap3A_417] {strides = array<i32>} : memref<16x128xf32, #tpu.memory_space<vmem>>, vector<1x16xf32>,
    %swap3A_419 = vector.shape_cast %swap3A_418 : vector<1x16xf32> to vector<16xf32>
    %swap3A_420 = vector.shape_cast %broadcast_in_dim3A_55 : vector<16xf32> to vector<1x16xf32>
    tpu.vector_store %arg9[%swap3A_416, %swap3A_417], %swap3A_420 {strides = array<i32>} : memref<16x128xf32, #tpu.memory_space<vmem>>, vector<1x16xf32>,
    %swap3A_421 = arith.constant 7 : i32
    %swap3A_422 = arith.index_cast %swap3A_421 : i32 to index
    %swap3A_423 = arith.constant 80 : index
    %swap3A_424 = tpu.vector_load %arg9[%swap3A_422, %swap3A_423] {strides = array<i32>} : memref<16x128xf32, #tpu.memory_space<vmem>>, vector<1x16xf32>,
    %swap3A_425 = vector.shape_cast %swap3A_424 : vector<1x16xf32> to vector<16xf32>
    %swap3A_426 = vector.shape_cast %broadcast_in_dim3A_55 : vector<16xf32> to vector<1x16xf32>
    tpu.vector_store %arg9[%swap3A_422, %swap3A_423], %swap3A_426 {strides = array<i32>} : memref<16x128xf32, #tpu.memory_space<vmem>>, vector<1x16xf32>,
    %swap3A_427 = arith.constant 7 : i32
    %swap3A_428 = arith.index_cast %swap3A_427 : i32 to index
    %swap3A_429 = arith.constant 96 : index
    %swap3A_430 = tpu.vector_load %arg9[%swap3A_428, %swap3A_429] {strides = array<i32>} : memref<16x128xf32, #tpu.memory_space<vmem>>, vector<1x16xf32>,
    %swap3A_431 = vector.shape_cast %swap3A_430 : vector<1x16xf32> to vector<16xf32>
    %swap3A_432 = vector.shape_cast %broadcast_in_dim3A_55 : vector<16xf32> to vector<1x16xf32>
    tpu.vector_store %arg9[%swap3A_428, %swap3A_429], %swap3A_432 {strides = array<i32>} : memref<16x128xf32, #tpu.memory_space<vmem>>, vector<1x16xf32>,
    %swap3A_433 = arith.constant 7 : i32
    %swap3A_434 = arith.index_cast %swap3A_433 : i32 to index
    %swap3A_435 = arith.constant 112 : index
    %swap3A_436 = tpu.vector_load %arg9[%swap3A_434, %swap3A_435] {strides = array<i32>} : memref<16x128xf32, #tpu.memory_space<vmem>>, vector<1x16xf32>,
    %swap3A_437 = vector.shape_cast %swap3A_436 : vector<1x16xf32> to vector<16xf32>
    %swap3A_438 = vector.shape_cast %broadcast_in_dim3A_55 : vector<16xf32> to vector<1x16xf32>
    tpu.vector_store %arg9[%swap3A_434, %swap3A_435], %swap3A_438 {strides = array<i32>} : memref<16x128xf32, #tpu.memory_space<vmem>>, vector<1x16xf32>,
    %swap3A_439 = arith.constant 8 : i32
    %swap3A_440 = arith.index_cast %swap3A_439 : i32 to index
    %swap3A_441 = arith.constant 0 : index
    %swap3A_442 = tpu.vector_load %arg9[%swap3A_440, %swap3A_441] {strides = array<i32>} : memref<16x128xf32, #tpu.memory_space<vmem>>, vector<1x16xf32>,
    %swap3A_443 = vector.shape_cast %swap3A_442 : vector<1x16xf32> to vector<16xf32>
    %swap3A_444 = vector.shape_cast %broadcast_in_dim3A_55 : vector<16xf32> to vector<1x16xf32>
    tpu.vector_store %arg9[%swap3A_440, %swap3A_441], %swap3A_444 {strides = array<i32>} : memref<16x128xf32, #tpu.memory_space<vmem>>, vector<1x16xf32>,
    %swap3A_445 = arith.constant 8 : i32
    %swap3A_446 = arith.index_cast %swap3A_445 : i32 to index
    %swap3A_447 = arith.constant 16 : index
    %swap3A_448 = tpu.vector_load %arg9[%swap3A_446, %swap3A_447] {strides = array<i32>} : memref<16x128xf32, #tpu.memory_space<vmem>>, vector<1x16xf32>,
    %swap3A_449 = vector.shape_cast %swap3A_448 : vector<1x16xf32> to vector<16xf32>
    %swap3A_450 = vector.shape_cast %broadcast_in_dim3A_55 : vector<16xf32> to vector<1x16xf32>
    tpu.vector_store %arg9[%swap3A_446, %swap3A_447], %swap3A_450 {strides = array<i32>} : memref<16x128xf32, #tpu.memory_space<vmem>>, vector<1x16xf32>,
    %swap3A_451 = arith.constant 8 : i32
    %swap3A_452 = arith.index_cast %swap3A_451 : i32 to index
    %swap3A_453 = arith.constant 32 : index
    %swap3A_454 = tpu.vector_load %arg9[%swap3A_452, %swap3A_453] {strides = array<i32>} : memref<16x128xf32, #tpu.memory_space<vmem>>, vector<1x16xf32>,
    %swap3A_455 = vector.shape_cast %swap3A_454 : vector<1x16xf32> to vector<16xf32>
    %swap3A_456 = vector.shape_cast %broadcast_in_dim3A_55 : vector<16xf32> to vector<1x16xf32>
    tpu.vector_store %arg9[%swap3A_452, %swap3A_453], %swap3A_456 {strides = array<i32>} : memref<16x128xf32, #tpu.memory_space<vmem>>, vector<1x16xf32>,
    %swap3A_457 = arith.constant 8 : i32
    %swap3A_458 = arith.index_cast %swap3A_457 : i32 to index
    %swap3A_459 = arith.constant 48 : index
    %swap3A_460 = tpu.vector_load %arg9[%swap3A_458, %swap3A_459] {strides = array<i32>} : memref<16x128xf32, #tpu.memory_space<vmem>>, vector<1x16xf32>,
    %swap3A_461 = vector.shape_cast %swap3A_460 : vector<1x16xf32> to vector<16xf32>
    %swap3A_462 = vector.shape_cast %broadcast_in_dim3A_55 : vector<16xf32> to vector<1x16xf32>
    tpu.vector_store %arg9[%swap3A_458, %swap3A_459], %swap3A_462 {strides = array<i32>} : memref<16x128xf32, #tpu.memory_space<vmem>>, vector<1x16xf32>,
    %swap3A_463 = arith.constant 8 : i32
    %swap3A_464 = arith.index_cast %swap3A_463 : i32 to index
    %swap3A_465 = arith.constant 64 : index
    %swap3A_466 = tpu.vector_load %arg9[%swap3A_464, %swap3A_465] {strides = array<i32>} : memref<16x128xf32, #tpu.memory_space<vmem>>, vector<1x16xf32>,
    %swap3A_467 = vector.shape_cast %swap3A_466 : vector<1x16xf32> to vector<16xf32>
    %swap3A_468 = vector.shape_cast %broadcast_in_dim3A_55 : vector<16xf32> to vector<1x16xf32>
    tpu.vector_store %arg9[%swap3A_464, %swap3A_465], %swap3A_468 {strides = array<i32>} : memref<16x128xf32, #tpu.memory_space<vmem>>, vector<1x16xf32>,
    %swap3A_469 = arith.constant 8 : i32
    %swap3A_470 = arith.index_cast %swap3A_469 : i32 to index
    %swap3A_471 = arith.constant 80 : index
    %swap3A_472 = tpu.vector_load %arg9[%swap3A_470, %swap3A_471] {strides = array<i32>} : memref<16x128xf32, #tpu.memory_space<vmem>>, vector<1x16xf32>,
    %swap3A_473 = vector.shape_cast %swap3A_472 : vector<1x16xf32> to vector<16xf32>
    %swap3A_474 = vector.shape_cast %broadcast_in_dim3A_55 : vector<16xf32> to vector<1x16xf32>
    tpu.vector_store %arg9[%swap3A_470, %swap3A_471], %swap3A_474 {strides = array<i32>} : memref<16x128xf32, #tpu.memory_space<vmem>>, vector<1x16xf32>,
    %swap3A_475 = arith.constant 8 : i32
    %swap3A_476 = arith.index_cast %swap3A_475 : i32 to index
    %swap3A_477 = arith.constant 96 : index
    %swap3A_478 = tpu.vector_load %arg9[%swap3A_476, %swap3A_477] {strides = array<i32>} : memref<16x128xf32, #tpu.memory_space<vmem>>, vector<1x16xf32>,
    %swap3A_479 = vector.shape_cast %swap3A_478 : vector<1x16xf32> to vector<16xf32>
    %swap3A_480 = vector.shape_cast %broadcast_in_dim3A_55 : vector<16xf32> to vector<1x16xf32>
    tpu.vector_store %arg9[%swap3A_476, %swap3A_477], %swap3A_480 {strides = array<i32>} : memref<16x128xf32, #tpu.memory_space<vmem>>, vector<1x16xf32>,
    %swap3A_481 = arith.constant 8 : i32
    %swap3A_482 = arith.index_cast %swap3A_481 : i32 to index
    %swap3A_483 = arith.constant 112 : index
    %swap3A_484 = tpu.vector_load %arg9[%swap3A_482, %swap3A_483] {strides = array<i32>} : memref<16x128xf32, #tpu.memory_space<vmem>>, vector<1x16xf32>,
    %swap3A_485 = vector.shape_cast %swap3A_484 : vector<1x16xf32> to vector<16xf32>
    %swap3A_486 = vector.shape_cast %broadcast_in_dim3A_55 : vector<16xf32> to vector<1x16xf32>
    tpu.vector_store %arg9[%swap3A_482, %swap3A_483], %swap3A_486 {strides = array<i32>} : memref<16x128xf32, #tpu.memory_space<vmem>>, vector<1x16xf32>,
    %swap3A_487 = arith.constant 9 : i32
    %swap3A_488 = arith.index_cast %swap3A_487 : i32 to index
    %swap3A_489 = arith.constant 0 : index
    %swap3A_490 = tpu.vector_load %arg9[%swap3A_488, %swap3A_489] {strides = array<i32>} : memref<16x128xf32, #tpu.memory_space<vmem>>, vector<1x16xf32>,
    %swap3A_491 = vector.shape_cast %swap3A_490 : vector<1x16xf32> to vector<16xf32>
    %swap3A_492 = vector.shape_cast %broadcast_in_dim3A_55 : vector<16xf32> to vector<1x16xf32>
    tpu.vector_store %arg9[%swap3A_488, %swap3A_489], %swap3A_492 {strides = array<i32>} : memref<16x128xf32, #tpu.memory_space<vmem>>, vector<1x16xf32>,
    %swap3A_493 = arith.constant 9 : i32
    %swap3A_494 = arith.index_cast %swap3A_493 : i32 to index
    %swap3A_495 = arith.constant 16 : index
    %swap3A_496 = tpu.vector_load %arg9[%swap3A_494, %swap3A_495] {strides = array<i32>} : memref<16x128xf32, #tpu.memory_space<vmem>>, vector<1x16xf32>,
    %swap3A_497 = vector.shape_cast %swap3A_496 : vector<1x16xf32> to vector<16xf32>
    %swap3A_498 = vector.shape_cast %broadcast_in_dim3A_55 : vector<16xf32> to vector<1x16xf32>
    tpu.vector_store %arg9[%swap3A_494, %swap3A_495], %swap3A_498 {strides = array<i32>} : memref<16x128xf32, #tpu.memory_space<vmem>>, vector<1x16xf32>,
    %swap3A_499 = arith.constant 9 : i32
    %swap3A_500 = arith.index_cast %swap3A_499 : i32 to index
    %swap3A_501 = arith.constant 32 : index
    %swap3A_502 = tpu.vector_load %arg9[%swap3A_500, %swap3A_501] {strides = array<i32>} : memref<16x128xf32, #tpu.memory_space<vmem>>, vector<1x16xf32>,
    %swap3A_503 = vector.shape_cast %swap3A_502 : vector<1x16xf32> to vector<16xf32>
    %swap3A_504 = vector.shape_cast %broadcast_in_dim3A_55 : vector<16xf32> to vector<1x16xf32>
    tpu.vector_store %arg9[%swap3A_500, %swap3A_501], %swap3A_504 {strides = array<i32>} : memref<16x128xf32, #tpu.memory_space<vmem>>, vector<1x16xf32>,
    %swap3A_505 = arith.constant 9 : i32
    %swap3A_506 = arith.index_cast %swap3A_505 : i32 to index
    %swap3A_507 = arith.constant 48 : index
    %swap3A_508 = tpu.vector_load %arg9[%swap3A_506, %swap3A_507] {strides = array<i32>} : memref<16x128xf32, #tpu.memory_space<vmem>>, vector<1x16xf32>,
    %swap3A_509 = vector.shape_cast %swap3A_508 : vector<1x16xf32> to vector<16xf32>
    %swap3A_510 = vector.shape_cast %broadcast_in_dim3A_55 : vector<16xf32> to vector<1x16xf32>
    tpu.vector_store %arg9[%swap3A_506, %swap3A_507], %swap3A_510 {strides = array<i32>} : memref<16x128xf32, #tpu.memory_space<vmem>>, vector<1x16xf32>,
    %swap3A_511 = arith.constant 9 : i32
    %swap3A_512 = arith.index_cast %swap3A_511 : i32 to index
    %swap3A_513 = arith.constant 64 : index
    %swap3A_514 = tpu.vector_load %arg9[%swap3A_512, %swap3A_513] {strides = array<i32>} : memref<16x128xf32, #tpu.memory_space<vmem>>, vector<1x16xf32>,
    %swap3A_515 = vector.shape_cast %swap3A_514 : vector<1x16xf32> to vector<16xf32>
    %swap3A_516 = vector.shape_cast %broadcast_in_dim3A_55 : vector<16xf32> to vector<1x16xf32>
    tpu.vector_store %arg9[%swap3A_512, %swap3A_513], %swap3A_516 {strides = array<i32>} : memref<16x128xf32, #tpu.memory_space<vmem>>, vector<1x16xf32>,
    %swap3A_517 = arith.constant 9 : i32
    %swap3A_518 = arith.index_cast %swap3A_517 : i32 to index
    %swap3A_519 = arith.constant 80 : index
    %swap3A_520 = tpu.vector_load %arg9[%swap3A_518, %swap3A_519] {strides = array<i32>} : memref<16x128xf32, #tpu.memory_space<vmem>>, vector<1x16xf32>,
    %swap3A_521 = vector.shape_cast %swap3A_520 : vector<1x16xf32> to vector<16xf32>
    %swap3A_522 = vector.shape_cast %broadcast_in_dim3A_55 : vector<16xf32> to vector<1x16xf32>
    tpu.vector_store %arg9[%swap3A_518, %swap3A_519], %swap3A_522 {strides = array<i32>} : memref<16x128xf32, #tpu.memory_space<vmem>>, vector<1x16xf32>,
    %swap3A_523 = arith.constant 9 : i32
    %swap3A_524 = arith.index_cast %swap3A_523 : i32 to index
    %swap3A_525 = arith.constant 96 : index
    %swap3A_526 = tpu.vector_load %arg9[%swap3A_524, %swap3A_525] {strides = array<i32>} : memref<16x128xf32, #tpu.memory_space<vmem>>, vector<1x16xf32>,
    %swap3A_527 = vector.shape_cast %swap3A_526 : vector<1x16xf32> to vector<16xf32>
    %swap3A_528 = vector.shape_cast %broadcast_in_dim3A_55 : vector<16xf32> to vector<1x16xf32>
    tpu.vector_store %arg9[%swap3A_524, %swap3A_525], %swap3A_528 {strides = array<i32>} : memref<16x128xf32, #tpu.memory_space<vmem>>, vector<1x16xf32>,
    %swap3A_529 = arith.constant 9 : i32
    %swap3A_530 = arith.index_cast %swap3A_529 : i32 to index
    %swap3A_531 = arith.constant 112 : index
    %swap3A_532 = tpu.vector_load %arg9[%swap3A_530, %swap3A_531] {strides = array<i32>} : memref<16x128xf32, #tpu.memory_space<vmem>>, vector<1x16xf32>,
    %swap3A_533 = vector.shape_cast %swap3A_532 : vector<1x16xf32> to vector<16xf32>
    %swap3A_534 = vector.shape_cast %broadcast_in_dim3A_55 : vector<16xf32> to vector<1x16xf32>
    tpu.vector_store %arg9[%swap3A_530, %swap3A_531], %swap3A_534 {strides = array<i32>} : memref<16x128xf32, #tpu.memory_space<vmem>>, vector<1x16xf32>,
    %swap3A_535 = arith.constant 10 : i32
    %swap3A_536 = arith.index_cast %swap3A_535 : i32 to index
    %swap3A_537 = arith.constant 0 : index
    %swap3A_538 = tpu.vector_load %arg9[%swap3A_536, %swap3A_537] {strides = array<i32>} : memref<16x128xf32, #tpu.memory_space<vmem>>, vector<1x16xf32>,
    %swap3A_539 = vector.shape_cast %swap3A_538 : vector<1x16xf32> to vector<16xf32>
    %swap3A_540 = vector.shape_cast %broadcast_in_dim3A_55 : vector<16xf32> to vector<1x16xf32>
    tpu.vector_store %arg9[%swap3A_536, %swap3A_537], %swap3A_540 {strides = array<i32>} : memref<16x128xf32, #tpu.memory_space<vmem>>, vector<1x16xf32>,
    %swap3A_541 = arith.constant 10 : i32
    %swap3A_542 = arith.index_cast %swap3A_541 : i32 to index
    %swap3A_543 = arith.constant 16 : index
    %swap3A_544 = tpu.vector_load %arg9[%swap3A_542, %swap3A_543] {strides = array<i32>} : memref<16x128xf32, #tpu.memory_space<vmem>>, vector<1x16xf32>,
    %swap3A_545 = vector.shape_cast %swap3A_544 : vector<1x16xf32> to vector<16xf32>
    %swap3A_546 = vector.shape_cast %broadcast_in_dim3A_55 : vector<16xf32> to vector<1x16xf32>
    tpu.vector_store %arg9[%swap3A_542, %swap3A_543], %swap3A_546 {strides = array<i32>} : memref<16x128xf32, #tpu.memory_space<vmem>>, vector<1x16xf32>,
    %swap3A_547 = arith.constant 10 : i32
    %swap3A_548 = arith.index_cast %swap3A_547 : i32 to index
    %swap3A_549 = arith.constant 32 : index
    %swap3A_550 = tpu.vector_load %arg9[%swap3A_548, %swap3A_549] {strides = array<i32>} : memref<16x128xf32, #tpu.memory_space<vmem>>, vector<1x16xf32>,
    %swap3A_551 = vector.shape_cast %swap3A_550 : vector<1x16xf32> to vector<16xf32>
    %swap3A_552 = vector.shape_cast %broadcast_in_dim3A_55 : vector<16xf32> to vector<1x16xf32>
    tpu.vector_store %arg9[%swap3A_548, %swap3A_549], %swap3A_552 {strides = array<i32>} : memref<16x128xf32, #tpu.memory_space<vmem>>, vector<1x16xf32>,
    %swap3A_553 = arith.constant 10 : i32
    %swap3A_554 = arith.index_cast %swap3A_553 : i32 to index
    %swap3A_555 = arith.constant 48 : index
    %swap3A_556 = tpu.vector_load %arg9[%swap3A_554, %swap3A_555] {strides = array<i32>} : memref<16x128xf32, #tpu.memory_space<vmem>>, vector<1x16xf32>,
    %swap3A_557 = vector.shape_cast %swap3A_556 : vector<1x16xf32> to vector<16xf32>
    %swap3A_558 = vector.shape_cast %broadcast_in_dim3A_55 : vector<16xf32> to vector<1x16xf32>
    tpu.vector_store %arg9[%swap3A_554, %swap3A_555], %swap3A_558 {strides = array<i32>} : memref<16x128xf32, #tpu.memory_space<vmem>>, vector<1x16xf32>,
    %swap3A_559 = arith.constant 10 : i32
    %swap3A_560 = arith.index_cast %swap3A_559 : i32 to index
    %swap3A_561 = arith.constant 64 : index
    %swap3A_562 = tpu.vector_load %arg9[%swap3A_560, %swap3A_561] {strides = array<i32>} : memref<16x128xf32, #tpu.memory_space<vmem>>, vector<1x16xf32>,
    %swap3A_563 = vector.shape_cast %swap3A_562 : vector<1x16xf32> to vector<16xf32>
    %swap3A_564 = vector.shape_cast %broadcast_in_dim3A_55 : vector<16xf32> to vector<1x16xf32>
    tpu.vector_store %arg9[%swap3A_560, %swap3A_561], %swap3A_564 {strides = array<i32>} : memref<16x128xf32, #tpu.memory_space<vmem>>, vector<1x16xf32>,
    %swap3A_565 = arith.constant 10 : i32
    %swap3A_566 = arith.index_cast %swap3A_565 : i32 to index
    %swap3A_567 = arith.constant 80 : index
    %swap3A_568 = tpu.vector_load %arg9[%swap3A_566, %swap3A_567] {strides = array<i32>} : memref<16x128xf32, #tpu.memory_space<vmem>>, vector<1x16xf32>,
    %swap3A_569 = vector.shape_cast %swap3A_568 : vector<1x16xf32> to vector<16xf32>
    %swap3A_570 = vector.shape_cast %broadcast_in_dim3A_55 : vector<16xf32> to vector<1x16xf32>
    tpu.vector_store %arg9[%swap3A_566, %swap3A_567], %swap3A_570 {strides = array<i32>} : memref<16x128xf32, #tpu.memory_space<vmem>>, vector<1x16xf32>,
    %swap3A_571 = arith.constant 10 : i32
    %swap3A_572 = arith.index_cast %swap3A_571 : i32 to index
    %swap3A_573 = arith.constant 96 : index
    %swap3A_574 = tpu.vector_load %arg9[%swap3A_572, %swap3A_573] {strides = array<i32>} : memref<16x128xf32, #tpu.memory_space<vmem>>, vector<1x16xf32>,
    %swap3A_575 = vector.shape_cast %swap3A_574 : vector<1x16xf32> to vector<16xf32>
    %swap3A_576 = vector.shape_cast %broadcast_in_dim3A_55 : vector<16xf32> to vector<1x16xf32>
    tpu.vector_store %arg9[%swap3A_572, %swap3A_573], %swap3A_576 {strides = array<i32>} : memref<16x128xf32, #tpu.memory_space<vmem>>, vector<1x16xf32>,
    %swap3A_577 = arith.constant 10 : i32
    %swap3A_578 = arith.index_cast %swap3A_577 : i32 to index
    %swap3A_579 = arith.constant 112 : index
    %swap3A_580 = tpu.vector_load %arg9[%swap3A_578, %swap3A_579] {strides = array<i32>} : memref<16x128xf32, #tpu.memory_space<vmem>>, vector<1x16xf32>,
    %swap3A_581 = vector.shape_cast %swap3A_580 : vector<1x16xf32> to vector<16xf32>
    %swap3A_582 = vector.shape_cast %broadcast_in_dim3A_55 : vector<16xf32> to vector<1x16xf32>
    tpu.vector_store %arg9[%swap3A_578, %swap3A_579], %swap3A_582 {strides = array<i32>} : memref<16x128xf32, #tpu.memory_space<vmem>>, vector<1x16xf32>,
    %swap3A_583 = arith.constant 11 : i32
    %swap3A_584 = arith.index_cast %swap3A_583 : i32 to index
    %swap3A_585 = arith.constant 0 : index
    %swap3A_586 = tpu.vector_load %arg9[%swap3A_584, %swap3A_585] {strides = array<i32>} : memref<16x128xf32, #tpu.memory_space<vmem>>, vector<1x16xf32>,
    %swap3A_587 = vector.shape_cast %swap3A_586 : vector<1x16xf32> to vector<16xf32>
    %swap3A_588 = vector.shape_cast %broadcast_in_dim3A_55 : vector<16xf32> to vector<1x16xf32>
    tpu.vector_store %arg9[%swap3A_584, %swap3A_585], %swap3A_588 {strides = array<i32>} : memref<16x128xf32, #tpu.memory_space<vmem>>, vector<1x16xf32>,
    %swap3A_589 = arith.constant 11 : i32
    %swap3A_590 = arith.index_cast %swap3A_589 : i32 to index
    %swap3A_591 = arith.constant 16 : index
    %swap3A_592 = tpu.vector_load %arg9[%swap3A_590, %swap3A_591] {strides = array<i32>} : memref<16x128xf32, #tpu.memory_space<vmem>>, vector<1x16xf32>,
    %swap3A_593 = vector.shape_cast %swap3A_592 : vector<1x16xf32> to vector<16xf32>
    %swap3A_594 = vector.shape_cast %broadcast_in_dim3A_55 : vector<16xf32> to vector<1x16xf32>
    tpu.vector_store %arg9[%swap3A_590, %swap3A_591], %swap3A_594 {strides = array<i32>} : memref<16x128xf32, #tpu.memory_space<vmem>>, vector<1x16xf32>,
    %swap3A_595 = arith.constant 11 : i32
    %swap3A_596 = arith.index_cast %swap3A_595 : i32 to index
    %swap3A_597 = arith.constant 32 : index
    %swap3A_598 = tpu.vector_load %arg9[%swap3A_596, %swap3A_597] {strides = array<i32>} : memref<16x128xf32, #tpu.memory_space<vmem>>, vector<1x16xf32>,
    %swap3A_599 = vector.shape_cast %swap3A_598 : vector<1x16xf32> to vector<16xf32>
    %swap3A_600 = vector.shape_cast %broadcast_in_dim3A_55 : vector<16xf32> to vector<1x16xf32>
    tpu.vector_store %arg9[%swap3A_596, %swap3A_597], %swap3A_600 {strides = array<i32>} : memref<16x128xf32, #tpu.memory_space<vmem>>, vector<1x16xf32>,
    %swap3A_601 = arith.constant 11 : i32
    %swap3A_602 = arith.index_cast %swap3A_601 : i32 to index
    %swap3A_603 = arith.constant 48 : index
    %swap3A_604 = tpu.vector_load %arg9[%swap3A_602, %swap3A_603] {strides = array<i32>} : memref<16x128xf32, #tpu.memory_space<vmem>>, vector<1x16xf32>,
    %swap3A_605 = vector.shape_cast %swap3A_604 : vector<1x16xf32> to vector<16xf32>
    %swap3A_606 = vector.shape_cast %broadcast_in_dim3A_55 : vector<16xf32> to vector<1x16xf32>
    tpu.vector_store %arg9[%swap3A_602, %swap3A_603], %swap3A_606 {strides = array<i32>} : memref<16x128xf32, #tpu.memory_space<vmem>>, vector<1x16xf32>,
    %swap3A_607 = arith.constant 11 : i32
    %swap3A_608 = arith.index_cast %swap3A_607 : i32 to index
    %swap3A_609 = arith.constant 64 : index
    %swap3A_610 = tpu.vector_load %arg9[%swap3A_608, %swap3A_609] {strides = array<i32>} : memref<16x128xf32, #tpu.memory_space<vmem>>, vector<1x16xf32>,
    %swap3A_611 = vector.shape_cast %swap3A_610 : vector<1x16xf32> to vector<16xf32>
    %swap3A_612 = vector.shape_cast %broadcast_in_dim3A_55 : vector<16xf32> to vector<1x16xf32>
    tpu.vector_store %arg9[%swap3A_608, %swap3A_609], %swap3A_612 {strides = array<i32>} : memref<16x128xf32, #tpu.memory_space<vmem>>, vector<1x16xf32>,
    %swap3A_613 = arith.constant 11 : i32
    %swap3A_614 = arith.index_cast %swap3A_613 : i32 to index
    %swap3A_615 = arith.constant 80 : index
    %swap3A_616 = tpu.vector_load %arg9[%swap3A_614, %swap3A_615] {strides = array<i32>} : memref<16x128xf32, #tpu.memory_space<vmem>>, vector<1x16xf32>,
    %swap3A_617 = vector.shape_cast %swap3A_616 : vector<1x16xf32> to vector<16xf32>
    %swap3A_618 = vector.shape_cast %broadcast_in_dim3A_55 : vector<16xf32> to vector<1x16xf32>
    tpu.vector_store %arg9[%swap3A_614, %swap3A_615], %swap3A_618 {strides = array<i32>} : memref<16x128xf32, #tpu.memory_space<vmem>>, vector<1x16xf32>,
    %swap3A_619 = arith.constant 11 : i32
    %swap3A_620 = arith.index_cast %swap3A_619 : i32 to index
    %swap3A_621 = arith.constant 96 : index
    %swap3A_622 = tpu.vector_load %arg9[%swap3A_620, %swap3A_621] {strides = array<i32>} : memref<16x128xf32, #tpu.memory_space<vmem>>, vector<1x16xf32>,
    %swap3A_623 = vector.shape_cast %swap3A_622 : vector<1x16xf32> to vector<16xf32>
    %swap3A_624 = vector.shape_cast %broadcast_in_dim3A_55 : vector<16xf32> to vector<1x16xf32>
    tpu.vector_store %arg9[%swap3A_620, %swap3A_621], %swap3A_624 {strides = array<i32>} : memref<16x128xf32, #tpu.memory_space<vmem>>, vector<1x16xf32>,
    %swap3A_625 = arith.constant 11 : i32
    %swap3A_626 = arith.index_cast %swap3A_625 : i32 to index
    %swap3A_627 = arith.constant 112 : index
    %swap3A_628 = tpu.vector_load %arg9[%swap3A_626, %swap3A_627] {strides = array<i32>} : memref<16x128xf32, #tpu.memory_space<vmem>>, vector<1x16xf32>,
    %swap3A_629 = vector.shape_cast %swap3A_628 : vector<1x16xf32> to vector<16xf32>
    %swap3A_630 = vector.shape_cast %broadcast_in_dim3A_55 : vector<16xf32> to vector<1x16xf32>
    tpu.vector_store %arg9[%swap3A_626, %swap3A_627], %swap3A_630 {strides = array<i32>} : memref<16x128xf32, #tpu.memory_space<vmem>>, vector<1x16xf32>,
    %swap3A_631 = arith.constant 12 : i32
    %swap3A_632 = arith.index_cast %swap3A_631 : i32 to index
    %swap3A_633 = arith.constant 0 : index
    %swap3A_634 = tpu.vector_load %arg9[%swap3A_632, %swap3A_633] {strides = array<i32>} : memref<16x128xf32, #tpu.memory_space<vmem>>, vector<1x16xf32>,
    %swap3A_635 = vector.shape_cast %swap3A_634 : vector<1x16xf32> to vector<16xf32>
    %swap3A_636 = vector.shape_cast %broadcast_in_dim3A_55 : vector<16xf32> to vector<1x16xf32>
    tpu.vector_store %arg9[%swap3A_632, %swap3A_633], %swap3A_636 {strides = array<i32>} : memref<16x128xf32, #tpu.memory_space<vmem>>, vector<1x16xf32>,
    %swap3A_637 = arith.constant 12 : i32
    %swap3A_638 = arith.index_cast %swap3A_637 : i32 to index
    %swap3A_639 = arith.constant 16 : index
    %swap3A_640 = tpu.vector_load %arg9[%swap3A_638, %swap3A_639] {strides = array<i32>} : memref<16x128xf32, #tpu.memory_space<vmem>>, vector<1x16xf32>,
    %swap3A_641 = vector.shape_cast %swap3A_640 : vector<1x16xf32> to vector<16xf32>
    %swap3A_642 = vector.shape_cast %broadcast_in_dim3A_55 : vector<16xf32> to vector<1x16xf32>
    tpu.vector_store %arg9[%swap3A_638, %swap3A_639], %swap3A_642 {strides = array<i32>} : memref<16x128xf32, #tpu.memory_space<vmem>>, vector<1x16xf32>,
    %swap3A_643 = arith.constant 12 : i32
    %swap3A_644 = arith.index_cast %swap3A_643 : i32 to index
    %swap3A_645 = arith.constant 32 : index
    %swap3A_646 = tpu.vector_load %arg9[%swap3A_644, %swap3A_645] {strides = array<i32>} : memref<16x128xf32, #tpu.memory_space<vmem>>, vector<1x16xf32>,
    %swap3A_647 = vector.shape_cast %swap3A_646 : vector<1x16xf32> to vector<16xf32>
    %swap3A_648 = vector.shape_cast %broadcast_in_dim3A_55 : vector<16xf32> to vector<1x16xf32>
    tpu.vector_store %arg9[%swap3A_644, %swap3A_645], %swap3A_648 {strides = array<i32>} : memref<16x128xf32, #tpu.memory_space<vmem>>, vector<1x16xf32>,
    %swap3A_649 = arith.constant 12 : i32
    %swap3A_650 = arith.index_cast %swap3A_649 : i32 to index
    %swap3A_651 = arith.constant 48 : index
    %swap3A_652 = tpu.vector_load %arg9[%swap3A_650, %swap3A_651] {strides = array<i32>} : memref<16x128xf32, #tpu.memory_space<vmem>>, vector<1x16xf32>,
    %swap3A_653 = vector.shape_cast %swap3A_652 : vector<1x16xf32> to vector<16xf32>
    %swap3A_654 = vector.shape_cast %broadcast_in_dim3A_55 : vector<16xf32> to vector<1x16xf32>
    tpu.vector_store %arg9[%swap3A_650, %swap3A_651], %swap3A_654 {strides = array<i32>} : memref<16x128xf32, #tpu.memory_space<vmem>>, vector<1x16xf32>,
    %swap3A_655 = arith.constant 12 : i32
    %swap3A_656 = arith.index_cast %swap3A_655 : i32 to index
    %swap3A_657 = arith.constant 64 : index
    %swap3A_658 = tpu.vector_load %arg9[%swap3A_656, %swap3A_657] {strides = array<i32>} : memref<16x128xf32, #tpu.memory_space<vmem>>, vector<1x16xf32>,
    %swap3A_659 = vector.shape_cast %swap3A_658 : vector<1x16xf32> to vector<16xf32>
    %swap3A_660 = vector.shape_cast %broadcast_in_dim3A_55 : vector<16xf32> to vector<1x16xf32>
    tpu.vector_store %arg9[%swap3A_656, %swap3A_657], %swap3A_660 {strides = array<i32>} : memref<16x128xf32, #tpu.memory_space<vmem>>, vector<1x16xf32>,
    %swap3A_661 = arith.constant 12 : i32
    %swap3A_662 = arith.index_cast %swap3A_661 : i32 to index
    %swap3A_663 = arith.constant 80 : index
    %swap3A_664 = tpu.vector_load %arg9[%swap3A_662, %swap3A_663] {strides = array<i32>} : memref<16x128xf32, #tpu.memory_space<vmem>>, vector<1x16xf32>,
    %swap3A_665 = vector.shape_cast %swap3A_664 : vector<1x16xf32> to vector<16xf32>
    %swap3A_666 = vector.shape_cast %broadcast_in_dim3A_55 : vector<16xf32> to vector<1x16xf32>
    tpu.vector_store %arg9[%swap3A_662, %swap3A_663], %swap3A_666 {strides = array<i32>} : memref<16x128xf32, #tpu.memory_space<vmem>>, vector<1x16xf32>,
    %swap3A_667 = arith.constant 12 : i32
    %swap3A_668 = arith.index_cast %swap3A_667 : i32 to index
    %swap3A_669 = arith.constant 96 : index
    %swap3A_670 = tpu.vector_load %arg9[%swap3A_668, %swap3A_669] {strides = array<i32>} : memref<16x128xf32, #tpu.memory_space<vmem>>, vector<1x16xf32>,
    %swap3A_671 = vector.shape_cast %swap3A_670 : vector<1x16xf32> to vector<16xf32>
    %swap3A_672 = vector.shape_cast %broadcast_in_dim3A_55 : vector<16xf32> to vector<1x16xf32>
    tpu.vector_store %arg9[%swap3A_668, %swap3A_669], %swap3A_672 {strides = array<i32>} : memref<16x128xf32, #tpu.memory_space<vmem>>, vector<1x16xf32>,
    %swap3A_673 = arith.constant 12 : i32
    %swap3A_674 = arith.index_cast %swap3A_673 : i32 to index
    %swap3A_675 = arith.constant 112 : index
    %swap3A_676 = tpu.vector_load %arg9[%swap3A_674, %swap3A_675] {strides = array<i32>} : memref<16x128xf32, #tpu.memory_space<vmem>>, vector<1x16xf32>,
    %swap3A_677 = vector.shape_cast %swap3A_676 : vector<1x16xf32> to vector<16xf32>
    %swap3A_678 = vector.shape_cast %broadcast_in_dim3A_55 : vector<16xf32> to vector<1x16xf32>
    tpu.vector_store %arg9[%swap3A_674, %swap3A_675], %swap3A_678 {strides = array<i32>} : memref<16x128xf32, #tpu.memory_space<vmem>>, vector<1x16xf32>,
    %swap3A_679 = arith.constant 13 : i32
    %swap3A_680 = arith.index_cast %swap3A_679 : i32 to index
    %swap3A_681 = arith.constant 0 : index
    %swap3A_682 = tpu.vector_load %arg9[%swap3A_680, %swap3A_681] {strides = array<i32>} : memref<16x128xf32, #tpu.memory_space<vmem>>, vector<1x16xf32>,
    %swap3A_683 = vector.shape_cast %swap3A_682 : vector<1x16xf32> to vector<16xf32>
    %swap3A_684 = vector.shape_cast %broadcast_in_dim3A_55 : vector<16xf32> to vector<1x16xf32>
    tpu.vector_store %arg9[%swap3A_680, %swap3A_681], %swap3A_684 {strides = array<i32>} : memref<16x128xf32, #tpu.memory_space<vmem>>, vector<1x16xf32>,
    %swap3A_685 = arith.constant 13 : i32
    %swap3A_686 = arith.index_cast %swap3A_685 : i32 to index
    %swap3A_687 = arith.constant 16 : index
    %swap3A_688 = tpu.vector_load %arg9[%swap3A_686, %swap3A_687] {strides = array<i32>} : memref<16x128xf32, #tpu.memory_space<vmem>>, vector<1x16xf32>,
    %swap3A_689 = vector.shape_cast %swap3A_688 : vector<1x16xf32> to vector<16xf32>
    %swap3A_690 = vector.shape_cast %broadcast_in_dim3A_55 : vector<16xf32> to vector<1x16xf32>
    tpu.vector_store %arg9[%swap3A_686, %swap3A_687], %swap3A_690 {strides = array<i32>} : memref<16x128xf32, #tpu.memory_space<vmem>>, vector<1x16xf32>,
    %swap3A_691 = arith.constant 13 : i32
    %swap3A_692 = arith.index_cast %swap3A_691 : i32 to index
    %swap3A_693 = arith.constant 32 : index
    %swap3A_694 = tpu.vector_load %arg9[%swap3A_692, %swap3A_693] {strides = array<i32>} : memref<16x128xf32, #tpu.memory_space<vmem>>, vector<1x16xf32>,
    %swap3A_695 = vector.shape_cast %swap3A_694 : vector<1x16xf32> to vector<16xf32>
    %swap3A_696 = vector.shape_cast %broadcast_in_dim3A_55 : vector<16xf32> to vector<1x16xf32>
    tpu.vector_store %arg9[%swap3A_692, %swap3A_693], %swap3A_696 {strides = array<i32>} : memref<16x128xf32, #tpu.memory_space<vmem>>, vector<1x16xf32>,
    %swap3A_697 = arith.constant 13 : i32
    %swap3A_698 = arith.index_cast %swap3A_697 : i32 to index
    %swap3A_699 = arith.constant 48 : index
    %swap3A_700 = tpu.vector_load %arg9[%swap3A_698, %swap3A_699] {strides = array<i32>} : memref<16x128xf32, #tpu.memory_space<vmem>>, vector<1x16xf32>,
    %swap3A_701 = vector.shape_cast %swap3A_700 : vector<1x16xf32> to vector<16xf32>
    %swap3A_702 = vector.shape_cast %broadcast_in_dim3A_55 : vector<16xf32> to vector<1x16xf32>
    tpu.vector_store %arg9[%swap3A_698, %swap3A_699], %swap3A_702 {strides = array<i32>} : memref<16x128xf32, #tpu.memory_space<vmem>>, vector<1x16xf32>,
    %swap3A_703 = arith.constant 13 : i32
    %swap3A_704 = arith.index_cast %swap3A_703 : i32 to index
    %swap3A_705 = arith.constant 64 : index
    %swap3A_706 = tpu.vector_load %arg9[%swap3A_704, %swap3A_705] {strides = array<i32>} : memref<16x128xf32, #tpu.memory_space<vmem>>, vector<1x16xf32>,
    %swap3A_707 = vector.shape_cast %swap3A_706 : vector<1x16xf32> to vector<16xf32>
    %swap3A_708 = vector.shape_cast %broadcast_in_dim3A_55 : vector<16xf32> to vector<1x16xf32>
    tpu.vector_store %arg9[%swap3A_704, %swap3A_705], %swap3A_708 {strides = array<i32>} : memref<16x128xf32, #tpu.memory_space<vmem>>, vector<1x16xf32>,
    %swap3A_709 = arith.constant 13 : i32
    %swap3A_710 = arith.index_cast %swap3A_709 : i32 to index
    %swap3A_711 = arith.constant 80 : index
    %swap3A_712 = tpu.vector_load %arg9[%swap3A_710, %swap3A_711] {strides = array<i32>} : memref<16x128xf32, #tpu.memory_space<vmem>>, vector<1x16xf32>,
    %swap3A_713 = vector.shape_cast %swap3A_712 : vector<1x16xf32> to vector<16xf32>
    %swap3A_714 = vector.shape_cast %broadcast_in_dim3A_55 : vector<16xf32> to vector<1x16xf32>
    tpu.vector_store %arg9[%swap3A_710, %swap3A_711], %swap3A_714 {strides = array<i32>} : memref<16x128xf32, #tpu.memory_space<vmem>>, vector<1x16xf32>,
    %swap3A_715 = arith.constant 13 : i32
    %swap3A_716 = arith.index_cast %swap3A_715 : i32 to index
    %swap3A_717 = arith.constant 96 : index
    %swap3A_718 = tpu.vector_load %arg9[%swap3A_716, %swap3A_717] {strides = array<i32>} : memref<16x128xf32, #tpu.memory_space<vmem>>, vector<1x16xf32>,
    %swap3A_719 = vector.shape_cast %swap3A_718 : vector<1x16xf32> to vector<16xf32>
    %swap3A_720 = vector.shape_cast %broadcast_in_dim3A_55 : vector<16xf32> to vector<1x16xf32>
    tpu.vector_store %arg9[%swap3A_716, %swap3A_717], %swap3A_720 {strides = array<i32>} : memref<16x128xf32, #tpu.memory_space<vmem>>, vector<1x16xf32>,
    %swap3A_721 = arith.constant 13 : i32
    %swap3A_722 = arith.index_cast %swap3A_721 : i32 to index
    %swap3A_723 = arith.constant 112 : index
    %swap3A_724 = tpu.vector_load %arg9[%swap3A_722, %swap3A_723] {strides = array<i32>} : memref<16x128xf32, #tpu.memory_space<vmem>>, vector<1x16xf32>,
    %swap3A_725 = vector.shape_cast %swap3A_724 : vector<1x16xf32> to vector<16xf32>
    %swap3A_726 = vector.shape_cast %broadcast_in_dim3A_55 : vector<16xf32> to vector<1x16xf32>
    tpu.vector_store %arg9[%swap3A_722, %swap3A_723], %swap3A_726 {strides = array<i32>} : memref<16x128xf32, #tpu.memory_space<vmem>>, vector<1x16xf32>,
    %swap3A_727 = arith.constant 14 : i32
    %swap3A_728 = arith.index_cast %swap3A_727 : i32 to index
    %swap3A_729 = arith.constant 0 : index
    %swap3A_730 = tpu.vector_load %arg9[%swap3A_728, %swap3A_729] {strides = array<i32>} : memref<16x128xf32, #tpu.memory_space<vmem>>, vector<1x16xf32>,
    %swap3A_731 = vector.shape_cast %swap3A_730 : vector<1x16xf32> to vector<16xf32>
    %swap3A_732 = vector.shape_cast %broadcast_in_dim3A_55 : vector<16xf32> to vector<1x16xf32>
    tpu.vector_store %arg9[%swap3A_728, %swap3A_729], %swap3A_732 {strides = array<i32>} : memref<16x128xf32, #tpu.memory_space<vmem>>, vector<1x16xf32>,
    %swap3A_733 = arith.constant 14 : i32
    %swap3A_734 = arith.index_cast %swap3A_733 : i32 to index
    %swap3A_735 = arith.constant 16 : index
    %swap3A_736 = tpu.vector_load %arg9[%swap3A_734, %swap3A_735] {strides = array<i32>} : memref<16x128xf32, #tpu.memory_space<vmem>>, vector<1x16xf32>,
    %swap3A_737 = vector.shape_cast %swap3A_736 : vector<1x16xf32> to vector<16xf32>
    %swap3A_738 = vector.shape_cast %broadcast_in_dim3A_55 : vector<16xf32> to vector<1x16xf32>
    tpu.vector_store %arg9[%swap3A_734, %swap3A_735], %swap3A_738 {strides = array<i32>} : memref<16x128xf32, #tpu.memory_space<vmem>>, vector<1x16xf32>,
    %swap3A_739 = arith.constant 14 : i32
    %swap3A_740 = arith.index_cast %swap3A_739 : i32 to index
    %swap3A_741 = arith.constant 32 : index
    %swap3A_742 = tpu.vector_load %arg9[%swap3A_740, %swap3A_741] {strides = array<i32>} : memref<16x128xf32, #tpu.memory_space<vmem>>, vector<1x16xf32>,
    %swap3A_743 = vector.shape_cast %swap3A_742 : vector<1x16xf32> to vector<16xf32>
    %swap3A_744 = vector.shape_cast %broadcast_in_dim3A_55 : vector<16xf32> to vector<1x16xf32>
    tpu.vector_store %arg9[%swap3A_740, %swap3A_741], %swap3A_744 {strides = array<i32>} : memref<16x128xf32, #tpu.memory_space<vmem>>, vector<1x16xf32>,
    %swap3A_745 = arith.constant 14 : i32
    %swap3A_746 = arith.index_cast %swap3A_745 : i32 to index
    %swap3A_747 = arith.constant 48 : index
    %swap3A_748 = tpu.vector_load %arg9[%swap3A_746, %swap3A_747] {strides = array<i32>} : memref<16x128xf32, #tpu.memory_space<vmem>>, vector<1x16xf32>,
    %swap3A_749 = vector.shape_cast %swap3A_748 : vector<1x16xf32> to vector<16xf32>
    %swap3A_750 = vector.shape_cast %broadcast_in_dim3A_55 : vector<16xf32> to vector<1x16xf32>
    tpu.vector_store %arg9[%swap3A_746, %swap3A_747], %swap3A_750 {strides = array<i32>} : memref<16x128xf32, #tpu.memory_space<vmem>>, vector<1x16xf32>,
    %swap3A_751 = arith.constant 14 : i32
    %swap3A_752 = arith.index_cast %swap3A_751 : i32 to index
    %swap3A_753 = arith.constant 64 : index
    %swap3A_754 = tpu.vector_load %arg9[%swap3A_752, %swap3A_753] {strides = array<i32>} : memref<16x128xf32, #tpu.memory_space<vmem>>, vector<1x16xf32>,
    %swap3A_755 = vector.shape_cast %swap3A_754 : vector<1x16xf32> to vector<16xf32>
    %swap3A_756 = vector.shape_cast %broadcast_in_dim3A_55 : vector<16xf32> to vector<1x16xf32>
    tpu.vector_store %arg9[%swap3A_752, %swap3A_753], %swap3A_756 {strides = array<i32>} : memref<16x128xf32, #tpu.memory_space<vmem>>, vector<1x16xf32>,
    %swap3A_757 = arith.constant 14 : i32
    %swap3A_758 = arith.index_cast %swap3A_757 : i32 to index
    %swap3A_759 = arith.constant 80 : index
    %swap3A_760 = tpu.vector_load %arg9[%swap3A_758, %swap3A_759] {strides = array<i32>} : memref<16x128xf32, #tpu.memory_space<vmem>>, vector<1x16xf32>,
    %swap3A_761 = vector.shape_cast %swap3A_760 : vector<1x16xf32> to vector<16xf32>
    %swap3A_762 = vector.shape_cast %broadcast_in_dim3A_55 : vector<16xf32> to vector<1x16xf32>
    tpu.vector_store %arg9[%swap3A_758, %swap3A_759], %swap3A_762 {strides = array<i32>} : memref<16x128xf32, #tpu.memory_space<vmem>>, vector<1x16xf32>,
    %swap3A_763 = arith.constant 14 : i32
    %swap3A_764 = arith.index_cast %swap3A_763 : i32 to index
    %swap3A_765 = arith.constant 96 : index
    %swap3A_766 = tpu.vector_load %arg9[%swap3A_764, %swap3A_765] {strides = array<i32>} : memref<16x128xf32, #tpu.memory_space<vmem>>, vector<1x16xf32>,
    %swap3A_767 = vector.shape_cast %swap3A_766 : vector<1x16xf32> to vector<16xf32>
    %swap3A_768 = vector.shape_cast %broadcast_in_dim3A_55 : vector<16xf32> to vector<1x16xf32>
    tpu.vector_store %arg9[%swap3A_764, %swap3A_765], %swap3A_768 {strides = array<i32>} : memref<16x128xf32, #tpu.memory_space<vmem>>, vector<1x16xf32>,
    %swap3A_769 = arith.constant 14 : i32
    %swap3A_770 = arith.index_cast %swap3A_769 : i32 to index
    %swap3A_771 = arith.constant 112 : index
    %swap3A_772 = tpu.vector_load %arg9[%swap3A_770, %swap3A_771] {strides = array<i32>} : memref<16x128xf32, #tpu.memory_space<vmem>>, vector<1x16xf32>,
    %swap3A_773 = vector.shape_cast %swap3A_772 : vector<1x16xf32> to vector<16xf32>
    %swap3A_774 = vector.shape_cast %broadcast_in_dim3A_55 : vector<16xf32> to vector<1x16xf32>
    tpu.vector_store %arg9[%swap3A_770, %swap3A_771], %swap3A_774 {strides = array<i32>} : memref<16x128xf32, #tpu.memory_space<vmem>>, vector<1x16xf32>,
    %swap3A_775 = arith.constant 15 : i32
    %swap3A_776 = arith.index_cast %swap3A_775 : i32 to index
    %swap3A_777 = arith.constant 0 : index
    %swap3A_778 = tpu.vector_load %arg9[%swap3A_776, %swap3A_777] {strides = array<i32>} : memref<16x128xf32, #tpu.memory_space<vmem>>, vector<1x16xf32>,
    %swap3A_779 = vector.shape_cast %swap3A_778 : vector<1x16xf32> to vector<16xf32>
    %swap3A_780 = vector.shape_cast %broadcast_in_dim3A_55 : vector<16xf32> to vector<1x16xf32>
    tpu.vector_store %arg9[%swap3A_776, %swap3A_777], %swap3A_780 {strides = array<i32>} : memref<16x128xf32, #tpu.memory_space<vmem>>, vector<1x16xf32>,
    %swap3A_781 = arith.constant 15 : i32
    %swap3A_782 = arith.index_cast %swap3A_781 : i32 to index
    %swap3A_783 = arith.constant 16 : index
    %swap3A_784 = tpu.vector_load %arg9[%swap3A_782, %swap3A_783] {strides = array<i32>} : memref<16x128xf32, #tpu.memory_space<vmem>>, vector<1x16xf32>,
    %swap3A_785 = vector.shape_cast %swap3A_784 : vector<1x16xf32> to vector<16xf32>
    %swap3A_786 = vector.shape_cast %broadcast_in_dim3A_55 : vector<16xf32> to vector<1x16xf32>
    tpu.vector_store %arg9[%swap3A_782, %swap3A_783], %swap3A_786 {strides = array<i32>} : memref<16x128xf32, #tpu.memory_space<vmem>>, vector<1x16xf32>,
    %swap3A_787 = arith.constant 15 : i32
    %swap3A_788 = arith.index_cast %swap3A_787 : i32 to index
    %swap3A_789 = arith.constant 32 : index
    %swap3A_790 = tpu.vector_load %arg9[%swap3A_788, %swap3A_789] {strides = array<i32>} : memref<16x128xf32, #tpu.memory_space<vmem>>, vector<1x16xf32>,
    %swap3A_791 = vector.shape_cast %swap3A_790 : vector<1x16xf32> to vector<16xf32>
    %swap3A_792 = vector.shape_cast %broadcast_in_dim3A_55 : vector<16xf32> to vector<1x16xf32>
    tpu.vector_store %arg9[%swap3A_788, %swap3A_789], %swap3A_792 {strides = array<i32>} : memref<16x128xf32, #tpu.memory_space<vmem>>, vector<1x16xf32>,
    %swap3A_793 = arith.constant 15 : i32
    %swap3A_794 = arith.index_cast %swap3A_793 : i32 to index
    %swap3A_795 = arith.constant 48 : index
    %swap3A_796 = tpu.vector_load %arg9[%swap3A_794, %swap3A_795] {strides = array<i32>} : memref<16x128xf32, #tpu.memory_space<vmem>>, vector<1x16xf32>,
    %swap3A_797 = vector.shape_cast %swap3A_796 : vector<1x16xf32> to vector<16xf32>
    %swap3A_798 = vector.shape_cast %broadcast_in_dim3A_55 : vector<16xf32> to vector<1x16xf32>
    tpu.vector_store %arg9[%swap3A_794, %swap3A_795], %swap3A_798 {strides = array<i32>} : memref<16x128xf32, #tpu.memory_space<vmem>>, vector<1x16xf32>,
    %swap3A_799 = arith.constant 15 : i32
    %swap3A_800 = arith.index_cast %swap3A_799 : i32 to index
    %swap3A_801 = arith.constant 64 : index
    %swap3A_802 = tpu.vector_load %arg9[%swap3A_800, %swap3A_801] {strides = array<i32>} : memref<16x128xf32, #tpu.memory_space<vmem>>, vector<1x16xf32>,
    %swap3A_803 = vector.shape_cast %swap3A_802 : vector<1x16xf32> to vector<16xf32>
    %swap3A_804 = vector.shape_cast %broadcast_in_dim3A_55 : vector<16xf32> to vector<1x16xf32>
    tpu.vector_store %arg9[%swap3A_800, %swap3A_801], %swap3A_804 {strides = array<i32>} : memref<16x128xf32, #tpu.memory_space<vmem>>, vector<1x16xf32>,
    %swap3A_805 = arith.constant 15 : i32
    %swap3A_806 = arith.index_cast %swap3A_805 : i32 to index
    %swap3A_807 = arith.constant 80 : index
    %swap3A_808 = tpu.vector_load %arg9[%swap3A_806, %swap3A_807] {strides = array<i32>} : memref<16x128xf32, #tpu.memory_space<vmem>>, vector<1x16xf32>,
    %swap3A_809 = vector.shape_cast %swap3A_808 : vector<1x16xf32> to vector<16xf32>
    %swap3A_810 = vector.shape_cast %broadcast_in_dim3A_55 : vector<16xf32> to vector<1x16xf32>
    tpu.vector_store %arg9[%swap3A_806, %swap3A_807], %swap3A_810 {strides = array<i32>} : memref<16x128xf32, #tpu.memory_space<vmem>>, vector<1x16xf32>,
    %swap3A_811 = arith.constant 15 : i32
    %swap3A_812 = arith.index_cast %swap3A_811 : i32 to index
    %swap3A_813 = arith.constant 96 : index
    %swap3A_814 = tpu.vector_load %arg9[%swap3A_812, %swap3A_813] {strides = array<i32>} : memref<16x128xf32, #tpu.memory_space<vmem>>, vector<1x16xf32>,
    %swap3A_815 = vector.shape_cast %swap3A_814 : vector<1x16xf32> to vector<16xf32>
    %swap3A_816 = vector.shape_cast %broadcast_in_dim3A_55 : vector<16xf32> to vector<1x16xf32>
    tpu.vector_store %arg9[%swap3A_812, %swap3A_813], %swap3A_816 {strides = array<i32>} : memref<16x128xf32, #tpu.memory_space<vmem>>, vector<1x16xf32>,
    %swap3A_817 = arith.constant 15 : i32
    %swap3A_818 = arith.index_cast %swap3A_817 : i32 to index
    %swap3A_819 = arith.constant 112 : index
    %swap3A_820 = tpu.vector_load %arg9[%swap3A_818, %swap3A_819] {strides = array<i32>} : memref<16x128xf32, #tpu.memory_space<vmem>>, vector<1x16xf32>,
    %swap3A_821 = vector.shape_cast %swap3A_820 : vector<1x16xf32> to vector<16xf32>
    %swap3A_822 = vector.shape_cast %broadcast_in_dim3A_55 : vector<16xf32> to vector<1x16xf32>
    tpu.vector_store %arg9[%swap3A_818, %swap3A_819], %swap3A_822 {strides = array<i32>} : memref<16x128xf32, #tpu.memory_space<vmem>>, vector<1x16xf32>,
    %scan3A = arith.constant 0 : i32
    %scan3A_823 = arith.constant 0 : i32
    %scan3A_824 = arith.constant 40 : i32
    %scan3A_825 = arith.addi %scan3A_823, %scan3A_824 : i32
    %scan3A_826 = arith.constant 1 : i32
    scf.for %scan3A_892 = %scan3A_823 to %scan3A_825 step %scan3A_826  : i32 {
      %mul3A_893 = arith.constant 16 : i32
      %mul3A_894 = arith.muli %scan3A_892, %mul3A_893 : i32
      %add3A_895 = arith.addi %mul3A_894, %arg1 : i32
      %mul3A_896 = arith.constant 16 : i32
      %mul3A_897 = arith.muli %add3A_895, %mul3A_896 : i32
      "tpu.region"() ({
        %run_scoped3A_898 = tpu.sem_alloc : memref<!tpu.dma_semaphore, #tpu.memory_space<semaphore_mem>>
        %dma_start3A_899 = arith.constant 0 : i32
        %dma_start3A_900 = tpu.memref_slice %arg5[%mul3A_897, %dma_start3A_899] : memref<10240x128xf32, #tpu.memory_space<vmem_shared>> -> memref<16x128xf32, #tpu.memory_space<vmem_shared>>
        %dma_start3A_901 = arith.constant 0 : i32
        %dma_start3A_902 = tpu.memref_slice %arg5[%mul3A_897, %dma_start3A_901] : memref<10240x128xf32, #tpu.memory_space<vmem_shared>> -> memref<16x128xf32, #tpu.memory_space<vmem_shared>>
        tpu.enqueue_dma source(%arg9 : memref<16x128xf32, #tpu.memory_space<vmem>>) target(%dma_start3A_902 : memref<16x128xf32, #tpu.memory_space<vmem_shared>>) target_semaphore(%run_scoped3A_898 : memref<!tpu.dma_semaphore, #tpu.memory_space<semaphore_mem>>)
        %dma_wait3A_903 = arith.constant 0 : i32
        %dma_wait3A_904 = tpu.memref_slice %arg5[%mul3A_897, %dma_wait3A_903] : memref<10240x128xf32, #tpu.memory_space<vmem_shared>> -> memref<16x128xf32, #tpu.memory_space<vmem_shared>>
        %dma_wait3A_905 = arith.constant 0 : i32
        %dma_wait3A_906 = tpu.memref_slice %arg5[%mul3A_897, %dma_wait3A_905] : memref<10240x128xf32, #tpu.memory_space<vmem_shared>> -> memref<16x128xf32, #tpu.memory_space<vmem_shared>>
        tpu.wait_dma2 semaphore(%run_scoped3A_898 : memref<!tpu.dma_semaphore, #tpu.memory_space<semaphore_mem>>) src(%arg9 : memref<16x128xf32, #tpu.memory_space<vmem>>) dst(%dma_wait3A_906 : memref<16x128xf32, #tpu.memory_space<vmem_shared>>)
        tpu.yield
      }) : () -> ()
    }
    %scan3A_827 = arith.constant 40 : i32
    %barrier3A = arith.constant 0 : index
    tpu.barrier barrier_id(%barrier3A)
    %scan3A_828 = arith.constant 0 : i32
    %scan3A_829 = arith.constant 0 : i32
    %scan3A_830 = arith.constant 31 : i32
    %scan3A_831 = arith.addi %scan3A_829, %scan3A_830 : i32
    %scan3A_832 = arith.constant 1 : i32
    scf.for %scan3A_892 = %scan3A_829 to %scan3A_831 step %scan3A_832  : i32 {
      %rem3A = arith.constant 2 : i32
      %rem3A_893 = arith.remsi %scan3A_892, %rem3A : i32
      %add3A_894 = arith.constant 1 : i32
      %add3A_895 = arith.addi %scan3A_892, %add3A_894 : i32
      %rem3A_896 = arith.constant 2 : i32
      %rem3A_897 = arith.remsi %add3A_895, %rem3A_896 : i32
      %add3A_898 = arith.constant 1 : i32
      %add3A_899 = arith.addi %scan3A_892, %add3A_898 : i32
      %lt3A = arith.constant 31 : i32
      %lt3A_900 = arith.cmpi slt, %add3A_899, %lt3A : i32
      %add3A_901 = arith.constant 1 : i32
      %add3A_902 = arith.addi %scan3A_892, %add3A_901 : i32
      %mul3A_903 = arith.constant 4 : i32
      %mul3A_904 = arith.muli %add3A_902, %mul3A_903 : i32
      %convert_element_type3A = arith.extui %lt3A_900 : i1 to i32
      %cond3A = arith.constant 0 : i32
      %cond3A_905 = arith.cmpi ne, %convert_element_type3A, %cond3A : i32
      scf.if %cond3A_905 {
        %dma_start3A_1065 = arith.constant 0 : i32
        %dma_start3A_1066 = arith.constant 0 : i32
        %dma_start3A_1067 = arith.constant 0 : i32
        %dma_start3A_1068 = tpu.memref_slice %arg6[%rem3A_897, %dma_start3A_1066, %dma_start3A_1067] : memref<2x4x80xi32, #tpu.memory_space<vmem>> -> memref<1x4x80xi32, #tpu.memory_space<vmem>>
        %dma_start3A_1069 = tpu.memref_squeeze %dma_start3A_1068 : memref<1x4x80xi32, #tpu.memory_space<vmem>> -> memref<4x80xi32, #tpu.memory_space<vmem>>
        %dma_start3A_1070 = arith.constant 0 : i32
        %dma_start3A_1071 = tpu.memref_slice %arg3[%dma_start3A_1065, %add3A, %mul3A_904, %dma_start3A_1070] : memref<2x32x125x80xi32, #tpu.memory_space<hbm>> -> memref<1x1x4x80xi32, #tpu.memory_space<hbm>>
        %dma_start3A_1072 = tpu.memref_squeeze %dma_start3A_1071 : memref<1x1x4x80xi32, #tpu.memory_space<hbm>> -> memref<4x80xi32, #tpu.memory_space<hbm>>
        %dma_start3A_1073 = arith.constant 0 : i32
        %dma_start3A_1074 = arith.constant 0 : i32
        %dma_start3A_1075 = tpu.memref_slice %arg6[%rem3A_897, %dma_start3A_1073, %dma_start3A_1074] : memref<2x4x80xi32, #tpu.memory_space<vmem>> -> memref<1x4x80xi32, #tpu.memory_space<vmem>>
        %dma_start3A_1076 = tpu.memref_squeeze %dma_start3A_1075 : memref<1x4x80xi32, #tpu.memory_space<vmem>> -> memref<4x80xi32, #tpu.memory_space<vmem>>
        %dma_start3A_1077 = arith.constant 0 : i32
        %dma_start3A_1078 = tpu.memref_slice %arg3[%dma_start3A_1065, %add3A, %mul3A_904, %dma_start3A_1077] : memref<2x32x125x80xi32, #tpu.memory_space<hbm>> -> memref<1x1x4x80xi32, #tpu.memory_space<hbm>>
        %dma_start3A_1079 = tpu.memref_squeeze %dma_start3A_1078 : memref<1x1x4x80xi32, #tpu.memory_space<hbm>> -> memref<4x80xi32, #tpu.memory_space<hbm>>
        tpu.enqueue_dma source(%dma_start3A_1079 : memref<4x80xi32, #tpu.memory_space<hbm>>) target(%dma_start3A_1076 : memref<4x80xi32, #tpu.memory_space<vmem>>) target_semaphore(%arg12 : memref<!tpu.dma_semaphore, #tpu.memory_space<semaphore_mem>>)
        %dma_start3A_1080 = arith.constant 1 : i32
        %dma_start3A_1081 = arith.constant 0 : i32
        %dma_start3A_1082 = arith.constant 0 : i32
        %dma_start3A_1083 = tpu.memref_slice %arg7[%rem3A_897, %dma_start3A_1081, %dma_start3A_1082] : memref<2x4x80xi32, #tpu.memory_space<vmem>> -> memref<1x4x80xi32, #tpu.memory_space<vmem>>
        %dma_start3A_1084 = tpu.memref_squeeze %dma_start3A_1083 : memref<1x4x80xi32, #tpu.memory_space<vmem>> -> memref<4x80xi32, #tpu.memory_space<vmem>>
        %dma_start3A_1085 = arith.constant 0 : i32
        %dma_start3A_1086 = tpu.memref_slice %arg3[%dma_start3A_1080, %add3A, %mul3A_904, %dma_start3A_1085] : memref<2x32x125x80xi32, #tpu.memory_space<hbm>> -> memref<1x1x4x80xi32, #tpu.memory_space<hbm>>
        %dma_start3A_1087 = tpu.memref_squeeze %dma_start3A_1086 : memref<1x1x4x80xi32, #tpu.memory_space<hbm>> -> memref<4x80xi32, #tpu.memory_space<hbm>>
        %dma_start3A_1088 = arith.constant 0 : i32
        %dma_start3A_1089 = arith.constant 0 : i32
        %dma_start3A_1090 = tpu.memref_slice %arg7[%rem3A_897, %dma_start3A_1088, %dma_start3A_1089] : memref<2x4x80xi32, #tpu.memory_space<vmem>> -> memref<1x4x80xi32, #tpu.memory_space<vmem>>
        %dma_start3A_1091 = tpu.memref_squeeze %dma_start3A_1090 : memref<1x4x80xi32, #tpu.memory_space<vmem>> -> memref<4x80xi32, #tpu.memory_space<vmem>>
        %dma_start3A_1092 = arith.constant 0 : i32
        %dma_start3A_1093 = tpu.memref_slice %arg3[%dma_start3A_1080, %add3A, %mul3A_904, %dma_start3A_1092] : memref<2x32x125x80xi32, #tpu.memory_space<hbm>> -> memref<1x1x4x80xi32, #tpu.memory_space<hbm>>
        %dma_start3A_1094 = tpu.memref_squeeze %dma_start3A_1093 : memref<1x1x4x80xi32, #tpu.memory_space<hbm>> -> memref<4x80xi32, #tpu.memory_space<hbm>>
        tpu.enqueue_dma source(%dma_start3A_1094 : memref<4x80xi32, #tpu.memory_space<hbm>>) target(%dma_start3A_1091 : memref<4x80xi32, #tpu.memory_space<vmem>>) target_semaphore(%arg12 : memref<!tpu.dma_semaphore, #tpu.memory_space<semaphore_mem>>)
      } else {
      }
      %dma_wait3A_906 = arith.constant 0 : i32
      %dma_wait3A_907 = arith.constant 0 : i32
      %dma_wait3A_908 = arith.constant 0 : i32
      %dma_wait3A_909 = arith.constant 0 : i32
      %dma_wait3A_910 = tpu.memref_slice %arg8[%dma_wait3A_907, %dma_wait3A_908, %dma_wait3A_909] : memref<4x80x128xf32, #tpu.memory_space<vmem>> -> memref<1x80x128xf32, #tpu.memory_space<vmem>>
      %dma_wait3A_911 = tpu.memref_squeeze %dma_wait3A_910 : memref<1x80x128xf32, #tpu.memory_space<vmem>> -> memref<80x128xf32, #tpu.memory_space<vmem>>
      %dma_wait3A_912 = arith.constant 0 : i32
      %dma_wait3A_913 = tpu.memref_slice %arg6[%rem3A_893, %dma_wait3A_906, %dma_wait3A_912] : memref<2x4x80xi32, #tpu.memory_space<vmem>> -> memref<1x1x80xi32, #tpu.memory_space<vmem>>
      %dma_wait3A_914 = tpu.memref_squeeze %dma_wait3A_913 : memref<1x1x80xi32, #tpu.memory_space<vmem>> -> memref<80xi32, #tpu.memory_space<vmem>>
      %dma_wait3A_915 = arith.constant 0 : i32
      %dma_wait3A_916 = arith.constant 0 : i32
      %dma_wait3A_917 = tpu.memref_slice %arg2[%dma_wait3A_915, %dma_wait3A_916] : memref<10000x128xf32, #tpu.memory_space<hbm>> -> memref<10000x128xf32, #tpu.memory_space<hbm>>
      tpu.wait_indirect_dma semaphore(%arg10 : memref<!tpu.dma_semaphore, #tpu.memory_space<semaphore_mem>>) src(%dma_wait3A_917 : memref<10000x128xf32, #tpu.memory_space<hbm>>) dst(%dma_wait3A_911 : memref<80x128xf32, #tpu.memory_space<vmem>>)
      %dma_start3A_918 = arith.constant 0 : i32
      %dma_start3A_919 = arith.constant 0 : i32
      %dma_start3A_920 = arith.constant 0 : i32
      %dma_start3A_921 = arith.constant 0 : i32
      %dma_start3A_922 = tpu.memref_slice %arg8[%dma_start3A_918, %dma_start3A_920, %dma_start3A_921] : memref<4x80x128xf32, #tpu.memory_space<vmem>> -> memref<1x80x128xf32, #tpu.memory_space<vmem>>
      %dma_start3A_923 = tpu.memref_squeeze %dma_start3A_922 : memref<1x80x128xf32, #tpu.memory_space<vmem>> -> memref<80x128xf32, #tpu.memory_space<vmem>>
      %dma_start3A_924 = arith.constant 0 : i32
      %dma_start3A_925 = tpu.memref_slice %arg7[%rem3A_893, %dma_start3A_919, %dma_start3A_924] : memref<2x4x80xi32, #tpu.memory_space<vmem>> -> memref<1x1x80xi32, #tpu.memory_space<vmem>>
      %dma_start3A_926 = tpu.memref_squeeze %dma_start3A_925 : memref<1x1x80xi32, #tpu.memory_space<vmem>> -> memref<80xi32, #tpu.memory_space<vmem>>
      %dma_start3A_927 = arith.constant 0 : i32
      %dma_start3A_928 = arith.constant 0 : i32
      %dma_start3A_929 = tpu.memref_slice %arg5[%dma_start3A_927, %dma_start3A_928] : memref<10240x128xf32, #tpu.memory_space<vmem_shared>> -> memref<10240x128xf32, #tpu.memory_space<vmem_shared>>
      tpu.enqueue_indirect_dma source(%dma_start3A_923 : memref<80x128xf32, #tpu.memory_space<vmem>>) target(%dma_start3A_929 : memref<10240x128xf32, #tpu.memory_space<vmem_shared>>) offsets(%dma_start3A_926 : memref<80xi32, #tpu.memory_space<vmem>>) semaphore(%arg11 : memref<!tpu.dma_semaphore, #tpu.memory_space<semaphore_mem>>) {add = true}
      %dma_wait3A_930 = arith.constant 1 : i32
      %dma_wait3A_931 = arith.constant 1 : i32
      %dma_wait3A_932 = arith.constant 0 : i32
      %dma_wait3A_933 = arith.constant 0 : i32
      %dma_wait3A_934 = tpu.memref_slice %arg8[%dma_wait3A_931, %dma_wait3A_932, %dma_wait3A_933] : memref<4x80x128xf32, #tpu.memory_space<vmem>> -> memref<1x80x128xf32, #tpu.memory_space<vmem>>
      %dma_wait3A_935 = tpu.memref_squeeze %dma_wait3A_934 : memref<1x80x128xf32, #tpu.memory_space<vmem>> -> memref<80x128xf32, #tpu.memory_space<vmem>>
      %dma_wait3A_936 = arith.constant 0 : i32
      %dma_wait3A_937 = tpu.memref_slice %arg6[%rem3A_893, %dma_wait3A_930, %dma_wait3A_936] : memref<2x4x80xi32, #tpu.memory_space<vmem>> -> memref<1x1x80xi32, #tpu.memory_space<vmem>>
      %dma_wait3A_938 = tpu.memref_squeeze %dma_wait3A_937 : memref<1x1x80xi32, #tpu.memory_space<vmem>> -> memref<80xi32, #tpu.memory_space<vmem>>
      %dma_wait3A_939 = arith.constant 0 : i32
      %dma_wait3A_940 = arith.constant 0 : i32
      %dma_wait3A_941 = tpu.memref_slice %arg2[%dma_wait3A_939, %dma_wait3A_940] : memref<10000x128xf32, #tpu.memory_space<hbm>> -> memref<10000x128xf32, #tpu.memory_space<hbm>>
      tpu.wait_indirect_dma semaphore(%arg10 : memref<!tpu.dma_semaphore, #tpu.memory_space<semaphore_mem>>) src(%dma_wait3A_941 : memref<10000x128xf32, #tpu.memory_space<hbm>>) dst(%dma_wait3A_935 : memref<80x128xf32, #tpu.memory_space<vmem>>)
      %dma_start3A_942 = arith.constant 1 : i32
      %dma_start3A_943 = arith.constant 1 : i32
      %dma_start3A_944 = arith.constant 0 : i32
      %dma_start3A_945 = arith.constant 0 : i32
      %dma_start3A_946 = tpu.memref_slice %arg8[%dma_start3A_942, %dma_start3A_944, %dma_start3A_945] : memref<4x80x128xf32, #tpu.memory_space<vmem>> -> memref<1x80x128xf32, #tpu.memory_space<vmem>>
      %dma_start3A_947 = tpu.memref_squeeze %dma_start3A_946 : memref<1x80x128xf32, #tpu.memory_space<vmem>> -> memref<80x128xf32, #tpu.memory_space<vmem>>
      %dma_start3A_948 = arith.constant 0 : i32
      %dma_start3A_949 = tpu.memref_slice %arg7[%rem3A_893, %dma_start3A_943, %dma_start3A_948] : memref<2x4x80xi32, #tpu.memory_space<vmem>> -> memref<1x1x80xi32, #tpu.memory_space<vmem>>
      %dma_start3A_950 = tpu.memref_squeeze %dma_start3A_949 : memref<1x1x80xi32, #tpu.memory_space<vmem>> -> memref<80xi32, #tpu.memory_space<vmem>>
      %dma_start3A_951 = arith.constant 0 : i32
      %dma_start3A_952 = arith.constant 0 : i32
      %dma_start3A_953 = tpu.memref_slice %arg5[%dma_start3A_951, %dma_start3A_952] : memref<10240x128xf32, #tpu.memory_space<vmem_shared>> -> memref<10240x128xf32, #tpu.memory_space<vmem_shared>>
      tpu.enqueue_indirect_dma source(%dma_start3A_947 : memref<80x128xf32, #tpu.memory_space<vmem>>) target(%dma_start3A_953 : memref<10240x128xf32, #tpu.memory_space<vmem_shared>>) offsets(%dma_start3A_950 : memref<80xi32, #tpu.memory_space<vmem>>) semaphore(%arg11 : memref<!tpu.dma_semaphore, #tpu.memory_space<semaphore_mem>>) {add = true}
      %dma_wait3A_954 = arith.constant 2 : i32
      %dma_wait3A_955 = arith.constant 2 : i32
      %dma_wait3A_956 = arith.constant 0 : i32
      %dma_wait3A_957 = arith.constant 0 : i32
      %dma_wait3A_958 = tpu.memref_slice %arg8[%dma_wait3A_955, %dma_wait3A_956, %dma_wait3A_957] : memref<4x80x128xf32, #tpu.memory_space<vmem>> -> memref<1x80x128xf32, #tpu.memory_space<vmem>>
      %dma_wait3A_959 = tpu.memref_squeeze %dma_wait3A_958 : memref<1x80x128xf32, #tpu.memory_space<vmem>> -> memref<80x128xf32, #tpu.memory_space<vmem>>
      %dma_wait3A_960 = arith.constant 0 : i32
      %dma_wait3A_961 = tpu.memref_slice %arg6[%rem3A_893, %dma_wait3A_954, %dma_wait3A_960] : memref<2x4x80xi32, #tpu.memory_space<vmem>> -> memref<1x1x80xi32, #tpu.memory_space<vmem>>
      %dma_wait3A_962 = tpu.memref_squeeze %dma_wait3A_961 : memref<1x1x80xi32, #tpu.memory_space<vmem>> -> memref<80xi32, #tpu.memory_space<vmem>>
      %dma_wait3A_963 = arith.constant 0 : i32
      %dma_wait3A_964 = arith.constant 0 : i32
      %dma_wait3A_965 = tpu.memref_slice %arg2[%dma_wait3A_963, %dma_wait3A_964] : memref<10000x128xf32, #tpu.memory_space<hbm>> -> memref<10000x128xf32, #tpu.memory_space<hbm>>
      tpu.wait_indirect_dma semaphore(%arg10 : memref<!tpu.dma_semaphore, #tpu.memory_space<semaphore_mem>>) src(%dma_wait3A_965 : memref<10000x128xf32, #tpu.memory_space<hbm>>) dst(%dma_wait3A_959 : memref<80x128xf32, #tpu.memory_space<vmem>>)
      %dma_start3A_966 = arith.constant 2 : i32
      %dma_start3A_967 = arith.constant 2 : i32
      %dma_start3A_968 = arith.constant 0 : i32
      %dma_start3A_969 = arith.constant 0 : i32
      %dma_start3A_970 = tpu.memref_slice %arg8[%dma_start3A_966, %dma_start3A_968, %dma_start3A_969] : memref<4x80x128xf32, #tpu.memory_space<vmem>> -> memref<1x80x128xf32, #tpu.memory_space<vmem>>
      %dma_start3A_971 = tpu.memref_squeeze %dma_start3A_970 : memref<1x80x128xf32, #tpu.memory_space<vmem>> -> memref<80x128xf32, #tpu.memory_space<vmem>>
      %dma_start3A_972 = arith.constant 0 : i32
      %dma_start3A_973 = tpu.memref_slice %arg7[%rem3A_893, %dma_start3A_967, %dma_start3A_972] : memref<2x4x80xi32, #tpu.memory_space<vmem>> -> memref<1x1x80xi32, #tpu.memory_space<vmem>>
      %dma_start3A_974 = tpu.memref_squeeze %dma_start3A_973 : memref<1x1x80xi32, #tpu.memory_space<vmem>> -> memref<80xi32, #tpu.memory_space<vmem>>
      %dma_start3A_975 = arith.constant 0 : i32
      %dma_start3A_976 = arith.constant 0 : i32
      %dma_start3A_977 = tpu.memref_slice %arg5[%dma_start3A_975, %dma_start3A_976] : memref<10240x128xf32, #tpu.memory_space<vmem_shared>> -> memref<10240x128xf32, #tpu.memory_space<vmem_shared>>
      tpu.enqueue_indirect_dma source(%dma_start3A_971 : memref<80x128xf32, #tpu.memory_space<vmem>>) target(%dma_start3A_977 : memref<10240x128xf32, #tpu.memory_space<vmem_shared>>) offsets(%dma_start3A_974 : memref<80xi32, #tpu.memory_space<vmem>>) semaphore(%arg11 : memref<!tpu.dma_semaphore, #tpu.memory_space<semaphore_mem>>) {add = true}
      %dma_wait3A_978 = arith.constant 3 : i32
      %dma_wait3A_979 = arith.constant 3 : i32
      %dma_wait3A_980 = arith.constant 0 : i32
      %dma_wait3A_981 = arith.constant 0 : i32
      %dma_wait3A_982 = tpu.memref_slice %arg8[%dma_wait3A_979, %dma_wait3A_980, %dma_wait3A_981] : memref<4x80x128xf32, #tpu.memory_space<vmem>> -> memref<1x80x128xf32, #tpu.memory_space<vmem>>
      %dma_wait3A_983 = tpu.memref_squeeze %dma_wait3A_982 : memref<1x80x128xf32, #tpu.memory_space<vmem>> -> memref<80x128xf32, #tpu.memory_space<vmem>>
      %dma_wait3A_984 = arith.constant 0 : i32
      %dma_wait3A_985 = tpu.memref_slice %arg6[%rem3A_893, %dma_wait3A_978, %dma_wait3A_984] : memref<2x4x80xi32, #tpu.memory_space<vmem>> -> memref<1x1x80xi32, #tpu.memory_space<vmem>>
      %dma_wait3A_986 = tpu.memref_squeeze %dma_wait3A_985 : memref<1x1x80xi32, #tpu.memory_space<vmem>> -> memref<80xi32, #tpu.memory_space<vmem>>
      %dma_wait3A_987 = arith.constant 0 : i32
      %dma_wait3A_988 = arith.constant 0 : i32
      %dma_wait3A_989 = tpu.memref_slice %arg2[%dma_wait3A_987, %dma_wait3A_988] : memref<10000x128xf32, #tpu.memory_space<hbm>> -> memref<10000x128xf32, #tpu.memory_space<hbm>>
      tpu.wait_indirect_dma semaphore(%arg10 : memref<!tpu.dma_semaphore, #tpu.memory_space<semaphore_mem>>) src(%dma_wait3A_989 : memref<10000x128xf32, #tpu.memory_space<hbm>>) dst(%dma_wait3A_983 : memref<80x128xf32, #tpu.memory_space<vmem>>)
      %dma_start3A_990 = arith.constant 3 : i32
      %dma_start3A_991 = arith.constant 3 : i32
      %dma_start3A_992 = arith.constant 0 : i32
      %dma_start3A_993 = arith.constant 0 : i32
      %dma_start3A_994 = tpu.memref_slice %arg8[%dma_start3A_990, %dma_start3A_992, %dma_start3A_993] : memref<4x80x128xf32, #tpu.memory_space<vmem>> -> memref<1x80x128xf32, #tpu.memory_space<vmem>>
      %dma_start3A_995 = tpu.memref_squeeze %dma_start3A_994 : memref<1x80x128xf32, #tpu.memory_space<vmem>> -> memref<80x128xf32, #tpu.memory_space<vmem>>
      %dma_start3A_996 = arith.constant 0 : i32
      %dma_start3A_997 = tpu.memref_slice %arg7[%rem3A_893, %dma_start3A_991, %dma_start3A_996] : memref<2x4x80xi32, #tpu.memory_space<vmem>> -> memref<1x1x80xi32, #tpu.memory_space<vmem>>
      %dma_start3A_998 = tpu.memref_squeeze %dma_start3A_997 : memref<1x1x80xi32, #tpu.memory_space<vmem>> -> memref<80xi32, #tpu.memory_space<vmem>>
      %dma_start3A_999 = arith.constant 0 : i32
      %dma_start3A_1000 = arith.constant 0 : i32
      %dma_start3A_1001 = tpu.memref_slice %arg5[%dma_start3A_999, %dma_start3A_1000] : memref<10240x128xf32, #tpu.memory_space<vmem_shared>> -> memref<10240x128xf32, #tpu.memory_space<vmem_shared>>
      tpu.enqueue_indirect_dma source(%dma_start3A_995 : memref<80x128xf32, #tpu.memory_space<vmem>>) target(%dma_start3A_1001 : memref<10240x128xf32, #tpu.memory_space<vmem_shared>>) offsets(%dma_start3A_998 : memref<80xi32, #tpu.memory_space<vmem>>) semaphore(%arg11 : memref<!tpu.dma_semaphore, #tpu.memory_space<semaphore_mem>>) {add = true}
      %convert_element_type3A_1002 = arith.extui %lt3A_900 : i1 to i32
      %cond3A_1003 = arith.constant 0 : i32
      %cond3A_1004 = arith.cmpi ne, %convert_element_type3A_1002, %cond3A_1003 : i32
      scf.if %cond3A_1004 {
        %dma_wait3A_1065 = arith.constant 0 : i32
        %dma_wait3A_1066 = arith.constant 0 : i32
        %dma_wait3A_1067 = arith.constant 0 : i32
        %dma_wait3A_1068 = tpu.memref_slice %arg6[%rem3A_897, %dma_wait3A_1066, %dma_wait3A_1067] : memref<2x4x80xi32, #tpu.memory_space<vmem>> -> memref<1x4x80xi32, #tpu.memory_space<vmem>>
        %dma_wait3A_1069 = tpu.memref_squeeze %dma_wait3A_1068 : memref<1x4x80xi32, #tpu.memory_space<vmem>> -> memref<4x80xi32, #tpu.memory_space<vmem>>
        %dma_wait3A_1070 = arith.constant 0 : i32
        %dma_wait3A_1071 = tpu.memref_slice %arg3[%dma_wait3A_1065, %add3A, %mul3A_904, %dma_wait3A_1070] : memref<2x32x125x80xi32, #tpu.memory_space<hbm>> -> memref<1x1x4x80xi32, #tpu.memory_space<hbm>>
        %dma_wait3A_1072 = tpu.memref_squeeze %dma_wait3A_1071 : memref<1x1x4x80xi32, #tpu.memory_space<hbm>> -> memref<4x80xi32, #tpu.memory_space<hbm>>
        %dma_wait3A_1073 = arith.constant 0 : i32
        %dma_wait3A_1074 = arith.constant 0 : i32
        %dma_wait3A_1075 = tpu.memref_slice %arg6[%rem3A_897, %dma_wait3A_1073, %dma_wait3A_1074] : memref<2x4x80xi32, #tpu.memory_space<vmem>> -> memref<1x4x80xi32, #tpu.memory_space<vmem>>
        %dma_wait3A_1076 = tpu.memref_squeeze %dma_wait3A_1075 : memref<1x4x80xi32, #tpu.memory_space<vmem>> -> memref<4x80xi32, #tpu.memory_space<vmem>>
        %dma_wait3A_1077 = arith.constant 0 : i32
        %dma_wait3A_1078 = tpu.memref_slice %arg3[%dma_wait3A_1065, %add3A, %mul3A_904, %dma_wait3A_1077] : memref<2x32x125x80xi32, #tpu.memory_space<hbm>> -> memref<1x1x4x80xi32, #tpu.memory_space<hbm>>
        %dma_wait3A_1079 = tpu.memref_squeeze %dma_wait3A_1078 : memref<1x1x4x80xi32, #tpu.memory_space<hbm>> -> memref<4x80xi32, #tpu.memory_space<hbm>>
        tpu.wait_dma2 semaphore(%arg12 : memref<!tpu.dma_semaphore, #tpu.memory_space<semaphore_mem>>) src(%dma_wait3A_1079 : memref<4x80xi32, #tpu.memory_space<hbm>>) dst(%dma_wait3A_1076 : memref<4x80xi32, #tpu.memory_space<vmem>>)
        %dma_wait3A_1080 = arith.constant 1 : i32
        %dma_wait3A_1081 = arith.constant 0 : i32
        %dma_wait3A_1082 = arith.constant 0 : i32
        %dma_wait3A_1083 = tpu.memref_slice %arg7[%rem3A_897, %dma_wait3A_1081, %dma_wait3A_1082] : memref<2x4x80xi32, #tpu.memory_space<vmem>> -> memref<1x4x80xi32, #tpu.memory_space<vmem>>
        %dma_wait3A_1084 = tpu.memref_squeeze %dma_wait3A_1083 : memref<1x4x80xi32, #tpu.memory_space<vmem>> -> memref<4x80xi32, #tpu.memory_space<vmem>>
        %dma_wait3A_1085 = arith.constant 0 : i32
        %dma_wait3A_1086 = tpu.memref_slice %arg3[%dma_wait3A_1080, %add3A, %mul3A_904, %dma_wait3A_1085] : memref<2x32x125x80xi32, #tpu.memory_space<hbm>> -> memref<1x1x4x80xi32, #tpu.memory_space<hbm>>
        %dma_wait3A_1087 = tpu.memref_squeeze %dma_wait3A_1086 : memref<1x1x4x80xi32, #tpu.memory_space<hbm>> -> memref<4x80xi32, #tpu.memory_space<hbm>>
        %dma_wait3A_1088 = arith.constant 0 : i32
        %dma_wait3A_1089 = arith.constant 0 : i32
        %dma_wait3A_1090 = tpu.memref_slice %arg7[%rem3A_897, %dma_wait3A_1088, %dma_wait3A_1089] : memref<2x4x80xi32, #tpu.memory_space<vmem>> -> memref<1x4x80xi32, #tpu.memory_space<vmem>>
        %dma_wait3A_1091 = tpu.memref_squeeze %dma_wait3A_1090 : memref<1x4x80xi32, #tpu.memory_space<vmem>> -> memref<4x80xi32, #tpu.memory_space<vmem>>
        %dma_wait3A_1092 = arith.constant 0 : i32
        %dma_wait3A_1093 = tpu.memref_slice %arg3[%dma_wait3A_1080, %add3A, %mul3A_904, %dma_wait3A_1092] : memref<2x32x125x80xi32, #tpu.memory_space<hbm>> -> memref<1x1x4x80xi32, #tpu.memory_space<hbm>>
        %dma_wait3A_1094 = tpu.memref_squeeze %dma_wait3A_1093 : memref<1x1x4x80xi32, #tpu.memory_space<hbm>> -> memref<4x80xi32, #tpu.memory_space<hbm>>
        tpu.wait_dma2 semaphore(%arg12 : memref<!tpu.dma_semaphore, #tpu.memory_space<semaphore_mem>>) src(%dma_wait3A_1094 : memref<4x80xi32, #tpu.memory_space<hbm>>) dst(%dma_wait3A_1091 : memref<4x80xi32, #tpu.memory_space<vmem>>)
      } else {
      }
      %dma_wait3A_1005 = arith.constant 0 : i32
      %dma_wait3A_1006 = arith.constant 0 : i32
      %dma_wait3A_1007 = arith.constant 0 : i32
      %dma_wait3A_1008 = arith.constant 0 : i32
      %dma_wait3A_1009 = tpu.memref_slice %arg8[%dma_wait3A_1005, %dma_wait3A_1007, %dma_wait3A_1008] : memref<4x80x128xf32, #tpu.memory_space<vmem>> -> memref<1x80x128xf32, #tpu.memory_space<vmem>>
      %dma_wait3A_1010 = tpu.memref_squeeze %dma_wait3A_1009 : memref<1x80x128xf32, #tpu.memory_space<vmem>> -> memref<80x128xf32, #tpu.memory_space<vmem>>
      %dma_wait3A_1011 = arith.constant 0 : i32
      %dma_wait3A_1012 = tpu.memref_slice %arg7[%rem3A_893, %dma_wait3A_1006, %dma_wait3A_1011] : memref<2x4x80xi32, #tpu.memory_space<vmem>> -> memref<1x1x80xi32, #tpu.memory_space<vmem>>
      %dma_wait3A_1013 = tpu.memref_squeeze %dma_wait3A_1012 : memref<1x1x80xi32, #tpu.memory_space<vmem>> -> memref<80xi32, #tpu.memory_space<vmem>>
      %dma_wait3A_1014 = arith.constant 0 : i32
      %dma_wait3A_1015 = arith.constant 0 : i32
      %dma_wait3A_1016 = tpu.memref_slice %arg5[%dma_wait3A_1014, %dma_wait3A_1015] : memref<10240x128xf32, #tpu.memory_space<vmem_shared>> -> memref<10240x128xf32, #tpu.memory_space<vmem_shared>>
      tpu.wait_indirect_dma semaphore(%arg11 : memref<!tpu.dma_semaphore, #tpu.memory_space<semaphore_mem>>) src(%dma_wait3A_1010 : memref<80x128xf32, #tpu.memory_space<vmem>>) dst(%dma_wait3A_1016 : memref<10240x128xf32, #tpu.memory_space<vmem_shared>>)
      %convert_element_type3A_1017 = arith.extui %lt3A_900 : i1 to i32
      %cond3A_1018 = arith.constant 0 : i32
      %cond3A_1019 = arith.cmpi ne, %convert_element_type3A_1017, %cond3A_1018 : i32
      scf.if %cond3A_1019 {
        %dma_start3A_1065 = arith.constant 0 : i32
        %dma_start3A_1066 = arith.constant 0 : i32
        %dma_start3A_1067 = arith.constant 0 : i32
        %dma_start3A_1068 = arith.constant 0 : i32
        %dma_start3A_1069 = tpu.memref_slice %arg8[%dma_start3A_1066, %dma_start3A_1067, %dma_start3A_1068] : memref<4x80x128xf32, #tpu.memory_space<vmem>> -> memref<1x80x128xf32, #tpu.memory_space<vmem>>
        %dma_start3A_1070 = tpu.memref_squeeze %dma_start3A_1069 : memref<1x80x128xf32, #tpu.memory_space<vmem>> -> memref<80x128xf32, #tpu.memory_space<vmem>>
        %dma_start3A_1071 = arith.constant 0 : i32
        %dma_start3A_1072 = tpu.memref_slice %arg6[%rem3A_897, %dma_start3A_1065, %dma_start3A_1071] : memref<2x4x80xi32, #tpu.memory_space<vmem>> -> memref<1x1x80xi32, #tpu.memory_space<vmem>>
        %dma_start3A_1073 = tpu.memref_squeeze %dma_start3A_1072 : memref<1x1x80xi32, #tpu.memory_space<vmem>> -> memref<80xi32, #tpu.memory_space<vmem>>
        %dma_start3A_1074 = arith.constant 0 : i32
        %dma_start3A_1075 = arith.constant 0 : i32
        %dma_start3A_1076 = tpu.memref_slice %arg2[%dma_start3A_1074, %dma_start3A_1075] : memref<10000x128xf32, #tpu.memory_space<hbm>> -> memref<10000x128xf32, #tpu.memory_space<hbm>>
        tpu.enqueue_indirect_dma source(%dma_start3A_1076 : memref<10000x128xf32, #tpu.memory_space<hbm>>) target(%dma_start3A_1070 : memref<80x128xf32, #tpu.memory_space<vmem>>) offsets(%dma_start3A_1073 : memref<80xi32, #tpu.memory_space<vmem>>) semaphore(%arg10 : memref<!tpu.dma_semaphore, #tpu.memory_space<semaphore_mem>>)
      } else {
      }
      %dma_wait3A_1020 = arith.constant 1 : i32
      %dma_wait3A_1021 = arith.constant 1 : i32
      %dma_wait3A_1022 = arith.constant 0 : i32
      %dma_wait3A_1023 = arith.constant 0 : i32
      %dma_wait3A_1024 = tpu.memref_slice %arg8[%dma_wait3A_1020, %dma_wait3A_1022, %dma_wait3A_1023] : memref<4x80x128xf32, #tpu.memory_space<vmem>> -> memref<1x80x128xf32, #tpu.memory_space<vmem>>
      %dma_wait3A_1025 = tpu.memref_squeeze %dma_wait3A_1024 : memref<1x80x128xf32, #tpu.memory_space<vmem>> -> memref<80x128xf32, #tpu.memory_space<vmem>>
      %dma_wait3A_1026 = arith.constant 0 : i32
      %dma_wait3A_1027 = tpu.memref_slice %arg7[%rem3A_893, %dma_wait3A_1021, %dma_wait3A_1026] : memref<2x4x80xi32, #tpu.memory_space<vmem>> -> memref<1x1x80xi32, #tpu.memory_space<vmem>>
      %dma_wait3A_1028 = tpu.memref_squeeze %dma_wait3A_1027 : memref<1x1x80xi32, #tpu.memory_space<vmem>> -> memref<80xi32, #tpu.memory_space<vmem>>
      %dma_wait3A_1029 = arith.constant 0 : i32
      %dma_wait3A_1030 = arith.constant 0 : i32
      %dma_wait3A_1031 = tpu.memref_slice %arg5[%dma_wait3A_1029, %dma_wait3A_1030] : memref<10240x128xf32, #tpu.memory_space<vmem_shared>> -> memref<10240x128xf32, #tpu.memory_space<vmem_shared>>
      tpu.wait_indirect_dma semaphore(%arg11 : memref<!tpu.dma_semaphore, #tpu.memory_space<semaphore_mem>>) src(%dma_wait3A_1025 : memref<80x128xf32, #tpu.memory_space<vmem>>) dst(%dma_wait3A_1031 : memref<10240x128xf32, #tpu.memory_space<vmem_shared>>)
      %convert_element_type3A_1032 = arith.extui %lt3A_900 : i1 to i32
      %cond3A_1033 = arith.constant 0 : i32
      %cond3A_1034 = arith.cmpi ne, %convert_element_type3A_1032, %cond3A_1033 : i32
      scf.if %cond3A_1034 {
        %dma_start3A_1065 = arith.constant 1 : i32
        %dma_start3A_1066 = arith.constant 1 : i32
        %dma_start3A_1067 = arith.constant 0 : i32
        %dma_start3A_1068 = arith.constant 0 : i32
        %dma_start3A_1069 = tpu.memref_slice %arg8[%dma_start3A_1066, %dma_start3A_1067, %dma_start3A_1068] : memref<4x80x128xf32, #tpu.memory_space<vmem>> -> memref<1x80x128xf32, #tpu.memory_space<vmem>>
        %dma_start3A_1070 = tpu.memref_squeeze %dma_start3A_1069 : memref<1x80x128xf32, #tpu.memory_space<vmem>> -> memref<80x128xf32, #tpu.memory_space<vmem>>
        %dma_start3A_1071 = arith.constant 0 : i32
        %dma_start3A_1072 = tpu.memref_slice %arg6[%rem3A_897, %dma_start3A_1065, %dma_start3A_1071] : memref<2x4x80xi32, #tpu.memory_space<vmem>> -> memref<1x1x80xi32, #tpu.memory_space<vmem>>
        %dma_start3A_1073 = tpu.memref_squeeze %dma_start3A_1072 : memref<1x1x80xi32, #tpu.memory_space<vmem>> -> memref<80xi32, #tpu.memory_space<vmem>>
        %dma_start3A_1074 = arith.constant 0 : i32
        %dma_start3A_1075 = arith.constant 0 : i32
        %dma_start3A_1076 = tpu.memref_slice %arg2[%dma_start3A_1074, %dma_start3A_1075] : memref<10000x128xf32, #tpu.memory_space<hbm>> -> memref<10000x128xf32, #tpu.memory_space<hbm>>
        tpu.enqueue_indirect_dma source(%dma_start3A_1076 : memref<10000x128xf32, #tpu.memory_space<hbm>>) target(%dma_start3A_1070 : memref<80x128xf32, #tpu.memory_space<vmem>>) offsets(%dma_start3A_1073 : memref<80xi32, #tpu.memory_space<vmem>>) semaphore(%arg10 : memref<!tpu.dma_semaphore, #tpu.memory_space<semaphore_mem>>)
      } else {
      }
      %dma_wait3A_1035 = arith.constant 2 : i32
      %dma_wait3A_1036 = arith.constant 2 : i32
      %dma_wait3A_1037 = arith.constant 0 : i32
      %dma_wait3A_1038 = arith.constant 0 : i32
      %dma_wait3A_1039 = tpu.memref_slice %arg8[%dma_wait3A_1035, %dma_wait3A_1037, %dma_wait3A_1038] : memref<4x80x128xf32, #tpu.memory_space<vmem>> -> memref<1x80x128xf32, #tpu.memory_space<vmem>>
      %dma_wait3A_1040 = tpu.memref_squeeze %dma_wait3A_1039 : memref<1x80x128xf32, #tpu.memory_space<vmem>> -> memref<80x128xf32, #tpu.memory_space<vmem>>
      %dma_wait3A_1041 = arith.constant 0 : i32
      %dma_wait3A_1042 = tpu.memref_slice %arg7[%rem3A_893, %dma_wait3A_1036, %dma_wait3A_1041] : memref<2x4x80xi32, #tpu.memory_space<vmem>> -> memref<1x1x80xi32, #tpu.memory_space<vmem>>
      %dma_wait3A_1043 = tpu.memref_squeeze %dma_wait3A_1042 : memref<1x1x80xi32, #tpu.memory_space<vmem>> -> memref<80xi32, #tpu.memory_space<vmem>>
      %dma_wait3A_1044 = arith.constant 0 : i32
      %dma_wait3A_1045 = arith.constant 0 : i32
      %dma_wait3A_1046 = tpu.memref_slice %arg5[%dma_wait3A_1044, %dma_wait3A_1045] : memref<10240x128xf32, #tpu.memory_space<vmem_shared>> -> memref<10240x128xf32, #tpu.memory_space<vmem_shared>>
      tpu.wait_indirect_dma semaphore(%arg11 : memref<!tpu.dma_semaphore, #tpu.memory_space<semaphore_mem>>) src(%dma_wait3A_1040 : memref<80x128xf32, #tpu.memory_space<vmem>>) dst(%dma_wait3A_1046 : memref<10240x128xf32, #tpu.memory_space<vmem_shared>>)
      %convert_element_type3A_1047 = arith.extui %lt3A_900 : i1 to i32
      %cond3A_1048 = arith.constant 0 : i32
      %cond3A_1049 = arith.cmpi ne, %convert_element_type3A_1047, %cond3A_1048 : i32
      scf.if %cond3A_1049 {
        %dma_start3A_1065 = arith.constant 2 : i32
        %dma_start3A_1066 = arith.constant 2 : i32
        %dma_start3A_1067 = arith.constant 0 : i32
        %dma_start3A_1068 = arith.constant 0 : i32
        %dma_start3A_1069 = tpu.memref_slice %arg8[%dma_start3A_1066, %dma_start3A_1067, %dma_start3A_1068] : memref<4x80x128xf32, #tpu.memory_space<vmem>> -> memref<1x80x128xf32, #tpu.memory_space<vmem>>
        %dma_start3A_1070 = tpu.memref_squeeze %dma_start3A_1069 : memref<1x80x128xf32, #tpu.memory_space<vmem>> -> memref<80x128xf32, #tpu.memory_space<vmem>>
        %dma_start3A_1071 = arith.constant 0 : i32
        %dma_start3A_1072 = tpu.memref_slice %arg6[%rem3A_897, %dma_start3A_1065, %dma_start3A_1071] : memref<2x4x80xi32, #tpu.memory_space<vmem>> -> memref<1x1x80xi32, #tpu.memory_space<vmem>>
        %dma_start3A_1073 = tpu.memref_squeeze %dma_start3A_1072 : memref<1x1x80xi32, #tpu.memory_space<vmem>> -> memref<80xi32, #tpu.memory_space<vmem>>
        %dma_start3A_1074 = arith.constant 0 : i32
        %dma_start3A_1075 = arith.constant 0 : i32
        %dma_start3A_1076 = tpu.memref_slice %arg2[%dma_start3A_1074, %dma_start3A_1075] : memref<10000x128xf32, #tpu.memory_space<hbm>> -> memref<10000x128xf32, #tpu.memory_space<hbm>>
        tpu.enqueue_indirect_dma source(%dma_start3A_1076 : memref<10000x128xf32, #tpu.memory_space<hbm>>) target(%dma_start3A_1070 : memref<80x128xf32, #tpu.memory_space<vmem>>) offsets(%dma_start3A_1073 : memref<80xi32, #tpu.memory_space<vmem>>) semaphore(%arg10 : memref<!tpu.dma_semaphore, #tpu.memory_space<semaphore_mem>>)
      } else {
      }
      %dma_wait3A_1050 = arith.constant 3 : i32
      %dma_wait3A_1051 = arith.constant 3 : i32
      %dma_wait3A_1052 = arith.constant 0 : i32
      %dma_wait3A_1053 = arith.constant 0 : i32
      %dma_wait3A_1054 = tpu.memref_slice %arg8[%dma_wait3A_1050, %dma_wait3A_1052, %dma_wait3A_1053] : memref<4x80x128xf32, #tpu.memory_space<vmem>> -> memref<1x80x128xf32, #tpu.memory_space<vmem>>
      %dma_wait3A_1055 = tpu.memref_squeeze %dma_wait3A_1054 : memref<1x80x128xf32, #tpu.memory_space<vmem>> -> memref<80x128xf32, #tpu.memory_space<vmem>>
      %dma_wait3A_1056 = arith.constant 0 : i32
      %dma_wait3A_1057 = tpu.memref_slice %arg7[%rem3A_893, %dma_wait3A_1051, %dma_wait3A_1056] : memref<2x4x80xi32, #tpu.memory_space<vmem>> -> memref<1x1x80xi32, #tpu.memory_space<vmem>>
      %dma_wait3A_1058 = tpu.memref_squeeze %dma_wait3A_1057 : memref<1x1x80xi32, #tpu.memory_space<vmem>> -> memref<80xi32, #tpu.memory_space<vmem>>
      %dma_wait3A_1059 = arith.constant 0 : i32
      %dma_wait3A_1060 = arith.constant 0 : i32
      %dma_wait3A_1061 = tpu.memref_slice %arg5[%dma_wait3A_1059, %dma_wait3A_1060] : memref<10240x128xf32, #tpu.memory_space<vmem_shared>> -> memref<10240x128xf32, #tpu.memory_space<vmem_shared>>
      tpu.wait_indirect_dma semaphore(%arg11 : memref<!tpu.dma_semaphore, #tpu.memory_space<semaphore_mem>>) src(%dma_wait3A_1055 : memref<80x128xf32, #tpu.memory_space<vmem>>) dst(%dma_wait3A_1061 : memref<10240x128xf32, #tpu.memory_space<vmem_shared>>)
      %convert_element_type3A_1062 = arith.extui %lt3A_900 : i1 to i32
      %cond3A_1063 = arith.constant 0 : i32
      %cond3A_1064 = arith.cmpi ne, %convert_element_type3A_1062, %cond3A_1063 : i32
      scf.if %cond3A_1064 {
        %dma_start3A_1065 = arith.constant 3 : i32
        %dma_start3A_1066 = arith.constant 3 : i32
        %dma_start3A_1067 = arith.constant 0 : i32
        %dma_start3A_1068 = arith.constant 0 : i32
        %dma_start3A_1069 = tpu.memref_slice %arg8[%dma_start3A_1066, %dma_start3A_1067, %dma_start3A_1068] : memref<4x80x128xf32, #tpu.memory_space<vmem>> -> memref<1x80x128xf32, #tpu.memory_space<vmem>>
        %dma_start3A_1070 = tpu.memref_squeeze %dma_start3A_1069 : memref<1x80x128xf32, #tpu.memory_space<vmem>> -> memref<80x128xf32, #tpu.memory_space<vmem>>
        %dma_start3A_1071 = arith.constant 0 : i32
        %dma_start3A_1072 = tpu.memref_slice %arg6[%rem3A_897, %dma_start3A_1065, %dma_start3A_1071] : memref<2x4x80xi32, #tpu.memory_space<vmem>> -> memref<1x1x80xi32, #tpu.memory_space<vmem>>
        %dma_start3A_1073 = tpu.memref_squeeze %dma_start3A_1072 : memref<1x1x80xi32, #tpu.memory_space<vmem>> -> memref<80xi32, #tpu.memory_space<vmem>>
        %dma_start3A_1074 = arith.constant 0 : i32
        %dma_start3A_1075 = arith.constant 0 : i32
        %dma_start3A_1076 = tpu.memref_slice %arg2[%dma_start3A_1074, %dma_start3A_1075] : memref<10000x128xf32, #tpu.memory_space<hbm>> -> memref<10000x128xf32, #tpu.memory_space<hbm>>
        tpu.enqueue_indirect_dma source(%dma_start3A_1076 : memref<10000x128xf32, #tpu.memory_space<hbm>>) target(%dma_start3A_1070 : memref<80x128xf32, #tpu.memory_space<vmem>>) offsets(%dma_start3A_1073 : memref<80xi32, #tpu.memory_space<vmem>>) semaphore(%arg10 : memref<!tpu.dma_semaphore, #tpu.memory_space<semaphore_mem>>)
      } else {
      }
    }
    %scan3A_833 = arith.constant 31 : i32
    %run_scoped3A_834 = arith.constant 0 : i32
    %run_scoped3A_835 = arith.constant 0 : i32
    "tpu.region"() ({
      %run_scoped3A_892 = tpu.sem_alloc : memref<!tpu.dma_semaphore, #tpu.memory_space<semaphore_mem>>
      %dma_start3A_893 = arith.constant 0 : i32
      %dma_start3A_894 = arith.constant 0 : i32
      %dma_start3A_895 = tpu.memref_slice %arg6[%run_scoped3A_835, %dma_start3A_893, %dma_start3A_894] : memref<2x4x80xi32, #tpu.memory_space<vmem>> -> memref<1x1x80xi32, #tpu.memory_space<vmem>>
      %dma_start3A_896 = tpu.memref_squeeze %dma_start3A_895 : memref<1x1x80xi32, #tpu.memory_space<vmem>> -> memref<1x80xi32, #tpu.memory_space<vmem>>
      %dma_start3A_897 = arith.constant 124 : i32
      %dma_start3A_898 = arith.constant 0 : i32
      %dma_start3A_899 = tpu.memref_slice %arg3[%run_scoped3A_834, %add3A, %dma_start3A_897, %dma_start3A_898] : memref<2x32x125x80xi32, #tpu.memory_space<hbm>> -> memref<1x1x1x80xi32, #tpu.memory_space<hbm>>
      %dma_start3A_900 = tpu.memref_squeeze %dma_start3A_899 : memref<1x1x1x80xi32, #tpu.memory_space<hbm>> -> memref<1x80xi32, #tpu.memory_space<hbm>>
      %dma_start3A_901 = arith.constant 0 : i32
      %dma_start3A_902 = arith.constant 0 : i32
      %dma_start3A_903 = tpu.memref_slice %arg6[%run_scoped3A_835, %dma_start3A_901, %dma_start3A_902] : memref<2x4x80xi32, #tpu.memory_space<vmem>> -> memref<1x1x80xi32, #tpu.memory_space<vmem>>
      %dma_start3A_904 = tpu.memref_squeeze %dma_start3A_903 : memref<1x1x80xi32, #tpu.memory_space<vmem>> -> memref<1x80xi32, #tpu.memory_space<vmem>>
      %dma_start3A_905 = arith.constant 124 : i32
      %dma_start3A_906 = arith.constant 0 : i32
      %dma_start3A_907 = tpu.memref_slice %arg3[%run_scoped3A_834, %add3A, %dma_start3A_905, %dma_start3A_906] : memref<2x32x125x80xi32, #tpu.memory_space<hbm>> -> memref<1x1x1x80xi32, #tpu.memory_space<hbm>>
      %dma_start3A_908 = tpu.memref_squeeze %dma_start3A_907 : memref<1x1x1x80xi32, #tpu.memory_space<hbm>> -> memref<1x80xi32, #tpu.memory_space<hbm>>
      tpu.enqueue_dma source(%dma_start3A_908 : memref<1x80xi32, #tpu.memory_space<hbm>>) target(%dma_start3A_904 : memref<1x80xi32, #tpu.memory_space<vmem>>) target_semaphore(%run_scoped3A_892 : memref<!tpu.dma_semaphore, #tpu.memory_space<semaphore_mem>>)
      %dma_wait3A_909 = arith.constant 0 : i32
      %dma_wait3A_910 = arith.constant 0 : i32
      %dma_wait3A_911 = tpu.memref_slice %arg6[%run_scoped3A_835, %dma_wait3A_909, %dma_wait3A_910] : memref<2x4x80xi32, #tpu.memory_space<vmem>> -> memref<1x1x80xi32, #tpu.memory_space<vmem>>
      %dma_wait3A_912 = tpu.memref_squeeze %dma_wait3A_911 : memref<1x1x80xi32, #tpu.memory_space<vmem>> -> memref<1x80xi32, #tpu.memory_space<vmem>>
      %dma_wait3A_913 = arith.constant 124 : i32
      %dma_wait3A_914 = arith.constant 0 : i32
      %dma_wait3A_915 = tpu.memref_slice %arg3[%run_scoped3A_834, %add3A, %dma_wait3A_913, %dma_wait3A_914] : memref<2x32x125x80xi32, #tpu.memory_space<hbm>> -> memref<1x1x1x80xi32, #tpu.memory_space<hbm>>
      %dma_wait3A_916 = tpu.memref_squeeze %dma_wait3A_915 : memref<1x1x1x80xi32, #tpu.memory_space<hbm>> -> memref<1x80xi32, #tpu.memory_space<hbm>>
      %dma_wait3A_917 = arith.constant 0 : i32
      %dma_wait3A_918 = arith.constant 0 : i32
      %dma_wait3A_919 = tpu.memref_slice %arg6[%run_scoped3A_835, %dma_wait3A_917, %dma_wait3A_918] : memref<2x4x80xi32, #tpu.memory_space<vmem>> -> memref<1x1x80xi32, #tpu.memory_space<vmem>>
      %dma_wait3A_920 = tpu.memref_squeeze %dma_wait3A_919 : memref<1x1x80xi32, #tpu.memory_space<vmem>> -> memref<1x80xi32, #tpu.memory_space<vmem>>
      %dma_wait3A_921 = arith.constant 124 : i32
      %dma_wait3A_922 = arith.constant 0 : i32
      %dma_wait3A_923 = tpu.memref_slice %arg3[%run_scoped3A_834, %add3A, %dma_wait3A_921, %dma_wait3A_922] : memref<2x32x125x80xi32, #tpu.memory_space<hbm>> -> memref<1x1x1x80xi32, #tpu.memory_space<hbm>>
      %dma_wait3A_924 = tpu.memref_squeeze %dma_wait3A_923 : memref<1x1x1x80xi32, #tpu.memory_space<hbm>> -> memref<1x80xi32, #tpu.memory_space<hbm>>
      tpu.wait_dma2 semaphore(%run_scoped3A_892 : memref<!tpu.dma_semaphore, #tpu.memory_space<semaphore_mem>>) src(%dma_wait3A_924 : memref<1x80xi32, #tpu.memory_space<hbm>>) dst(%dma_wait3A_920 : memref<1x80xi32, #tpu.memory_space<vmem>>)
      tpu.yield
    }) : () -> ()
    %run_scoped3A_836 = arith.constant 1 : i32
    %run_scoped3A_837 = arith.constant 0 : i32
    "tpu.region"() ({
      %run_scoped3A_892 = tpu.sem_alloc : memref<!tpu.dma_semaphore, #tpu.memory_space<semaphore_mem>>
      %dma_start3A_893 = arith.constant 0 : i32
      %dma_start3A_894 = arith.constant 0 : i32
      %dma_start3A_895 = tpu.memref_slice %arg7[%run_scoped3A_837, %dma_start3A_893, %dma_start3A_894] : memref<2x4x80xi32, #tpu.memory_space<vmem>> -> memref<1x1x80xi32, #tpu.memory_space<vmem>>
      %dma_start3A_896 = tpu.memref_squeeze %dma_start3A_895 : memref<1x1x80xi32, #tpu.memory_space<vmem>> -> memref<1x80xi32, #tpu.memory_space<vmem>>
      %dma_start3A_897 = arith.constant 124 : i32
      %dma_start3A_898 = arith.constant 0 : i32
      %dma_start3A_899 = tpu.memref_slice %arg3[%run_scoped3A_836, %add3A, %dma_start3A_897, %dma_start3A_898] : memref<2x32x125x80xi32, #tpu.memory_space<hbm>> -> memref<1x1x1x80xi32, #tpu.memory_space<hbm>>
      %dma_start3A_900 = tpu.memref_squeeze %dma_start3A_899 : memref<1x1x1x80xi32, #tpu.memory_space<hbm>> -> memref<1x80xi32, #tpu.memory_space<hbm>>
      %dma_start3A_901 = arith.constant 0 : i32
      %dma_start3A_902 = arith.constant 0 : i32
      %dma_start3A_903 = tpu.memref_slice %arg7[%run_scoped3A_837, %dma_start3A_901, %dma_start3A_902] : memref<2x4x80xi32, #tpu.memory_space<vmem>> -> memref<1x1x80xi32, #tpu.memory_space<vmem>>
      %dma_start3A_904 = tpu.memref_squeeze %dma_start3A_903 : memref<1x1x80xi32, #tpu.memory_space<vmem>> -> memref<1x80xi32, #tpu.memory_space<vmem>>
      %dma_start3A_905 = arith.constant 124 : i32
      %dma_start3A_906 = arith.constant 0 : i32
      %dma_start3A_907 = tpu.memref_slice %arg3[%run_scoped3A_836, %add3A, %dma_start3A_905, %dma_start3A_906] : memref<2x32x125x80xi32, #tpu.memory_space<hbm>> -> memref<1x1x1x80xi32, #tpu.memory_space<hbm>>
      %dma_start3A_908 = tpu.memref_squeeze %dma_start3A_907 : memref<1x1x1x80xi32, #tpu.memory_space<hbm>> -> memref<1x80xi32, #tpu.memory_space<hbm>>
      tpu.enqueue_dma source(%dma_start3A_908 : memref<1x80xi32, #tpu.memory_space<hbm>>) target(%dma_start3A_904 : memref<1x80xi32, #tpu.memory_space<vmem>>) target_semaphore(%run_scoped3A_892 : memref<!tpu.dma_semaphore, #tpu.memory_space<semaphore_mem>>)
      %dma_wait3A_909 = arith.constant 0 : i32
      %dma_wait3A_910 = arith.constant 0 : i32
      %dma_wait3A_911 = tpu.memref_slice %arg7[%run_scoped3A_837, %dma_wait3A_909, %dma_wait3A_910] : memref<2x4x80xi32, #tpu.memory_space<vmem>> -> memref<1x1x80xi32, #tpu.memory_space<vmem>>
      %dma_wait3A_912 = tpu.memref_squeeze %dma_wait3A_911 : memref<1x1x80xi32, #tpu.memory_space<vmem>> -> memref<1x80xi32, #tpu.memory_space<vmem>>
      %dma_wait3A_913 = arith.constant 124 : i32
      %dma_wait3A_914 = arith.constant 0 : i32
      %dma_wait3A_915 = tpu.memref_slice %arg3[%run_scoped3A_836, %add3A, %dma_wait3A_913, %dma_wait3A_914] : memref<2x32x125x80xi32, #tpu.memory_space<hbm>> -> memref<1x1x1x80xi32, #tpu.memory_space<hbm>>
      %dma_wait3A_916 = tpu.memref_squeeze %dma_wait3A_915 : memref<1x1x1x80xi32, #tpu.memory_space<hbm>> -> memref<1x80xi32, #tpu.memory_space<hbm>>
      %dma_wait3A_917 = arith.constant 0 : i32
      %dma_wait3A_918 = arith.constant 0 : i32
      %dma_wait3A_919 = tpu.memref_slice %arg7[%run_scoped3A_837, %dma_wait3A_917, %dma_wait3A_918] : memref<2x4x80xi32, #tpu.memory_space<vmem>> -> memref<1x1x80xi32, #tpu.memory_space<vmem>>
      %dma_wait3A_920 = tpu.memref_squeeze %dma_wait3A_919 : memref<1x1x80xi32, #tpu.memory_space<vmem>> -> memref<1x80xi32, #tpu.memory_space<vmem>>
      %dma_wait3A_921 = arith.constant 124 : i32
      %dma_wait3A_922 = arith.constant 0 : i32
      %dma_wait3A_923 = tpu.memref_slice %arg3[%run_scoped3A_836, %add3A, %dma_wait3A_921, %dma_wait3A_922] : memref<2x32x125x80xi32, #tpu.memory_space<hbm>> -> memref<1x1x1x80xi32, #tpu.memory_space<hbm>>
      %dma_wait3A_924 = tpu.memref_squeeze %dma_wait3A_923 : memref<1x1x1x80xi32, #tpu.memory_space<hbm>> -> memref<1x80xi32, #tpu.memory_space<hbm>>
      tpu.wait_dma2 semaphore(%run_scoped3A_892 : memref<!tpu.dma_semaphore, #tpu.memory_space<semaphore_mem>>) src(%dma_wait3A_924 : memref<1x80xi32, #tpu.memory_space<hbm>>) dst(%dma_wait3A_920 : memref<1x80xi32, #tpu.memory_space<vmem>>)
      tpu.yield
    }) : () -> ()
    %dma_start3A_838 = arith.constant 0 : i32
    %dma_start3A_839 = arith.constant 0 : i32
    %dma_start3A_840 = arith.constant 0 : i32
    %dma_start3A_841 = arith.constant 0 : i32
    %dma_start3A_842 = arith.constant 0 : i32
    %dma_start3A_843 = tpu.memref_slice %arg8[%dma_start3A_840, %dma_start3A_841, %dma_start3A_842] : memref<4x80x128xf32, #tpu.memory_space<vmem>> -> memref<1x80x128xf32, #tpu.memory_space<vmem>>
    %dma_start3A_844 = tpu.memref_squeeze %dma_start3A_843 : memref<1x80x128xf32, #tpu.memory_space<vmem>> -> memref<80x128xf32, #tpu.memory_space<vmem>>
    %dma_start3A_845 = arith.constant 0 : i32
    %dma_start3A_846 = tpu.memref_slice %arg6[%dma_start3A_838, %dma_start3A_839, %dma_start3A_845] : memref<2x4x80xi32, #tpu.memory_space<vmem>> -> memref<1x1x80xi32, #tpu.memory_space<vmem>>
    %dma_start3A_847 = tpu.memref_squeeze %dma_start3A_846 : memref<1x1x80xi32, #tpu.memory_space<vmem>> -> memref<80xi32, #tpu.memory_space<vmem>>
    %dma_start3A_848 = arith.constant 0 : i32
    %dma_start3A_849 = arith.constant 0 : i32
    %dma_start3A_850 = tpu.memref_slice %arg2[%dma_start3A_848, %dma_start3A_849] : memref<10000x128xf32, #tpu.memory_space<hbm>> -> memref<10000x128xf32, #tpu.memory_space<hbm>>
    tpu.enqueue_indirect_dma source(%dma_start3A_850 : memref<10000x128xf32, #tpu.memory_space<hbm>>) target(%dma_start3A_844 : memref<80x128xf32, #tpu.memory_space<vmem>>) offsets(%dma_start3A_847 : memref<80xi32, #tpu.memory_space<vmem>>) semaphore(%arg10 : memref<!tpu.dma_semaphore, #tpu.memory_space<semaphore_mem>>)
    %dma_wait3A = arith.constant 0 : i32
    %dma_wait3A_851 = arith.constant 0 : i32
    %dma_wait3A_852 = arith.constant 0 : i32
    %dma_wait3A_853 = arith.constant 0 : i32
    %dma_wait3A_854 = arith.constant 0 : i32
    %dma_wait3A_855 = tpu.memref_slice %arg8[%dma_wait3A_852, %dma_wait3A_853, %dma_wait3A_854] : memref<4x80x128xf32, #tpu.memory_space<vmem>> -> memref<1x80x128xf32, #tpu.memory_space<vmem>>
    %dma_wait3A_856 = tpu.memref_squeeze %dma_wait3A_855 : memref<1x80x128xf32, #tpu.memory_space<vmem>> -> memref<80x128xf32, #tpu.memory_space<vmem>>
    %dma_wait3A_857 = arith.constant 0 : i32
    %dma_wait3A_858 = tpu.memref_slice %arg6[%dma_wait3A, %dma_wait3A_851, %dma_wait3A_857] : memref<2x4x80xi32, #tpu.memory_space<vmem>> -> memref<1x1x80xi32, #tpu.memory_space<vmem>>
    %dma_wait3A_859 = tpu.memref_squeeze %dma_wait3A_858 : memref<1x1x80xi32, #tpu.memory_space<vmem>> -> memref<80xi32, #tpu.memory_space<vmem>>
    %dma_wait3A_860 = arith.constant 0 : i32
    %dma_wait3A_861 = arith.constant 0 : i32
    %dma_wait3A_862 = tpu.memref_slice %arg2[%dma_wait3A_860, %dma_wait3A_861] : memref<10000x128xf32, #tpu.memory_space<hbm>> -> memref<10000x128xf32, #tpu.memory_space<hbm>>
    tpu.wait_indirect_dma semaphore(%arg10 : memref<!tpu.dma_semaphore, #tpu.memory_space<semaphore_mem>>) src(%dma_wait3A_862 : memref<10000x128xf32, #tpu.memory_space<hbm>>) dst(%dma_wait3A_856 : memref<80x128xf32, #tpu.memory_space<vmem>>)
    %dma_start3A_863 = arith.constant 0 : i32
    %dma_start3A_864 = arith.constant 0 : i32
    %dma_start3A_865 = arith.constant 0 : i32
    %dma_start3A_866 = arith.constant 0 : i32
    %dma_start3A_867 = arith.constant 0 : i32
    %dma_start3A_868 = tpu.memref_slice %arg8[%dma_start3A_863, %dma_start3A_866, %dma_start3A_867] : memref<4x80x128xf32, #tpu.memory_space<vmem>> -> memref<1x80x128xf32, #tpu.memory_space<vmem>>
    %dma_start3A_869 = tpu.memref_squeeze %dma_start3A_868 : memref<1x80x128xf32, #tpu.memory_space<vmem>> -> memref<80x128xf32, #tpu.memory_space<vmem>>
    %dma_start3A_870 = arith.constant 0 : i32
    %dma_start3A_871 = tpu.memref_slice %arg7[%dma_start3A_864, %dma_start3A_865, %dma_start3A_870] : memref<2x4x80xi32, #tpu.memory_space<vmem>> -> memref<1x1x80xi32, #tpu.memory_space<vmem>>
    %dma_start3A_872 = tpu.memref_squeeze %dma_start3A_871 : memref<1x1x80xi32, #tpu.memory_space<vmem>> -> memref<80xi32, #tpu.memory_space<vmem>>
    %dma_start3A_873 = arith.constant 0 : i32
    %dma_start3A_874 = arith.constant 0 : i32
    %dma_start3A_875 = tpu.memref_slice %arg5[%dma_start3A_873, %dma_start3A_874] : memref<10240x128xf32, #tpu.memory_space<vmem_shared>> -> memref<10240x128xf32, #tpu.memory_space<vmem_shared>>
    tpu.enqueue_indirect_dma source(%dma_start3A_869 : memref<80x128xf32, #tpu.memory_space<vmem>>) target(%dma_start3A_875 : memref<10240x128xf32, #tpu.memory_space<vmem_shared>>) offsets(%dma_start3A_872 : memref<80xi32, #tpu.memory_space<vmem>>) semaphore(%arg11 : memref<!tpu.dma_semaphore, #tpu.memory_space<semaphore_mem>>) {add = true}
    %dma_wait3A_876 = arith.constant 0 : i32
    %dma_wait3A_877 = arith.constant 0 : i32
    %dma_wait3A_878 = arith.constant 0 : i32
    %dma_wait3A_879 = arith.constant 0 : i32
    %dma_wait3A_880 = arith.constant 0 : i32
    %dma_wait3A_881 = tpu.memref_slice %arg8[%dma_wait3A_876, %dma_wait3A_879, %dma_wait3A_880] : memref<4x80x128xf32, #tpu.memory_space<vmem>> -> memref<1x80x128xf32, #tpu.memory_space<vmem>>
    %dma_wait3A_882 = tpu.memref_squeeze %dma_wait3A_881 : memref<1x80x128xf32, #tpu.memory_space<vmem>> -> memref<80x128xf32, #tpu.memory_space<vmem>>
    %dma_wait3A_883 = arith.constant 0 : i32
    %dma_wait3A_884 = tpu.memref_slice %arg7[%dma_wait3A_877, %dma_wait3A_878, %dma_wait3A_883] : memref<2x4x80xi32, #tpu.memory_space<vmem>> -> memref<1x1x80xi32, #tpu.memory_space<vmem>>
    %dma_wait3A_885 = tpu.memref_squeeze %dma_wait3A_884 : memref<1x1x80xi32, #tpu.memory_space<vmem>> -> memref<80xi32, #tpu.memory_space<vmem>>
    %dma_wait3A_886 = arith.constant 0 : i32
    %dma_wait3A_887 = arith.constant 0 : i32
    %dma_wait3A_888 = tpu.memref_slice %arg5[%dma_wait3A_886, %dma_wait3A_887] : memref<10240x128xf32, #tpu.memory_space<vmem_shared>> -> memref<10240x128xf32, #tpu.memory_space<vmem_shared>>
    tpu.wait_indirect_dma semaphore(%arg11 : memref<!tpu.dma_semaphore, #tpu.memory_space<semaphore_mem>>) src(%dma_wait3A_882 : memref<80x128xf32, #tpu.memory_space<vmem>>) dst(%dma_wait3A_888 : memref<10240x128xf32, #tpu.memory_space<vmem_shared>>)
    %barrier3A_889 = arith.constant 0 : index
    tpu.barrier barrier_id(%barrier3A_889)
    %mul3A_890 = arith.constant 640 : i32
    %mul3A_891 = arith.muli %arg1, %mul3A_890 : i32
    "tpu.region"() ({
      %run_scoped3A_892 = tpu.sem_alloc : memref<!tpu.dma_semaphore, #tpu.memory_space<semaphore_mem>>
      %dma_start3A_893 = arith.constant 0 : i32
      %dma_start3A_894 = tpu.memref_slice %arg4[%arg0, %mul3A_891, %dma_start3A_893] : memref<2x10240x128xf32, #tpu.memory_space<hbm>> -> memref<1x640x128xf32, #tpu.memory_space<hbm>>
      %dma_start3A_895 = tpu.memref_squeeze %dma_start3A_894 : memref<1x640x128xf32, #tpu.memory_space<hbm>> -> memref<640x128xf32, #tpu.memory_space<hbm>>
      %dma_start3A_896 = arith.constant 0 : i32
      %dma_start3A_897 = tpu.memref_slice %arg5[%mul3A_891, %dma_start3A_896] : memref<10240x128xf32, #tpu.memory_space<vmem_shared>> -> memref<640x128xf32, #tpu.memory_space<vmem_shared>>
      tpu.enqueue_dma source(%dma_start3A_897 : memref<640x128xf32, #tpu.memory_space<vmem_shared>>) target(%dma_start3A_895 : memref<640x128xf32, #tpu.memory_space<hbm>>) target_semaphore(%run_scoped3A_892 : memref<!tpu.dma_semaphore, #tpu.memory_space<semaphore_mem>>)
      %dma_wait3A_898 = arith.constant 0 : i32
      %dma_wait3A_899 = tpu.memref_slice %arg4[%arg0, %mul3A_891, %dma_wait3A_898] : memref<2x10240x128xf32, #tpu.memory_space<hbm>> -> memref<1x640x128xf32, #tpu.memory_space<hbm>>
      %dma_wait3A_900 = tpu.memref_squeeze %dma_wait3A_899 : memref<1x640x128xf32, #tpu.memory_space<hbm>> -> memref<640x128xf32, #tpu.memory_space<hbm>>
      %dma_wait3A_901 = arith.constant 0 : i32
      %dma_wait3A_902 = tpu.memref_slice %arg5[%mul3A_891, %dma_wait3A_901] : memref<10240x128xf32, #tpu.memory_space<vmem_shared>> -> memref<640x128xf32, #tpu.memory_space<vmem_shared>>
      tpu.wait_dma2 semaphore(%run_scoped3A_892 : memref<!tpu.dma_semaphore, #tpu.memory_space<semaphore_mem>>) src(%dma_wait3A_902 : memref<640x128xf32, #tpu.memory_space<vmem_shared>>) dst(%dma_wait3A_900 : memref<640x128xf32, #tpu.memory_space<hbm>>)
      tpu.yield
    }) : () -> ()
    return
  }
}

#map = affine_map<(d0, d1) -> (0, 0, 0, 0)>
#map1 = affine_map<(d0, d1) -> (0, 0)>
module attributes {stable_mosaic.version = 14 : i64} {
  func.func @_deg_body(%arg0: i32, %arg1: i32, %arg2: memref<2x32x125x80xi32, #tpu.memory_space<hbm>>, %arg3: memref<32x10240xf32, #tpu.memory_space<hbm>>, %arg4: memref<10240xf32, #tpu.memory_space<vmem>>, %arg5: memref<125x80xi32, #tpu.memory_space<vmem>>) attributes {dimension_semantics = [#tpu.dimension_semantics<core_parallel>, #tpu.dimension_semantics<subcore_parallel>], iteration_bounds = array<i64: 2, 16>, scalar_prefetch = 0 : i64, scratch_operands = 2 : i64, tpu.core_type = #tpu.core_type<sc_vector_subcore>, window_params = [{transform_indices = #map}, {transform_indices = #map1}]} {
    %mul3A = arith.constant 2 : i32
    %mul3A_0 = arith.muli %arg1, %mul3A : i32
    %add3A = arith.addi %mul3A_0, %arg0 : i32
    %broadcast_in_dim3A = arith.constant 0.000000e+00 : f32
    %broadcast_in_dim3A_1 = vector.broadcast %broadcast_in_dim3A : f32 to vector<16xf32>
    %scan3A = arith.constant 0 : i32
    %scan3A_2 = arith.constant 0 : i32
    %scan3A_3 = arith.constant 640 : i32
    %scan3A_4 = arith.addi %scan3A_2, %scan3A_3 : i32
    %scan3A_5 = arith.constant 1 : i32
    scf.for %scan3A_15 = %scan3A_2 to %scan3A_4 step %scan3A_5  : i32 {
      %mul3A_16 = arith.constant 16 : i32
      %mul3A_17 = arith.muli %scan3A_15, %mul3A_16 : i32
      %swap3A = arith.index_cast %mul3A_17 : i32 to index
      %swap3A_18 = tpu.vector_load %arg4[%swap3A] {strides = array<i32>} : memref<10240xf32, #tpu.memory_space<vmem>>, vector<16xf32>,
      tpu.vector_store %arg4[%swap3A], %broadcast_in_dim3A_1 {strides = array<i32>} : memref<10240xf32, #tpu.memory_space<vmem>>, vector<16xf32>,
    }
    %scan3A_6 = arith.constant 640 : i32
    %run_scoped3A = arith.constant 1 : i32
    "tpu.region"() ({
      %run_scoped3A_15 = tpu.sem_alloc : memref<!tpu.dma_semaphore, #tpu.memory_space<semaphore_mem>>
      %dma_start3A = arith.constant 0 : i32
      %dma_start3A_16 = arith.constant 0 : i32
      %dma_start3A_17 = tpu.memref_slice %arg2[%run_scoped3A, %add3A, %dma_start3A, %dma_start3A_16] : memref<2x32x125x80xi32, #tpu.memory_space<hbm>> -> memref<1x1x125x80xi32, #tpu.memory_space<hbm>>
      %dma_start3A_18 = tpu.memref_squeeze %dma_start3A_17 : memref<1x1x125x80xi32, #tpu.memory_space<hbm>> -> memref<125x80xi32, #tpu.memory_space<hbm>>
      %dma_start3A_19 = arith.constant 0 : i32
      %dma_start3A_20 = arith.constant 0 : i32
      %dma_start3A_21 = tpu.memref_slice %arg2[%run_scoped3A, %add3A, %dma_start3A_19, %dma_start3A_20] : memref<2x32x125x80xi32, #tpu.memory_space<hbm>> -> memref<1x1x125x80xi32, #tpu.memory_space<hbm>>
      %dma_start3A_22 = tpu.memref_squeeze %dma_start3A_21 : memref<1x1x125x80xi32, #tpu.memory_space<hbm>> -> memref<125x80xi32, #tpu.memory_space<hbm>>
      tpu.enqueue_dma source(%dma_start3A_22 : memref<125x80xi32, #tpu.memory_space<hbm>>) target(%arg5 : memref<125x80xi32, #tpu.memory_space<vmem>>) target_semaphore(%run_scoped3A_15 : memref<!tpu.dma_semaphore, #tpu.memory_space<semaphore_mem>>)
      %dma_wait3A = arith.constant 0 : i32
      %dma_wait3A_23 = arith.constant 0 : i32
      %dma_wait3A_24 = tpu.memref_slice %arg2[%run_scoped3A, %add3A, %dma_wait3A, %dma_wait3A_23] : memref<2x32x125x80xi32, #tpu.memory_space<hbm>> -> memref<1x1x125x80xi32, #tpu.memory_space<hbm>>
      %dma_wait3A_25 = tpu.memref_squeeze %dma_wait3A_24 : memref<1x1x125x80xi32, #tpu.memory_space<hbm>> -> memref<125x80xi32, #tpu.memory_space<hbm>>
      %dma_wait3A_26 = arith.constant 0 : i32
      %dma_wait3A_27 = arith.constant 0 : i32
      %dma_wait3A_28 = tpu.memref_slice %arg2[%run_scoped3A, %add3A, %dma_wait3A_26, %dma_wait3A_27] : memref<2x32x125x80xi32, #tpu.memory_space<hbm>> -> memref<1x1x125x80xi32, #tpu.memory_space<hbm>>
      %dma_wait3A_29 = tpu.memref_squeeze %dma_wait3A_28 : memref<1x1x125x80xi32, #tpu.memory_space<hbm>> -> memref<125x80xi32, #tpu.memory_space<hbm>>
      tpu.wait_dma2 semaphore(%run_scoped3A_15 : memref<!tpu.dma_semaphore, #tpu.memory_space<semaphore_mem>>) src(%dma_wait3A_29 : memref<125x80xi32, #tpu.memory_space<hbm>>) dst(%arg5 : memref<125x80xi32, #tpu.memory_space<vmem>>)
      tpu.yield
    }) : () -> ()
    %broadcast_in_dim3A_7 = arith.constant 1.000000e+00 : f32
    %broadcast_in_dim3A_8 = vector.broadcast %broadcast_in_dim3A_7 : f32 to vector<16xf32>
    %scan3A_9 = arith.constant 0 : i32
    %scan3A_10 = arith.constant 0 : i32
    %scan3A_11 = arith.constant 625 : i32
    %scan3A_12 = arith.addi %scan3A_10, %scan3A_11 : i32
    %scan3A_13 = arith.constant 1 : i32
    scf.for %scan3A_15 = %scan3A_10 to %scan3A_12 step %scan3A_13  : i32 {
      %jit3A = arith.constant 5 : i32
      %div3A = arith.divsi %scan3A_15, %jit3A : i32
      %sign3A = arith.constant 0 : i32
      %sign3A_16 = arith.cmpi sgt, %scan3A_15, %sign3A : i32
      %sign3A_17 = arith.extui %sign3A_16 : i1 to i32
      %sign3A_18 = arith.constant 0 : i32
      %sign3A_19 = arith.cmpi slt, %scan3A_15, %sign3A_18 : i32
      %sign3A_20 = arith.extui %sign3A_19 : i1 to i32
      %sign3A_21 = arith.subi %sign3A_17, %sign3A_20 : i32
      %sign3A_22 = arith.constant 0 : i32
      %sign3A_23 = arith.cmpi sgt, %jit3A, %sign3A_22 : i32
      %sign3A_24 = arith.extui %sign3A_23 : i1 to i32
      %sign3A_25 = arith.constant 0 : i32
      %sign3A_26 = arith.cmpi slt, %jit3A, %sign3A_25 : i32
      %sign3A_27 = arith.extui %sign3A_26 : i1 to i32
      %sign3A_28 = arith.subi %sign3A_24, %sign3A_27 : i32
      %ne3A = arith.cmpi ne, %sign3A_21, %sign3A_28 : i32
      %rem3A = arith.remsi %scan3A_15, %jit3A : i32
      %ne3A_29 = arith.constant 0 : i32
      %ne3A_30 = arith.cmpi ne, %rem3A, %ne3A_29 : i32
      %and3A = arith.andi %ne3A, %ne3A_30 : i1
      %sub3A = arith.constant 1 : i32
      %sub3A_31 = arith.subi %div3A, %sub3A : i32
      %select_n3A = arith.select %and3A, %sub3A_31, %div3A : i32
      %rem3A_32 = arith.constant 5 : i32
      %rem3A_33 = arith.remsi %scan3A_15, %rem3A_32 : i32
      %mul3A_34 = arith.constant 16 : i32
      %mul3A_35 = arith.muli %rem3A_33, %mul3A_34 : i32
      %get3A = arith.index_cast %select_n3A : i32 to index
      %get3A_36 = arith.index_cast %mul3A_35 : i32 to index
      %get3A_37 = tpu.vector_load %arg5[%get3A, %get3A_36] {strides = array<i32>} : memref<125x80xi32, #tpu.memory_space<vmem>>, vector<16xi32>,
      tpu.vector_store_idx %arg4[%get3A_37], %broadcast_in_dim3A_8 {add = true} : memref<10240xf32, #tpu.memory_space<vmem>>[vector<16xi32>], vector<16xf32>,
    }
    %scan3A_14 = arith.constant 625 : i32
    "tpu.region"() ({
      %run_scoped3A_15 = tpu.sem_alloc : memref<!tpu.dma_semaphore, #tpu.memory_space<semaphore_mem>>
      %dma_start3A = arith.constant 0 : i32
      %dma_start3A_16 = tpu.memref_slice %arg3[%add3A, %dma_start3A] : memref<32x10240xf32, #tpu.memory_space<hbm>> -> memref<1x10240xf32, #tpu.memory_space<hbm>>
      %dma_start3A_17 = tpu.memref_squeeze %dma_start3A_16 : memref<1x10240xf32, #tpu.memory_space<hbm>> -> memref<10240xf32, #tpu.memory_space<hbm>>
      %dma_start3A_18 = arith.constant 0 : i32
      %dma_start3A_19 = tpu.memref_slice %arg3[%add3A, %dma_start3A_18] : memref<32x10240xf32, #tpu.memory_space<hbm>> -> memref<1x10240xf32, #tpu.memory_space<hbm>>
      %dma_start3A_20 = tpu.memref_squeeze %dma_start3A_19 : memref<1x10240xf32, #tpu.memory_space<hbm>> -> memref<10240xf32, #tpu.memory_space<hbm>>
      tpu.enqueue_dma source(%arg4 : memref<10240xf32, #tpu.memory_space<vmem>>) target(%dma_start3A_20 : memref<10240xf32, #tpu.memory_space<hbm>>) target_semaphore(%run_scoped3A_15 : memref<!tpu.dma_semaphore, #tpu.memory_space<semaphore_mem>>)
      %dma_wait3A = arith.constant 0 : i32
      %dma_wait3A_21 = tpu.memref_slice %arg3[%add3A, %dma_wait3A] : memref<32x10240xf32, #tpu.memory_space<hbm>> -> memref<1x10240xf32, #tpu.memory_space<hbm>>
      %dma_wait3A_22 = tpu.memref_squeeze %dma_wait3A_21 : memref<1x10240xf32, #tpu.memory_space<hbm>> -> memref<10240xf32, #tpu.memory_space<hbm>>
      %dma_wait3A_23 = arith.constant 0 : i32
      %dma_wait3A_24 = tpu.memref_slice %arg3[%add3A, %dma_wait3A_23] : memref<32x10240xf32, #tpu.memory_space<hbm>> -> memref<1x10240xf32, #tpu.memory_space<hbm>>
      %dma_wait3A_25 = tpu.memref_squeeze %dma_wait3A_24 : memref<1x10240xf32, #tpu.memory_space<hbm>> -> memref<10240xf32, #tpu.memory_space<hbm>>
      tpu.wait_dma2 semaphore(%run_scoped3A_15 : memref<!tpu.dma_semaphore, #tpu.memory_space<semaphore_mem>>) src(%arg4 : memref<10240xf32, #tpu.memory_space<vmem>>) dst(%dma_wait3A_25 : memref<10240xf32, #tpu.memory_space<hbm>>)
      tpu.yield
    }) : () -> ()
    return
  }
}

#map = affine_map<(d0, d1) -> (0, 0)>
#map1 = affine_map<(d0, d1) -> (0, 0, 0, 0)>
#map2 = affine_map<(d0, d1) -> (0, 0, 0)>
module attributes {stable_mosaic.version = 14 : i64} {
  func.func @_conv_body(%arg0: i32, %arg1: i32, %arg2: memref<10000x128xf32, #tpu.memory_space<hbm>>, %arg3: memref<2x32x125x80xi32, #tpu.memory_space<hbm>>, %arg4: memref<2x10240x128xf32, #tpu.memory_space<hbm>>, %arg5: memref<10240x128xf32, #tpu.memory_space<vmem_shared>>, %arg6: memref<2x4x80xi32, #tpu.memory_space<vmem>>, %arg7: memref<2x4x80xi32, #tpu.memory_space<vmem>>, %arg8: memref<4x80x128xf32, #tpu.memory_space<vmem>>, %arg9: memref<16x128xf32, #tpu.memory_space<vmem>>, %arg10: memref<!tpu.dma_semaphore, #tpu.memory_space<semaphore_mem>>, %arg11: memref<!tpu.dma_semaphore, #tpu.memory_space<semaphore_mem>>, %arg12: memref<!tpu.dma_semaphore, #tpu.memory_space<semaphore_mem>>) attributes {dimension_semantics = [#tpu.dimension_semantics<core_parallel>, #tpu.dimension_semantics<subcore_parallel>], iteration_bounds = array<i64: 2, 16>, scalar_prefetch = 0 : i64, scratch_operands = 8 : i64, tpu.core_type = #tpu.core_type<sc_vector_subcore>, window_params = [{transform_indices = #map}, {transform_indices = #map1}, {transform_indices = #map2}]} {
    %mul3A = arith.constant 2 : i32
    %mul3A_0 = arith.muli %arg1, %mul3A : i32
    %add3A = arith.addi %mul3A_0, %arg0 : i32
    %run_scoped3A = arith.constant 0 : i32
    %run_scoped3A_1 = arith.constant 0 : i32
    "tpu.region"() ({
      %run_scoped3A_892 = tpu.sem_alloc : memref<!tpu.dma_semaphore, #tpu.memory_space<semaphore_mem>>
      %dma_start3A_893 = arith.constant 0 : i32
      %dma_start3A_894 = arith.constant 0 : i32
      %dma_start3A_895 = tpu.memref_slice %arg6[%run_scoped3A_1, %dma_start3A_893, %dma_start3A_894] : memref<2x4x80xi32, #tpu.memory_space<vmem>> -> memref<1x4x80xi32, #tpu.memory_space<vmem>>
      %dma_start3A_896 = tpu.memref_squeeze %dma_start3A_895 : memref<1x4x80xi32, #tpu.memory_space<vmem>> -> memref<4x80xi32, #tpu.memory_space<vmem>>
      %dma_start3A_897 = arith.constant 0 : i32
      %dma_start3A_898 = arith.constant 0 : i32
      %dma_start3A_899 = tpu.memref_slice %arg3[%run_scoped3A, %add3A, %dma_start3A_897, %dma_start3A_898] : memref<2x32x125x80xi32, #tpu.memory_space<hbm>> -> memref<1x1x4x80xi32, #tpu.memory_space<hbm>>
      %dma_start3A_900 = tpu.memref_squeeze %dma_start3A_899 : memref<1x1x4x80xi32, #tpu.memory_space<hbm>> -> memref<4x80xi32, #tpu.memory_space<hbm>>
      %dma_start3A_901 = arith.constant 0 : i32
      %dma_start3A_902 = arith.constant 0 : i32
      %dma_start3A_903 = tpu.memref_slice %arg6[%run_scoped3A_1, %dma_start3A_901, %dma_start3A_902] : memref<2x4x80xi32, #tpu.memory_space<vmem>> -> memref<1x4x80xi32, #tpu.memory_space<vmem>>
      %dma_start3A_904 = tpu.memref_squeeze %dma_start3A_903 : memref<1x4x80xi32, #tpu.memory_space<vmem>> -> memref<4x80xi32, #tpu.memory_space<vmem>>
      %dma_start3A_905 = arith.constant 0 : i32
      %dma_start3A_906 = arith.constant 0 : i32
      %dma_start3A_907 = tpu.memref_slice %arg3[%run_scoped3A, %add3A, %dma_start3A_905, %dma_start3A_906] : memref<2x32x125x80xi32, #tpu.memory_space<hbm>> -> memref<1x1x4x80xi32, #tpu.memory_space<hbm>>
      %dma_start3A_908 = tpu.memref_squeeze %dma_start3A_907 : memref<1x1x4x80xi32, #tpu.memory_space<hbm>> -> memref<4x80xi32, #tpu.memory_space<hbm>>
      tpu.enqueue_dma source(%dma_start3A_908 : memref<4x80xi32, #tpu.memory_space<hbm>>) target(%dma_start3A_904 : memref<4x80xi32, #tpu.memory_space<vmem>>) target_semaphore(%run_scoped3A_892 : memref<!tpu.dma_semaphore, #tpu.memory_space<semaphore_mem>>)
      %dma_wait3A_909 = arith.constant 0 : i32
      %dma_wait3A_910 = arith.constant 0 : i32
      %dma_wait3A_911 = tpu.memref_slice %arg6[%run_scoped3A_1, %dma_wait3A_909, %dma_wait3A_910] : memref<2x4x80xi32, #tpu.memory_space<vmem>> -> memref<1x4x80xi32, #tpu.memory_space<vmem>>
      %dma_wait3A_912 = tpu.memref_squeeze %dma_wait3A_911 : memref<1x4x80xi32, #tpu.memory_space<vmem>> -> memref<4x80xi32, #tpu.memory_space<vmem>>
      %dma_wait3A_913 = arith.constant 0 : i32
      %dma_wait3A_914 = arith.constant 0 : i32
      %dma_wait3A_915 = tpu.memref_slice %arg3[%run_scoped3A, %add3A, %dma_wait3A_913, %dma_wait3A_914] : memref<2x32x125x80xi32, #tpu.memory_space<hbm>> -> memref<1x1x4x80xi32, #tpu.memory_space<hbm>>
      %dma_wait3A_916 = tpu.memref_squeeze %dma_wait3A_915 : memref<1x1x4x80xi32, #tpu.memory_space<hbm>> -> memref<4x80xi32, #tpu.memory_space<hbm>>
      %dma_wait3A_917 = arith.constant 0 : i32
      %dma_wait3A_918 = arith.constant 0 : i32
      %dma_wait3A_919 = tpu.memref_slice %arg6[%run_scoped3A_1, %dma_wait3A_917, %dma_wait3A_918] : memref<2x4x80xi32, #tpu.memory_space<vmem>> -> memref<1x4x80xi32, #tpu.memory_space<vmem>>
      %dma_wait3A_920 = tpu.memref_squeeze %dma_wait3A_919 : memref<1x4x80xi32, #tpu.memory_space<vmem>> -> memref<4x80xi32, #tpu.memory_space<vmem>>
      %dma_wait3A_921 = arith.constant 0 : i32
      %dma_wait3A_922 = arith.constant 0 : i32
      %dma_wait3A_923 = tpu.memref_slice %arg3[%run_scoped3A, %add3A, %dma_wait3A_921, %dma_wait3A_922] : memref<2x32x125x80xi32, #tpu.memory_space<hbm>> -> memref<1x1x4x80xi32, #tpu.memory_space<hbm>>
      %dma_wait3A_924 = tpu.memref_squeeze %dma_wait3A_923 : memref<1x1x4x80xi32, #tpu.memory_space<hbm>> -> memref<4x80xi32, #tpu.memory_space<hbm>>
      tpu.wait_dma2 semaphore(%run_scoped3A_892 : memref<!tpu.dma_semaphore, #tpu.memory_space<semaphore_mem>>) src(%dma_wait3A_924 : memref<4x80xi32, #tpu.memory_space<hbm>>) dst(%dma_wait3A_920 : memref<4x80xi32, #tpu.memory_space<vmem>>)
      tpu.yield
    }) : () -> ()
    %run_scoped3A_2 = arith.constant 1 : i32
    %run_scoped3A_3 = arith.constant 0 : i32
    "tpu.region"() ({
      %run_scoped3A_892 = tpu.sem_alloc : memref<!tpu.dma_semaphore, #tpu.memory_space<semaphore_mem>>
      %dma_start3A_893 = arith.constant 0 : i32
      %dma_start3A_894 = arith.constant 0 : i32
      %dma_start3A_895 = tpu.memref_slice %arg7[%run_scoped3A_3, %dma_start3A_893, %dma_start3A_894] : memref<2x4x80xi32, #tpu.memory_space<vmem>> -> memref<1x4x80xi32, #tpu.memory_space<vmem>>
      %dma_start3A_896 = tpu.memref_squeeze %dma_start3A_895 : memref<1x4x80xi32, #tpu.memory_space<vmem>> -> memref<4x80xi32, #tpu.memory_space<vmem>>
      %dma_start3A_897 = arith.constant 0 : i32
      %dma_start3A_898 = arith.constant 0 : i32
      %dma_start3A_899 = tpu.memref_slice %arg3[%run_scoped3A_2, %add3A, %dma_start3A_897, %dma_start3A_898] : memref<2x32x125x80xi32, #tpu.memory_space<hbm>> -> memref<1x1x4x80xi32, #tpu.memory_space<hbm>>
      %dma_start3A_900 = tpu.memref_squeeze %dma_start3A_899 : memref<1x1x4x80xi32, #tpu.memory_space<hbm>> -> memref<4x80xi32, #tpu.memory_space<hbm>>
      %dma_start3A_901 = arith.constant 0 : i32
      %dma_start3A_902 = arith.constant 0 : i32
      %dma_start3A_903 = tpu.memref_slice %arg7[%run_scoped3A_3, %dma_start3A_901, %dma_start3A_902] : memref<2x4x80xi32, #tpu.memory_space<vmem>> -> memref<1x4x80xi32, #tpu.memory_space<vmem>>
      %dma_start3A_904 = tpu.memref_squeeze %dma_start3A_903 : memref<1x4x80xi32, #tpu.memory_space<vmem>> -> memref<4x80xi32, #tpu.memory_space<vmem>>
      %dma_start3A_905 = arith.constant 0 : i32
      %dma_start3A_906 = arith.constant 0 : i32
      %dma_start3A_907 = tpu.memref_slice %arg3[%run_scoped3A_2, %add3A, %dma_start3A_905, %dma_start3A_906] : memref<2x32x125x80xi32, #tpu.memory_space<hbm>> -> memref<1x1x4x80xi32, #tpu.memory_space<hbm>>
      %dma_start3A_908 = tpu.memref_squeeze %dma_start3A_907 : memref<1x1x4x80xi32, #tpu.memory_space<hbm>> -> memref<4x80xi32, #tpu.memory_space<hbm>>
      tpu.enqueue_dma source(%dma_start3A_908 : memref<4x80xi32, #tpu.memory_space<hbm>>) target(%dma_start3A_904 : memref<4x80xi32, #tpu.memory_space<vmem>>) target_semaphore(%run_scoped3A_892 : memref<!tpu.dma_semaphore, #tpu.memory_space<semaphore_mem>>)
      %dma_wait3A_909 = arith.constant 0 : i32
      %dma_wait3A_910 = arith.constant 0 : i32
      %dma_wait3A_911 = tpu.memref_slice %arg7[%run_scoped3A_3, %dma_wait3A_909, %dma_wait3A_910] : memref<2x4x80xi32, #tpu.memory_space<vmem>> -> memref<1x4x80xi32, #tpu.memory_space<vmem>>
      %dma_wait3A_912 = tpu.memref_squeeze %dma_wait3A_911 : memref<1x4x80xi32, #tpu.memory_space<vmem>> -> memref<4x80xi32, #tpu.memory_space<vmem>>
      %dma_wait3A_913 = arith.constant 0 : i32
      %dma_wait3A_914 = arith.constant 0 : i32
      %dma_wait3A_915 = tpu.memref_slice %arg3[%run_scoped3A_2, %add3A, %dma_wait3A_913, %dma_wait3A_914] : memref<2x32x125x80xi32, #tpu.memory_space<hbm>> -> memref<1x1x4x80xi32, #tpu.memory_space<hbm>>
      %dma_wait3A_916 = tpu.memref_squeeze %dma_wait3A_915 : memref<1x1x4x80xi32, #tpu.memory_space<hbm>> -> memref<4x80xi32, #tpu.memory_space<hbm>>
      %dma_wait3A_917 = arith.constant 0 : i32
      %dma_wait3A_918 = arith.constant 0 : i32
      %dma_wait3A_919 = tpu.memref_slice %arg7[%run_scoped3A_3, %dma_wait3A_917, %dma_wait3A_918] : memref<2x4x80xi32, #tpu.memory_space<vmem>> -> memref<1x4x80xi32, #tpu.memory_space<vmem>>
      %dma_wait3A_920 = tpu.memref_squeeze %dma_wait3A_919 : memref<1x4x80xi32, #tpu.memory_space<vmem>> -> memref<4x80xi32, #tpu.memory_space<vmem>>
      %dma_wait3A_921 = arith.constant 0 : i32
      %dma_wait3A_922 = arith.constant 0 : i32
      %dma_wait3A_923 = tpu.memref_slice %arg3[%run_scoped3A_2, %add3A, %dma_wait3A_921, %dma_wait3A_922] : memref<2x32x125x80xi32, #tpu.memory_space<hbm>> -> memref<1x1x4x80xi32, #tpu.memory_space<hbm>>
      %dma_wait3A_924 = tpu.memref_squeeze %dma_wait3A_923 : memref<1x1x4x80xi32, #tpu.memory_space<hbm>> -> memref<4x80xi32, #tpu.memory_space<hbm>>
      tpu.wait_dma2 semaphore(%run_scoped3A_892 : memref<!tpu.dma_semaphore, #tpu.memory_space<semaphore_mem>>) src(%dma_wait3A_924 : memref<4x80xi32, #tpu.memory_space<hbm>>) dst(%dma_wait3A_920 : memref<4x80xi32, #tpu.memory_space<vmem>>)
      tpu.yield
    }) : () -> ()
    %dma_start3A = arith.constant 0 : i32
    %dma_start3A_4 = arith.constant 0 : i32
    %dma_start3A_5 = arith.constant 0 : i32
    %dma_start3A_6 = arith.constant 0 : i32
    %dma_start3A_7 = arith.constant 0 : i32
    %dma_start3A_8 = tpu.memref_slice %arg8[%dma_start3A_5, %dma_start3A_6, %dma_start3A_7] : memref<4x80x128xf32, #tpu.memory_space<vmem>> -> memref<1x80x128xf32, #tpu.memory_space<vmem>>
    %dma_start3A_9 = tpu.memref_squeeze %dma_start3A_8 : memref<1x80x128xf32, #tpu.memory_space<vmem>> -> memref<80x128xf32, #tpu.memory_space<vmem>>
    %dma_start3A_10 = arith.constant 0 : i32
    %dma_start3A_11 = tpu.memref_slice %arg6[%dma_start3A, %dma_start3A_4, %dma_start3A_10] : memref<2x4x80xi32, #tpu.memory_space<vmem>> -> memref<1x1x80xi32, #tpu.memory_space<vmem>>
    %dma_start3A_12 = tpu.memref_squeeze %dma_start3A_11 : memref<1x1x80xi32, #tpu.memory_space<vmem>> -> memref<80xi32, #tpu.memory_space<vmem>>
    %dma_start3A_13 = arith.constant 0 : i32
    %dma_start3A_14 = arith.constant 0 : i32
    %dma_start3A_15 = tpu.memref_slice %arg2[%dma_start3A_13, %dma_start3A_14] : memref<10000x128xf32, #tpu.memory_space<hbm>> -> memref<10000x128xf32, #tpu.memory_space<hbm>>
    tpu.enqueue_indirect_dma source(%dma_start3A_15 : memref<10000x128xf32, #tpu.memory_space<hbm>>) target(%dma_start3A_9 : memref<80x128xf32, #tpu.memory_space<vmem>>) offsets(%dma_start3A_12 : memref<80xi32, #tpu.memory_space<vmem>>) semaphore(%arg10 : memref<!tpu.dma_semaphore, #tpu.memory_space<semaphore_mem>>)
    %dma_start3A_16 = arith.constant 0 : i32
    %dma_start3A_17 = arith.constant 1 : i32
    %dma_start3A_18 = arith.constant 1 : i32
    %dma_start3A_19 = arith.constant 0 : i32
    %dma_start3A_20 = arith.constant 0 : i32
    %dma_start3A_21 = tpu.memref_slice %arg8[%dma_start3A_18, %dma_start3A_19, %dma_start3A_20] : memref<4x80x128xf32, #tpu.memory_space<vmem>> -> memref<1x80x128xf32, #tpu.memory_space<vmem>>
    %dma_start3A_22 = tpu.memref_squeeze %dma_start3A_21 : memref<1x80x128xf32, #tpu.memory_space<vmem>> -> memref<80x128xf32, #tpu.memory_space<vmem>>
    %dma_start3A_23 = arith.constant 0 : i32
    %dma_start3A_24 = tpu.memref_slice %arg6[%dma_start3A_16, %dma_start3A_17, %dma_start3A_23] : memref<2x4x80xi32, #tpu.memory_space<vmem>> -> memref<1x1x80xi32, #tpu.memory_space<vmem>>
    %dma_start3A_25 = tpu.memref_squeeze %dma_start3A_24 : memref<1x1x80xi32, #tpu.memory_space<vmem>> -> memref<80xi32, #tpu.memory_space<vmem>>
    %dma_start3A_26 = arith.constant 0 : i32
    %dma_start3A_27 = arith.constant 0 : i32
    %dma_start3A_28 = tpu.memref_slice %arg2[%dma_start3A_26, %dma_start3A_27] : memref<10000x128xf32, #tpu.memory_space<hbm>> -> memref<10000x128xf32, #tpu.memory_space<hbm>>
    tpu.enqueue_indirect_dma source(%dma_start3A_28 : memref<10000x128xf32, #tpu.memory_space<hbm>>) target(%dma_start3A_22 : memref<80x128xf32, #tpu.memory_space<vmem>>) offsets(%dma_start3A_25 : memref<80xi32, #tpu.memory_space<vmem>>) semaphore(%arg10 : memref<!tpu.dma_semaphore, #tpu.memory_space<semaphore_mem>>)
    %dma_start3A_29 = arith.constant 0 : i32
    %dma_start3A_30 = arith.constant 2 : i32
    %dma_start3A_31 = arith.constant 2 : i32
    %dma_start3A_32 = arith.constant 0 : i32
    %dma_start3A_33 = arith.constant 0 : i32
    %dma_start3A_34 = tpu.memref_slice %arg8[%dma_start3A_31, %dma_start3A_32, %dma_start3A_33] : memref<4x80x128xf32, #tpu.memory_space<vmem>> -> memref<1x80x128xf32, #tpu.memory_space<vmem>>
    %dma_start3A_35 = tpu.memref_squeeze %dma_start3A_34 : memref<1x80x128xf32, #tpu.memory_space<vmem>> -> memref<80x128xf32, #tpu.memory_space<vmem>>
    %dma_start3A_36 = arith.constant 0 : i32
    %dma_start3A_37 = tpu.memref_slice %arg6[%dma_start3A_29, %dma_start3A_30, %dma_start3A_36] : memref<2x4x80xi32, #tpu.memory_space<vmem>> -> memref<1x1x80xi32, #tpu.memory_space<vmem>>
    %dma_start3A_38 = tpu.memref_squeeze %dma_start3A_37 : memref<1x1x80xi32, #tpu.memory_space<vmem>> -> memref<80xi32, #tpu.memory_space<vmem>>
    %dma_start3A_39 = arith.constant 0 : i32
    %dma_start3A_40 = arith.constant 0 : i32
    %dma_start3A_41 = tpu.memref_slice %arg2[%dma_start3A_39, %dma_start3A_40] : memref<10000x128xf32, #tpu.memory_space<hbm>> -> memref<10000x128xf32, #tpu.memory_space<hbm>>
    tpu.enqueue_indirect_dma source(%dma_start3A_41 : memref<10000x128xf32, #tpu.memory_space<hbm>>) target(%dma_start3A_35 : memref<80x128xf32, #tpu.memory_space<vmem>>) offsets(%dma_start3A_38 : memref<80xi32, #tpu.memory_space<vmem>>) semaphore(%arg10 : memref<!tpu.dma_semaphore, #tpu.memory_space<semaphore_mem>>)
    %dma_start3A_42 = arith.constant 0 : i32
    %dma_start3A_43 = arith.constant 3 : i32
    %dma_start3A_44 = arith.constant 3 : i32
    %dma_start3A_45 = arith.constant 0 : i32
    %dma_start3A_46 = arith.constant 0 : i32
    %dma_start3A_47 = tpu.memref_slice %arg8[%dma_start3A_44, %dma_start3A_45, %dma_start3A_46] : memref<4x80x128xf32, #tpu.memory_space<vmem>> -> memref<1x80x128xf32, #tpu.memory_space<vmem>>
    %dma_start3A_48 = tpu.memref_squeeze %dma_start3A_47 : memref<1x80x128xf32, #tpu.memory_space<vmem>> -> memref<80x128xf32, #tpu.memory_space<vmem>>
    %dma_start3A_49 = arith.constant 0 : i32
    %dma_start3A_50 = tpu.memref_slice %arg6[%dma_start3A_42, %dma_start3A_43, %dma_start3A_49] : memref<2x4x80xi32, #tpu.memory_space<vmem>> -> memref<1x1x80xi32, #tpu.memory_space<vmem>>
    %dma_start3A_51 = tpu.memref_squeeze %dma_start3A_50 : memref<1x1x80xi32, #tpu.memory_space<vmem>> -> memref<80xi32, #tpu.memory_space<vmem>>
    %dma_start3A_52 = arith.constant 0 : i32
    %dma_start3A_53 = arith.constant 0 : i32
    %dma_start3A_54 = tpu.memref_slice %arg2[%dma_start3A_52, %dma_start3A_53] : memref<10000x128xf32, #tpu.memory_space<hbm>> -> memref<10000x128xf32, #tpu.memory_space<hbm>>
    tpu.enqueue_indirect_dma source(%dma_start3A_54 : memref<10000x128xf32, #tpu.memory_space<hbm>>) target(%dma_start3A_48 : memref<80x128xf32, #tpu.memory_space<vmem>>) offsets(%dma_start3A_51 : memref<80xi32, #tpu.memory_space<vmem>>) semaphore(%arg10 : memref<!tpu.dma_semaphore, #tpu.memory_space<semaphore_mem>>)
    %broadcast_in_dim3A = arith.constant 0.000000e+00 : f32
    %broadcast_in_dim3A_55 = vector.broadcast %broadcast_in_dim3A : f32 to vector<16xf32>
    %swap3A = arith.constant 0 : i32
    %swap3A_56 = arith.index_cast %swap3A : i32 to index
    %swap3A_57 = arith.constant 0 : index
    %swap3A_58 = tpu.vector_load %arg9[%swap3A_56, %swap3A_57] {strides = array<i32>} : memref<16x128xf32, #tpu.memory_space<vmem>>, vector<1x16xf32>,
    %swap3A_59 = vector.shape_cast %swap3A_58 : vector<1x16xf32> to vector<16xf32>
    %swap3A_60 = vector.shape_cast %broadcast_in_dim3A_55 : vector<16xf32> to vector<1x16xf32>
    tpu.vector_store %arg9[%swap3A_56, %swap3A_57], %swap3A_60 {strides = array<i32>} : memref<16x128xf32, #tpu.memory_space<vmem>>, vector<1x16xf32>,
    %swap3A_61 = arith.constant 0 : i32
    %swap3A_62 = arith.index_cast %swap3A_61 : i32 to index
    %swap3A_63 = arith.constant 16 : index
    %swap3A_64 = tpu.vector_load %arg9[%swap3A_62, %swap3A_63] {strides = array<i32>} : memref<16x128xf32, #tpu.memory_space<vmem>>, vector<1x16xf32>,
    %swap3A_65 = vector.shape_cast %swap3A_64 : vector<1x16xf32> to vector<16xf32>
    %swap3A_66 = vector.shape_cast %broadcast_in_dim3A_55 : vector<16xf32> to vector<1x16xf32>
    tpu.vector_store %arg9[%swap3A_62, %swap3A_63], %swap3A_66 {strides = array<i32>} : memref<16x128xf32, #tpu.memory_space<vmem>>, vector<1x16xf32>,
    %swap3A_67 = arith.constant 0 : i32
    %swap3A_68 = arith.index_cast %swap3A_67 : i32 to index
    %swap3A_69 = arith.constant 32 : index
    %swap3A_70 = tpu.vector_load %arg9[%swap3A_68, %swap3A_69] {strides = array<i32>} : memref<16x128xf32, #tpu.memory_space<vmem>>, vector<1x16xf32>,
    %swap3A_71 = vector.shape_cast %swap3A_70 : vector<1x16xf32> to vector<16xf32>
    %swap3A_72 = vector.shape_cast %broadcast_in_dim3A_55 : vector<16xf32> to vector<1x16xf32>
    tpu.vector_store %arg9[%swap3A_68, %swap3A_69], %swap3A_72 {strides = array<i32>} : memref<16x128xf32, #tpu.memory_space<vmem>>, vector<1x16xf32>,
    %swap3A_73 = arith.constant 0 : i32
    %swap3A_74 = arith.index_cast %swap3A_73 : i32 to index
    %swap3A_75 = arith.constant 48 : index
    %swap3A_76 = tpu.vector_load %arg9[%swap3A_74, %swap3A_75] {strides = array<i32>} : memref<16x128xf32, #tpu.memory_space<vmem>>, vector<1x16xf32>,
    %swap3A_77 = vector.shape_cast %swap3A_76 : vector<1x16xf32> to vector<16xf32>
    %swap3A_78 = vector.shape_cast %broadcast_in_dim3A_55 : vector<16xf32> to vector<1x16xf32>
    tpu.vector_store %arg9[%swap3A_74, %swap3A_75], %swap3A_78 {strides = array<i32>} : memref<16x128xf32, #tpu.memory_space<vmem>>, vector<1x16xf32>,
    %swap3A_79 = arith.constant 0 : i32
    %swap3A_80 = arith.index_cast %swap3A_79 : i32 to index
    %swap3A_81 = arith.constant 64 : index
    %swap3A_82 = tpu.vector_load %arg9[%swap3A_80, %swap3A_81] {strides = array<i32>} : memref<16x128xf32, #tpu.memory_space<vmem>>, vector<1x16xf32>,
    %swap3A_83 = vector.shape_cast %swap3A_82 : vector<1x16xf32> to vector<16xf32>
    %swap3A_84 = vector.shape_cast %broadcast_in_dim3A_55 : vector<16xf32> to vector<1x16xf32>
    tpu.vector_store %arg9[%swap3A_80, %swap3A_81], %swap3A_84 {strides = array<i32>} : memref<16x128xf32, #tpu.memory_space<vmem>>, vector<1x16xf32>,
    %swap3A_85 = arith.constant 0 : i32
    %swap3A_86 = arith.index_cast %swap3A_85 : i32 to index
    %swap3A_87 = arith.constant 80 : index
    %swap3A_88 = tpu.vector_load %arg9[%swap3A_86, %swap3A_87] {strides = array<i32>} : memref<16x128xf32, #tpu.memory_space<vmem>>, vector<1x16xf32>,
    %swap3A_89 = vector.shape_cast %swap3A_88 : vector<1x16xf32> to vector<16xf32>
    %swap3A_90 = vector.shape_cast %broadcast_in_dim3A_55 : vector<16xf32> to vector<1x16xf32>
    tpu.vector_store %arg9[%swap3A_86, %swap3A_87], %swap3A_90 {strides = array<i32>} : memref<16x128xf32, #tpu.memory_space<vmem>>, vector<1x16xf32>,
    %swap3A_91 = arith.constant 0 : i32
    %swap3A_92 = arith.index_cast %swap3A_91 : i32 to index
    %swap3A_93 = arith.constant 96 : index
    %swap3A_94 = tpu.vector_load %arg9[%swap3A_92, %swap3A_93] {strides = array<i32>} : memref<16x128xf32, #tpu.memory_space<vmem>>, vector<1x16xf32>,
    %swap3A_95 = vector.shape_cast %swap3A_94 : vector<1x16xf32> to vector<16xf32>
    %swap3A_96 = vector.shape_cast %broadcast_in_dim3A_55 : vector<16xf32> to vector<1x16xf32>
    tpu.vector_store %arg9[%swap3A_92, %swap3A_93], %swap3A_96 {strides = array<i32>} : memref<16x128xf32, #tpu.memory_space<vmem>>, vector<1x16xf32>,
    %swap3A_97 = arith.constant 0 : i32
    %swap3A_98 = arith.index_cast %swap3A_97 : i32 to index
    %swap3A_99 = arith.constant 112 : index
    %swap3A_100 = tpu.vector_load %arg9[%swap3A_98, %swap3A_99] {strides = array<i32>} : memref<16x128xf32, #tpu.memory_space<vmem>>, vector<1x16xf32>,
    %swap3A_101 = vector.shape_cast %swap3A_100 : vector<1x16xf32> to vector<16xf32>
    %swap3A_102 = vector.shape_cast %broadcast_in_dim3A_55 : vector<16xf32> to vector<1x16xf32>
    tpu.vector_store %arg9[%swap3A_98, %swap3A_99], %swap3A_102 {strides = array<i32>} : memref<16x128xf32, #tpu.memory_space<vmem>>, vector<1x16xf32>,
    %swap3A_103 = arith.constant 1 : i32
    %swap3A_104 = arith.index_cast %swap3A_103 : i32 to index
    %swap3A_105 = arith.constant 0 : index
    %swap3A_106 = tpu.vector_load %arg9[%swap3A_104, %swap3A_105] {strides = array<i32>} : memref<16x128xf32, #tpu.memory_space<vmem>>, vector<1x16xf32>,
    %swap3A_107 = vector.shape_cast %swap3A_106 : vector<1x16xf32> to vector<16xf32>
    %swap3A_108 = vector.shape_cast %broadcast_in_dim3A_55 : vector<16xf32> to vector<1x16xf32>
    tpu.vector_store %arg9[%swap3A_104, %swap3A_105], %swap3A_108 {strides = array<i32>} : memref<16x128xf32, #tpu.memory_space<vmem>>, vector<1x16xf32>,
    %swap3A_109 = arith.constant 1 : i32
    %swap3A_110 = arith.index_cast %swap3A_109 : i32 to index
    %swap3A_111 = arith.constant 16 : index
    %swap3A_112 = tpu.vector_load %arg9[%swap3A_110, %swap3A_111] {strides = array<i32>} : memref<16x128xf32, #tpu.memory_space<vmem>>, vector<1x16xf32>,
    %swap3A_113 = vector.shape_cast %swap3A_112 : vector<1x16xf32> to vector<16xf32>
    %swap3A_114 = vector.shape_cast %broadcast_in_dim3A_55 : vector<16xf32> to vector<1x16xf32>
    tpu.vector_store %arg9[%swap3A_110, %swap3A_111], %swap3A_114 {strides = array<i32>} : memref<16x128xf32, #tpu.memory_space<vmem>>, vector<1x16xf32>,
    %swap3A_115 = arith.constant 1 : i32
    %swap3A_116 = arith.index_cast %swap3A_115 : i32 to index
    %swap3A_117 = arith.constant 32 : index
    %swap3A_118 = tpu.vector_load %arg9[%swap3A_116, %swap3A_117] {strides = array<i32>} : memref<16x128xf32, #tpu.memory_space<vmem>>, vector<1x16xf32>,
    %swap3A_119 = vector.shape_cast %swap3A_118 : vector<1x16xf32> to vector<16xf32>
    %swap3A_120 = vector.shape_cast %broadcast_in_dim3A_55 : vector<16xf32> to vector<1x16xf32>
    tpu.vector_store %arg9[%swap3A_116, %swap3A_117], %swap3A_120 {strides = array<i32>} : memref<16x128xf32, #tpu.memory_space<vmem>>, vector<1x16xf32>,
    %swap3A_121 = arith.constant 1 : i32
    %swap3A_122 = arith.index_cast %swap3A_121 : i32 to index
    %swap3A_123 = arith.constant 48 : index
    %swap3A_124 = tpu.vector_load %arg9[%swap3A_122, %swap3A_123] {strides = array<i32>} : memref<16x128xf32, #tpu.memory_space<vmem>>, vector<1x16xf32>,
    %swap3A_125 = vector.shape_cast %swap3A_124 : vector<1x16xf32> to vector<16xf32>
    %swap3A_126 = vector.shape_cast %broadcast_in_dim3A_55 : vector<16xf32> to vector<1x16xf32>
    tpu.vector_store %arg9[%swap3A_122, %swap3A_123], %swap3A_126 {strides = array<i32>} : memref<16x128xf32, #tpu.memory_space<vmem>>, vector<1x16xf32>,
    %swap3A_127 = arith.constant 1 : i32
    %swap3A_128 = arith.index_cast %swap3A_127 : i32 to index
    %swap3A_129 = arith.constant 64 : index
    %swap3A_130 = tpu.vector_load %arg9[%swap3A_128, %swap3A_129] {strides = array<i32>} : memref<16x128xf32, #tpu.memory_space<vmem>>, vector<1x16xf32>,
    %swap3A_131 = vector.shape_cast %swap3A_130 : vector<1x16xf32> to vector<16xf32>
    %swap3A_132 = vector.shape_cast %broadcast_in_dim3A_55 : vector<16xf32> to vector<1x16xf32>
    tpu.vector_store %arg9[%swap3A_128, %swap3A_129], %swap3A_132 {strides = array<i32>} : memref<16x128xf32, #tpu.memory_space<vmem>>, vector<1x16xf32>,
    %swap3A_133 = arith.constant 1 : i32
    %swap3A_134 = arith.index_cast %swap3A_133 : i32 to index
    %swap3A_135 = arith.constant 80 : index
    %swap3A_136 = tpu.vector_load %arg9[%swap3A_134, %swap3A_135] {strides = array<i32>} : memref<16x128xf32, #tpu.memory_space<vmem>>, vector<1x16xf32>,
    %swap3A_137 = vector.shape_cast %swap3A_136 : vector<1x16xf32> to vector<16xf32>
    %swap3A_138 = vector.shape_cast %broadcast_in_dim3A_55 : vector<16xf32> to vector<1x16xf32>
    tpu.vector_store %arg9[%swap3A_134, %swap3A_135], %swap3A_138 {strides = array<i32>} : memref<16x128xf32, #tpu.memory_space<vmem>>, vector<1x16xf32>,
    %swap3A_139 = arith.constant 1 : i32
    %swap3A_140 = arith.index_cast %swap3A_139 : i32 to index
    %swap3A_141 = arith.constant 96 : index
    %swap3A_142 = tpu.vector_load %arg9[%swap3A_140, %swap3A_141] {strides = array<i32>} : memref<16x128xf32, #tpu.memory_space<vmem>>, vector<1x16xf32>,
    %swap3A_143 = vector.shape_cast %swap3A_142 : vector<1x16xf32> to vector<16xf32>
    %swap3A_144 = vector.shape_cast %broadcast_in_dim3A_55 : vector<16xf32> to vector<1x16xf32>
    tpu.vector_store %arg9[%swap3A_140, %swap3A_141], %swap3A_144 {strides = array<i32>} : memref<16x128xf32, #tpu.memory_space<vmem>>, vector<1x16xf32>,
    %swap3A_145 = arith.constant 1 : i32
    %swap3A_146 = arith.index_cast %swap3A_145 : i32 to index
    %swap3A_147 = arith.constant 112 : index
    %swap3A_148 = tpu.vector_load %arg9[%swap3A_146, %swap3A_147] {strides = array<i32>} : memref<16x128xf32, #tpu.memory_space<vmem>>, vector<1x16xf32>,
    %swap3A_149 = vector.shape_cast %swap3A_148 : vector<1x16xf32> to vector<16xf32>
    %swap3A_150 = vector.shape_cast %broadcast_in_dim3A_55 : vector<16xf32> to vector<1x16xf32>
    tpu.vector_store %arg9[%swap3A_146, %swap3A_147], %swap3A_150 {strides = array<i32>} : memref<16x128xf32, #tpu.memory_space<vmem>>, vector<1x16xf32>,
    %swap3A_151 = arith.constant 2 : i32
    %swap3A_152 = arith.index_cast %swap3A_151 : i32 to index
    %swap3A_153 = arith.constant 0 : index
    %swap3A_154 = tpu.vector_load %arg9[%swap3A_152, %swap3A_153] {strides = array<i32>} : memref<16x128xf32, #tpu.memory_space<vmem>>, vector<1x16xf32>,
    %swap3A_155 = vector.shape_cast %swap3A_154 : vector<1x16xf32> to vector<16xf32>
    %swap3A_156 = vector.shape_cast %broadcast_in_dim3A_55 : vector<16xf32> to vector<1x16xf32>
    tpu.vector_store %arg9[%swap3A_152, %swap3A_153], %swap3A_156 {strides = array<i32>} : memref<16x128xf32, #tpu.memory_space<vmem>>, vector<1x16xf32>,
    %swap3A_157 = arith.constant 2 : i32
    %swap3A_158 = arith.index_cast %swap3A_157 : i32 to index
    %swap3A_159 = arith.constant 16 : index
    %swap3A_160 = tpu.vector_load %arg9[%swap3A_158, %swap3A_159] {strides = array<i32>} : memref<16x128xf32, #tpu.memory_space<vmem>>, vector<1x16xf32>,
    %swap3A_161 = vector.shape_cast %swap3A_160 : vector<1x16xf32> to vector<16xf32>
    %swap3A_162 = vector.shape_cast %broadcast_in_dim3A_55 : vector<16xf32> to vector<1x16xf32>
    tpu.vector_store %arg9[%swap3A_158, %swap3A_159], %swap3A_162 {strides = array<i32>} : memref<16x128xf32, #tpu.memory_space<vmem>>, vector<1x16xf32>,
    %swap3A_163 = arith.constant 2 : i32
    %swap3A_164 = arith.index_cast %swap3A_163 : i32 to index
    %swap3A_165 = arith.constant 32 : index
    %swap3A_166 = tpu.vector_load %arg9[%swap3A_164, %swap3A_165] {strides = array<i32>} : memref<16x128xf32, #tpu.memory_space<vmem>>, vector<1x16xf32>,
    %swap3A_167 = vector.shape_cast %swap3A_166 : vector<1x16xf32> to vector<16xf32>
    %swap3A_168 = vector.shape_cast %broadcast_in_dim3A_55 : vector<16xf32> to vector<1x16xf32>
    tpu.vector_store %arg9[%swap3A_164, %swap3A_165], %swap3A_168 {strides = array<i32>} : memref<16x128xf32, #tpu.memory_space<vmem>>, vector<1x16xf32>,
    %swap3A_169 = arith.constant 2 : i32
    %swap3A_170 = arith.index_cast %swap3A_169 : i32 to index
    %swap3A_171 = arith.constant 48 : index
    %swap3A_172 = tpu.vector_load %arg9[%swap3A_170, %swap3A_171] {strides = array<i32>} : memref<16x128xf32, #tpu.memory_space<vmem>>, vector<1x16xf32>,
    %swap3A_173 = vector.shape_cast %swap3A_172 : vector<1x16xf32> to vector<16xf32>
    %swap3A_174 = vector.shape_cast %broadcast_in_dim3A_55 : vector<16xf32> to vector<1x16xf32>
    tpu.vector_store %arg9[%swap3A_170, %swap3A_171], %swap3A_174 {strides = array<i32>} : memref<16x128xf32, #tpu.memory_space<vmem>>, vector<1x16xf32>,
    %swap3A_175 = arith.constant 2 : i32
    %swap3A_176 = arith.index_cast %swap3A_175 : i32 to index
    %swap3A_177 = arith.constant 64 : index
    %swap3A_178 = tpu.vector_load %arg9[%swap3A_176, %swap3A_177] {strides = array<i32>} : memref<16x128xf32, #tpu.memory_space<vmem>>, vector<1x16xf32>,
    %swap3A_179 = vector.shape_cast %swap3A_178 : vector<1x16xf32> to vector<16xf32>
    %swap3A_180 = vector.shape_cast %broadcast_in_dim3A_55 : vector<16xf32> to vector<1x16xf32>
    tpu.vector_store %arg9[%swap3A_176, %swap3A_177], %swap3A_180 {strides = array<i32>} : memref<16x128xf32, #tpu.memory_space<vmem>>, vector<1x16xf32>,
    %swap3A_181 = arith.constant 2 : i32
    %swap3A_182 = arith.index_cast %swap3A_181 : i32 to index
    %swap3A_183 = arith.constant 80 : index
    %swap3A_184 = tpu.vector_load %arg9[%swap3A_182, %swap3A_183] {strides = array<i32>} : memref<16x128xf32, #tpu.memory_space<vmem>>, vector<1x16xf32>,
    %swap3A_185 = vector.shape_cast %swap3A_184 : vector<1x16xf32> to vector<16xf32>
    %swap3A_186 = vector.shape_cast %broadcast_in_dim3A_55 : vector<16xf32> to vector<1x16xf32>
    tpu.vector_store %arg9[%swap3A_182, %swap3A_183], %swap3A_186 {strides = array<i32>} : memref<16x128xf32, #tpu.memory_space<vmem>>, vector<1x16xf32>,
    %swap3A_187 = arith.constant 2 : i32
    %swap3A_188 = arith.index_cast %swap3A_187 : i32 to index
    %swap3A_189 = arith.constant 96 : index
    %swap3A_190 = tpu.vector_load %arg9[%swap3A_188, %swap3A_189] {strides = array<i32>} : memref<16x128xf32, #tpu.memory_space<vmem>>, vector<1x16xf32>,
    %swap3A_191 = vector.shape_cast %swap3A_190 : vector<1x16xf32> to vector<16xf32>
    %swap3A_192 = vector.shape_cast %broadcast_in_dim3A_55 : vector<16xf32> to vector<1x16xf32>
    tpu.vector_store %arg9[%swap3A_188, %swap3A_189], %swap3A_192 {strides = array<i32>} : memref<16x128xf32, #tpu.memory_space<vmem>>, vector<1x16xf32>,
    %swap3A_193 = arith.constant 2 : i32
    %swap3A_194 = arith.index_cast %swap3A_193 : i32 to index
    %swap3A_195 = arith.constant 112 : index
    %swap3A_196 = tpu.vector_load %arg9[%swap3A_194, %swap3A_195] {strides = array<i32>} : memref<16x128xf32, #tpu.memory_space<vmem>>, vector<1x16xf32>,
    %swap3A_197 = vector.shape_cast %swap3A_196 : vector<1x16xf32> to vector<16xf32>
    %swap3A_198 = vector.shape_cast %broadcast_in_dim3A_55 : vector<16xf32> to vector<1x16xf32>
    tpu.vector_store %arg9[%swap3A_194, %swap3A_195], %swap3A_198 {strides = array<i32>} : memref<16x128xf32, #tpu.memory_space<vmem>>, vector<1x16xf32>,
    %swap3A_199 = arith.constant 3 : i32
    %swap3A_200 = arith.index_cast %swap3A_199 : i32 to index
    %swap3A_201 = arith.constant 0 : index
    %swap3A_202 = tpu.vector_load %arg9[%swap3A_200, %swap3A_201] {strides = array<i32>} : memref<16x128xf32, #tpu.memory_space<vmem>>, vector<1x16xf32>,
    %swap3A_203 = vector.shape_cast %swap3A_202 : vector<1x16xf32> to vector<16xf32>
    %swap3A_204 = vector.shape_cast %broadcast_in_dim3A_55 : vector<16xf32> to vector<1x16xf32>
    tpu.vector_store %arg9[%swap3A_200, %swap3A_201], %swap3A_204 {strides = array<i32>} : memref<16x128xf32, #tpu.memory_space<vmem>>, vector<1x16xf32>,
    %swap3A_205 = arith.constant 3 : i32
    %swap3A_206 = arith.index_cast %swap3A_205 : i32 to index
    %swap3A_207 = arith.constant 16 : index
    %swap3A_208 = tpu.vector_load %arg9[%swap3A_206, %swap3A_207] {strides = array<i32>} : memref<16x128xf32, #tpu.memory_space<vmem>>, vector<1x16xf32>,
    %swap3A_209 = vector.shape_cast %swap3A_208 : vector<1x16xf32> to vector<16xf32>
    %swap3A_210 = vector.shape_cast %broadcast_in_dim3A_55 : vector<16xf32> to vector<1x16xf32>
    tpu.vector_store %arg9[%swap3A_206, %swap3A_207], %swap3A_210 {strides = array<i32>} : memref<16x128xf32, #tpu.memory_space<vmem>>, vector<1x16xf32>,
    %swap3A_211 = arith.constant 3 : i32
    %swap3A_212 = arith.index_cast %swap3A_211 : i32 to index
    %swap3A_213 = arith.constant 32 : index
    %swap3A_214 = tpu.vector_load %arg9[%swap3A_212, %swap3A_213] {strides = array<i32>} : memref<16x128xf32, #tpu.memory_space<vmem>>, vector<1x16xf32>,
    %swap3A_215 = vector.shape_cast %swap3A_214 : vector<1x16xf32> to vector<16xf32>
    %swap3A_216 = vector.shape_cast %broadcast_in_dim3A_55 : vector<16xf32> to vector<1x16xf32>
    tpu.vector_store %arg9[%swap3A_212, %swap3A_213], %swap3A_216 {strides = array<i32>} : memref<16x128xf32, #tpu.memory_space<vmem>>, vector<1x16xf32>,
    %swap3A_217 = arith.constant 3 : i32
    %swap3A_218 = arith.index_cast %swap3A_217 : i32 to index
    %swap3A_219 = arith.constant 48 : index
    %swap3A_220 = tpu.vector_load %arg9[%swap3A_218, %swap3A_219] {strides = array<i32>} : memref<16x128xf32, #tpu.memory_space<vmem>>, vector<1x16xf32>,
    %swap3A_221 = vector.shape_cast %swap3A_220 : vector<1x16xf32> to vector<16xf32>
    %swap3A_222 = vector.shape_cast %broadcast_in_dim3A_55 : vector<16xf32> to vector<1x16xf32>
    tpu.vector_store %arg9[%swap3A_218, %swap3A_219], %swap3A_222 {strides = array<i32>} : memref<16x128xf32, #tpu.memory_space<vmem>>, vector<1x16xf32>,
    %swap3A_223 = arith.constant 3 : i32
    %swap3A_224 = arith.index_cast %swap3A_223 : i32 to index
    %swap3A_225 = arith.constant 64 : index
    %swap3A_226 = tpu.vector_load %arg9[%swap3A_224, %swap3A_225] {strides = array<i32>} : memref<16x128xf32, #tpu.memory_space<vmem>>, vector<1x16xf32>,
    %swap3A_227 = vector.shape_cast %swap3A_226 : vector<1x16xf32> to vector<16xf32>
    %swap3A_228 = vector.shape_cast %broadcast_in_dim3A_55 : vector<16xf32> to vector<1x16xf32>
    tpu.vector_store %arg9[%swap3A_224, %swap3A_225], %swap3A_228 {strides = array<i32>} : memref<16x128xf32, #tpu.memory_space<vmem>>, vector<1x16xf32>,
    %swap3A_229 = arith.constant 3 : i32
    %swap3A_230 = arith.index_cast %swap3A_229 : i32 to index
    %swap3A_231 = arith.constant 80 : index
    %swap3A_232 = tpu.vector_load %arg9[%swap3A_230, %swap3A_231] {strides = array<i32>} : memref<16x128xf32, #tpu.memory_space<vmem>>, vector<1x16xf32>,
    %swap3A_233 = vector.shape_cast %swap3A_232 : vector<1x16xf32> to vector<16xf32>
    %swap3A_234 = vector.shape_cast %broadcast_in_dim3A_55 : vector<16xf32> to vector<1x16xf32>
    tpu.vector_store %arg9[%swap3A_230, %swap3A_231], %swap3A_234 {strides = array<i32>} : memref<16x128xf32, #tpu.memory_space<vmem>>, vector<1x16xf32>,
    %swap3A_235 = arith.constant 3 : i32
    %swap3A_236 = arith.index_cast %swap3A_235 : i32 to index
    %swap3A_237 = arith.constant 96 : index
    %swap3A_238 = tpu.vector_load %arg9[%swap3A_236, %swap3A_237] {strides = array<i32>} : memref<16x128xf32, #tpu.memory_space<vmem>>, vector<1x16xf32>,
    %swap3A_239 = vector.shape_cast %swap3A_238 : vector<1x16xf32> to vector<16xf32>
    %swap3A_240 = vector.shape_cast %broadcast_in_dim3A_55 : vector<16xf32> to vector<1x16xf32>
    tpu.vector_store %arg9[%swap3A_236, %swap3A_237], %swap3A_240 {strides = array<i32>} : memref<16x128xf32, #tpu.memory_space<vmem>>, vector<1x16xf32>,
    %swap3A_241 = arith.constant 3 : i32
    %swap3A_242 = arith.index_cast %swap3A_241 : i32 to index
    %swap3A_243 = arith.constant 112 : index
    %swap3A_244 = tpu.vector_load %arg9[%swap3A_242, %swap3A_243] {strides = array<i32>} : memref<16x128xf32, #tpu.memory_space<vmem>>, vector<1x16xf32>,
    %swap3A_245 = vector.shape_cast %swap3A_244 : vector<1x16xf32> to vector<16xf32>
    %swap3A_246 = vector.shape_cast %broadcast_in_dim3A_55 : vector<16xf32> to vector<1x16xf32>
    tpu.vector_store %arg9[%swap3A_242, %swap3A_243], %swap3A_246 {strides = array<i32>} : memref<16x128xf32, #tpu.memory_space<vmem>>, vector<1x16xf32>,
    %swap3A_247 = arith.constant 4 : i32
    %swap3A_248 = arith.index_cast %swap3A_247 : i32 to index
    %swap3A_249 = arith.constant 0 : index
    %swap3A_250 = tpu.vector_load %arg9[%swap3A_248, %swap3A_249] {strides = array<i32>} : memref<16x128xf32, #tpu.memory_space<vmem>>, vector<1x16xf32>,
    %swap3A_251 = vector.shape_cast %swap3A_250 : vector<1x16xf32> to vector<16xf32>
    %swap3A_252 = vector.shape_cast %broadcast_in_dim3A_55 : vector<16xf32> to vector<1x16xf32>
    tpu.vector_store %arg9[%swap3A_248, %swap3A_249], %swap3A_252 {strides = array<i32>} : memref<16x128xf32, #tpu.memory_space<vmem>>, vector<1x16xf32>,
    %swap3A_253 = arith.constant 4 : i32
    %swap3A_254 = arith.index_cast %swap3A_253 : i32 to index
    %swap3A_255 = arith.constant 16 : index
    %swap3A_256 = tpu.vector_load %arg9[%swap3A_254, %swap3A_255] {strides = array<i32>} : memref<16x128xf32, #tpu.memory_space<vmem>>, vector<1x16xf32>,
    %swap3A_257 = vector.shape_cast %swap3A_256 : vector<1x16xf32> to vector<16xf32>
    %swap3A_258 = vector.shape_cast %broadcast_in_dim3A_55 : vector<16xf32> to vector<1x16xf32>
    tpu.vector_store %arg9[%swap3A_254, %swap3A_255], %swap3A_258 {strides = array<i32>} : memref<16x128xf32, #tpu.memory_space<vmem>>, vector<1x16xf32>,
    %swap3A_259 = arith.constant 4 : i32
    %swap3A_260 = arith.index_cast %swap3A_259 : i32 to index
    %swap3A_261 = arith.constant 32 : index
    %swap3A_262 = tpu.vector_load %arg9[%swap3A_260, %swap3A_261] {strides = array<i32>} : memref<16x128xf32, #tpu.memory_space<vmem>>, vector<1x16xf32>,
    %swap3A_263 = vector.shape_cast %swap3A_262 : vector<1x16xf32> to vector<16xf32>
    %swap3A_264 = vector.shape_cast %broadcast_in_dim3A_55 : vector<16xf32> to vector<1x16xf32>
    tpu.vector_store %arg9[%swap3A_260, %swap3A_261], %swap3A_264 {strides = array<i32>} : memref<16x128xf32, #tpu.memory_space<vmem>>, vector<1x16xf32>,
    %swap3A_265 = arith.constant 4 : i32
    %swap3A_266 = arith.index_cast %swap3A_265 : i32 to index
    %swap3A_267 = arith.constant 48 : index
    %swap3A_268 = tpu.vector_load %arg9[%swap3A_266, %swap3A_267] {strides = array<i32>} : memref<16x128xf32, #tpu.memory_space<vmem>>, vector<1x16xf32>,
    %swap3A_269 = vector.shape_cast %swap3A_268 : vector<1x16xf32> to vector<16xf32>
    %swap3A_270 = vector.shape_cast %broadcast_in_dim3A_55 : vector<16xf32> to vector<1x16xf32>
    tpu.vector_store %arg9[%swap3A_266, %swap3A_267], %swap3A_270 {strides = array<i32>} : memref<16x128xf32, #tpu.memory_space<vmem>>, vector<1x16xf32>,
    %swap3A_271 = arith.constant 4 : i32
    %swap3A_272 = arith.index_cast %swap3A_271 : i32 to index
    %swap3A_273 = arith.constant 64 : index
    %swap3A_274 = tpu.vector_load %arg9[%swap3A_272, %swap3A_273] {strides = array<i32>} : memref<16x128xf32, #tpu.memory_space<vmem>>, vector<1x16xf32>,
    %swap3A_275 = vector.shape_cast %swap3A_274 : vector<1x16xf32> to vector<16xf32>
    %swap3A_276 = vector.shape_cast %broadcast_in_dim3A_55 : vector<16xf32> to vector<1x16xf32>
    tpu.vector_store %arg9[%swap3A_272, %swap3A_273], %swap3A_276 {strides = array<i32>} : memref<16x128xf32, #tpu.memory_space<vmem>>, vector<1x16xf32>,
    %swap3A_277 = arith.constant 4 : i32
    %swap3A_278 = arith.index_cast %swap3A_277 : i32 to index
    %swap3A_279 = arith.constant 80 : index
    %swap3A_280 = tpu.vector_load %arg9[%swap3A_278, %swap3A_279] {strides = array<i32>} : memref<16x128xf32, #tpu.memory_space<vmem>>, vector<1x16xf32>,
    %swap3A_281 = vector.shape_cast %swap3A_280 : vector<1x16xf32> to vector<16xf32>
    %swap3A_282 = vector.shape_cast %broadcast_in_dim3A_55 : vector<16xf32> to vector<1x16xf32>
    tpu.vector_store %arg9[%swap3A_278, %swap3A_279], %swap3A_282 {strides = array<i32>} : memref<16x128xf32, #tpu.memory_space<vmem>>, vector<1x16xf32>,
    %swap3A_283 = arith.constant 4 : i32
    %swap3A_284 = arith.index_cast %swap3A_283 : i32 to index
    %swap3A_285 = arith.constant 96 : index
    %swap3A_286 = tpu.vector_load %arg9[%swap3A_284, %swap3A_285] {strides = array<i32>} : memref<16x128xf32, #tpu.memory_space<vmem>>, vector<1x16xf32>,
    %swap3A_287 = vector.shape_cast %swap3A_286 : vector<1x16xf32> to vector<16xf32>
    %swap3A_288 = vector.shape_cast %broadcast_in_dim3A_55 : vector<16xf32> to vector<1x16xf32>
    tpu.vector_store %arg9[%swap3A_284, %swap3A_285], %swap3A_288 {strides = array<i32>} : memref<16x128xf32, #tpu.memory_space<vmem>>, vector<1x16xf32>,
    %swap3A_289 = arith.constant 4 : i32
    %swap3A_290 = arith.index_cast %swap3A_289 : i32 to index
    %swap3A_291 = arith.constant 112 : index
    %swap3A_292 = tpu.vector_load %arg9[%swap3A_290, %swap3A_291] {strides = array<i32>} : memref<16x128xf32, #tpu.memory_space<vmem>>, vector<1x16xf32>,
    %swap3A_293 = vector.shape_cast %swap3A_292 : vector<1x16xf32> to vector<16xf32>
    %swap3A_294 = vector.shape_cast %broadcast_in_dim3A_55 : vector<16xf32> to vector<1x16xf32>
    tpu.vector_store %arg9[%swap3A_290, %swap3A_291], %swap3A_294 {strides = array<i32>} : memref<16x128xf32, #tpu.memory_space<vmem>>, vector<1x16xf32>,
    %swap3A_295 = arith.constant 5 : i32
    %swap3A_296 = arith.index_cast %swap3A_295 : i32 to index
    %swap3A_297 = arith.constant 0 : index
    %swap3A_298 = tpu.vector_load %arg9[%swap3A_296, %swap3A_297] {strides = array<i32>} : memref<16x128xf32, #tpu.memory_space<vmem>>, vector<1x16xf32>,
    %swap3A_299 = vector.shape_cast %swap3A_298 : vector<1x16xf32> to vector<16xf32>
    %swap3A_300 = vector.shape_cast %broadcast_in_dim3A_55 : vector<16xf32> to vector<1x16xf32>
    tpu.vector_store %arg9[%swap3A_296, %swap3A_297], %swap3A_300 {strides = array<i32>} : memref<16x128xf32, #tpu.memory_space<vmem>>, vector<1x16xf32>,
    %swap3A_301 = arith.constant 5 : i32
    %swap3A_302 = arith.index_cast %swap3A_301 : i32 to index
    %swap3A_303 = arith.constant 16 : index
    %swap3A_304 = tpu.vector_load %arg9[%swap3A_302, %swap3A_303] {strides = array<i32>} : memref<16x128xf32, #tpu.memory_space<vmem>>, vector<1x16xf32>,
    %swap3A_305 = vector.shape_cast %swap3A_304 : vector<1x16xf32> to vector<16xf32>
    %swap3A_306 = vector.shape_cast %broadcast_in_dim3A_55 : vector<16xf32> to vector<1x16xf32>
    tpu.vector_store %arg9[%swap3A_302, %swap3A_303], %swap3A_306 {strides = array<i32>} : memref<16x128xf32, #tpu.memory_space<vmem>>, vector<1x16xf32>,
    %swap3A_307 = arith.constant 5 : i32
    %swap3A_308 = arith.index_cast %swap3A_307 : i32 to index
    %swap3A_309 = arith.constant 32 : index
    %swap3A_310 = tpu.vector_load %arg9[%swap3A_308, %swap3A_309] {strides = array<i32>} : memref<16x128xf32, #tpu.memory_space<vmem>>, vector<1x16xf32>,
    %swap3A_311 = vector.shape_cast %swap3A_310 : vector<1x16xf32> to vector<16xf32>
    %swap3A_312 = vector.shape_cast %broadcast_in_dim3A_55 : vector<16xf32> to vector<1x16xf32>
    tpu.vector_store %arg9[%swap3A_308, %swap3A_309], %swap3A_312 {strides = array<i32>} : memref<16x128xf32, #tpu.memory_space<vmem>>, vector<1x16xf32>,
    %swap3A_313 = arith.constant 5 : i32
    %swap3A_314 = arith.index_cast %swap3A_313 : i32 to index
    %swap3A_315 = arith.constant 48 : index
    %swap3A_316 = tpu.vector_load %arg9[%swap3A_314, %swap3A_315] {strides = array<i32>} : memref<16x128xf32, #tpu.memory_space<vmem>>, vector<1x16xf32>,
    %swap3A_317 = vector.shape_cast %swap3A_316 : vector<1x16xf32> to vector<16xf32>
    %swap3A_318 = vector.shape_cast %broadcast_in_dim3A_55 : vector<16xf32> to vector<1x16xf32>
    tpu.vector_store %arg9[%swap3A_314, %swap3A_315], %swap3A_318 {strides = array<i32>} : memref<16x128xf32, #tpu.memory_space<vmem>>, vector<1x16xf32>,
    %swap3A_319 = arith.constant 5 : i32
    %swap3A_320 = arith.index_cast %swap3A_319 : i32 to index
    %swap3A_321 = arith.constant 64 : index
    %swap3A_322 = tpu.vector_load %arg9[%swap3A_320, %swap3A_321] {strides = array<i32>} : memref<16x128xf32, #tpu.memory_space<vmem>>, vector<1x16xf32>,
    %swap3A_323 = vector.shape_cast %swap3A_322 : vector<1x16xf32> to vector<16xf32>
    %swap3A_324 = vector.shape_cast %broadcast_in_dim3A_55 : vector<16xf32> to vector<1x16xf32>
    tpu.vector_store %arg9[%swap3A_320, %swap3A_321], %swap3A_324 {strides = array<i32>} : memref<16x128xf32, #tpu.memory_space<vmem>>, vector<1x16xf32>,
    %swap3A_325 = arith.constant 5 : i32
    %swap3A_326 = arith.index_cast %swap3A_325 : i32 to index
    %swap3A_327 = arith.constant 80 : index
    %swap3A_328 = tpu.vector_load %arg9[%swap3A_326, %swap3A_327] {strides = array<i32>} : memref<16x128xf32, #tpu.memory_space<vmem>>, vector<1x16xf32>,
    %swap3A_329 = vector.shape_cast %swap3A_328 : vector<1x16xf32> to vector<16xf32>
    %swap3A_330 = vector.shape_cast %broadcast_in_dim3A_55 : vector<16xf32> to vector<1x16xf32>
    tpu.vector_store %arg9[%swap3A_326, %swap3A_327], %swap3A_330 {strides = array<i32>} : memref<16x128xf32, #tpu.memory_space<vmem>>, vector<1x16xf32>,
    %swap3A_331 = arith.constant 5 : i32
    %swap3A_332 = arith.index_cast %swap3A_331 : i32 to index
    %swap3A_333 = arith.constant 96 : index
    %swap3A_334 = tpu.vector_load %arg9[%swap3A_332, %swap3A_333] {strides = array<i32>} : memref<16x128xf32, #tpu.memory_space<vmem>>, vector<1x16xf32>,
    %swap3A_335 = vector.shape_cast %swap3A_334 : vector<1x16xf32> to vector<16xf32>
    %swap3A_336 = vector.shape_cast %broadcast_in_dim3A_55 : vector<16xf32> to vector<1x16xf32>
    tpu.vector_store %arg9[%swap3A_332, %swap3A_333], %swap3A_336 {strides = array<i32>} : memref<16x128xf32, #tpu.memory_space<vmem>>, vector<1x16xf32>,
    %swap3A_337 = arith.constant 5 : i32
    %swap3A_338 = arith.index_cast %swap3A_337 : i32 to index
    %swap3A_339 = arith.constant 112 : index
    %swap3A_340 = tpu.vector_load %arg9[%swap3A_338, %swap3A_339] {strides = array<i32>} : memref<16x128xf32, #tpu.memory_space<vmem>>, vector<1x16xf32>,
    %swap3A_341 = vector.shape_cast %swap3A_340 : vector<1x16xf32> to vector<16xf32>
    %swap3A_342 = vector.shape_cast %broadcast_in_dim3A_55 : vector<16xf32> to vector<1x16xf32>
    tpu.vector_store %arg9[%swap3A_338, %swap3A_339], %swap3A_342 {strides = array<i32>} : memref<16x128xf32, #tpu.memory_space<vmem>>, vector<1x16xf32>,
    %swap3A_343 = arith.constant 6 : i32
    %swap3A_344 = arith.index_cast %swap3A_343 : i32 to index
    %swap3A_345 = arith.constant 0 : index
    %swap3A_346 = tpu.vector_load %arg9[%swap3A_344, %swap3A_345] {strides = array<i32>} : memref<16x128xf32, #tpu.memory_space<vmem>>, vector<1x16xf32>,
    %swap3A_347 = vector.shape_cast %swap3A_346 : vector<1x16xf32> to vector<16xf32>
    %swap3A_348 = vector.shape_cast %broadcast_in_dim3A_55 : vector<16xf32> to vector<1x16xf32>
    tpu.vector_store %arg9[%swap3A_344, %swap3A_345], %swap3A_348 {strides = array<i32>} : memref<16x128xf32, #tpu.memory_space<vmem>>, vector<1x16xf32>,
    %swap3A_349 = arith.constant 6 : i32
    %swap3A_350 = arith.index_cast %swap3A_349 : i32 to index
    %swap3A_351 = arith.constant 16 : index
    %swap3A_352 = tpu.vector_load %arg9[%swap3A_350, %swap3A_351] {strides = array<i32>} : memref<16x128xf32, #tpu.memory_space<vmem>>, vector<1x16xf32>,
    %swap3A_353 = vector.shape_cast %swap3A_352 : vector<1x16xf32> to vector<16xf32>
    %swap3A_354 = vector.shape_cast %broadcast_in_dim3A_55 : vector<16xf32> to vector<1x16xf32>
    tpu.vector_store %arg9[%swap3A_350, %swap3A_351], %swap3A_354 {strides = array<i32>} : memref<16x128xf32, #tpu.memory_space<vmem>>, vector<1x16xf32>,
    %swap3A_355 = arith.constant 6 : i32
    %swap3A_356 = arith.index_cast %swap3A_355 : i32 to index
    %swap3A_357 = arith.constant 32 : index
    %swap3A_358 = tpu.vector_load %arg9[%swap3A_356, %swap3A_357] {strides = array<i32>} : memref<16x128xf32, #tpu.memory_space<vmem>>, vector<1x16xf32>,
    %swap3A_359 = vector.shape_cast %swap3A_358 : vector<1x16xf32> to vector<16xf32>
    %swap3A_360 = vector.shape_cast %broadcast_in_dim3A_55 : vector<16xf32> to vector<1x16xf32>
    tpu.vector_store %arg9[%swap3A_356, %swap3A_357], %swap3A_360 {strides = array<i32>} : memref<16x128xf32, #tpu.memory_space<vmem>>, vector<1x16xf32>,
    %swap3A_361 = arith.constant 6 : i32
    %swap3A_362 = arith.index_cast %swap3A_361 : i32 to index
    %swap3A_363 = arith.constant 48 : index
    %swap3A_364 = tpu.vector_load %arg9[%swap3A_362, %swap3A_363] {strides = array<i32>} : memref<16x128xf32, #tpu.memory_space<vmem>>, vector<1x16xf32>,
    %swap3A_365 = vector.shape_cast %swap3A_364 : vector<1x16xf32> to vector<16xf32>
    %swap3A_366 = vector.shape_cast %broadcast_in_dim3A_55 : vector<16xf32> to vector<1x16xf32>
    tpu.vector_store %arg9[%swap3A_362, %swap3A_363], %swap3A_366 {strides = array<i32>} : memref<16x128xf32, #tpu.memory_space<vmem>>, vector<1x16xf32>,
    %swap3A_367 = arith.constant 6 : i32
    %swap3A_368 = arith.index_cast %swap3A_367 : i32 to index
    %swap3A_369 = arith.constant 64 : index
    %swap3A_370 = tpu.vector_load %arg9[%swap3A_368, %swap3A_369] {strides = array<i32>} : memref<16x128xf32, #tpu.memory_space<vmem>>, vector<1x16xf32>,
    %swap3A_371 = vector.shape_cast %swap3A_370 : vector<1x16xf32> to vector<16xf32>
    %swap3A_372 = vector.shape_cast %broadcast_in_dim3A_55 : vector<16xf32> to vector<1x16xf32>
    tpu.vector_store %arg9[%swap3A_368, %swap3A_369], %swap3A_372 {strides = array<i32>} : memref<16x128xf32, #tpu.memory_space<vmem>>, vector<1x16xf32>,
    %swap3A_373 = arith.constant 6 : i32
    %swap3A_374 = arith.index_cast %swap3A_373 : i32 to index
    %swap3A_375 = arith.constant 80 : index
    %swap3A_376 = tpu.vector_load %arg9[%swap3A_374, %swap3A_375] {strides = array<i32>} : memref<16x128xf32, #tpu.memory_space<vmem>>, vector<1x16xf32>,
    %swap3A_377 = vector.shape_cast %swap3A_376 : vector<1x16xf32> to vector<16xf32>
    %swap3A_378 = vector.shape_cast %broadcast_in_dim3A_55 : vector<16xf32> to vector<1x16xf32>
    tpu.vector_store %arg9[%swap3A_374, %swap3A_375], %swap3A_378 {strides = array<i32>} : memref<16x128xf32, #tpu.memory_space<vmem>>, vector<1x16xf32>,
    %swap3A_379 = arith.constant 6 : i32
    %swap3A_380 = arith.index_cast %swap3A_379 : i32 to index
    %swap3A_381 = arith.constant 96 : index
    %swap3A_382 = tpu.vector_load %arg9[%swap3A_380, %swap3A_381] {strides = array<i32>} : memref<16x128xf32, #tpu.memory_space<vmem>>, vector<1x16xf32>,
    %swap3A_383 = vector.shape_cast %swap3A_382 : vector<1x16xf32> to vector<16xf32>
    %swap3A_384 = vector.shape_cast %broadcast_in_dim3A_55 : vector<16xf32> to vector<1x16xf32>
    tpu.vector_store %arg9[%swap3A_380, %swap3A_381], %swap3A_384 {strides = array<i32>} : memref<16x128xf32, #tpu.memory_space<vmem>>, vector<1x16xf32>,
    %swap3A_385 = arith.constant 6 : i32
    %swap3A_386 = arith.index_cast %swap3A_385 : i32 to index
    %swap3A_387 = arith.constant 112 : index
    %swap3A_388 = tpu.vector_load %arg9[%swap3A_386, %swap3A_387] {strides = array<i32>} : memref<16x128xf32, #tpu.memory_space<vmem>>, vector<1x16xf32>,
    %swap3A_389 = vector.shape_cast %swap3A_388 : vector<1x16xf32> to vector<16xf32>
    %swap3A_390 = vector.shape_cast %broadcast_in_dim3A_55 : vector<16xf32> to vector<1x16xf32>
    tpu.vector_store %arg9[%swap3A_386, %swap3A_387], %swap3A_390 {strides = array<i32>} : memref<16x128xf32, #tpu.memory_space<vmem>>, vector<1x16xf32>,
    %swap3A_391 = arith.constant 7 : i32
    %swap3A_392 = arith.index_cast %swap3A_391 : i32 to index
    %swap3A_393 = arith.constant 0 : index
    %swap3A_394 = tpu.vector_load %arg9[%swap3A_392, %swap3A_393] {strides = array<i32>} : memref<16x128xf32, #tpu.memory_space<vmem>>, vector<1x16xf32>,
    %swap3A_395 = vector.shape_cast %swap3A_394 : vector<1x16xf32> to vector<16xf32>
    %swap3A_396 = vector.shape_cast %broadcast_in_dim3A_55 : vector<16xf32> to vector<1x16xf32>
    tpu.vector_store %arg9[%swap3A_392, %swap3A_393], %swap3A_396 {strides = array<i32>} : memref<16x128xf32, #tpu.memory_space<vmem>>, vector<1x16xf32>,
    %swap3A_397 = arith.constant 7 : i32
    %swap3A_398 = arith.index_cast %swap3A_397 : i32 to index
    %swap3A_399 = arith.constant 16 : index
    %swap3A_400 = tpu.vector_load %arg9[%swap3A_398, %swap3A_399] {strides = array<i32>} : memref<16x128xf32, #tpu.memory_space<vmem>>, vector<1x16xf32>,
    %swap3A_401 = vector.shape_cast %swap3A_400 : vector<1x16xf32> to vector<16xf32>
    %swap3A_402 = vector.shape_cast %broadcast_in_dim3A_55 : vector<16xf32> to vector<1x16xf32>
    tpu.vector_store %arg9[%swap3A_398, %swap3A_399], %swap3A_402 {strides = array<i32>} : memref<16x128xf32, #tpu.memory_space<vmem>>, vector<1x16xf32>,
    %swap3A_403 = arith.constant 7 : i32
    %swap3A_404 = arith.index_cast %swap3A_403 : i32 to index
    %swap3A_405 = arith.constant 32 : index
    %swap3A_406 = tpu.vector_load %arg9[%swap3A_404, %swap3A_405] {strides = array<i32>} : memref<16x128xf32, #tpu.memory_space<vmem>>, vector<1x16xf32>,
    %swap3A_407 = vector.shape_cast %swap3A_406 : vector<1x16xf32> to vector<16xf32>
    %swap3A_408 = vector.shape_cast %broadcast_in_dim3A_55 : vector<16xf32> to vector<1x16xf32>
    tpu.vector_store %arg9[%swap3A_404, %swap3A_405], %swap3A_408 {strides = array<i32>} : memref<16x128xf32, #tpu.memory_space<vmem>>, vector<1x16xf32>,
    %swap3A_409 = arith.constant 7 : i32
    %swap3A_410 = arith.index_cast %swap3A_409 : i32 to index
    %swap3A_411 = arith.constant 48 : index
    %swap3A_412 = tpu.vector_load %arg9[%swap3A_410, %swap3A_411] {strides = array<i32>} : memref<16x128xf32, #tpu.memory_space<vmem>>, vector<1x16xf32>,
    %swap3A_413 = vector.shape_cast %swap3A_412 : vector<1x16xf32> to vector<16xf32>
    %swap3A_414 = vector.shape_cast %broadcast_in_dim3A_55 : vector<16xf32> to vector<1x16xf32>
    tpu.vector_store %arg9[%swap3A_410, %swap3A_411], %swap3A_414 {strides = array<i32>} : memref<16x128xf32, #tpu.memory_space<vmem>>, vector<1x16xf32>,
    %swap3A_415 = arith.constant 7 : i32
    %swap3A_416 = arith.index_cast %swap3A_415 : i32 to index
    %swap3A_417 = arith.constant 64 : index
    %swap3A_418 = tpu.vector_load %arg9[%swap3A_416, %swap3A_417] {strides = array<i32>} : memref<16x128xf32, #tpu.memory_space<vmem>>, vector<1x16xf32>,
    %swap3A_419 = vector.shape_cast %swap3A_418 : vector<1x16xf32> to vector<16xf32>
    %swap3A_420 = vector.shape_cast %broadcast_in_dim3A_55 : vector<16xf32> to vector<1x16xf32>
    tpu.vector_store %arg9[%swap3A_416, %swap3A_417], %swap3A_420 {strides = array<i32>} : memref<16x128xf32, #tpu.memory_space<vmem>>, vector<1x16xf32>,
    %swap3A_421 = arith.constant 7 : i32
    %swap3A_422 = arith.index_cast %swap3A_421 : i32 to index
    %swap3A_423 = arith.constant 80 : index
    %swap3A_424 = tpu.vector_load %arg9[%swap3A_422, %swap3A_423] {strides = array<i32>} : memref<16x128xf32, #tpu.memory_space<vmem>>, vector<1x16xf32>,
    %swap3A_425 = vector.shape_cast %swap3A_424 : vector<1x16xf32> to vector<16xf32>
    %swap3A_426 = vector.shape_cast %broadcast_in_dim3A_55 : vector<16xf32> to vector<1x16xf32>
    tpu.vector_store %arg9[%swap3A_422, %swap3A_423], %swap3A_426 {strides = array<i32>} : memref<16x128xf32, #tpu.memory_space<vmem>>, vector<1x16xf32>,
    %swap3A_427 = arith.constant 7 : i32
    %swap3A_428 = arith.index_cast %swap3A_427 : i32 to index
    %swap3A_429 = arith.constant 96 : index
    %swap3A_430 = tpu.vector_load %arg9[%swap3A_428, %swap3A_429] {strides = array<i32>} : memref<16x128xf32, #tpu.memory_space<vmem>>, vector<1x16xf32>,
    %swap3A_431 = vector.shape_cast %swap3A_430 : vector<1x16xf32> to vector<16xf32>
    %swap3A_432 = vector.shape_cast %broadcast_in_dim3A_55 : vector<16xf32> to vector<1x16xf32>
    tpu.vector_store %arg9[%swap3A_428, %swap3A_429], %swap3A_432 {strides = array<i32>} : memref<16x128xf32, #tpu.memory_space<vmem>>, vector<1x16xf32>,
    %swap3A_433 = arith.constant 7 : i32
    %swap3A_434 = arith.index_cast %swap3A_433 : i32 to index
    %swap3A_435 = arith.constant 112 : index
    %swap3A_436 = tpu.vector_load %arg9[%swap3A_434, %swap3A_435] {strides = array<i32>} : memref<16x128xf32, #tpu.memory_space<vmem>>, vector<1x16xf32>,
    %swap3A_437 = vector.shape_cast %swap3A_436 : vector<1x16xf32> to vector<16xf32>
    %swap3A_438 = vector.shape_cast %broadcast_in_dim3A_55 : vector<16xf32> to vector<1x16xf32>
    tpu.vector_store %arg9[%swap3A_434, %swap3A_435], %swap3A_438 {strides = array<i32>} : memref<16x128xf32, #tpu.memory_space<vmem>>, vector<1x16xf32>,
    %swap3A_439 = arith.constant 8 : i32
    %swap3A_440 = arith.index_cast %swap3A_439 : i32 to index
    %swap3A_441 = arith.constant 0 : index
    %swap3A_442 = tpu.vector_load %arg9[%swap3A_440, %swap3A_441] {strides = array<i32>} : memref<16x128xf32, #tpu.memory_space<vmem>>, vector<1x16xf32>,
    %swap3A_443 = vector.shape_cast %swap3A_442 : vector<1x16xf32> to vector<16xf32>
    %swap3A_444 = vector.shape_cast %broadcast_in_dim3A_55 : vector<16xf32> to vector<1x16xf32>
    tpu.vector_store %arg9[%swap3A_440, %swap3A_441], %swap3A_444 {strides = array<i32>} : memref<16x128xf32, #tpu.memory_space<vmem>>, vector<1x16xf32>,
    %swap3A_445 = arith.constant 8 : i32
    %swap3A_446 = arith.index_cast %swap3A_445 : i32 to index
    %swap3A_447 = arith.constant 16 : index
    %swap3A_448 = tpu.vector_load %arg9[%swap3A_446, %swap3A_447] {strides = array<i32>} : memref<16x128xf32, #tpu.memory_space<vmem>>, vector<1x16xf32>,
    %swap3A_449 = vector.shape_cast %swap3A_448 : vector<1x16xf32> to vector<16xf32>
    %swap3A_450 = vector.shape_cast %broadcast_in_dim3A_55 : vector<16xf32> to vector<1x16xf32>
    tpu.vector_store %arg9[%swap3A_446, %swap3A_447], %swap3A_450 {strides = array<i32>} : memref<16x128xf32, #tpu.memory_space<vmem>>, vector<1x16xf32>,
    %swap3A_451 = arith.constant 8 : i32
    %swap3A_452 = arith.index_cast %swap3A_451 : i32 to index
    %swap3A_453 = arith.constant 32 : index
    %swap3A_454 = tpu.vector_load %arg9[%swap3A_452, %swap3A_453] {strides = array<i32>} : memref<16x128xf32, #tpu.memory_space<vmem>>, vector<1x16xf32>,
    %swap3A_455 = vector.shape_cast %swap3A_454 : vector<1x16xf32> to vector<16xf32>
    %swap3A_456 = vector.shape_cast %broadcast_in_dim3A_55 : vector<16xf32> to vector<1x16xf32>
    tpu.vector_store %arg9[%swap3A_452, %swap3A_453], %swap3A_456 {strides = array<i32>} : memref<16x128xf32, #tpu.memory_space<vmem>>, vector<1x16xf32>,
    %swap3A_457 = arith.constant 8 : i32
    %swap3A_458 = arith.index_cast %swap3A_457 : i32 to index
    %swap3A_459 = arith.constant 48 : index
    %swap3A_460 = tpu.vector_load %arg9[%swap3A_458, %swap3A_459] {strides = array<i32>} : memref<16x128xf32, #tpu.memory_space<vmem>>, vector<1x16xf32>,
    %swap3A_461 = vector.shape_cast %swap3A_460 : vector<1x16xf32> to vector<16xf32>
    %swap3A_462 = vector.shape_cast %broadcast_in_dim3A_55 : vector<16xf32> to vector<1x16xf32>
    tpu.vector_store %arg9[%swap3A_458, %swap3A_459], %swap3A_462 {strides = array<i32>} : memref<16x128xf32, #tpu.memory_space<vmem>>, vector<1x16xf32>,
    %swap3A_463 = arith.constant 8 : i32
    %swap3A_464 = arith.index_cast %swap3A_463 : i32 to index
    %swap3A_465 = arith.constant 64 : index
    %swap3A_466 = tpu.vector_load %arg9[%swap3A_464, %swap3A_465] {strides = array<i32>} : memref<16x128xf32, #tpu.memory_space<vmem>>, vector<1x16xf32>,
    %swap3A_467 = vector.shape_cast %swap3A_466 : vector<1x16xf32> to vector<16xf32>
    %swap3A_468 = vector.shape_cast %broadcast_in_dim3A_55 : vector<16xf32> to vector<1x16xf32>
    tpu.vector_store %arg9[%swap3A_464, %swap3A_465], %swap3A_468 {strides = array<i32>} : memref<16x128xf32, #tpu.memory_space<vmem>>, vector<1x16xf32>,
    %swap3A_469 = arith.constant 8 : i32
    %swap3A_470 = arith.index_cast %swap3A_469 : i32 to index
    %swap3A_471 = arith.constant 80 : index
    %swap3A_472 = tpu.vector_load %arg9[%swap3A_470, %swap3A_471] {strides = array<i32>} : memref<16x128xf32, #tpu.memory_space<vmem>>, vector<1x16xf32>,
    %swap3A_473 = vector.shape_cast %swap3A_472 : vector<1x16xf32> to vector<16xf32>
    %swap3A_474 = vector.shape_cast %broadcast_in_dim3A_55 : vector<16xf32> to vector<1x16xf32>
    tpu.vector_store %arg9[%swap3A_470, %swap3A_471], %swap3A_474 {strides = array<i32>} : memref<16x128xf32, #tpu.memory_space<vmem>>, vector<1x16xf32>,
    %swap3A_475 = arith.constant 8 : i32
    %swap3A_476 = arith.index_cast %swap3A_475 : i32 to index
    %swap3A_477 = arith.constant 96 : index
    %swap3A_478 = tpu.vector_load %arg9[%swap3A_476, %swap3A_477] {strides = array<i32>} : memref<16x128xf32, #tpu.memory_space<vmem>>, vector<1x16xf32>,
    %swap3A_479 = vector.shape_cast %swap3A_478 : vector<1x16xf32> to vector<16xf32>
    %swap3A_480 = vector.shape_cast %broadcast_in_dim3A_55 : vector<16xf32> to vector<1x16xf32>
    tpu.vector_store %arg9[%swap3A_476, %swap3A_477], %swap3A_480 {strides = array<i32>} : memref<16x128xf32, #tpu.memory_space<vmem>>, vector<1x16xf32>,
    %swap3A_481 = arith.constant 8 : i32
    %swap3A_482 = arith.index_cast %swap3A_481 : i32 to index
    %swap3A_483 = arith.constant 112 : index
    %swap3A_484 = tpu.vector_load %arg9[%swap3A_482, %swap3A_483] {strides = array<i32>} : memref<16x128xf32, #tpu.memory_space<vmem>>, vector<1x16xf32>,
    %swap3A_485 = vector.shape_cast %swap3A_484 : vector<1x16xf32> to vector<16xf32>
    %swap3A_486 = vector.shape_cast %broadcast_in_dim3A_55 : vector<16xf32> to vector<1x16xf32>
    tpu.vector_store %arg9[%swap3A_482, %swap3A_483], %swap3A_486 {strides = array<i32>} : memref<16x128xf32, #tpu.memory_space<vmem>>, vector<1x16xf32>,
    %swap3A_487 = arith.constant 9 : i32
    %swap3A_488 = arith.index_cast %swap3A_487 : i32 to index
    %swap3A_489 = arith.constant 0 : index
    %swap3A_490 = tpu.vector_load %arg9[%swap3A_488, %swap3A_489] {strides = array<i32>} : memref<16x128xf32, #tpu.memory_space<vmem>>, vector<1x16xf32>,
    %swap3A_491 = vector.shape_cast %swap3A_490 : vector<1x16xf32> to vector<16xf32>
    %swap3A_492 = vector.shape_cast %broadcast_in_dim3A_55 : vector<16xf32> to vector<1x16xf32>
    tpu.vector_store %arg9[%swap3A_488, %swap3A_489], %swap3A_492 {strides = array<i32>} : memref<16x128xf32, #tpu.memory_space<vmem>>, vector<1x16xf32>,
    %swap3A_493 = arith.constant 9 : i32
    %swap3A_494 = arith.index_cast %swap3A_493 : i32 to index
    %swap3A_495 = arith.constant 16 : index
    %swap3A_496 = tpu.vector_load %arg9[%swap3A_494, %swap3A_495] {strides = array<i32>} : memref<16x128xf32, #tpu.memory_space<vmem>>, vector<1x16xf32>,
    %swap3A_497 = vector.shape_cast %swap3A_496 : vector<1x16xf32> to vector<16xf32>
    %swap3A_498 = vector.shape_cast %broadcast_in_dim3A_55 : vector<16xf32> to vector<1x16xf32>
    tpu.vector_store %arg9[%swap3A_494, %swap3A_495], %swap3A_498 {strides = array<i32>} : memref<16x128xf32, #tpu.memory_space<vmem>>, vector<1x16xf32>,
    %swap3A_499 = arith.constant 9 : i32
    %swap3A_500 = arith.index_cast %swap3A_499 : i32 to index
    %swap3A_501 = arith.constant 32 : index
    %swap3A_502 = tpu.vector_load %arg9[%swap3A_500, %swap3A_501] {strides = array<i32>} : memref<16x128xf32, #tpu.memory_space<vmem>>, vector<1x16xf32>,
    %swap3A_503 = vector.shape_cast %swap3A_502 : vector<1x16xf32> to vector<16xf32>
    %swap3A_504 = vector.shape_cast %broadcast_in_dim3A_55 : vector<16xf32> to vector<1x16xf32>
    tpu.vector_store %arg9[%swap3A_500, %swap3A_501], %swap3A_504 {strides = array<i32>} : memref<16x128xf32, #tpu.memory_space<vmem>>, vector<1x16xf32>,
    %swap3A_505 = arith.constant 9 : i32
    %swap3A_506 = arith.index_cast %swap3A_505 : i32 to index
    %swap3A_507 = arith.constant 48 : index
    %swap3A_508 = tpu.vector_load %arg9[%swap3A_506, %swap3A_507] {strides = array<i32>} : memref<16x128xf32, #tpu.memory_space<vmem>>, vector<1x16xf32>,
    %swap3A_509 = vector.shape_cast %swap3A_508 : vector<1x16xf32> to vector<16xf32>
    %swap3A_510 = vector.shape_cast %broadcast_in_dim3A_55 : vector<16xf32> to vector<1x16xf32>
    tpu.vector_store %arg9[%swap3A_506, %swap3A_507], %swap3A_510 {strides = array<i32>} : memref<16x128xf32, #tpu.memory_space<vmem>>, vector<1x16xf32>,
    %swap3A_511 = arith.constant 9 : i32
    %swap3A_512 = arith.index_cast %swap3A_511 : i32 to index
    %swap3A_513 = arith.constant 64 : index
    %swap3A_514 = tpu.vector_load %arg9[%swap3A_512, %swap3A_513] {strides = array<i32>} : memref<16x128xf32, #tpu.memory_space<vmem>>, vector<1x16xf32>,
    %swap3A_515 = vector.shape_cast %swap3A_514 : vector<1x16xf32> to vector<16xf32>
    %swap3A_516 = vector.shape_cast %broadcast_in_dim3A_55 : vector<16xf32> to vector<1x16xf32>
    tpu.vector_store %arg9[%swap3A_512, %swap3A_513], %swap3A_516 {strides = array<i32>} : memref<16x128xf32, #tpu.memory_space<vmem>>, vector<1x16xf32>,
    %swap3A_517 = arith.constant 9 : i32
    %swap3A_518 = arith.index_cast %swap3A_517 : i32 to index
    %swap3A_519 = arith.constant 80 : index
    %swap3A_520 = tpu.vector_load %arg9[%swap3A_518, %swap3A_519] {strides = array<i32>} : memref<16x128xf32, #tpu.memory_space<vmem>>, vector<1x16xf32>,
    %swap3A_521 = vector.shape_cast %swap3A_520 : vector<1x16xf32> to vector<16xf32>
    %swap3A_522 = vector.shape_cast %broadcast_in_dim3A_55 : vector<16xf32> to vector<1x16xf32>
    tpu.vector_store %arg9[%swap3A_518, %swap3A_519], %swap3A_522 {strides = array<i32>} : memref<16x128xf32, #tpu.memory_space<vmem>>, vector<1x16xf32>,
    %swap3A_523 = arith.constant 9 : i32
    %swap3A_524 = arith.index_cast %swap3A_523 : i32 to index
    %swap3A_525 = arith.constant 96 : index
    %swap3A_526 = tpu.vector_load %arg9[%swap3A_524, %swap3A_525] {strides = array<i32>} : memref<16x128xf32, #tpu.memory_space<vmem>>, vector<1x16xf32>,
    %swap3A_527 = vector.shape_cast %swap3A_526 : vector<1x16xf32> to vector<16xf32>
    %swap3A_528 = vector.shape_cast %broadcast_in_dim3A_55 : vector<16xf32> to vector<1x16xf32>
    tpu.vector_store %arg9[%swap3A_524, %swap3A_525], %swap3A_528 {strides = array<i32>} : memref<16x128xf32, #tpu.memory_space<vmem>>, vector<1x16xf32>,
    %swap3A_529 = arith.constant 9 : i32
    %swap3A_530 = arith.index_cast %swap3A_529 : i32 to index
    %swap3A_531 = arith.constant 112 : index
    %swap3A_532 = tpu.vector_load %arg9[%swap3A_530, %swap3A_531] {strides = array<i32>} : memref<16x128xf32, #tpu.memory_space<vmem>>, vector<1x16xf32>,
    %swap3A_533 = vector.shape_cast %swap3A_532 : vector<1x16xf32> to vector<16xf32>
    %swap3A_534 = vector.shape_cast %broadcast_in_dim3A_55 : vector<16xf32> to vector<1x16xf32>
    tpu.vector_store %arg9[%swap3A_530, %swap3A_531], %swap3A_534 {strides = array<i32>} : memref<16x128xf32, #tpu.memory_space<vmem>>, vector<1x16xf32>,
    %swap3A_535 = arith.constant 10 : i32
    %swap3A_536 = arith.index_cast %swap3A_535 : i32 to index
    %swap3A_537 = arith.constant 0 : index
    %swap3A_538 = tpu.vector_load %arg9[%swap3A_536, %swap3A_537] {strides = array<i32>} : memref<16x128xf32, #tpu.memory_space<vmem>>, vector<1x16xf32>,
    %swap3A_539 = vector.shape_cast %swap3A_538 : vector<1x16xf32> to vector<16xf32>
    %swap3A_540 = vector.shape_cast %broadcast_in_dim3A_55 : vector<16xf32> to vector<1x16xf32>
    tpu.vector_store %arg9[%swap3A_536, %swap3A_537], %swap3A_540 {strides = array<i32>} : memref<16x128xf32, #tpu.memory_space<vmem>>, vector<1x16xf32>,
    %swap3A_541 = arith.constant 10 : i32
    %swap3A_542 = arith.index_cast %swap3A_541 : i32 to index
    %swap3A_543 = arith.constant 16 : index
    %swap3A_544 = tpu.vector_load %arg9[%swap3A_542, %swap3A_543] {strides = array<i32>} : memref<16x128xf32, #tpu.memory_space<vmem>>, vector<1x16xf32>,
    %swap3A_545 = vector.shape_cast %swap3A_544 : vector<1x16xf32> to vector<16xf32>
    %swap3A_546 = vector.shape_cast %broadcast_in_dim3A_55 : vector<16xf32> to vector<1x16xf32>
    tpu.vector_store %arg9[%swap3A_542, %swap3A_543], %swap3A_546 {strides = array<i32>} : memref<16x128xf32, #tpu.memory_space<vmem>>, vector<1x16xf32>,
    %swap3A_547 = arith.constant 10 : i32
    %swap3A_548 = arith.index_cast %swap3A_547 : i32 to index
    %swap3A_549 = arith.constant 32 : index
    %swap3A_550 = tpu.vector_load %arg9[%swap3A_548, %swap3A_549] {strides = array<i32>} : memref<16x128xf32, #tpu.memory_space<vmem>>, vector<1x16xf32>,
    %swap3A_551 = vector.shape_cast %swap3A_550 : vector<1x16xf32> to vector<16xf32>
    %swap3A_552 = vector.shape_cast %broadcast_in_dim3A_55 : vector<16xf32> to vector<1x16xf32>
    tpu.vector_store %arg9[%swap3A_548, %swap3A_549], %swap3A_552 {strides = array<i32>} : memref<16x128xf32, #tpu.memory_space<vmem>>, vector<1x16xf32>,
    %swap3A_553 = arith.constant 10 : i32
    %swap3A_554 = arith.index_cast %swap3A_553 : i32 to index
    %swap3A_555 = arith.constant 48 : index
    %swap3A_556 = tpu.vector_load %arg9[%swap3A_554, %swap3A_555] {strides = array<i32>} : memref<16x128xf32, #tpu.memory_space<vmem>>, vector<1x16xf32>,
    %swap3A_557 = vector.shape_cast %swap3A_556 : vector<1x16xf32> to vector<16xf32>
    %swap3A_558 = vector.shape_cast %broadcast_in_dim3A_55 : vector<16xf32> to vector<1x16xf32>
    tpu.vector_store %arg9[%swap3A_554, %swap3A_555], %swap3A_558 {strides = array<i32>} : memref<16x128xf32, #tpu.memory_space<vmem>>, vector<1x16xf32>,
    %swap3A_559 = arith.constant 10 : i32
    %swap3A_560 = arith.index_cast %swap3A_559 : i32 to index
    %swap3A_561 = arith.constant 64 : index
    %swap3A_562 = tpu.vector_load %arg9[%swap3A_560, %swap3A_561] {strides = array<i32>} : memref<16x128xf32, #tpu.memory_space<vmem>>, vector<1x16xf32>,
    %swap3A_563 = vector.shape_cast %swap3A_562 : vector<1x16xf32> to vector<16xf32>
    %swap3A_564 = vector.shape_cast %broadcast_in_dim3A_55 : vector<16xf32> to vector<1x16xf32>
    tpu.vector_store %arg9[%swap3A_560, %swap3A_561], %swap3A_564 {strides = array<i32>} : memref<16x128xf32, #tpu.memory_space<vmem>>, vector<1x16xf32>,
    %swap3A_565 = arith.constant 10 : i32
    %swap3A_566 = arith.index_cast %swap3A_565 : i32 to index
    %swap3A_567 = arith.constant 80 : index
    %swap3A_568 = tpu.vector_load %arg9[%swap3A_566, %swap3A_567] {strides = array<i32>} : memref<16x128xf32, #tpu.memory_space<vmem>>, vector<1x16xf32>,
    %swap3A_569 = vector.shape_cast %swap3A_568 : vector<1x16xf32> to vector<16xf32>
    %swap3A_570 = vector.shape_cast %broadcast_in_dim3A_55 : vector<16xf32> to vector<1x16xf32>
    tpu.vector_store %arg9[%swap3A_566, %swap3A_567], %swap3A_570 {strides = array<i32>} : memref<16x128xf32, #tpu.memory_space<vmem>>, vector<1x16xf32>,
    %swap3A_571 = arith.constant 10 : i32
    %swap3A_572 = arith.index_cast %swap3A_571 : i32 to index
    %swap3A_573 = arith.constant 96 : index
    %swap3A_574 = tpu.vector_load %arg9[%swap3A_572, %swap3A_573] {strides = array<i32>} : memref<16x128xf32, #tpu.memory_space<vmem>>, vector<1x16xf32>,
    %swap3A_575 = vector.shape_cast %swap3A_574 : vector<1x16xf32> to vector<16xf32>
    %swap3A_576 = vector.shape_cast %broadcast_in_dim3A_55 : vector<16xf32> to vector<1x16xf32>
    tpu.vector_store %arg9[%swap3A_572, %swap3A_573], %swap3A_576 {strides = array<i32>} : memref<16x128xf32, #tpu.memory_space<vmem>>, vector<1x16xf32>,
    %swap3A_577 = arith.constant 10 : i32
    %swap3A_578 = arith.index_cast %swap3A_577 : i32 to index
    %swap3A_579 = arith.constant 112 : index
    %swap3A_580 = tpu.vector_load %arg9[%swap3A_578, %swap3A_579] {strides = array<i32>} : memref<16x128xf32, #tpu.memory_space<vmem>>, vector<1x16xf32>,
    %swap3A_581 = vector.shape_cast %swap3A_580 : vector<1x16xf32> to vector<16xf32>
    %swap3A_582 = vector.shape_cast %broadcast_in_dim3A_55 : vector<16xf32> to vector<1x16xf32>
    tpu.vector_store %arg9[%swap3A_578, %swap3A_579], %swap3A_582 {strides = array<i32>} : memref<16x128xf32, #tpu.memory_space<vmem>>, vector<1x16xf32>,
    %swap3A_583 = arith.constant 11 : i32
    %swap3A_584 = arith.index_cast %swap3A_583 : i32 to index
    %swap3A_585 = arith.constant 0 : index
    %swap3A_586 = tpu.vector_load %arg9[%swap3A_584, %swap3A_585] {strides = array<i32>} : memref<16x128xf32, #tpu.memory_space<vmem>>, vector<1x16xf32>,
    %swap3A_587 = vector.shape_cast %swap3A_586 : vector<1x16xf32> to vector<16xf32>
    %swap3A_588 = vector.shape_cast %broadcast_in_dim3A_55 : vector<16xf32> to vector<1x16xf32>
    tpu.vector_store %arg9[%swap3A_584, %swap3A_585], %swap3A_588 {strides = array<i32>} : memref<16x128xf32, #tpu.memory_space<vmem>>, vector<1x16xf32>,
    %swap3A_589 = arith.constant 11 : i32
    %swap3A_590 = arith.index_cast %swap3A_589 : i32 to index
    %swap3A_591 = arith.constant 16 : index
    %swap3A_592 = tpu.vector_load %arg9[%swap3A_590, %swap3A_591] {strides = array<i32>} : memref<16x128xf32, #tpu.memory_space<vmem>>, vector<1x16xf32>,
    %swap3A_593 = vector.shape_cast %swap3A_592 : vector<1x16xf32> to vector<16xf32>
    %swap3A_594 = vector.shape_cast %broadcast_in_dim3A_55 : vector<16xf32> to vector<1x16xf32>
    tpu.vector_store %arg9[%swap3A_590, %swap3A_591], %swap3A_594 {strides = array<i32>} : memref<16x128xf32, #tpu.memory_space<vmem>>, vector<1x16xf32>,
    %swap3A_595 = arith.constant 11 : i32
    %swap3A_596 = arith.index_cast %swap3A_595 : i32 to index
    %swap3A_597 = arith.constant 32 : index
    %swap3A_598 = tpu.vector_load %arg9[%swap3A_596, %swap3A_597] {strides = array<i32>} : memref<16x128xf32, #tpu.memory_space<vmem>>, vector<1x16xf32>,
    %swap3A_599 = vector.shape_cast %swap3A_598 : vector<1x16xf32> to vector<16xf32>
    %swap3A_600 = vector.shape_cast %broadcast_in_dim3A_55 : vector<16xf32> to vector<1x16xf32>
    tpu.vector_store %arg9[%swap3A_596, %swap3A_597], %swap3A_600 {strides = array<i32>} : memref<16x128xf32, #tpu.memory_space<vmem>>, vector<1x16xf32>,
    %swap3A_601 = arith.constant 11 : i32
    %swap3A_602 = arith.index_cast %swap3A_601 : i32 to index
    %swap3A_603 = arith.constant 48 : index
    %swap3A_604 = tpu.vector_load %arg9[%swap3A_602, %swap3A_603] {strides = array<i32>} : memref<16x128xf32, #tpu.memory_space<vmem>>, vector<1x16xf32>,
    %swap3A_605 = vector.shape_cast %swap3A_604 : vector<1x16xf32> to vector<16xf32>
    %swap3A_606 = vector.shape_cast %broadcast_in_dim3A_55 : vector<16xf32> to vector<1x16xf32>
    tpu.vector_store %arg9[%swap3A_602, %swap3A_603], %swap3A_606 {strides = array<i32>} : memref<16x128xf32, #tpu.memory_space<vmem>>, vector<1x16xf32>,
    %swap3A_607 = arith.constant 11 : i32
    %swap3A_608 = arith.index_cast %swap3A_607 : i32 to index
    %swap3A_609 = arith.constant 64 : index
    %swap3A_610 = tpu.vector_load %arg9[%swap3A_608, %swap3A_609] {strides = array<i32>} : memref<16x128xf32, #tpu.memory_space<vmem>>, vector<1x16xf32>,
    %swap3A_611 = vector.shape_cast %swap3A_610 : vector<1x16xf32> to vector<16xf32>
    %swap3A_612 = vector.shape_cast %broadcast_in_dim3A_55 : vector<16xf32> to vector<1x16xf32>
    tpu.vector_store %arg9[%swap3A_608, %swap3A_609], %swap3A_612 {strides = array<i32>} : memref<16x128xf32, #tpu.memory_space<vmem>>, vector<1x16xf32>,
    %swap3A_613 = arith.constant 11 : i32
    %swap3A_614 = arith.index_cast %swap3A_613 : i32 to index
    %swap3A_615 = arith.constant 80 : index
    %swap3A_616 = tpu.vector_load %arg9[%swap3A_614, %swap3A_615] {strides = array<i32>} : memref<16x128xf32, #tpu.memory_space<vmem>>, vector<1x16xf32>,
    %swap3A_617 = vector.shape_cast %swap3A_616 : vector<1x16xf32> to vector<16xf32>
    %swap3A_618 = vector.shape_cast %broadcast_in_dim3A_55 : vector<16xf32> to vector<1x16xf32>
    tpu.vector_store %arg9[%swap3A_614, %swap3A_615], %swap3A_618 {strides = array<i32>} : memref<16x128xf32, #tpu.memory_space<vmem>>, vector<1x16xf32>,
    %swap3A_619 = arith.constant 11 : i32
    %swap3A_620 = arith.index_cast %swap3A_619 : i32 to index
    %swap3A_621 = arith.constant 96 : index
    %swap3A_622 = tpu.vector_load %arg9[%swap3A_620, %swap3A_621] {strides = array<i32>} : memref<16x128xf32, #tpu.memory_space<vmem>>, vector<1x16xf32>,
    %swap3A_623 = vector.shape_cast %swap3A_622 : vector<1x16xf32> to vector<16xf32>
    %swap3A_624 = vector.shape_cast %broadcast_in_dim3A_55 : vector<16xf32> to vector<1x16xf32>
    tpu.vector_store %arg9[%swap3A_620, %swap3A_621], %swap3A_624 {strides = array<i32>} : memref<16x128xf32, #tpu.memory_space<vmem>>, vector<1x16xf32>,
    %swap3A_625 = arith.constant 11 : i32
    %swap3A_626 = arith.index_cast %swap3A_625 : i32 to index
    %swap3A_627 = arith.constant 112 : index
    %swap3A_628 = tpu.vector_load %arg9[%swap3A_626, %swap3A_627] {strides = array<i32>} : memref<16x128xf32, #tpu.memory_space<vmem>>, vector<1x16xf32>,
    %swap3A_629 = vector.shape_cast %swap3A_628 : vector<1x16xf32> to vector<16xf32>
    %swap3A_630 = vector.shape_cast %broadcast_in_dim3A_55 : vector<16xf32> to vector<1x16xf32>
    tpu.vector_store %arg9[%swap3A_626, %swap3A_627], %swap3A_630 {strides = array<i32>} : memref<16x128xf32, #tpu.memory_space<vmem>>, vector<1x16xf32>,
    %swap3A_631 = arith.constant 12 : i32
    %swap3A_632 = arith.index_cast %swap3A_631 : i32 to index
    %swap3A_633 = arith.constant 0 : index
    %swap3A_634 = tpu.vector_load %arg9[%swap3A_632, %swap3A_633] {strides = array<i32>} : memref<16x128xf32, #tpu.memory_space<vmem>>, vector<1x16xf32>,
    %swap3A_635 = vector.shape_cast %swap3A_634 : vector<1x16xf32> to vector<16xf32>
    %swap3A_636 = vector.shape_cast %broadcast_in_dim3A_55 : vector<16xf32> to vector<1x16xf32>
    tpu.vector_store %arg9[%swap3A_632, %swap3A_633], %swap3A_636 {strides = array<i32>} : memref<16x128xf32, #tpu.memory_space<vmem>>, vector<1x16xf32>,
    %swap3A_637 = arith.constant 12 : i32
    %swap3A_638 = arith.index_cast %swap3A_637 : i32 to index
    %swap3A_639 = arith.constant 16 : index
    %swap3A_640 = tpu.vector_load %arg9[%swap3A_638, %swap3A_639] {strides = array<i32>} : memref<16x128xf32, #tpu.memory_space<vmem>>, vector<1x16xf32>,
    %swap3A_641 = vector.shape_cast %swap3A_640 : vector<1x16xf32> to vector<16xf32>
    %swap3A_642 = vector.shape_cast %broadcast_in_dim3A_55 : vector<16xf32> to vector<1x16xf32>
    tpu.vector_store %arg9[%swap3A_638, %swap3A_639], %swap3A_642 {strides = array<i32>} : memref<16x128xf32, #tpu.memory_space<vmem>>, vector<1x16xf32>,
    %swap3A_643 = arith.constant 12 : i32
    %swap3A_644 = arith.index_cast %swap3A_643 : i32 to index
    %swap3A_645 = arith.constant 32 : index
    %swap3A_646 = tpu.vector_load %arg9[%swap3A_644, %swap3A_645] {strides = array<i32>} : memref<16x128xf32, #tpu.memory_space<vmem>>, vector<1x16xf32>,
    %swap3A_647 = vector.shape_cast %swap3A_646 : vector<1x16xf32> to vector<16xf32>
    %swap3A_648 = vector.shape_cast %broadcast_in_dim3A_55 : vector<16xf32> to vector<1x16xf32>
    tpu.vector_store %arg9[%swap3A_644, %swap3A_645], %swap3A_648 {strides = array<i32>} : memref<16x128xf32, #tpu.memory_space<vmem>>, vector<1x16xf32>,
    %swap3A_649 = arith.constant 12 : i32
    %swap3A_650 = arith.index_cast %swap3A_649 : i32 to index
    %swap3A_651 = arith.constant 48 : index
    %swap3A_652 = tpu.vector_load %arg9[%swap3A_650, %swap3A_651] {strides = array<i32>} : memref<16x128xf32, #tpu.memory_space<vmem>>, vector<1x16xf32>,
    %swap3A_653 = vector.shape_cast %swap3A_652 : vector<1x16xf32> to vector<16xf32>
    %swap3A_654 = vector.shape_cast %broadcast_in_dim3A_55 : vector<16xf32> to vector<1x16xf32>
    tpu.vector_store %arg9[%swap3A_650, %swap3A_651], %swap3A_654 {strides = array<i32>} : memref<16x128xf32, #tpu.memory_space<vmem>>, vector<1x16xf32>,
    %swap3A_655 = arith.constant 12 : i32
    %swap3A_656 = arith.index_cast %swap3A_655 : i32 to index
    %swap3A_657 = arith.constant 64 : index
    %swap3A_658 = tpu.vector_load %arg9[%swap3A_656, %swap3A_657] {strides = array<i32>} : memref<16x128xf32, #tpu.memory_space<vmem>>, vector<1x16xf32>,
    %swap3A_659 = vector.shape_cast %swap3A_658 : vector<1x16xf32> to vector<16xf32>
    %swap3A_660 = vector.shape_cast %broadcast_in_dim3A_55 : vector<16xf32> to vector<1x16xf32>
    tpu.vector_store %arg9[%swap3A_656, %swap3A_657], %swap3A_660 {strides = array<i32>} : memref<16x128xf32, #tpu.memory_space<vmem>>, vector<1x16xf32>,
    %swap3A_661 = arith.constant 12 : i32
    %swap3A_662 = arith.index_cast %swap3A_661 : i32 to index
    %swap3A_663 = arith.constant 80 : index
    %swap3A_664 = tpu.vector_load %arg9[%swap3A_662, %swap3A_663] {strides = array<i32>} : memref<16x128xf32, #tpu.memory_space<vmem>>, vector<1x16xf32>,
    %swap3A_665 = vector.shape_cast %swap3A_664 : vector<1x16xf32> to vector<16xf32>
    %swap3A_666 = vector.shape_cast %broadcast_in_dim3A_55 : vector<16xf32> to vector<1x16xf32>
    tpu.vector_store %arg9[%swap3A_662, %swap3A_663], %swap3A_666 {strides = array<i32>} : memref<16x128xf32, #tpu.memory_space<vmem>>, vector<1x16xf32>,
    %swap3A_667 = arith.constant 12 : i32
    %swap3A_668 = arith.index_cast %swap3A_667 : i32 to index
    %swap3A_669 = arith.constant 96 : index
    %swap3A_670 = tpu.vector_load %arg9[%swap3A_668, %swap3A_669] {strides = array<i32>} : memref<16x128xf32, #tpu.memory_space<vmem>>, vector<1x16xf32>,
    %swap3A_671 = vector.shape_cast %swap3A_670 : vector<1x16xf32> to vector<16xf32>
    %swap3A_672 = vector.shape_cast %broadcast_in_dim3A_55 : vector<16xf32> to vector<1x16xf32>
    tpu.vector_store %arg9[%swap3A_668, %swap3A_669], %swap3A_672 {strides = array<i32>} : memref<16x128xf32, #tpu.memory_space<vmem>>, vector<1x16xf32>,
    %swap3A_673 = arith.constant 12 : i32
    %swap3A_674 = arith.index_cast %swap3A_673 : i32 to index
    %swap3A_675 = arith.constant 112 : index
    %swap3A_676 = tpu.vector_load %arg9[%swap3A_674, %swap3A_675] {strides = array<i32>} : memref<16x128xf32, #tpu.memory_space<vmem>>, vector<1x16xf32>,
    %swap3A_677 = vector.shape_cast %swap3A_676 : vector<1x16xf32> to vector<16xf32>
    %swap3A_678 = vector.shape_cast %broadcast_in_dim3A_55 : vector<16xf32> to vector<1x16xf32>
    tpu.vector_store %arg9[%swap3A_674, %swap3A_675], %swap3A_678 {strides = array<i32>} : memref<16x128xf32, #tpu.memory_space<vmem>>, vector<1x16xf32>,
    %swap3A_679 = arith.constant 13 : i32
    %swap3A_680 = arith.index_cast %swap3A_679 : i32 to index
    %swap3A_681 = arith.constant 0 : index
    %swap3A_682 = tpu.vector_load %arg9[%swap3A_680, %swap3A_681] {strides = array<i32>} : memref<16x128xf32, #tpu.memory_space<vmem>>, vector<1x16xf32>,
    %swap3A_683 = vector.shape_cast %swap3A_682 : vector<1x16xf32> to vector<16xf32>
    %swap3A_684 = vector.shape_cast %broadcast_in_dim3A_55 : vector<16xf32> to vector<1x16xf32>
    tpu.vector_store %arg9[%swap3A_680, %swap3A_681], %swap3A_684 {strides = array<i32>} : memref<16x128xf32, #tpu.memory_space<vmem>>, vector<1x16xf32>,
    %swap3A_685 = arith.constant 13 : i32
    %swap3A_686 = arith.index_cast %swap3A_685 : i32 to index
    %swap3A_687 = arith.constant 16 : index
    %swap3A_688 = tpu.vector_load %arg9[%swap3A_686, %swap3A_687] {strides = array<i32>} : memref<16x128xf32, #tpu.memory_space<vmem>>, vector<1x16xf32>,
    %swap3A_689 = vector.shape_cast %swap3A_688 : vector<1x16xf32> to vector<16xf32>
    %swap3A_690 = vector.shape_cast %broadcast_in_dim3A_55 : vector<16xf32> to vector<1x16xf32>
    tpu.vector_store %arg9[%swap3A_686, %swap3A_687], %swap3A_690 {strides = array<i32>} : memref<16x128xf32, #tpu.memory_space<vmem>>, vector<1x16xf32>,
    %swap3A_691 = arith.constant 13 : i32
    %swap3A_692 = arith.index_cast %swap3A_691 : i32 to index
    %swap3A_693 = arith.constant 32 : index
    %swap3A_694 = tpu.vector_load %arg9[%swap3A_692, %swap3A_693] {strides = array<i32>} : memref<16x128xf32, #tpu.memory_space<vmem>>, vector<1x16xf32>,
    %swap3A_695 = vector.shape_cast %swap3A_694 : vector<1x16xf32> to vector<16xf32>
    %swap3A_696 = vector.shape_cast %broadcast_in_dim3A_55 : vector<16xf32> to vector<1x16xf32>
    tpu.vector_store %arg9[%swap3A_692, %swap3A_693], %swap3A_696 {strides = array<i32>} : memref<16x128xf32, #tpu.memory_space<vmem>>, vector<1x16xf32>,
    %swap3A_697 = arith.constant 13 : i32
    %swap3A_698 = arith.index_cast %swap3A_697 : i32 to index
    %swap3A_699 = arith.constant 48 : index
    %swap3A_700 = tpu.vector_load %arg9[%swap3A_698, %swap3A_699] {strides = array<i32>} : memref<16x128xf32, #tpu.memory_space<vmem>>, vector<1x16xf32>,
    %swap3A_701 = vector.shape_cast %swap3A_700 : vector<1x16xf32> to vector<16xf32>
    %swap3A_702 = vector.shape_cast %broadcast_in_dim3A_55 : vector<16xf32> to vector<1x16xf32>
    tpu.vector_store %arg9[%swap3A_698, %swap3A_699], %swap3A_702 {strides = array<i32>} : memref<16x128xf32, #tpu.memory_space<vmem>>, vector<1x16xf32>,
    %swap3A_703 = arith.constant 13 : i32
    %swap3A_704 = arith.index_cast %swap3A_703 : i32 to index
    %swap3A_705 = arith.constant 64 : index
    %swap3A_706 = tpu.vector_load %arg9[%swap3A_704, %swap3A_705] {strides = array<i32>} : memref<16x128xf32, #tpu.memory_space<vmem>>, vector<1x16xf32>,
    %swap3A_707 = vector.shape_cast %swap3A_706 : vector<1x16xf32> to vector<16xf32>
    %swap3A_708 = vector.shape_cast %broadcast_in_dim3A_55 : vector<16xf32> to vector<1x16xf32>
    tpu.vector_store %arg9[%swap3A_704, %swap3A_705], %swap3A_708 {strides = array<i32>} : memref<16x128xf32, #tpu.memory_space<vmem>>, vector<1x16xf32>,
    %swap3A_709 = arith.constant 13 : i32
    %swap3A_710 = arith.index_cast %swap3A_709 : i32 to index
    %swap3A_711 = arith.constant 80 : index
    %swap3A_712 = tpu.vector_load %arg9[%swap3A_710, %swap3A_711] {strides = array<i32>} : memref<16x128xf32, #tpu.memory_space<vmem>>, vector<1x16xf32>,
    %swap3A_713 = vector.shape_cast %swap3A_712 : vector<1x16xf32> to vector<16xf32>
    %swap3A_714 = vector.shape_cast %broadcast_in_dim3A_55 : vector<16xf32> to vector<1x16xf32>
    tpu.vector_store %arg9[%swap3A_710, %swap3A_711], %swap3A_714 {strides = array<i32>} : memref<16x128xf32, #tpu.memory_space<vmem>>, vector<1x16xf32>,
    %swap3A_715 = arith.constant 13 : i32
    %swap3A_716 = arith.index_cast %swap3A_715 : i32 to index
    %swap3A_717 = arith.constant 96 : index
    %swap3A_718 = tpu.vector_load %arg9[%swap3A_716, %swap3A_717] {strides = array<i32>} : memref<16x128xf32, #tpu.memory_space<vmem>>, vector<1x16xf32>,
    %swap3A_719 = vector.shape_cast %swap3A_718 : vector<1x16xf32> to vector<16xf32>
    %swap3A_720 = vector.shape_cast %broadcast_in_dim3A_55 : vector<16xf32> to vector<1x16xf32>
    tpu.vector_store %arg9[%swap3A_716, %swap3A_717], %swap3A_720 {strides = array<i32>} : memref<16x128xf32, #tpu.memory_space<vmem>>, vector<1x16xf32>,
    %swap3A_721 = arith.constant 13 : i32
    %swap3A_722 = arith.index_cast %swap3A_721 : i32 to index
    %swap3A_723 = arith.constant 112 : index
    %swap3A_724 = tpu.vector_load %arg9[%swap3A_722, %swap3A_723] {strides = array<i32>} : memref<16x128xf32, #tpu.memory_space<vmem>>, vector<1x16xf32>,
    %swap3A_725 = vector.shape_cast %swap3A_724 : vector<1x16xf32> to vector<16xf32>
    %swap3A_726 = vector.shape_cast %broadcast_in_dim3A_55 : vector<16xf32> to vector<1x16xf32>
    tpu.vector_store %arg9[%swap3A_722, %swap3A_723], %swap3A_726 {strides = array<i32>} : memref<16x128xf32, #tpu.memory_space<vmem>>, vector<1x16xf32>,
    %swap3A_727 = arith.constant 14 : i32
    %swap3A_728 = arith.index_cast %swap3A_727 : i32 to index
    %swap3A_729 = arith.constant 0 : index
    %swap3A_730 = tpu.vector_load %arg9[%swap3A_728, %swap3A_729] {strides = array<i32>} : memref<16x128xf32, #tpu.memory_space<vmem>>, vector<1x16xf32>,
    %swap3A_731 = vector.shape_cast %swap3A_730 : vector<1x16xf32> to vector<16xf32>
    %swap3A_732 = vector.shape_cast %broadcast_in_dim3A_55 : vector<16xf32> to vector<1x16xf32>
    tpu.vector_store %arg9[%swap3A_728, %swap3A_729], %swap3A_732 {strides = array<i32>} : memref<16x128xf32, #tpu.memory_space<vmem>>, vector<1x16xf32>,
    %swap3A_733 = arith.constant 14 : i32
    %swap3A_734 = arith.index_cast %swap3A_733 : i32 to index
    %swap3A_735 = arith.constant 16 : index
    %swap3A_736 = tpu.vector_load %arg9[%swap3A_734, %swap3A_735] {strides = array<i32>} : memref<16x128xf32, #tpu.memory_space<vmem>>, vector<1x16xf32>,
    %swap3A_737 = vector.shape_cast %swap3A_736 : vector<1x16xf32> to vector<16xf32>
    %swap3A_738 = vector.shape_cast %broadcast_in_dim3A_55 : vector<16xf32> to vector<1x16xf32>
    tpu.vector_store %arg9[%swap3A_734, %swap3A_735], %swap3A_738 {strides = array<i32>} : memref<16x128xf32, #tpu.memory_space<vmem>>, vector<1x16xf32>,
    %swap3A_739 = arith.constant 14 : i32
    %swap3A_740 = arith.index_cast %swap3A_739 : i32 to index
    %swap3A_741 = arith.constant 32 : index
    %swap3A_742 = tpu.vector_load %arg9[%swap3A_740, %swap3A_741] {strides = array<i32>} : memref<16x128xf32, #tpu.memory_space<vmem>>, vector<1x16xf32>,
    %swap3A_743 = vector.shape_cast %swap3A_742 : vector<1x16xf32> to vector<16xf32>
    %swap3A_744 = vector.shape_cast %broadcast_in_dim3A_55 : vector<16xf32> to vector<1x16xf32>
    tpu.vector_store %arg9[%swap3A_740, %swap3A_741], %swap3A_744 {strides = array<i32>} : memref<16x128xf32, #tpu.memory_space<vmem>>, vector<1x16xf32>,
    %swap3A_745 = arith.constant 14 : i32
    %swap3A_746 = arith.index_cast %swap3A_745 : i32 to index
    %swap3A_747 = arith.constant 48 : index
    %swap3A_748 = tpu.vector_load %arg9[%swap3A_746, %swap3A_747] {strides = array<i32>} : memref<16x128xf32, #tpu.memory_space<vmem>>, vector<1x16xf32>,
    %swap3A_749 = vector.shape_cast %swap3A_748 : vector<1x16xf32> to vector<16xf32>
    %swap3A_750 = vector.shape_cast %broadcast_in_dim3A_55 : vector<16xf32> to vector<1x16xf32>
    tpu.vector_store %arg9[%swap3A_746, %swap3A_747], %swap3A_750 {strides = array<i32>} : memref<16x128xf32, #tpu.memory_space<vmem>>, vector<1x16xf32>,
    %swap3A_751 = arith.constant 14 : i32
    %swap3A_752 = arith.index_cast %swap3A_751 : i32 to index
    %swap3A_753 = arith.constant 64 : index
    %swap3A_754 = tpu.vector_load %arg9[%swap3A_752, %swap3A_753] {strides = array<i32>} : memref<16x128xf32, #tpu.memory_space<vmem>>, vector<1x16xf32>,
    %swap3A_755 = vector.shape_cast %swap3A_754 : vector<1x16xf32> to vector<16xf32>
    %swap3A_756 = vector.shape_cast %broadcast_in_dim3A_55 : vector<16xf32> to vector<1x16xf32>
    tpu.vector_store %arg9[%swap3A_752, %swap3A_753], %swap3A_756 {strides = array<i32>} : memref<16x128xf32, #tpu.memory_space<vmem>>, vector<1x16xf32>,
    %swap3A_757 = arith.constant 14 : i32
    %swap3A_758 = arith.index_cast %swap3A_757 : i32 to index
    %swap3A_759 = arith.constant 80 : index
    %swap3A_760 = tpu.vector_load %arg9[%swap3A_758, %swap3A_759] {strides = array<i32>} : memref<16x128xf32, #tpu.memory_space<vmem>>, vector<1x16xf32>,
    %swap3A_761 = vector.shape_cast %swap3A_760 : vector<1x16xf32> to vector<16xf32>
    %swap3A_762 = vector.shape_cast %broadcast_in_dim3A_55 : vector<16xf32> to vector<1x16xf32>
    tpu.vector_store %arg9[%swap3A_758, %swap3A_759], %swap3A_762 {strides = array<i32>} : memref<16x128xf32, #tpu.memory_space<vmem>>, vector<1x16xf32>,
    %swap3A_763 = arith.constant 14 : i32
    %swap3A_764 = arith.index_cast %swap3A_763 : i32 to index
    %swap3A_765 = arith.constant 96 : index
    %swap3A_766 = tpu.vector_load %arg9[%swap3A_764, %swap3A_765] {strides = array<i32>} : memref<16x128xf32, #tpu.memory_space<vmem>>, vector<1x16xf32>,
    %swap3A_767 = vector.shape_cast %swap3A_766 : vector<1x16xf32> to vector<16xf32>
    %swap3A_768 = vector.shape_cast %broadcast_in_dim3A_55 : vector<16xf32> to vector<1x16xf32>
    tpu.vector_store %arg9[%swap3A_764, %swap3A_765], %swap3A_768 {strides = array<i32>} : memref<16x128xf32, #tpu.memory_space<vmem>>, vector<1x16xf32>,
    %swap3A_769 = arith.constant 14 : i32
    %swap3A_770 = arith.index_cast %swap3A_769 : i32 to index
    %swap3A_771 = arith.constant 112 : index
    %swap3A_772 = tpu.vector_load %arg9[%swap3A_770, %swap3A_771] {strides = array<i32>} : memref<16x128xf32, #tpu.memory_space<vmem>>, vector<1x16xf32>,
    %swap3A_773 = vector.shape_cast %swap3A_772 : vector<1x16xf32> to vector<16xf32>
    %swap3A_774 = vector.shape_cast %broadcast_in_dim3A_55 : vector<16xf32> to vector<1x16xf32>
    tpu.vector_store %arg9[%swap3A_770, %swap3A_771], %swap3A_774 {strides = array<i32>} : memref<16x128xf32, #tpu.memory_space<vmem>>, vector<1x16xf32>,
    %swap3A_775 = arith.constant 15 : i32
    %swap3A_776 = arith.index_cast %swap3A_775 : i32 to index
    %swap3A_777 = arith.constant 0 : index
    %swap3A_778 = tpu.vector_load %arg9[%swap3A_776, %swap3A_777] {strides = array<i32>} : memref<16x128xf32, #tpu.memory_space<vmem>>, vector<1x16xf32>,
    %swap3A_779 = vector.shape_cast %swap3A_778 : vector<1x16xf32> to vector<16xf32>
    %swap3A_780 = vector.shape_cast %broadcast_in_dim3A_55 : vector<16xf32> to vector<1x16xf32>
    tpu.vector_store %arg9[%swap3A_776, %swap3A_777], %swap3A_780 {strides = array<i32>} : memref<16x128xf32, #tpu.memory_space<vmem>>, vector<1x16xf32>,
    %swap3A_781 = arith.constant 15 : i32
    %swap3A_782 = arith.index_cast %swap3A_781 : i32 to index
    %swap3A_783 = arith.constant 16 : index
    %swap3A_784 = tpu.vector_load %arg9[%swap3A_782, %swap3A_783] {strides = array<i32>} : memref<16x128xf32, #tpu.memory_space<vmem>>, vector<1x16xf32>,
    %swap3A_785 = vector.shape_cast %swap3A_784 : vector<1x16xf32> to vector<16xf32>
    %swap3A_786 = vector.shape_cast %broadcast_in_dim3A_55 : vector<16xf32> to vector<1x16xf32>
    tpu.vector_store %arg9[%swap3A_782, %swap3A_783], %swap3A_786 {strides = array<i32>} : memref<16x128xf32, #tpu.memory_space<vmem>>, vector<1x16xf32>,
    %swap3A_787 = arith.constant 15 : i32
    %swap3A_788 = arith.index_cast %swap3A_787 : i32 to index
    %swap3A_789 = arith.constant 32 : index
    %swap3A_790 = tpu.vector_load %arg9[%swap3A_788, %swap3A_789] {strides = array<i32>} : memref<16x128xf32, #tpu.memory_space<vmem>>, vector<1x16xf32>,
    %swap3A_791 = vector.shape_cast %swap3A_790 : vector<1x16xf32> to vector<16xf32>
    %swap3A_792 = vector.shape_cast %broadcast_in_dim3A_55 : vector<16xf32> to vector<1x16xf32>
    tpu.vector_store %arg9[%swap3A_788, %swap3A_789], %swap3A_792 {strides = array<i32>} : memref<16x128xf32, #tpu.memory_space<vmem>>, vector<1x16xf32>,
    %swap3A_793 = arith.constant 15 : i32
    %swap3A_794 = arith.index_cast %swap3A_793 : i32 to index
    %swap3A_795 = arith.constant 48 : index
    %swap3A_796 = tpu.vector_load %arg9[%swap3A_794, %swap3A_795] {strides = array<i32>} : memref<16x128xf32, #tpu.memory_space<vmem>>, vector<1x16xf32>,
    %swap3A_797 = vector.shape_cast %swap3A_796 : vector<1x16xf32> to vector<16xf32>
    %swap3A_798 = vector.shape_cast %broadcast_in_dim3A_55 : vector<16xf32> to vector<1x16xf32>
    tpu.vector_store %arg9[%swap3A_794, %swap3A_795], %swap3A_798 {strides = array<i32>} : memref<16x128xf32, #tpu.memory_space<vmem>>, vector<1x16xf32>,
    %swap3A_799 = arith.constant 15 : i32
    %swap3A_800 = arith.index_cast %swap3A_799 : i32 to index
    %swap3A_801 = arith.constant 64 : index
    %swap3A_802 = tpu.vector_load %arg9[%swap3A_800, %swap3A_801] {strides = array<i32>} : memref<16x128xf32, #tpu.memory_space<vmem>>, vector<1x16xf32>,
    %swap3A_803 = vector.shape_cast %swap3A_802 : vector<1x16xf32> to vector<16xf32>
    %swap3A_804 = vector.shape_cast %broadcast_in_dim3A_55 : vector<16xf32> to vector<1x16xf32>
    tpu.vector_store %arg9[%swap3A_800, %swap3A_801], %swap3A_804 {strides = array<i32>} : memref<16x128xf32, #tpu.memory_space<vmem>>, vector<1x16xf32>,
    %swap3A_805 = arith.constant 15 : i32
    %swap3A_806 = arith.index_cast %swap3A_805 : i32 to index
    %swap3A_807 = arith.constant 80 : index
    %swap3A_808 = tpu.vector_load %arg9[%swap3A_806, %swap3A_807] {strides = array<i32>} : memref<16x128xf32, #tpu.memory_space<vmem>>, vector<1x16xf32>,
    %swap3A_809 = vector.shape_cast %swap3A_808 : vector<1x16xf32> to vector<16xf32>
    %swap3A_810 = vector.shape_cast %broadcast_in_dim3A_55 : vector<16xf32> to vector<1x16xf32>
    tpu.vector_store %arg9[%swap3A_806, %swap3A_807], %swap3A_810 {strides = array<i32>} : memref<16x128xf32, #tpu.memory_space<vmem>>, vector<1x16xf32>,
    %swap3A_811 = arith.constant 15 : i32
    %swap3A_812 = arith.index_cast %swap3A_811 : i32 to index
    %swap3A_813 = arith.constant 96 : index
    %swap3A_814 = tpu.vector_load %arg9[%swap3A_812, %swap3A_813] {strides = array<i32>} : memref<16x128xf32, #tpu.memory_space<vmem>>, vector<1x16xf32>,
    %swap3A_815 = vector.shape_cast %swap3A_814 : vector<1x16xf32> to vector<16xf32>
    %swap3A_816 = vector.shape_cast %broadcast_in_dim3A_55 : vector<16xf32> to vector<1x16xf32>
    tpu.vector_store %arg9[%swap3A_812, %swap3A_813], %swap3A_816 {strides = array<i32>} : memref<16x128xf32, #tpu.memory_space<vmem>>, vector<1x16xf32>,
    %swap3A_817 = arith.constant 15 : i32
    %swap3A_818 = arith.index_cast %swap3A_817 : i32 to index
    %swap3A_819 = arith.constant 112 : index
    %swap3A_820 = tpu.vector_load %arg9[%swap3A_818, %swap3A_819] {strides = array<i32>} : memref<16x128xf32, #tpu.memory_space<vmem>>, vector<1x16xf32>,
    %swap3A_821 = vector.shape_cast %swap3A_820 : vector<1x16xf32> to vector<16xf32>
    %swap3A_822 = vector.shape_cast %broadcast_in_dim3A_55 : vector<16xf32> to vector<1x16xf32>
    tpu.vector_store %arg9[%swap3A_818, %swap3A_819], %swap3A_822 {strides = array<i32>} : memref<16x128xf32, #tpu.memory_space<vmem>>, vector<1x16xf32>,
    %scan3A = arith.constant 0 : i32
    %scan3A_823 = arith.constant 0 : i32
    %scan3A_824 = arith.constant 40 : i32
    %scan3A_825 = arith.addi %scan3A_823, %scan3A_824 : i32
    %scan3A_826 = arith.constant 1 : i32
    scf.for %scan3A_892 = %scan3A_823 to %scan3A_825 step %scan3A_826  : i32 {
      %mul3A_893 = arith.constant 16 : i32
      %mul3A_894 = arith.muli %scan3A_892, %mul3A_893 : i32
      %add3A_895 = arith.addi %mul3A_894, %arg1 : i32
      %mul3A_896 = arith.constant 16 : i32
      %mul3A_897 = arith.muli %add3A_895, %mul3A_896 : i32
      "tpu.region"() ({
        %run_scoped3A_898 = tpu.sem_alloc : memref<!tpu.dma_semaphore, #tpu.memory_space<semaphore_mem>>
        %dma_start3A_899 = arith.constant 0 : i32
        %dma_start3A_900 = tpu.memref_slice %arg5[%mul3A_897, %dma_start3A_899] : memref<10240x128xf32, #tpu.memory_space<vmem_shared>> -> memref<16x128xf32, #tpu.memory_space<vmem_shared>>
        %dma_start3A_901 = arith.constant 0 : i32
        %dma_start3A_902 = tpu.memref_slice %arg5[%mul3A_897, %dma_start3A_901] : memref<10240x128xf32, #tpu.memory_space<vmem_shared>> -> memref<16x128xf32, #tpu.memory_space<vmem_shared>>
        tpu.enqueue_dma source(%arg9 : memref<16x128xf32, #tpu.memory_space<vmem>>) target(%dma_start3A_902 : memref<16x128xf32, #tpu.memory_space<vmem_shared>>) target_semaphore(%run_scoped3A_898 : memref<!tpu.dma_semaphore, #tpu.memory_space<semaphore_mem>>)
        %dma_wait3A_903 = arith.constant 0 : i32
        %dma_wait3A_904 = tpu.memref_slice %arg5[%mul3A_897, %dma_wait3A_903] : memref<10240x128xf32, #tpu.memory_space<vmem_shared>> -> memref<16x128xf32, #tpu.memory_space<vmem_shared>>
        %dma_wait3A_905 = arith.constant 0 : i32
        %dma_wait3A_906 = tpu.memref_slice %arg5[%mul3A_897, %dma_wait3A_905] : memref<10240x128xf32, #tpu.memory_space<vmem_shared>> -> memref<16x128xf32, #tpu.memory_space<vmem_shared>>
        tpu.wait_dma2 semaphore(%run_scoped3A_898 : memref<!tpu.dma_semaphore, #tpu.memory_space<semaphore_mem>>) src(%arg9 : memref<16x128xf32, #tpu.memory_space<vmem>>) dst(%dma_wait3A_906 : memref<16x128xf32, #tpu.memory_space<vmem_shared>>)
        tpu.yield
      }) : () -> ()
    }
    %scan3A_827 = arith.constant 40 : i32
    %barrier3A = arith.constant 0 : index
    tpu.barrier barrier_id(%barrier3A)
    %scan3A_828 = arith.constant 0 : i32
    %scan3A_829 = arith.constant 0 : i32
    %scan3A_830 = arith.constant 31 : i32
    %scan3A_831 = arith.addi %scan3A_829, %scan3A_830 : i32
    %scan3A_832 = arith.constant 1 : i32
    scf.for %scan3A_892 = %scan3A_829 to %scan3A_831 step %scan3A_832  : i32 {
      %rem3A = arith.constant 2 : i32
      %rem3A_893 = arith.remsi %scan3A_892, %rem3A : i32
      %add3A_894 = arith.constant 1 : i32
      %add3A_895 = arith.addi %scan3A_892, %add3A_894 : i32
      %rem3A_896 = arith.constant 2 : i32
      %rem3A_897 = arith.remsi %add3A_895, %rem3A_896 : i32
      %add3A_898 = arith.constant 1 : i32
      %add3A_899 = arith.addi %scan3A_892, %add3A_898 : i32
      %lt3A = arith.constant 31 : i32
      %lt3A_900 = arith.cmpi slt, %add3A_899, %lt3A : i32
      %add3A_901 = arith.constant 1 : i32
      %add3A_902 = arith.addi %scan3A_892, %add3A_901 : i32
      %mul3A_903 = arith.constant 4 : i32
      %mul3A_904 = arith.muli %add3A_902, %mul3A_903 : i32
      %convert_element_type3A = arith.extui %lt3A_900 : i1 to i32
      %cond3A = arith.constant 0 : i32
      %cond3A_905 = arith.cmpi ne, %convert_element_type3A, %cond3A : i32
      scf.if %cond3A_905 {
        %dma_start3A_1065 = arith.constant 0 : i32
        %dma_start3A_1066 = arith.constant 0 : i32
        %dma_start3A_1067 = arith.constant 0 : i32
        %dma_start3A_1068 = tpu.memref_slice %arg6[%rem3A_897, %dma_start3A_1066, %dma_start3A_1067] : memref<2x4x80xi32, #tpu.memory_space<vmem>> -> memref<1x4x80xi32, #tpu.memory_space<vmem>>
        %dma_start3A_1069 = tpu.memref_squeeze %dma_start3A_1068 : memref<1x4x80xi32, #tpu.memory_space<vmem>> -> memref<4x80xi32, #tpu.memory_space<vmem>>
        %dma_start3A_1070 = arith.constant 0 : i32
        %dma_start3A_1071 = tpu.memref_slice %arg3[%dma_start3A_1065, %add3A, %mul3A_904, %dma_start3A_1070] : memref<2x32x125x80xi32, #tpu.memory_space<hbm>> -> memref<1x1x4x80xi32, #tpu.memory_space<hbm>>
        %dma_start3A_1072 = tpu.memref_squeeze %dma_start3A_1071 : memref<1x1x4x80xi32, #tpu.memory_space<hbm>> -> memref<4x80xi32, #tpu.memory_space<hbm>>
        %dma_start3A_1073 = arith.constant 0 : i32
        %dma_start3A_1074 = arith.constant 0 : i32
        %dma_start3A_1075 = tpu.memref_slice %arg6[%rem3A_897, %dma_start3A_1073, %dma_start3A_1074] : memref<2x4x80xi32, #tpu.memory_space<vmem>> -> memref<1x4x80xi32, #tpu.memory_space<vmem>>
        %dma_start3A_1076 = tpu.memref_squeeze %dma_start3A_1075 : memref<1x4x80xi32, #tpu.memory_space<vmem>> -> memref<4x80xi32, #tpu.memory_space<vmem>>
        %dma_start3A_1077 = arith.constant 0 : i32
        %dma_start3A_1078 = tpu.memref_slice %arg3[%dma_start3A_1065, %add3A, %mul3A_904, %dma_start3A_1077] : memref<2x32x125x80xi32, #tpu.memory_space<hbm>> -> memref<1x1x4x80xi32, #tpu.memory_space<hbm>>
        %dma_start3A_1079 = tpu.memref_squeeze %dma_start3A_1078 : memref<1x1x4x80xi32, #tpu.memory_space<hbm>> -> memref<4x80xi32, #tpu.memory_space<hbm>>
        tpu.enqueue_dma source(%dma_start3A_1079 : memref<4x80xi32, #tpu.memory_space<hbm>>) target(%dma_start3A_1076 : memref<4x80xi32, #tpu.memory_space<vmem>>) target_semaphore(%arg12 : memref<!tpu.dma_semaphore, #tpu.memory_space<semaphore_mem>>)
        %dma_start3A_1080 = arith.constant 1 : i32
        %dma_start3A_1081 = arith.constant 0 : i32
        %dma_start3A_1082 = arith.constant 0 : i32
        %dma_start3A_1083 = tpu.memref_slice %arg7[%rem3A_897, %dma_start3A_1081, %dma_start3A_1082] : memref<2x4x80xi32, #tpu.memory_space<vmem>> -> memref<1x4x80xi32, #tpu.memory_space<vmem>>
        %dma_start3A_1084 = tpu.memref_squeeze %dma_start3A_1083 : memref<1x4x80xi32, #tpu.memory_space<vmem>> -> memref<4x80xi32, #tpu.memory_space<vmem>>
        %dma_start3A_1085 = arith.constant 0 : i32
        %dma_start3A_1086 = tpu.memref_slice %arg3[%dma_start3A_1080, %add3A, %mul3A_904, %dma_start3A_1085] : memref<2x32x125x80xi32, #tpu.memory_space<hbm>> -> memref<1x1x4x80xi32, #tpu.memory_space<hbm>>
        %dma_start3A_1087 = tpu.memref_squeeze %dma_start3A_1086 : memref<1x1x4x80xi32, #tpu.memory_space<hbm>> -> memref<4x80xi32, #tpu.memory_space<hbm>>
        %dma_start3A_1088 = arith.constant 0 : i32
        %dma_start3A_1089 = arith.constant 0 : i32
        %dma_start3A_1090 = tpu.memref_slice %arg7[%rem3A_897, %dma_start3A_1088, %dma_start3A_1089] : memref<2x4x80xi32, #tpu.memory_space<vmem>> -> memref<1x4x80xi32, #tpu.memory_space<vmem>>
        %dma_start3A_1091 = tpu.memref_squeeze %dma_start3A_1090 : memref<1x4x80xi32, #tpu.memory_space<vmem>> -> memref<4x80xi32, #tpu.memory_space<vmem>>
        %dma_start3A_1092 = arith.constant 0 : i32
        %dma_start3A_1093 = tpu.memref_slice %arg3[%dma_start3A_1080, %add3A, %mul3A_904, %dma_start3A_1092] : memref<2x32x125x80xi32, #tpu.memory_space<hbm>> -> memref<1x1x4x80xi32, #tpu.memory_space<hbm>>
        %dma_start3A_1094 = tpu.memref_squeeze %dma_start3A_1093 : memref<1x1x4x80xi32, #tpu.memory_space<hbm>> -> memref<4x80xi32, #tpu.memory_space<hbm>>
        tpu.enqueue_dma source(%dma_start3A_1094 : memref<4x80xi32, #tpu.memory_space<hbm>>) target(%dma_start3A_1091 : memref<4x80xi32, #tpu.memory_space<vmem>>) target_semaphore(%arg12 : memref<!tpu.dma_semaphore, #tpu.memory_space<semaphore_mem>>)
      } else {
      }
      %dma_wait3A_906 = arith.constant 0 : i32
      %dma_wait3A_907 = arith.constant 0 : i32
      %dma_wait3A_908 = arith.constant 0 : i32
      %dma_wait3A_909 = arith.constant 0 : i32
      %dma_wait3A_910 = tpu.memref_slice %arg8[%dma_wait3A_907, %dma_wait3A_908, %dma_wait3A_909] : memref<4x80x128xf32, #tpu.memory_space<vmem>> -> memref<1x80x128xf32, #tpu.memory_space<vmem>>
      %dma_wait3A_911 = tpu.memref_squeeze %dma_wait3A_910 : memref<1x80x128xf32, #tpu.memory_space<vmem>> -> memref<80x128xf32, #tpu.memory_space<vmem>>
      %dma_wait3A_912 = arith.constant 0 : i32
      %dma_wait3A_913 = tpu.memref_slice %arg6[%rem3A_893, %dma_wait3A_906, %dma_wait3A_912] : memref<2x4x80xi32, #tpu.memory_space<vmem>> -> memref<1x1x80xi32, #tpu.memory_space<vmem>>
      %dma_wait3A_914 = tpu.memref_squeeze %dma_wait3A_913 : memref<1x1x80xi32, #tpu.memory_space<vmem>> -> memref<80xi32, #tpu.memory_space<vmem>>
      %dma_wait3A_915 = arith.constant 0 : i32
      %dma_wait3A_916 = arith.constant 0 : i32
      %dma_wait3A_917 = tpu.memref_slice %arg2[%dma_wait3A_915, %dma_wait3A_916] : memref<10000x128xf32, #tpu.memory_space<hbm>> -> memref<10000x128xf32, #tpu.memory_space<hbm>>
      tpu.wait_indirect_dma semaphore(%arg10 : memref<!tpu.dma_semaphore, #tpu.memory_space<semaphore_mem>>) src(%dma_wait3A_917 : memref<10000x128xf32, #tpu.memory_space<hbm>>) dst(%dma_wait3A_911 : memref<80x128xf32, #tpu.memory_space<vmem>>)
      %dma_start3A_918 = arith.constant 0 : i32
      %dma_start3A_919 = arith.constant 0 : i32
      %dma_start3A_920 = arith.constant 0 : i32
      %dma_start3A_921 = arith.constant 0 : i32
      %dma_start3A_922 = tpu.memref_slice %arg8[%dma_start3A_918, %dma_start3A_920, %dma_start3A_921] : memref<4x80x128xf32, #tpu.memory_space<vmem>> -> memref<1x80x128xf32, #tpu.memory_space<vmem>>
      %dma_start3A_923 = tpu.memref_squeeze %dma_start3A_922 : memref<1x80x128xf32, #tpu.memory_space<vmem>> -> memref<80x128xf32, #tpu.memory_space<vmem>>
      %dma_start3A_924 = arith.constant 0 : i32
      %dma_start3A_925 = tpu.memref_slice %arg7[%rem3A_893, %dma_start3A_919, %dma_start3A_924] : memref<2x4x80xi32, #tpu.memory_space<vmem>> -> memref<1x1x80xi32, #tpu.memory_space<vmem>>
      %dma_start3A_926 = tpu.memref_squeeze %dma_start3A_925 : memref<1x1x80xi32, #tpu.memory_space<vmem>> -> memref<80xi32, #tpu.memory_space<vmem>>
      %dma_start3A_927 = arith.constant 0 : i32
      %dma_start3A_928 = arith.constant 0 : i32
      %dma_start3A_929 = tpu.memref_slice %arg5[%dma_start3A_927, %dma_start3A_928] : memref<10240x128xf32, #tpu.memory_space<vmem_shared>> -> memref<10240x128xf32, #tpu.memory_space<vmem_shared>>
      tpu.enqueue_indirect_dma source(%dma_start3A_923 : memref<80x128xf32, #tpu.memory_space<vmem>>) target(%dma_start3A_929 : memref<10240x128xf32, #tpu.memory_space<vmem_shared>>) offsets(%dma_start3A_926 : memref<80xi32, #tpu.memory_space<vmem>>) semaphore(%arg11 : memref<!tpu.dma_semaphore, #tpu.memory_space<semaphore_mem>>) {add = true}
      %dma_wait3A_930 = arith.constant 1 : i32
      %dma_wait3A_931 = arith.constant 1 : i32
      %dma_wait3A_932 = arith.constant 0 : i32
      %dma_wait3A_933 = arith.constant 0 : i32
      %dma_wait3A_934 = tpu.memref_slice %arg8[%dma_wait3A_931, %dma_wait3A_932, %dma_wait3A_933] : memref<4x80x128xf32, #tpu.memory_space<vmem>> -> memref<1x80x128xf32, #tpu.memory_space<vmem>>
      %dma_wait3A_935 = tpu.memref_squeeze %dma_wait3A_934 : memref<1x80x128xf32, #tpu.memory_space<vmem>> -> memref<80x128xf32, #tpu.memory_space<vmem>>
      %dma_wait3A_936 = arith.constant 0 : i32
      %dma_wait3A_937 = tpu.memref_slice %arg6[%rem3A_893, %dma_wait3A_930, %dma_wait3A_936] : memref<2x4x80xi32, #tpu.memory_space<vmem>> -> memref<1x1x80xi32, #tpu.memory_space<vmem>>
      %dma_wait3A_938 = tpu.memref_squeeze %dma_wait3A_937 : memref<1x1x80xi32, #tpu.memory_space<vmem>> -> memref<80xi32, #tpu.memory_space<vmem>>
      %dma_wait3A_939 = arith.constant 0 : i32
      %dma_wait3A_940 = arith.constant 0 : i32
      %dma_wait3A_941 = tpu.memref_slice %arg2[%dma_wait3A_939, %dma_wait3A_940] : memref<10000x128xf32, #tpu.memory_space<hbm>> -> memref<10000x128xf32, #tpu.memory_space<hbm>>
      tpu.wait_indirect_dma semaphore(%arg10 : memref<!tpu.dma_semaphore, #tpu.memory_space<semaphore_mem>>) src(%dma_wait3A_941 : memref<10000x128xf32, #tpu.memory_space<hbm>>) dst(%dma_wait3A_935 : memref<80x128xf32, #tpu.memory_space<vmem>>)
      %dma_start3A_942 = arith.constant 1 : i32
      %dma_start3A_943 = arith.constant 1 : i32
      %dma_start3A_944 = arith.constant 0 : i32
      %dma_start3A_945 = arith.constant 0 : i32
      %dma_start3A_946 = tpu.memref_slice %arg8[%dma_start3A_942, %dma_start3A_944, %dma_start3A_945] : memref<4x80x128xf32, #tpu.memory_space<vmem>> -> memref<1x80x128xf32, #tpu.memory_space<vmem>>
      %dma_start3A_947 = tpu.memref_squeeze %dma_start3A_946 : memref<1x80x128xf32, #tpu.memory_space<vmem>> -> memref<80x128xf32, #tpu.memory_space<vmem>>
      %dma_start3A_948 = arith.constant 0 : i32
      %dma_start3A_949 = tpu.memref_slice %arg7[%rem3A_893, %dma_start3A_943, %dma_start3A_948] : memref<2x4x80xi32, #tpu.memory_space<vmem>> -> memref<1x1x80xi32, #tpu.memory_space<vmem>>
      %dma_start3A_950 = tpu.memref_squeeze %dma_start3A_949 : memref<1x1x80xi32, #tpu.memory_space<vmem>> -> memref<80xi32, #tpu.memory_space<vmem>>
      %dma_start3A_951 = arith.constant 0 : i32
      %dma_start3A_952 = arith.constant 0 : i32
      %dma_start3A_953 = tpu.memref_slice %arg5[%dma_start3A_951, %dma_start3A_952] : memref<10240x128xf32, #tpu.memory_space<vmem_shared>> -> memref<10240x128xf32, #tpu.memory_space<vmem_shared>>
      tpu.enqueue_indirect_dma source(%dma_start3A_947 : memref<80x128xf32, #tpu.memory_space<vmem>>) target(%dma_start3A_953 : memref<10240x128xf32, #tpu.memory_space<vmem_shared>>) offsets(%dma_start3A_950 : memref<80xi32, #tpu.memory_space<vmem>>) semaphore(%arg11 : memref<!tpu.dma_semaphore, #tpu.memory_space<semaphore_mem>>) {add = true}
      %dma_wait3A_954 = arith.constant 2 : i32
      %dma_wait3A_955 = arith.constant 2 : i32
      %dma_wait3A_956 = arith.constant 0 : i32
      %dma_wait3A_957 = arith.constant 0 : i32
      %dma_wait3A_958 = tpu.memref_slice %arg8[%dma_wait3A_955, %dma_wait3A_956, %dma_wait3A_957] : memref<4x80x128xf32, #tpu.memory_space<vmem>> -> memref<1x80x128xf32, #tpu.memory_space<vmem>>
      %dma_wait3A_959 = tpu.memref_squeeze %dma_wait3A_958 : memref<1x80x128xf32, #tpu.memory_space<vmem>> -> memref<80x128xf32, #tpu.memory_space<vmem>>
      %dma_wait3A_960 = arith.constant 0 : i32
      %dma_wait3A_961 = tpu.memref_slice %arg6[%rem3A_893, %dma_wait3A_954, %dma_wait3A_960] : memref<2x4x80xi32, #tpu.memory_space<vmem>> -> memref<1x1x80xi32, #tpu.memory_space<vmem>>
      %dma_wait3A_962 = tpu.memref_squeeze %dma_wait3A_961 : memref<1x1x80xi32, #tpu.memory_space<vmem>> -> memref<80xi32, #tpu.memory_space<vmem>>
      %dma_wait3A_963 = arith.constant 0 : i32
      %dma_wait3A_964 = arith.constant 0 : i32
      %dma_wait3A_965 = tpu.memref_slice %arg2[%dma_wait3A_963, %dma_wait3A_964] : memref<10000x128xf32, #tpu.memory_space<hbm>> -> memref<10000x128xf32, #tpu.memory_space<hbm>>
      tpu.wait_indirect_dma semaphore(%arg10 : memref<!tpu.dma_semaphore, #tpu.memory_space<semaphore_mem>>) src(%dma_wait3A_965 : memref<10000x128xf32, #tpu.memory_space<hbm>>) dst(%dma_wait3A_959 : memref<80x128xf32, #tpu.memory_space<vmem>>)
      %dma_start3A_966 = arith.constant 2 : i32
      %dma_start3A_967 = arith.constant 2 : i32
      %dma_start3A_968 = arith.constant 0 : i32
      %dma_start3A_969 = arith.constant 0 : i32
      %dma_start3A_970 = tpu.memref_slice %arg8[%dma_start3A_966, %dma_start3A_968, %dma_start3A_969] : memref<4x80x128xf32, #tpu.memory_space<vmem>> -> memref<1x80x128xf32, #tpu.memory_space<vmem>>
      %dma_start3A_971 = tpu.memref_squeeze %dma_start3A_970 : memref<1x80x128xf32, #tpu.memory_space<vmem>> -> memref<80x128xf32, #tpu.memory_space<vmem>>
      %dma_start3A_972 = arith.constant 0 : i32
      %dma_start3A_973 = tpu.memref_slice %arg7[%rem3A_893, %dma_start3A_967, %dma_start3A_972] : memref<2x4x80xi32, #tpu.memory_space<vmem>> -> memref<1x1x80xi32, #tpu.memory_space<vmem>>
      %dma_start3A_974 = tpu.memref_squeeze %dma_start3A_973 : memref<1x1x80xi32, #tpu.memory_space<vmem>> -> memref<80xi32, #tpu.memory_space<vmem>>
      %dma_start3A_975 = arith.constant 0 : i32
      %dma_start3A_976 = arith.constant 0 : i32
      %dma_start3A_977 = tpu.memref_slice %arg5[%dma_start3A_975, %dma_start3A_976] : memref<10240x128xf32, #tpu.memory_space<vmem_shared>> -> memref<10240x128xf32, #tpu.memory_space<vmem_shared>>
      tpu.enqueue_indirect_dma source(%dma_start3A_971 : memref<80x128xf32, #tpu.memory_space<vmem>>) target(%dma_start3A_977 : memref<10240x128xf32, #tpu.memory_space<vmem_shared>>) offsets(%dma_start3A_974 : memref<80xi32, #tpu.memory_space<vmem>>) semaphore(%arg11 : memref<!tpu.dma_semaphore, #tpu.memory_space<semaphore_mem>>) {add = true}
      %dma_wait3A_978 = arith.constant 3 : i32
      %dma_wait3A_979 = arith.constant 3 : i32
      %dma_wait3A_980 = arith.constant 0 : i32
      %dma_wait3A_981 = arith.constant 0 : i32
      %dma_wait3A_982 = tpu.memref_slice %arg8[%dma_wait3A_979, %dma_wait3A_980, %dma_wait3A_981] : memref<4x80x128xf32, #tpu.memory_space<vmem>> -> memref<1x80x128xf32, #tpu.memory_space<vmem>>
      %dma_wait3A_983 = tpu.memref_squeeze %dma_wait3A_982 : memref<1x80x128xf32, #tpu.memory_space<vmem>> -> memref<80x128xf32, #tpu.memory_space<vmem>>
      %dma_wait3A_984 = arith.constant 0 : i32
      %dma_wait3A_985 = tpu.memref_slice %arg6[%rem3A_893, %dma_wait3A_978, %dma_wait3A_984] : memref<2x4x80xi32, #tpu.memory_space<vmem>> -> memref<1x1x80xi32, #tpu.memory_space<vmem>>
      %dma_wait3A_986 = tpu.memref_squeeze %dma_wait3A_985 : memref<1x1x80xi32, #tpu.memory_space<vmem>> -> memref<80xi32, #tpu.memory_space<vmem>>
      %dma_wait3A_987 = arith.constant 0 : i32
      %dma_wait3A_988 = arith.constant 0 : i32
      %dma_wait3A_989 = tpu.memref_slice %arg2[%dma_wait3A_987, %dma_wait3A_988] : memref<10000x128xf32, #tpu.memory_space<hbm>> -> memref<10000x128xf32, #tpu.memory_space<hbm>>
      tpu.wait_indirect_dma semaphore(%arg10 : memref<!tpu.dma_semaphore, #tpu.memory_space<semaphore_mem>>) src(%dma_wait3A_989 : memref<10000x128xf32, #tpu.memory_space<hbm>>) dst(%dma_wait3A_983 : memref<80x128xf32, #tpu.memory_space<vmem>>)
      %dma_start3A_990 = arith.constant 3 : i32
      %dma_start3A_991 = arith.constant 3 : i32
      %dma_start3A_992 = arith.constant 0 : i32
      %dma_start3A_993 = arith.constant 0 : i32
      %dma_start3A_994 = tpu.memref_slice %arg8[%dma_start3A_990, %dma_start3A_992, %dma_start3A_993] : memref<4x80x128xf32, #tpu.memory_space<vmem>> -> memref<1x80x128xf32, #tpu.memory_space<vmem>>
      %dma_start3A_995 = tpu.memref_squeeze %dma_start3A_994 : memref<1x80x128xf32, #tpu.memory_space<vmem>> -> memref<80x128xf32, #tpu.memory_space<vmem>>
      %dma_start3A_996 = arith.constant 0 : i32
      %dma_start3A_997 = tpu.memref_slice %arg7[%rem3A_893, %dma_start3A_991, %dma_start3A_996] : memref<2x4x80xi32, #tpu.memory_space<vmem>> -> memref<1x1x80xi32, #tpu.memory_space<vmem>>
      %dma_start3A_998 = tpu.memref_squeeze %dma_start3A_997 : memref<1x1x80xi32, #tpu.memory_space<vmem>> -> memref<80xi32, #tpu.memory_space<vmem>>
      %dma_start3A_999 = arith.constant 0 : i32
      %dma_start3A_1000 = arith.constant 0 : i32
      %dma_start3A_1001 = tpu.memref_slice %arg5[%dma_start3A_999, %dma_start3A_1000] : memref<10240x128xf32, #tpu.memory_space<vmem_shared>> -> memref<10240x128xf32, #tpu.memory_space<vmem_shared>>
      tpu.enqueue_indirect_dma source(%dma_start3A_995 : memref<80x128xf32, #tpu.memory_space<vmem>>) target(%dma_start3A_1001 : memref<10240x128xf32, #tpu.memory_space<vmem_shared>>) offsets(%dma_start3A_998 : memref<80xi32, #tpu.memory_space<vmem>>) semaphore(%arg11 : memref<!tpu.dma_semaphore, #tpu.memory_space<semaphore_mem>>) {add = true}
      %convert_element_type3A_1002 = arith.extui %lt3A_900 : i1 to i32
      %cond3A_1003 = arith.constant 0 : i32
      %cond3A_1004 = arith.cmpi ne, %convert_element_type3A_1002, %cond3A_1003 : i32
      scf.if %cond3A_1004 {
        %dma_wait3A_1065 = arith.constant 0 : i32
        %dma_wait3A_1066 = arith.constant 0 : i32
        %dma_wait3A_1067 = arith.constant 0 : i32
        %dma_wait3A_1068 = tpu.memref_slice %arg6[%rem3A_897, %dma_wait3A_1066, %dma_wait3A_1067] : memref<2x4x80xi32, #tpu.memory_space<vmem>> -> memref<1x4x80xi32, #tpu.memory_space<vmem>>
        %dma_wait3A_1069 = tpu.memref_squeeze %dma_wait3A_1068 : memref<1x4x80xi32, #tpu.memory_space<vmem>> -> memref<4x80xi32, #tpu.memory_space<vmem>>
        %dma_wait3A_1070 = arith.constant 0 : i32
        %dma_wait3A_1071 = tpu.memref_slice %arg3[%dma_wait3A_1065, %add3A, %mul3A_904, %dma_wait3A_1070] : memref<2x32x125x80xi32, #tpu.memory_space<hbm>> -> memref<1x1x4x80xi32, #tpu.memory_space<hbm>>
        %dma_wait3A_1072 = tpu.memref_squeeze %dma_wait3A_1071 : memref<1x1x4x80xi32, #tpu.memory_space<hbm>> -> memref<4x80xi32, #tpu.memory_space<hbm>>
        %dma_wait3A_1073 = arith.constant 0 : i32
        %dma_wait3A_1074 = arith.constant 0 : i32
        %dma_wait3A_1075 = tpu.memref_slice %arg6[%rem3A_897, %dma_wait3A_1073, %dma_wait3A_1074] : memref<2x4x80xi32, #tpu.memory_space<vmem>> -> memref<1x4x80xi32, #tpu.memory_space<vmem>>
        %dma_wait3A_1076 = tpu.memref_squeeze %dma_wait3A_1075 : memref<1x4x80xi32, #tpu.memory_space<vmem>> -> memref<4x80xi32, #tpu.memory_space<vmem>>
        %dma_wait3A_1077 = arith.constant 0 : i32
        %dma_wait3A_1078 = tpu.memref_slice %arg3[%dma_wait3A_1065, %add3A, %mul3A_904, %dma_wait3A_1077] : memref<2x32x125x80xi32, #tpu.memory_space<hbm>> -> memref<1x1x4x80xi32, #tpu.memory_space<hbm>>
        %dma_wait3A_1079 = tpu.memref_squeeze %dma_wait3A_1078 : memref<1x1x4x80xi32, #tpu.memory_space<hbm>> -> memref<4x80xi32, #tpu.memory_space<hbm>>
        tpu.wait_dma2 semaphore(%arg12 : memref<!tpu.dma_semaphore, #tpu.memory_space<semaphore_mem>>) src(%dma_wait3A_1079 : memref<4x80xi32, #tpu.memory_space<hbm>>) dst(%dma_wait3A_1076 : memref<4x80xi32, #tpu.memory_space<vmem>>)
        %dma_wait3A_1080 = arith.constant 1 : i32
        %dma_wait3A_1081 = arith.constant 0 : i32
        %dma_wait3A_1082 = arith.constant 0 : i32
        %dma_wait3A_1083 = tpu.memref_slice %arg7[%rem3A_897, %dma_wait3A_1081, %dma_wait3A_1082] : memref<2x4x80xi32, #tpu.memory_space<vmem>> -> memref<1x4x80xi32, #tpu.memory_space<vmem>>
        %dma_wait3A_1084 = tpu.memref_squeeze %dma_wait3A_1083 : memref<1x4x80xi32, #tpu.memory_space<vmem>> -> memref<4x80xi32, #tpu.memory_space<vmem>>
        %dma_wait3A_1085 = arith.constant 0 : i32
        %dma_wait3A_1086 = tpu.memref_slice %arg3[%dma_wait3A_1080, %add3A, %mul3A_904, %dma_wait3A_1085] : memref<2x32x125x80xi32, #tpu.memory_space<hbm>> -> memref<1x1x4x80xi32, #tpu.memory_space<hbm>>
        %dma_wait3A_1087 = tpu.memref_squeeze %dma_wait3A_1086 : memref<1x1x4x80xi32, #tpu.memory_space<hbm>> -> memref<4x80xi32, #tpu.memory_space<hbm>>
        %dma_wait3A_1088 = arith.constant 0 : i32
        %dma_wait3A_1089 = arith.constant 0 : i32
        %dma_wait3A_1090 = tpu.memref_slice %arg7[%rem3A_897, %dma_wait3A_1088, %dma_wait3A_1089] : memref<2x4x80xi32, #tpu.memory_space<vmem>> -> memref<1x4x80xi32, #tpu.memory_space<vmem>>
        %dma_wait3A_1091 = tpu.memref_squeeze %dma_wait3A_1090 : memref<1x4x80xi32, #tpu.memory_space<vmem>> -> memref<4x80xi32, #tpu.memory_space<vmem>>
        %dma_wait3A_1092 = arith.constant 0 : i32
        %dma_wait3A_1093 = tpu.memref_slice %arg3[%dma_wait3A_1080, %add3A, %mul3A_904, %dma_wait3A_1092] : memref<2x32x125x80xi32, #tpu.memory_space<hbm>> -> memref<1x1x4x80xi32, #tpu.memory_space<hbm>>
        %dma_wait3A_1094 = tpu.memref_squeeze %dma_wait3A_1093 : memref<1x1x4x80xi32, #tpu.memory_space<hbm>> -> memref<4x80xi32, #tpu.memory_space<hbm>>
        tpu.wait_dma2 semaphore(%arg12 : memref<!tpu.dma_semaphore, #tpu.memory_space<semaphore_mem>>) src(%dma_wait3A_1094 : memref<4x80xi32, #tpu.memory_space<hbm>>) dst(%dma_wait3A_1091 : memref<4x80xi32, #tpu.memory_space<vmem>>)
      } else {
      }
      %dma_wait3A_1005 = arith.constant 0 : i32
      %dma_wait3A_1006 = arith.constant 0 : i32
      %dma_wait3A_1007 = arith.constant 0 : i32
      %dma_wait3A_1008 = arith.constant 0 : i32
      %dma_wait3A_1009 = tpu.memref_slice %arg8[%dma_wait3A_1005, %dma_wait3A_1007, %dma_wait3A_1008] : memref<4x80x128xf32, #tpu.memory_space<vmem>> -> memref<1x80x128xf32, #tpu.memory_space<vmem>>
      %dma_wait3A_1010 = tpu.memref_squeeze %dma_wait3A_1009 : memref<1x80x128xf32, #tpu.memory_space<vmem>> -> memref<80x128xf32, #tpu.memory_space<vmem>>
      %dma_wait3A_1011 = arith.constant 0 : i32
      %dma_wait3A_1012 = tpu.memref_slice %arg7[%rem3A_893, %dma_wait3A_1006, %dma_wait3A_1011] : memref<2x4x80xi32, #tpu.memory_space<vmem>> -> memref<1x1x80xi32, #tpu.memory_space<vmem>>
      %dma_wait3A_1013 = tpu.memref_squeeze %dma_wait3A_1012 : memref<1x1x80xi32, #tpu.memory_space<vmem>> -> memref<80xi32, #tpu.memory_space<vmem>>
      %dma_wait3A_1014 = arith.constant 0 : i32
      %dma_wait3A_1015 = arith.constant 0 : i32
      %dma_wait3A_1016 = tpu.memref_slice %arg5[%dma_wait3A_1014, %dma_wait3A_1015] : memref<10240x128xf32, #tpu.memory_space<vmem_shared>> -> memref<10240x128xf32, #tpu.memory_space<vmem_shared>>
      tpu.wait_indirect_dma semaphore(%arg11 : memref<!tpu.dma_semaphore, #tpu.memory_space<semaphore_mem>>) src(%dma_wait3A_1010 : memref<80x128xf32, #tpu.memory_space<vmem>>) dst(%dma_wait3A_1016 : memref<10240x128xf32, #tpu.memory_space<vmem_shared>>)
      %convert_element_type3A_1017 = arith.extui %lt3A_900 : i1 to i32
      %cond3A_1018 = arith.constant 0 : i32
      %cond3A_1019 = arith.cmpi ne, %convert_element_type3A_1017, %cond3A_1018 : i32
      scf.if %cond3A_1019 {
        %dma_start3A_1065 = arith.constant 0 : i32
        %dma_start3A_1066 = arith.constant 0 : i32
        %dma_start3A_1067 = arith.constant 0 : i32
        %dma_start3A_1068 = arith.constant 0 : i32
        %dma_start3A_1069 = tpu.memref_slice %arg8[%dma_start3A_1066, %dma_start3A_1067, %dma_start3A_1068] : memref<4x80x128xf32, #tpu.memory_space<vmem>> -> memref<1x80x128xf32, #tpu.memory_space<vmem>>
        %dma_start3A_1070 = tpu.memref_squeeze %dma_start3A_1069 : memref<1x80x128xf32, #tpu.memory_space<vmem>> -> memref<80x128xf32, #tpu.memory_space<vmem>>
        %dma_start3A_1071 = arith.constant 0 : i32
        %dma_start3A_1072 = tpu.memref_slice %arg6[%rem3A_897, %dma_start3A_1065, %dma_start3A_1071] : memref<2x4x80xi32, #tpu.memory_space<vmem>> -> memref<1x1x80xi32, #tpu.memory_space<vmem>>
        %dma_start3A_1073 = tpu.memref_squeeze %dma_start3A_1072 : memref<1x1x80xi32, #tpu.memory_space<vmem>> -> memref<80xi32, #tpu.memory_space<vmem>>
        %dma_start3A_1074 = arith.constant 0 : i32
        %dma_start3A_1075 = arith.constant 0 : i32
        %dma_start3A_1076 = tpu.memref_slice %arg2[%dma_start3A_1074, %dma_start3A_1075] : memref<10000x128xf32, #tpu.memory_space<hbm>> -> memref<10000x128xf32, #tpu.memory_space<hbm>>
        tpu.enqueue_indirect_dma source(%dma_start3A_1076 : memref<10000x128xf32, #tpu.memory_space<hbm>>) target(%dma_start3A_1070 : memref<80x128xf32, #tpu.memory_space<vmem>>) offsets(%dma_start3A_1073 : memref<80xi32, #tpu.memory_space<vmem>>) semaphore(%arg10 : memref<!tpu.dma_semaphore, #tpu.memory_space<semaphore_mem>>)
      } else {
      }
      %dma_wait3A_1020 = arith.constant 1 : i32
      %dma_wait3A_1021 = arith.constant 1 : i32
      %dma_wait3A_1022 = arith.constant 0 : i32
      %dma_wait3A_1023 = arith.constant 0 : i32
      %dma_wait3A_1024 = tpu.memref_slice %arg8[%dma_wait3A_1020, %dma_wait3A_1022, %dma_wait3A_1023] : memref<4x80x128xf32, #tpu.memory_space<vmem>> -> memref<1x80x128xf32, #tpu.memory_space<vmem>>
      %dma_wait3A_1025 = tpu.memref_squeeze %dma_wait3A_1024 : memref<1x80x128xf32, #tpu.memory_space<vmem>> -> memref<80x128xf32, #tpu.memory_space<vmem>>
      %dma_wait3A_1026 = arith.constant 0 : i32
      %dma_wait3A_1027 = tpu.memref_slice %arg7[%rem3A_893, %dma_wait3A_1021, %dma_wait3A_1026] : memref<2x4x80xi32, #tpu.memory_space<vmem>> -> memref<1x1x80xi32, #tpu.memory_space<vmem>>
      %dma_wait3A_1028 = tpu.memref_squeeze %dma_wait3A_1027 : memref<1x1x80xi32, #tpu.memory_space<vmem>> -> memref<80xi32, #tpu.memory_space<vmem>>
      %dma_wait3A_1029 = arith.constant 0 : i32
      %dma_wait3A_1030 = arith.constant 0 : i32
      %dma_wait3A_1031 = tpu.memref_slice %arg5[%dma_wait3A_1029, %dma_wait3A_1030] : memref<10240x128xf32, #tpu.memory_space<vmem_shared>> -> memref<10240x128xf32, #tpu.memory_space<vmem_shared>>
      tpu.wait_indirect_dma semaphore(%arg11 : memref<!tpu.dma_semaphore, #tpu.memory_space<semaphore_mem>>) src(%dma_wait3A_1025 : memref<80x128xf32, #tpu.memory_space<vmem>>) dst(%dma_wait3A_1031 : memref<10240x128xf32, #tpu.memory_space<vmem_shared>>)
      %convert_element_type3A_1032 = arith.extui %lt3A_900 : i1 to i32
      %cond3A_1033 = arith.constant 0 : i32
      %cond3A_1034 = arith.cmpi ne, %convert_element_type3A_1032, %cond3A_1033 : i32
      scf.if %cond3A_1034 {
        %dma_start3A_1065 = arith.constant 1 : i32
        %dma_start3A_1066 = arith.constant 1 : i32
        %dma_start3A_1067 = arith.constant 0 : i32
        %dma_start3A_1068 = arith.constant 0 : i32
        %dma_start3A_1069 = tpu.memref_slice %arg8[%dma_start3A_1066, %dma_start3A_1067, %dma_start3A_1068] : memref<4x80x128xf32, #tpu.memory_space<vmem>> -> memref<1x80x128xf32, #tpu.memory_space<vmem>>
        %dma_start3A_1070 = tpu.memref_squeeze %dma_start3A_1069 : memref<1x80x128xf32, #tpu.memory_space<vmem>> -> memref<80x128xf32, #tpu.memory_space<vmem>>
        %dma_start3A_1071 = arith.constant 0 : i32
        %dma_start3A_1072 = tpu.memref_slice %arg6[%rem3A_897, %dma_start3A_1065, %dma_start3A_1071] : memref<2x4x80xi32, #tpu.memory_space<vmem>> -> memref<1x1x80xi32, #tpu.memory_space<vmem>>
        %dma_start3A_1073 = tpu.memref_squeeze %dma_start3A_1072 : memref<1x1x80xi32, #tpu.memory_space<vmem>> -> memref<80xi32, #tpu.memory_space<vmem>>
        %dma_start3A_1074 = arith.constant 0 : i32
        %dma_start3A_1075 = arith.constant 0 : i32
        %dma_start3A_1076 = tpu.memref_slice %arg2[%dma_start3A_1074, %dma_start3A_1075] : memref<10000x128xf32, #tpu.memory_space<hbm>> -> memref<10000x128xf32, #tpu.memory_space<hbm>>
        tpu.enqueue_indirect_dma source(%dma_start3A_1076 : memref<10000x128xf32, #tpu.memory_space<hbm>>) target(%dma_start3A_1070 : memref<80x128xf32, #tpu.memory_space<vmem>>) offsets(%dma_start3A_1073 : memref<80xi32, #tpu.memory_space<vmem>>) semaphore(%arg10 : memref<!tpu.dma_semaphore, #tpu.memory_space<semaphore_mem>>)
      } else {
      }
      %dma_wait3A_1035 = arith.constant 2 : i32
      %dma_wait3A_1036 = arith.constant 2 : i32
      %dma_wait3A_1037 = arith.constant 0 : i32
      %dma_wait3A_1038 = arith.constant 0 : i32
      %dma_wait3A_1039 = tpu.memref_slice %arg8[%dma_wait3A_1035, %dma_wait3A_1037, %dma_wait3A_1038] : memref<4x80x128xf32, #tpu.memory_space<vmem>> -> memref<1x80x128xf32, #tpu.memory_space<vmem>>
      %dma_wait3A_1040 = tpu.memref_squeeze %dma_wait3A_1039 : memref<1x80x128xf32, #tpu.memory_space<vmem>> -> memref<80x128xf32, #tpu.memory_space<vmem>>
      %dma_wait3A_1041 = arith.constant 0 : i32
      %dma_wait3A_1042 = tpu.memref_slice %arg7[%rem3A_893, %dma_wait3A_1036, %dma_wait3A_1041] : memref<2x4x80xi32, #tpu.memory_space<vmem>> -> memref<1x1x80xi32, #tpu.memory_space<vmem>>
      %dma_wait3A_1043 = tpu.memref_squeeze %dma_wait3A_1042 : memref<1x1x80xi32, #tpu.memory_space<vmem>> -> memref<80xi32, #tpu.memory_space<vmem>>
      %dma_wait3A_1044 = arith.constant 0 : i32
      %dma_wait3A_1045 = arith.constant 0 : i32
      %dma_wait3A_1046 = tpu.memref_slice %arg5[%dma_wait3A_1044, %dma_wait3A_1045] : memref<10240x128xf32, #tpu.memory_space<vmem_shared>> -> memref<10240x128xf32, #tpu.memory_space<vmem_shared>>
      tpu.wait_indirect_dma semaphore(%arg11 : memref<!tpu.dma_semaphore, #tpu.memory_space<semaphore_mem>>) src(%dma_wait3A_1040 : memref<80x128xf32, #tpu.memory_space<vmem>>) dst(%dma_wait3A_1046 : memref<10240x128xf32, #tpu.memory_space<vmem_shared>>)
      %convert_element_type3A_1047 = arith.extui %lt3A_900 : i1 to i32
      %cond3A_1048 = arith.constant 0 : i32
      %cond3A_1049 = arith.cmpi ne, %convert_element_type3A_1047, %cond3A_1048 : i32
      scf.if %cond3A_1049 {
        %dma_start3A_1065 = arith.constant 2 : i32
        %dma_start3A_1066 = arith.constant 2 : i32
        %dma_start3A_1067 = arith.constant 0 : i32
        %dma_start3A_1068 = arith.constant 0 : i32
        %dma_start3A_1069 = tpu.memref_slice %arg8[%dma_start3A_1066, %dma_start3A_1067, %dma_start3A_1068] : memref<4x80x128xf32, #tpu.memory_space<vmem>> -> memref<1x80x128xf32, #tpu.memory_space<vmem>>
        %dma_start3A_1070 = tpu.memref_squeeze %dma_start3A_1069 : memref<1x80x128xf32, #tpu.memory_space<vmem>> -> memref<80x128xf32, #tpu.memory_space<vmem>>
        %dma_start3A_1071 = arith.constant 0 : i32
        %dma_start3A_1072 = tpu.memref_slice %arg6[%rem3A_897, %dma_start3A_1065, %dma_start3A_1071] : memref<2x4x80xi32, #tpu.memory_space<vmem>> -> memref<1x1x80xi32, #tpu.memory_space<vmem>>
        %dma_start3A_1073 = tpu.memref_squeeze %dma_start3A_1072 : memref<1x1x80xi32, #tpu.memory_space<vmem>> -> memref<80xi32, #tpu.memory_space<vmem>>
        %dma_start3A_1074 = arith.constant 0 : i32
        %dma_start3A_1075 = arith.constant 0 : i32
        %dma_start3A_1076 = tpu.memref_slice %arg2[%dma_start3A_1074, %dma_start3A_1075] : memref<10000x128xf32, #tpu.memory_space<hbm>> -> memref<10000x128xf32, #tpu.memory_space<hbm>>
        tpu.enqueue_indirect_dma source(%dma_start3A_1076 : memref<10000x128xf32, #tpu.memory_space<hbm>>) target(%dma_start3A_1070 : memref<80x128xf32, #tpu.memory_space<vmem>>) offsets(%dma_start3A_1073 : memref<80xi32, #tpu.memory_space<vmem>>) semaphore(%arg10 : memref<!tpu.dma_semaphore, #tpu.memory_space<semaphore_mem>>)
      } else {
      }
      %dma_wait3A_1050 = arith.constant 3 : i32
      %dma_wait3A_1051 = arith.constant 3 : i32
      %dma_wait3A_1052 = arith.constant 0 : i32
      %dma_wait3A_1053 = arith.constant 0 : i32
      %dma_wait3A_1054 = tpu.memref_slice %arg8[%dma_wait3A_1050, %dma_wait3A_1052, %dma_wait3A_1053] : memref<4x80x128xf32, #tpu.memory_space<vmem>> -> memref<1x80x128xf32, #tpu.memory_space<vmem>>
      %dma_wait3A_1055 = tpu.memref_squeeze %dma_wait3A_1054 : memref<1x80x128xf32, #tpu.memory_space<vmem>> -> memref<80x128xf32, #tpu.memory_space<vmem>>
      %dma_wait3A_1056 = arith.constant 0 : i32
      %dma_wait3A_1057 = tpu.memref_slice %arg7[%rem3A_893, %dma_wait3A_1051, %dma_wait3A_1056] : memref<2x4x80xi32, #tpu.memory_space<vmem>> -> memref<1x1x80xi32, #tpu.memory_space<vmem>>
      %dma_wait3A_1058 = tpu.memref_squeeze %dma_wait3A_1057 : memref<1x1x80xi32, #tpu.memory_space<vmem>> -> memref<80xi32, #tpu.memory_space<vmem>>
      %dma_wait3A_1059 = arith.constant 0 : i32
      %dma_wait3A_1060 = arith.constant 0 : i32
      %dma_wait3A_1061 = tpu.memref_slice %arg5[%dma_wait3A_1059, %dma_wait3A_1060] : memref<10240x128xf32, #tpu.memory_space<vmem_shared>> -> memref<10240x128xf32, #tpu.memory_space<vmem_shared>>
      tpu.wait_indirect_dma semaphore(%arg11 : memref<!tpu.dma_semaphore, #tpu.memory_space<semaphore_mem>>) src(%dma_wait3A_1055 : memref<80x128xf32, #tpu.memory_space<vmem>>) dst(%dma_wait3A_1061 : memref<10240x128xf32, #tpu.memory_space<vmem_shared>>)
      %convert_element_type3A_1062 = arith.extui %lt3A_900 : i1 to i32
      %cond3A_1063 = arith.constant 0 : i32
      %cond3A_1064 = arith.cmpi ne, %convert_element_type3A_1062, %cond3A_1063 : i32
      scf.if %cond3A_1064 {
        %dma_start3A_1065 = arith.constant 3 : i32
        %dma_start3A_1066 = arith.constant 3 : i32
        %dma_start3A_1067 = arith.constant 0 : i32
        %dma_start3A_1068 = arith.constant 0 : i32
        %dma_start3A_1069 = tpu.memref_slice %arg8[%dma_start3A_1066, %dma_start3A_1067, %dma_start3A_1068] : memref<4x80x128xf32, #tpu.memory_space<vmem>> -> memref<1x80x128xf32, #tpu.memory_space<vmem>>
        %dma_start3A_1070 = tpu.memref_squeeze %dma_start3A_1069 : memref<1x80x128xf32, #tpu.memory_space<vmem>> -> memref<80x128xf32, #tpu.memory_space<vmem>>
        %dma_start3A_1071 = arith.constant 0 : i32
        %dma_start3A_1072 = tpu.memref_slice %arg6[%rem3A_897, %dma_start3A_1065, %dma_start3A_1071] : memref<2x4x80xi32, #tpu.memory_space<vmem>> -> memref<1x1x80xi32, #tpu.memory_space<vmem>>
        %dma_start3A_1073 = tpu.memref_squeeze %dma_start3A_1072 : memref<1x1x80xi32, #tpu.memory_space<vmem>> -> memref<80xi32, #tpu.memory_space<vmem>>
        %dma_start3A_1074 = arith.constant 0 : i32
        %dma_start3A_1075 = arith.constant 0 : i32
        %dma_start3A_1076 = tpu.memref_slice %arg2[%dma_start3A_1074, %dma_start3A_1075] : memref<10000x128xf32, #tpu.memory_space<hbm>> -> memref<10000x128xf32, #tpu.memory_space<hbm>>
        tpu.enqueue_indirect_dma source(%dma_start3A_1076 : memref<10000x128xf32, #tpu.memory_space<hbm>>) target(%dma_start3A_1070 : memref<80x128xf32, #tpu.memory_space<vmem>>) offsets(%dma_start3A_1073 : memref<80xi32, #tpu.memory_space<vmem>>) semaphore(%arg10 : memref<!tpu.dma_semaphore, #tpu.memory_space<semaphore_mem>>)
      } else {
      }
    }
    %scan3A_833 = arith.constant 31 : i32
    %run_scoped3A_834 = arith.constant 0 : i32
    %run_scoped3A_835 = arith.constant 0 : i32
    "tpu.region"() ({
      %run_scoped3A_892 = tpu.sem_alloc : memref<!tpu.dma_semaphore, #tpu.memory_space<semaphore_mem>>
      %dma_start3A_893 = arith.constant 0 : i32
      %dma_start3A_894 = arith.constant 0 : i32
      %dma_start3A_895 = tpu.memref_slice %arg6[%run_scoped3A_835, %dma_start3A_893, %dma_start3A_894] : memref<2x4x80xi32, #tpu.memory_space<vmem>> -> memref<1x1x80xi32, #tpu.memory_space<vmem>>
      %dma_start3A_896 = tpu.memref_squeeze %dma_start3A_895 : memref<1x1x80xi32, #tpu.memory_space<vmem>> -> memref<1x80xi32, #tpu.memory_space<vmem>>
      %dma_start3A_897 = arith.constant 124 : i32
      %dma_start3A_898 = arith.constant 0 : i32
      %dma_start3A_899 = tpu.memref_slice %arg3[%run_scoped3A_834, %add3A, %dma_start3A_897, %dma_start3A_898] : memref<2x32x125x80xi32, #tpu.memory_space<hbm>> -> memref<1x1x1x80xi32, #tpu.memory_space<hbm>>
      %dma_start3A_900 = tpu.memref_squeeze %dma_start3A_899 : memref<1x1x1x80xi32, #tpu.memory_space<hbm>> -> memref<1x80xi32, #tpu.memory_space<hbm>>
      %dma_start3A_901 = arith.constant 0 : i32
      %dma_start3A_902 = arith.constant 0 : i32
      %dma_start3A_903 = tpu.memref_slice %arg6[%run_scoped3A_835, %dma_start3A_901, %dma_start3A_902] : memref<2x4x80xi32, #tpu.memory_space<vmem>> -> memref<1x1x80xi32, #tpu.memory_space<vmem>>
      %dma_start3A_904 = tpu.memref_squeeze %dma_start3A_903 : memref<1x1x80xi32, #tpu.memory_space<vmem>> -> memref<1x80xi32, #tpu.memory_space<vmem>>
      %dma_start3A_905 = arith.constant 124 : i32
      %dma_start3A_906 = arith.constant 0 : i32
      %dma_start3A_907 = tpu.memref_slice %arg3[%run_scoped3A_834, %add3A, %dma_start3A_905, %dma_start3A_906] : memref<2x32x125x80xi32, #tpu.memory_space<hbm>> -> memref<1x1x1x80xi32, #tpu.memory_space<hbm>>
      %dma_start3A_908 = tpu.memref_squeeze %dma_start3A_907 : memref<1x1x1x80xi32, #tpu.memory_space<hbm>> -> memref<1x80xi32, #tpu.memory_space<hbm>>
      tpu.enqueue_dma source(%dma_start3A_908 : memref<1x80xi32, #tpu.memory_space<hbm>>) target(%dma_start3A_904 : memref<1x80xi32, #tpu.memory_space<vmem>>) target_semaphore(%run_scoped3A_892 : memref<!tpu.dma_semaphore, #tpu.memory_space<semaphore_mem>>)
      %dma_wait3A_909 = arith.constant 0 : i32
      %dma_wait3A_910 = arith.constant 0 : i32
      %dma_wait3A_911 = tpu.memref_slice %arg6[%run_scoped3A_835, %dma_wait3A_909, %dma_wait3A_910] : memref<2x4x80xi32, #tpu.memory_space<vmem>> -> memref<1x1x80xi32, #tpu.memory_space<vmem>>
      %dma_wait3A_912 = tpu.memref_squeeze %dma_wait3A_911 : memref<1x1x80xi32, #tpu.memory_space<vmem>> -> memref<1x80xi32, #tpu.memory_space<vmem>>
      %dma_wait3A_913 = arith.constant 124 : i32
      %dma_wait3A_914 = arith.constant 0 : i32
      %dma_wait3A_915 = tpu.memref_slice %arg3[%run_scoped3A_834, %add3A, %dma_wait3A_913, %dma_wait3A_914] : memref<2x32x125x80xi32, #tpu.memory_space<hbm>> -> memref<1x1x1x80xi32, #tpu.memory_space<hbm>>
      %dma_wait3A_916 = tpu.memref_squeeze %dma_wait3A_915 : memref<1x1x1x80xi32, #tpu.memory_space<hbm>> -> memref<1x80xi32, #tpu.memory_space<hbm>>
      %dma_wait3A_917 = arith.constant 0 : i32
      %dma_wait3A_918 = arith.constant 0 : i32
      %dma_wait3A_919 = tpu.memref_slice %arg6[%run_scoped3A_835, %dma_wait3A_917, %dma_wait3A_918] : memref<2x4x80xi32, #tpu.memory_space<vmem>> -> memref<1x1x80xi32, #tpu.memory_space<vmem>>
      %dma_wait3A_920 = tpu.memref_squeeze %dma_wait3A_919 : memref<1x1x80xi32, #tpu.memory_space<vmem>> -> memref<1x80xi32, #tpu.memory_space<vmem>>
      %dma_wait3A_921 = arith.constant 124 : i32
      %dma_wait3A_922 = arith.constant 0 : i32
      %dma_wait3A_923 = tpu.memref_slice %arg3[%run_scoped3A_834, %add3A, %dma_wait3A_921, %dma_wait3A_922] : memref<2x32x125x80xi32, #tpu.memory_space<hbm>> -> memref<1x1x1x80xi32, #tpu.memory_space<hbm>>
      %dma_wait3A_924 = tpu.memref_squeeze %dma_wait3A_923 : memref<1x1x1x80xi32, #tpu.memory_space<hbm>> -> memref<1x80xi32, #tpu.memory_space<hbm>>
      tpu.wait_dma2 semaphore(%run_scoped3A_892 : memref<!tpu.dma_semaphore, #tpu.memory_space<semaphore_mem>>) src(%dma_wait3A_924 : memref<1x80xi32, #tpu.memory_space<hbm>>) dst(%dma_wait3A_920 : memref<1x80xi32, #tpu.memory_space<vmem>>)
      tpu.yield
    }) : () -> ()
    %run_scoped3A_836 = arith.constant 1 : i32
    %run_scoped3A_837 = arith.constant 0 : i32
    "tpu.region"() ({
      %run_scoped3A_892 = tpu.sem_alloc : memref<!tpu.dma_semaphore, #tpu.memory_space<semaphore_mem>>
      %dma_start3A_893 = arith.constant 0 : i32
      %dma_start3A_894 = arith.constant 0 : i32
      %dma_start3A_895 = tpu.memref_slice %arg7[%run_scoped3A_837, %dma_start3A_893, %dma_start3A_894] : memref<2x4x80xi32, #tpu.memory_space<vmem>> -> memref<1x1x80xi32, #tpu.memory_space<vmem>>
      %dma_start3A_896 = tpu.memref_squeeze %dma_start3A_895 : memref<1x1x80xi32, #tpu.memory_space<vmem>> -> memref<1x80xi32, #tpu.memory_space<vmem>>
      %dma_start3A_897 = arith.constant 124 : i32
      %dma_start3A_898 = arith.constant 0 : i32
      %dma_start3A_899 = tpu.memref_slice %arg3[%run_scoped3A_836, %add3A, %dma_start3A_897, %dma_start3A_898] : memref<2x32x125x80xi32, #tpu.memory_space<hbm>> -> memref<1x1x1x80xi32, #tpu.memory_space<hbm>>
      %dma_start3A_900 = tpu.memref_squeeze %dma_start3A_899 : memref<1x1x1x80xi32, #tpu.memory_space<hbm>> -> memref<1x80xi32, #tpu.memory_space<hbm>>
      %dma_start3A_901 = arith.constant 0 : i32
      %dma_start3A_902 = arith.constant 0 : i32
      %dma_start3A_903 = tpu.memref_slice %arg7[%run_scoped3A_837, %dma_start3A_901, %dma_start3A_902] : memref<2x4x80xi32, #tpu.memory_space<vmem>> -> memref<1x1x80xi32, #tpu.memory_space<vmem>>
      %dma_start3A_904 = tpu.memref_squeeze %dma_start3A_903 : memref<1x1x80xi32, #tpu.memory_space<vmem>> -> memref<1x80xi32, #tpu.memory_space<vmem>>
      %dma_start3A_905 = arith.constant 124 : i32
      %dma_start3A_906 = arith.constant 0 : i32
      %dma_start3A_907 = tpu.memref_slice %arg3[%run_scoped3A_836, %add3A, %dma_start3A_905, %dma_start3A_906] : memref<2x32x125x80xi32, #tpu.memory_space<hbm>> -> memref<1x1x1x80xi32, #tpu.memory_space<hbm>>
      %dma_start3A_908 = tpu.memref_squeeze %dma_start3A_907 : memref<1x1x1x80xi32, #tpu.memory_space<hbm>> -> memref<1x80xi32, #tpu.memory_space<hbm>>
      tpu.enqueue_dma source(%dma_start3A_908 : memref<1x80xi32, #tpu.memory_space<hbm>>) target(%dma_start3A_904 : memref<1x80xi32, #tpu.memory_space<vmem>>) target_semaphore(%run_scoped3A_892 : memref<!tpu.dma_semaphore, #tpu.memory_space<semaphore_mem>>)
      %dma_wait3A_909 = arith.constant 0 : i32
      %dma_wait3A_910 = arith.constant 0 : i32
      %dma_wait3A_911 = tpu.memref_slice %arg7[%run_scoped3A_837, %dma_wait3A_909, %dma_wait3A_910] : memref<2x4x80xi32, #tpu.memory_space<vmem>> -> memref<1x1x80xi32, #tpu.memory_space<vmem>>
      %dma_wait3A_912 = tpu.memref_squeeze %dma_wait3A_911 : memref<1x1x80xi32, #tpu.memory_space<vmem>> -> memref<1x80xi32, #tpu.memory_space<vmem>>
      %dma_wait3A_913 = arith.constant 124 : i32
      %dma_wait3A_914 = arith.constant 0 : i32
      %dma_wait3A_915 = tpu.memref_slice %arg3[%run_scoped3A_836, %add3A, %dma_wait3A_913, %dma_wait3A_914] : memref<2x32x125x80xi32, #tpu.memory_space<hbm>> -> memref<1x1x1x80xi32, #tpu.memory_space<hbm>>
      %dma_wait3A_916 = tpu.memref_squeeze %dma_wait3A_915 : memref<1x1x1x80xi32, #tpu.memory_space<hbm>> -> memref<1x80xi32, #tpu.memory_space<hbm>>
      %dma_wait3A_917 = arith.constant 0 : i32
      %dma_wait3A_918 = arith.constant 0 : i32
      %dma_wait3A_919 = tpu.memref_slice %arg7[%run_scoped3A_837, %dma_wait3A_917, %dma_wait3A_918] : memref<2x4x80xi32, #tpu.memory_space<vmem>> -> memref<1x1x80xi32, #tpu.memory_space<vmem>>
      %dma_wait3A_920 = tpu.memref_squeeze %dma_wait3A_919 : memref<1x1x80xi32, #tpu.memory_space<vmem>> -> memref<1x80xi32, #tpu.memory_space<vmem>>
      %dma_wait3A_921 = arith.constant 124 : i32
      %dma_wait3A_922 = arith.constant 0 : i32
      %dma_wait3A_923 = tpu.memref_slice %arg3[%run_scoped3A_836, %add3A, %dma_wait3A_921, %dma_wait3A_922] : memref<2x32x125x80xi32, #tpu.memory_space<hbm>> -> memref<1x1x1x80xi32, #tpu.memory_space<hbm>>
      %dma_wait3A_924 = tpu.memref_squeeze %dma_wait3A_923 : memref<1x1x1x80xi32, #tpu.memory_space<hbm>> -> memref<1x80xi32, #tpu.memory_space<hbm>>
      tpu.wait_dma2 semaphore(%run_scoped3A_892 : memref<!tpu.dma_semaphore, #tpu.memory_space<semaphore_mem>>) src(%dma_wait3A_924 : memref<1x80xi32, #tpu.memory_space<hbm>>) dst(%dma_wait3A_920 : memref<1x80xi32, #tpu.memory_space<vmem>>)
      tpu.yield
    }) : () -> ()
    %dma_start3A_838 = arith.constant 0 : i32
    %dma_start3A_839 = arith.constant 0 : i32
    %dma_start3A_840 = arith.constant 0 : i32
    %dma_start3A_841 = arith.constant 0 : i32
    %dma_start3A_842 = arith.constant 0 : i32
    %dma_start3A_843 = tpu.memref_slice %arg8[%dma_start3A_840, %dma_start3A_841, %dma_start3A_842] : memref<4x80x128xf32, #tpu.memory_space<vmem>> -> memref<1x80x128xf32, #tpu.memory_space<vmem>>
    %dma_start3A_844 = tpu.memref_squeeze %dma_start3A_843 : memref<1x80x128xf32, #tpu.memory_space<vmem>> -> memref<80x128xf32, #tpu.memory_space<vmem>>
    %dma_start3A_845 = arith.constant 0 : i32
    %dma_start3A_846 = tpu.memref_slice %arg6[%dma_start3A_838, %dma_start3A_839, %dma_start3A_845] : memref<2x4x80xi32, #tpu.memory_space<vmem>> -> memref<1x1x80xi32, #tpu.memory_space<vmem>>
    %dma_start3A_847 = tpu.memref_squeeze %dma_start3A_846 : memref<1x1x80xi32, #tpu.memory_space<vmem>> -> memref<80xi32, #tpu.memory_space<vmem>>
    %dma_start3A_848 = arith.constant 0 : i32
    %dma_start3A_849 = arith.constant 0 : i32
    %dma_start3A_850 = tpu.memref_slice %arg2[%dma_start3A_848, %dma_start3A_849] : memref<10000x128xf32, #tpu.memory_space<hbm>> -> memref<10000x128xf32, #tpu.memory_space<hbm>>
    tpu.enqueue_indirect_dma source(%dma_start3A_850 : memref<10000x128xf32, #tpu.memory_space<hbm>>) target(%dma_start3A_844 : memref<80x128xf32, #tpu.memory_space<vmem>>) offsets(%dma_start3A_847 : memref<80xi32, #tpu.memory_space<vmem>>) semaphore(%arg10 : memref<!tpu.dma_semaphore, #tpu.memory_space<semaphore_mem>>)
    %dma_wait3A = arith.constant 0 : i32
    %dma_wait3A_851 = arith.constant 0 : i32
    %dma_wait3A_852 = arith.constant 0 : i32
    %dma_wait3A_853 = arith.constant 0 : i32
    %dma_wait3A_854 = arith.constant 0 : i32
    %dma_wait3A_855 = tpu.memref_slice %arg8[%dma_wait3A_852, %dma_wait3A_853, %dma_wait3A_854] : memref<4x80x128xf32, #tpu.memory_space<vmem>> -> memref<1x80x128xf32, #tpu.memory_space<vmem>>
    %dma_wait3A_856 = tpu.memref_squeeze %dma_wait3A_855 : memref<1x80x128xf32, #tpu.memory_space<vmem>> -> memref<80x128xf32, #tpu.memory_space<vmem>>
    %dma_wait3A_857 = arith.constant 0 : i32
    %dma_wait3A_858 = tpu.memref_slice %arg6[%dma_wait3A, %dma_wait3A_851, %dma_wait3A_857] : memref<2x4x80xi32, #tpu.memory_space<vmem>> -> memref<1x1x80xi32, #tpu.memory_space<vmem>>
    %dma_wait3A_859 = tpu.memref_squeeze %dma_wait3A_858 : memref<1x1x80xi32, #tpu.memory_space<vmem>> -> memref<80xi32, #tpu.memory_space<vmem>>
    %dma_wait3A_860 = arith.constant 0 : i32
    %dma_wait3A_861 = arith.constant 0 : i32
    %dma_wait3A_862 = tpu.memref_slice %arg2[%dma_wait3A_860, %dma_wait3A_861] : memref<10000x128xf32, #tpu.memory_space<hbm>> -> memref<10000x128xf32, #tpu.memory_space<hbm>>
    tpu.wait_indirect_dma semaphore(%arg10 : memref<!tpu.dma_semaphore, #tpu.memory_space<semaphore_mem>>) src(%dma_wait3A_862 : memref<10000x128xf32, #tpu.memory_space<hbm>>) dst(%dma_wait3A_856 : memref<80x128xf32, #tpu.memory_space<vmem>>)
    %dma_start3A_863 = arith.constant 0 : i32
    %dma_start3A_864 = arith.constant 0 : i32
    %dma_start3A_865 = arith.constant 0 : i32
    %dma_start3A_866 = arith.constant 0 : i32
    %dma_start3A_867 = arith.constant 0 : i32
    %dma_start3A_868 = tpu.memref_slice %arg8[%dma_start3A_863, %dma_start3A_866, %dma_start3A_867] : memref<4x80x128xf32, #tpu.memory_space<vmem>> -> memref<1x80x128xf32, #tpu.memory_space<vmem>>
    %dma_start3A_869 = tpu.memref_squeeze %dma_start3A_868 : memref<1x80x128xf32, #tpu.memory_space<vmem>> -> memref<80x128xf32, #tpu.memory_space<vmem>>
    %dma_start3A_870 = arith.constant 0 : i32
    %dma_start3A_871 = tpu.memref_slice %arg7[%dma_start3A_864, %dma_start3A_865, %dma_start3A_870] : memref<2x4x80xi32, #tpu.memory_space<vmem>> -> memref<1x1x80xi32, #tpu.memory_space<vmem>>
    %dma_start3A_872 = tpu.memref_squeeze %dma_start3A_871 : memref<1x1x80xi32, #tpu.memory_space<vmem>> -> memref<80xi32, #tpu.memory_space<vmem>>
    %dma_start3A_873 = arith.constant 0 : i32
    %dma_start3A_874 = arith.constant 0 : i32
    %dma_start3A_875 = tpu.memref_slice %arg5[%dma_start3A_873, %dma_start3A_874] : memref<10240x128xf32, #tpu.memory_space<vmem_shared>> -> memref<10240x128xf32, #tpu.memory_space<vmem_shared>>
    tpu.enqueue_indirect_dma source(%dma_start3A_869 : memref<80x128xf32, #tpu.memory_space<vmem>>) target(%dma_start3A_875 : memref<10240x128xf32, #tpu.memory_space<vmem_shared>>) offsets(%dma_start3A_872 : memref<80xi32, #tpu.memory_space<vmem>>) semaphore(%arg11 : memref<!tpu.dma_semaphore, #tpu.memory_space<semaphore_mem>>) {add = true}
    %dma_wait3A_876 = arith.constant 0 : i32
    %dma_wait3A_877 = arith.constant 0 : i32
    %dma_wait3A_878 = arith.constant 0 : i32
    %dma_wait3A_879 = arith.constant 0 : i32
    %dma_wait3A_880 = arith.constant 0 : i32
    %dma_wait3A_881 = tpu.memref_slice %arg8[%dma_wait3A_876, %dma_wait3A_879, %dma_wait3A_880] : memref<4x80x128xf32, #tpu.memory_space<vmem>> -> memref<1x80x128xf32, #tpu.memory_space<vmem>>
    %dma_wait3A_882 = tpu.memref_squeeze %dma_wait3A_881 : memref<1x80x128xf32, #tpu.memory_space<vmem>> -> memref<80x128xf32, #tpu.memory_space<vmem>>
    %dma_wait3A_883 = arith.constant 0 : i32
    %dma_wait3A_884 = tpu.memref_slice %arg7[%dma_wait3A_877, %dma_wait3A_878, %dma_wait3A_883] : memref<2x4x80xi32, #tpu.memory_space<vmem>> -> memref<1x1x80xi32, #tpu.memory_space<vmem>>
    %dma_wait3A_885 = tpu.memref_squeeze %dma_wait3A_884 : memref<1x1x80xi32, #tpu.memory_space<vmem>> -> memref<80xi32, #tpu.memory_space<vmem>>
    %dma_wait3A_886 = arith.constant 0 : i32
    %dma_wait3A_887 = arith.constant 0 : i32
    %dma_wait3A_888 = tpu.memref_slice %arg5[%dma_wait3A_886, %dma_wait3A_887] : memref<10240x128xf32, #tpu.memory_space<vmem_shared>> -> memref<10240x128xf32, #tpu.memory_space<vmem_shared>>
    tpu.wait_indirect_dma semaphore(%arg11 : memref<!tpu.dma_semaphore, #tpu.memory_space<semaphore_mem>>) src(%dma_wait3A_882 : memref<80x128xf32, #tpu.memory_space<vmem>>) dst(%dma_wait3A_888 : memref<10240x128xf32, #tpu.memory_space<vmem_shared>>)
    %barrier3A_889 = arith.constant 0 : index
    tpu.barrier barrier_id(%barrier3A_889)
    %mul3A_890 = arith.constant 640 : i32
    %mul3A_891 = arith.muli %arg1, %mul3A_890 : i32
    "tpu.region"() ({
      %run_scoped3A_892 = tpu.sem_alloc : memref<!tpu.dma_semaphore, #tpu.memory_space<semaphore_mem>>
      %dma_start3A_893 = arith.constant 0 : i32
      %dma_start3A_894 = tpu.memref_slice %arg4[%arg0, %mul3A_891, %dma_start3A_893] : memref<2x10240x128xf32, #tpu.memory_space<hbm>> -> memref<1x640x128xf32, #tpu.memory_space<hbm>>
      %dma_start3A_895 = tpu.memref_squeeze %dma_start3A_894 : memref<1x640x128xf32, #tpu.memory_space<hbm>> -> memref<640x128xf32, #tpu.memory_space<hbm>>
      %dma_start3A_896 = arith.constant 0 : i32
      %dma_start3A_897 = tpu.memref_slice %arg5[%mul3A_891, %dma_start3A_896] : memref<10240x128xf32, #tpu.memory_space<vmem_shared>> -> memref<640x128xf32, #tpu.memory_space<vmem_shared>>
      tpu.enqueue_dma source(%dma_start3A_897 : memref<640x128xf32, #tpu.memory_space<vmem_shared>>) target(%dma_start3A_895 : memref<640x128xf32, #tpu.memory_space<hbm>>) target_semaphore(%run_scoped3A_892 : memref<!tpu.dma_semaphore, #tpu.memory_space<semaphore_mem>>)
      %dma_wait3A_898 = arith.constant 0 : i32
      %dma_wait3A_899 = tpu.memref_slice %arg4[%arg0, %mul3A_891, %dma_wait3A_898] : memref<2x10240x128xf32, #tpu.memory_space<hbm>> -> memref<1x640x128xf32, #tpu.memory_space<hbm>>
      %dma_wait3A_900 = tpu.memref_squeeze %dma_wait3A_899 : memref<1x640x128xf32, #tpu.memory_space<hbm>> -> memref<640x128xf32, #tpu.memory_space<hbm>>
      %dma_wait3A_901 = arith.constant 0 : i32
      %dma_wait3A_902 = tpu.memref_slice %arg5[%mul3A_891, %dma_wait3A_901] : memref<10240x128xf32, #tpu.memory_space<vmem_shared>> -> memref<640x128xf32, #tpu.memory_space<vmem_shared>>
      tpu.wait_dma2 semaphore(%run_scoped3A_892 : memref<!tpu.dma_semaphore, #tpu.memory_space<semaphore_mem>>) src(%dma_wait3A_902 : memref<640x128xf32, #tpu.memory_space<vmem_shared>>) dst(%dma_wait3A_900 : memref<640x128xf32, #tpu.memory_space<hbm>>)
      tpu.yield
    }) : () -> ()
    return
  }
}

module attributes {stable_mosaic.version = 14 : i64} {
  func.func @_dinv_body(%arg0: i32, %arg1: memref<32x1024xf32, #tpu.memory_space<vmem>>, %arg2: memref<1024x1xf32, #tpu.memory_space<vmem>>) attributes {dimension_semantics = [#tpu.dimension_semantics<arbitrary>], iteration_bounds = array<i64: 10>, scalar_prefetch = 0 : i64, scratch_operands = 0 : i64, tpu.core_type = #tpu.core_type<tc>, window_params = [{transform_indices = @transform_0, window_bounds = array<i64: 32, 1024>}, {transform_indices = @transform_1, window_bounds = array<i64: 1024, 1>}]} {
    %get3A = arith.constant 0 : index
    %get3A_0 = arith.constant 0 : index
    %get3A_1 = vector.load %arg1[%get3A, %get3A_0] : memref<32x1024xf32, #tpu.memory_space<vmem>>, vector<32x1024xf32>
    %reduce_sum3A = arith.constant dense<0.000000e+00> : vector<1024xf32>
    %reduce_sum3A_2 = vector.multi_reduction <add>, %get3A_1, %reduce_sum3A [0] : vector<32x1024xf32> to vector<1024xf32>
    %add3A = arith.constant 1.000000e+00 : f32
    %add3A_3 = vector.broadcast %add3A : f32 to vector<1024xf32>
    %add3A_4 = arith.addf %reduce_sum3A_2, %add3A_3 : vector<1024xf32>
    %rsqrt3A = math.rsqrt %add3A_4 : vector<1024xf32>
    %broadcast_in_dim3A = vector.shape_cast %rsqrt3A : vector<1024xf32> to vector<1024x1xf32>
    %swap3A = arith.constant 0 : index
    %swap3A_5 = arith.constant 0 : index
    %swap3A_6 = vector.load %arg2[%swap3A, %swap3A_5] : memref<1024x1xf32, #tpu.memory_space<vmem>>, vector<1024x1xf32>
    tpu.vector_store %arg2[%swap3A, %swap3A_5], %broadcast_in_dim3A {strides = array<i32>} : memref<1024x1xf32, #tpu.memory_space<vmem>>, vector<1024x1xf32>,
    return
  }
  func.func @transform_0(%arg0: i32) -> (i32, i32) {
    %c0_i32 = arith.constant 0 : i32
    %c0_i32_0 = arith.constant 0 : i32
    return %c0_i32, %arg0 : i32, i32
  }
  func.func @transform_1(%arg0: i32) -> (i32, i32) {
    %c0_i32 = arith.constant 0 : i32
    %c0_i32_0 = arith.constant 0 : i32
    return %arg0, %c0_i32 : i32, i32
  }
}

module attributes {stable_mosaic.version = 14 : i64} {
  func.func @_stage_a_body(%arg0: i32, %arg1: memref<2000x1xf32, #tpu.memory_space<vmem>>, %arg2: memref<2000x128xf32, #tpu.memory_space<vmem>>, %arg3: memref<128x128xf32, #tpu.memory_space<vmem>>, %arg4: memref<1x128xf32, #tpu.memory_space<vmem>>, %arg5: memref<128x128xf32, #tpu.memory_space<vmem>>, %arg6: memref<2000x128xf32, #tpu.memory_space<vmem>>) attributes {dimension_semantics = [#tpu.dimension_semantics<arbitrary>], iteration_bounds = array<i64: 5>, scalar_prefetch = 0 : i64, scratch_operands = 0 : i64, tpu.core_type = #tpu.core_type<tc>, window_params = [{transform_indices = @transform_0, window_bounds = array<i64: 2000, 1>}, {transform_indices = @transform_1, window_bounds = array<i64: 2000, 128>}, {pipeline_mode = #tpu.pipeline_mode<synchronous>, transform_indices = @transform_2, window_bounds = array<i64: 128, 128>}, {pipeline_mode = #tpu.pipeline_mode<synchronous>, transform_indices = @transform_3, window_bounds = array<i64: 1, 128>}, {pipeline_mode = #tpu.pipeline_mode<synchronous>, transform_indices = @transform_4, window_bounds = array<i64: 128, 128>}, {transform_indices = @transform_5, window_bounds = array<i64: 2000, 128>}]} {
    %get3A = arith.constant 0 : index
    %get3A_0 = arith.constant 0 : index
    %get3A_1 = vector.load %arg1[%get3A, %get3A_0] : memref<2000x1xf32, #tpu.memory_space<vmem>>, vector<2000x1xf32>
    %get3A_2 = arith.constant 0 : index
    %get3A_3 = arith.constant 0 : index
    %get3A_4 = vector.load %arg2[%get3A_2, %get3A_3] : memref<2000x128xf32, #tpu.memory_space<vmem>>, vector<2000x128xf32>
    %get3A_5 = arith.constant 0 : index
    %get3A_6 = arith.constant 0 : index
    %get3A_7 = vector.load %arg3[%get3A_5, %get3A_6] : memref<128x128xf32, #tpu.memory_space<vmem>>, vector<128x128xf32>
    %dot_general3A = arith.constant dense<0.000000e+00> : vector<2000x128xf32>
    %dot_general3A_8 = tpu.matmul %get3A_4, %get3A_7, %dot_general3A {dimension_numbers = #tpu.dot_dimension_numbers<[1], [0], [0], [1], [0, 0, 1, 1], [], []>, transpose_lhs_hint = false} : vector<2000x128xf32>, vector<128x128xf32>, vector<2000x128xf32> -> vector<2000x128xf32>
    %get3A_9 = arith.constant 0 : index
    %get3A_10 = arith.constant 0 : index
    %get3A_11 = vector.load %arg4[%get3A_9, %get3A_10] : memref<1x128xf32, #tpu.memory_space<vmem>>, vector<1x128xf32>
    %add3A = vector.broadcast %get3A_11 : vector<1x128xf32> to vector<2000x128xf32>
    %add3A_12 = arith.addf %dot_general3A_8, %add3A : vector<2000x128xf32>
    %max3A = arith.constant 0.000000e+00 : f32
    %max3A_13 = vector.broadcast %max3A : f32 to vector<2000x128xf32>
    %max3A_14 = arith.maximumf %add3A_12, %max3A_13 : vector<2000x128xf32>
    %get3A_15 = arith.constant 0 : index
    %get3A_16 = arith.constant 0 : index
    %get3A_17 = vector.load %arg5[%get3A_15, %get3A_16] : memref<128x128xf32, #tpu.memory_space<vmem>>, vector<128x128xf32>
    %dot_general3A_18 = arith.constant dense<0.000000e+00> : vector<2000x128xf32>
    %dot_general3A_19 = tpu.matmul %max3A_14, %get3A_17, %dot_general3A_18 {dimension_numbers = #tpu.dot_dimension_numbers<[1], [0], [0], [1], [0, 0, 1, 1], [], []>, transpose_lhs_hint = false} : vector<2000x128xf32>, vector<128x128xf32>, vector<2000x128xf32> -> vector<2000x128xf32>
    %mul3A = vector.broadcast %get3A_1 : vector<2000x1xf32> to vector<2000x128xf32>
    %mul3A_20 = arith.mulf %dot_general3A_19, %mul3A : vector<2000x128xf32>
    %swap3A = arith.constant 0 : index
    %swap3A_21 = arith.constant 0 : index
    %swap3A_22 = vector.load %arg6[%swap3A, %swap3A_21] : memref<2000x128xf32, #tpu.memory_space<vmem>>, vector<2000x128xf32>
    tpu.vector_store %arg6[%swap3A, %swap3A_21], %mul3A_20 {strides = array<i32>} : memref<2000x128xf32, #tpu.memory_space<vmem>>, vector<2000x128xf32>,
    return
  }
  func.func @transform_0(%arg0: i32) -> (i32, i32) {
    %c0_i32 = arith.constant 0 : i32
    %c0_i32_0 = arith.constant 0 : i32
    return %arg0, %c0_i32 : i32, i32
  }
  func.func @transform_1(%arg0: i32) -> (i32, i32) {
    %c0_i32 = arith.constant 0 : i32
    %c0_i32_0 = arith.constant 0 : i32
    return %arg0, %c0_i32 : i32, i32
  }
  func.func @transform_2(%arg0: i32) -> (i32, i32) {
    %c0_i32 = arith.constant 0 : i32
    %c0_i32_0 = arith.constant 0 : i32
    %c0_i32_1 = arith.constant 0 : i32
    return %c0_i32, %c0_i32_0 : i32, i32
  }
  func.func @transform_3(%arg0: i32) -> (i32, i32) {
    %c0_i32 = arith.constant 0 : i32
    %c0_i32_0 = arith.constant 0 : i32
    %c0_i32_1 = arith.constant 0 : i32
    return %c0_i32, %c0_i32_0 : i32, i32
  }
  func.func @transform_4(%arg0: i32) -> (i32, i32) {
    %c0_i32 = arith.constant 0 : i32
    %c0_i32_0 = arith.constant 0 : i32
    %c0_i32_1 = arith.constant 0 : i32
    return %c0_i32, %c0_i32_0 : i32, i32
  }
  func.func @transform_5(%arg0: i32) -> (i32, i32) {
    %c0_i32 = arith.constant 0 : i32
    %c0_i32_0 = arith.constant 0 : i32
    return %arg0, %c0_i32 : i32, i32
  }
}

module attributes {stable_mosaic.version = 14 : i64} {
  func.func @_stage_b_body(%arg0: i32, %arg1: memref<2000x1xf32, #tpu.memory_space<vmem>>, %arg2: memref<2x2000x128xf32, #tpu.memory_space<vmem>>, %arg3: memref<2000x128xf32, #tpu.memory_space<vmem>>, %arg4: memref<1x128xf32, #tpu.memory_space<vmem>>, %arg5: memref<128x128xf32, #tpu.memory_space<vmem>>, %arg6: memref<2000x128xf32, #tpu.memory_space<vmem>>) attributes {dimension_semantics = [#tpu.dimension_semantics<arbitrary>], iteration_bounds = array<i64: 5>, scalar_prefetch = 0 : i64, scratch_operands = 0 : i64, tpu.core_type = #tpu.core_type<tc>, window_params = [{transform_indices = @transform_0, window_bounds = array<i64: 2000, 1>}, {transform_indices = @transform_1, window_bounds = array<i64: 2, 2000, 128>}, {transform_indices = @transform_2, window_bounds = array<i64: 2000, 128>}, {pipeline_mode = #tpu.pipeline_mode<synchronous>, transform_indices = @transform_3, window_bounds = array<i64: 1, 128>}, {pipeline_mode = #tpu.pipeline_mode<synchronous>, transform_indices = @transform_4, window_bounds = array<i64: 128, 128>}, {transform_indices = @transform_5, window_bounds = array<i64: 2000, 128>}]} {
    %get3A = arith.constant 0 : index
    %get3A_0 = arith.constant 0 : index
    %get3A_1 = vector.load %arg1[%get3A, %get3A_0] : memref<2000x1xf32, #tpu.memory_space<vmem>>, vector<2000x1xf32>
    %get3A_2 = arith.constant 0 : index
    %get3A_3 = arith.constant 0 : index
    %get3A_4 = arith.constant 0 : index
    %get3A_5 = vector.load %arg2[%get3A_2, %get3A_3, %get3A_4] : memref<2x2000x128xf32, #tpu.memory_space<vmem>>, vector<2x2000x128xf32>
    %slice3A = vector.extract_strided_slice %get3A_5 {offsets = [0, 0, 0], sizes = [1, 2000, 128], strides = [1, 1, 1]} : vector<2x2000x128xf32> to vector<1x2000x128xf32>
    %squeeze3A = vector.shape_cast %slice3A : vector<1x2000x128xf32> to vector<2000x128xf32>
    %slice3A_6 = vector.extract_strided_slice %get3A_5 {offsets = [1, 0, 0], sizes = [1, 2000, 128], strides = [1, 1, 1]} : vector<2x2000x128xf32> to vector<1x2000x128xf32>
    %squeeze3A_7 = vector.shape_cast %slice3A_6 : vector<1x2000x128xf32> to vector<2000x128xf32>
    %add3A = arith.addf %squeeze3A, %squeeze3A_7 : vector<2000x128xf32>
    %get3A_8 = arith.constant 0 : index
    %get3A_9 = arith.constant 0 : index
    %get3A_10 = vector.load %arg3[%get3A_8, %get3A_9] : memref<2000x128xf32, #tpu.memory_space<vmem>>, vector<2000x128xf32>
    %add3A_11 = arith.addf %add3A, %get3A_10 : vector<2000x128xf32>
    %mul3A = vector.broadcast %get3A_1 : vector<2000x1xf32> to vector<2000x128xf32>
    %mul3A_12 = arith.mulf %mul3A, %add3A_11 : vector<2000x128xf32>
    %get3A_13 = arith.constant 0 : index
    %get3A_14 = arith.constant 0 : index
    %get3A_15 = vector.load %arg4[%get3A_13, %get3A_14] : memref<1x128xf32, #tpu.memory_space<vmem>>, vector<1x128xf32>
    %add3A_16 = vector.broadcast %get3A_15 : vector<1x128xf32> to vector<2000x128xf32>
    %add3A_17 = arith.addf %mul3A_12, %add3A_16 : vector<2000x128xf32>
    %max3A = arith.constant 0.000000e+00 : f32
    %max3A_18 = vector.broadcast %max3A : f32 to vector<2000x128xf32>
    %max3A_19 = arith.maximumf %add3A_17, %max3A_18 : vector<2000x128xf32>
    %get3A_20 = arith.constant 0 : index
    %get3A_21 = arith.constant 0 : index
    %get3A_22 = vector.load %arg5[%get3A_20, %get3A_21] : memref<128x128xf32, #tpu.memory_space<vmem>>, vector<128x128xf32>
    %dot_general3A = arith.constant dense<0.000000e+00> : vector<2000x128xf32>
    %dot_general3A_23 = tpu.matmul %max3A_19, %get3A_22, %dot_general3A {dimension_numbers = #tpu.dot_dimension_numbers<[1], [0], [0], [1], [0, 0, 1, 1], [], []>, transpose_lhs_hint = false} : vector<2000x128xf32>, vector<128x128xf32>, vector<2000x128xf32> -> vector<2000x128xf32>
    %mul3A_24 = vector.broadcast %get3A_1 : vector<2000x1xf32> to vector<2000x128xf32>
    %mul3A_25 = arith.mulf %dot_general3A_23, %mul3A_24 : vector<2000x128xf32>
    %swap3A = arith.constant 0 : index
    %swap3A_26 = arith.constant 0 : index
    %swap3A_27 = vector.load %arg6[%swap3A, %swap3A_26] : memref<2000x128xf32, #tpu.memory_space<vmem>>, vector<2000x128xf32>
    tpu.vector_store %arg6[%swap3A, %swap3A_26], %mul3A_25 {strides = array<i32>} : memref<2000x128xf32, #tpu.memory_space<vmem>>, vector<2000x128xf32>,
    return
  }
  func.func @transform_0(%arg0: i32) -> (i32, i32) {
    %c0_i32 = arith.constant 0 : i32
    %c0_i32_0 = arith.constant 0 : i32
    return %arg0, %c0_i32 : i32, i32
  }
  func.func @transform_1(%arg0: i32) -> (i32, i32, i32) {
    %c0_i32 = arith.constant 0 : i32
    %c0_i32_0 = arith.constant 0 : i32
    %c0_i32_1 = arith.constant 0 : i32
    return %c0_i32, %arg0, %c0_i32_0 : i32, i32, i32
  }
  func.func @transform_2(%arg0: i32) -> (i32, i32) {
    %c0_i32 = arith.constant 0 : i32
    %c0_i32_0 = arith.constant 0 : i32
    return %arg0, %c0_i32 : i32, i32
  }
  func.func @transform_3(%arg0: i32) -> (i32, i32) {
    %c0_i32 = arith.constant 0 : i32
    %c0_i32_0 = arith.constant 0 : i32
    %c0_i32_1 = arith.constant 0 : i32
    return %c0_i32, %c0_i32_0 : i32, i32
  }
  func.func @transform_4(%arg0: i32) -> (i32, i32) {
    %c0_i32 = arith.constant 0 : i32
    %c0_i32_0 = arith.constant 0 : i32
    %c0_i32_1 = arith.constant 0 : i32
    return %c0_i32, %c0_i32_0 : i32, i32
  }
  func.func @transform_5(%arg0: i32) -> (i32, i32) {
    %c0_i32 = arith.constant 0 : i32
    %c0_i32_0 = arith.constant 0 : i32
    return %arg0, %c0_i32 : i32, i32
  }
}

module attributes {stable_mosaic.version = 14 : i64} {
  func.func @_stage_c_body(%arg0: i32, %arg1: memref<2000x1xf32, #tpu.memory_space<vmem>>, %arg2: memref<2x2000x128xf32, #tpu.memory_space<vmem>>, %arg3: memref<2000x128xf32, #tpu.memory_space<vmem>>, %arg4: memref<1x128xf32, #tpu.memory_space<vmem>>, %arg5: memref<128x384xf32, #tpu.memory_space<vmem>>, %arg6: memref<1x384xf32, #tpu.memory_space<vmem>>, %arg7: memref<1x384xf32, #tpu.memory_space<vmem>>, %arg8: memref<128x128xf32, #tpu.memory_space<vmem>>, %arg9: memref<1x128xf32, #tpu.memory_space<vmem>>, %arg10: memref<1x128xf32, #tpu.memory_space<vmem>>, %arg11: memref<1x128xf32, #tpu.memory_space<vmem>>, %arg12: memref<128x128xf32, #tpu.memory_space<vmem>>, %arg13: memref<1x128xf32, #tpu.memory_space<vmem>>, %arg14: memref<1x128xf32, #tpu.memory_space<vmem>>, %arg15: memref<1x128xf32, #tpu.memory_space<vmem>>, %arg16: memref<128x1xf32, #tpu.memory_space<vmem>>, %arg17: memref<1x1xf32, #tpu.memory_space<vmem>>, %arg18: memref<2000x1xf32, #tpu.memory_space<vmem>>) attributes {dimension_semantics = [#tpu.dimension_semantics<arbitrary>], iteration_bounds = array<i64: 5>, scalar_prefetch = 0 : i64, scratch_operands = 0 : i64, tpu.core_type = #tpu.core_type<tc>, window_params = [{transform_indices = @transform_0, window_bounds = array<i64: 2000, 1>}, {transform_indices = @transform_1, window_bounds = array<i64: 2, 2000, 128>}, {transform_indices = @transform_2, window_bounds = array<i64: 2000, 128>}, {pipeline_mode = #tpu.pipeline_mode<synchronous>, transform_indices = @transform_3, window_bounds = array<i64: 1, 128>}, {pipeline_mode = #tpu.pipeline_mode<synchronous>, transform_indices = @transform_4, window_bounds = array<i64: 128, 384>}, {pipeline_mode = #tpu.pipeline_mode<synchronous>, transform_indices = @transform_5, window_bounds = array<i64: 1, 384>}, {pipeline_mode = #tpu.pipeline_mode<synchronous>, transform_indices = @transform_6, window_bounds = array<i64: 1, 384>}, {pipeline_mode = #tpu.pipeline_mode<synchronous>, transform_indices = @transform_7, window_bounds = array<i64: 128, 128>}, {pipeline_mode = #tpu.pipeline_mode<synchronous>, transform_indices = @transform_8, window_bounds = array<i64: 1, 128>}, {pipeline_mode = #tpu.pipeline_mode<synchronous>, transform_indices = @transform_9, window_bounds = array<i64: 1, 128>}, {pipeline_mode = #tpu.pipeline_mode<synchronous>, transform_indices = @transform_10, window_bounds = array<i64: 1, 128>}, {pipeline_mode = #tpu.pipeline_mode<synchronous>, transform_indices = @transform_11, window_bounds = array<i64: 128, 128>}, {pipeline_mode = #tpu.pipeline_mode<synchronous>, transform_indices = @transform_12, window_bounds = array<i64: 1, 128>}, {pipeline_mode = #tpu.pipeline_mode<synchronous>, transform_indices = @transform_13, window_bounds = array<i64: 1, 128>}, {pipeline_mode = #tpu.pipeline_mode<synchronous>, transform_indices = @transform_14, window_bounds = array<i64: 1, 128>}, {pipeline_mode = #tpu.pipeline_mode<synchronous>, transform_indices = @transform_15, window_bounds = array<i64: 128, 1>}, {pipeline_mode = #tpu.pipeline_mode<synchronous>, transform_indices = @transform_16, window_bounds = array<i64: 1, 1>}, {transform_indices = @transform_17, window_bounds = array<i64: 2000, 1>}]} {
    %get3A = arith.constant 0 : index
    %get3A_0 = arith.constant 0 : index
    %get3A_1 = vector.load %arg1[%get3A, %get3A_0] : memref<2000x1xf32, #tpu.memory_space<vmem>>, vector<2000x1xf32>
    %get3A_2 = arith.constant 0 : index
    %get3A_3 = arith.constant 0 : index
    %get3A_4 = arith.constant 0 : index
    %get3A_5 = vector.load %arg2[%get3A_2, %get3A_3, %get3A_4] : memref<2x2000x128xf32, #tpu.memory_space<vmem>>, vector<2x2000x128xf32>
    %slice3A = vector.extract_strided_slice %get3A_5 {offsets = [0, 0, 0], sizes = [1, 2000, 128], strides = [1, 1, 1]} : vector<2x2000x128xf32> to vector<1x2000x128xf32>
    %squeeze3A = vector.shape_cast %slice3A : vector<1x2000x128xf32> to vector<2000x128xf32>
    %slice3A_6 = vector.extract_strided_slice %get3A_5 {offsets = [1, 0, 0], sizes = [1, 2000, 128], strides = [1, 1, 1]} : vector<2x2000x128xf32> to vector<1x2000x128xf32>
    %squeeze3A_7 = vector.shape_cast %slice3A_6 : vector<1x2000x128xf32> to vector<2000x128xf32>
    %add3A = arith.addf %squeeze3A, %squeeze3A_7 : vector<2000x128xf32>
    %get3A_8 = arith.constant 0 : index
    %get3A_9 = arith.constant 0 : index
    %get3A_10 = vector.load %arg3[%get3A_8, %get3A_9] : memref<2000x128xf32, #tpu.memory_space<vmem>>, vector<2000x128xf32>
    %add3A_11 = arith.addf %add3A, %get3A_10 : vector<2000x128xf32>
    %mul3A = vector.broadcast %get3A_1 : vector<2000x1xf32> to vector<2000x128xf32>
    %mul3A_12 = arith.mulf %mul3A, %add3A_11 : vector<2000x128xf32>
    %get3A_13 = arith.constant 0 : index
    %get3A_14 = arith.constant 0 : index
    %get3A_15 = vector.load %arg4[%get3A_13, %get3A_14] : memref<1x128xf32, #tpu.memory_space<vmem>>, vector<1x128xf32>
    %add3A_16 = vector.broadcast %get3A_15 : vector<1x128xf32> to vector<2000x128xf32>
    %add3A_17 = arith.addf %mul3A_12, %add3A_16 : vector<2000x128xf32>
    %max3A = arith.constant 0.000000e+00 : f32
    %max3A_18 = vector.broadcast %max3A : f32 to vector<2000x128xf32>
    %max3A_19 = arith.maximumf %add3A_17, %max3A_18 : vector<2000x128xf32>
    %get3A_20 = arith.constant 0 : index
    %get3A_21 = arith.constant 0 : index
    %get3A_22 = vector.load %arg5[%get3A_20, %get3A_21] : memref<128x384xf32, #tpu.memory_space<vmem>>, vector<128x384xf32>
    %dot_general3A = arith.constant dense<0.000000e+00> : vector<2000x384xf32>
    %dot_general3A_23 = tpu.matmul %max3A_19, %get3A_22, %dot_general3A {dimension_numbers = #tpu.dot_dimension_numbers<[1], [0], [0], [1], [0, 0, 1, 1], [], []>, transpose_lhs_hint = false} : vector<2000x128xf32>, vector<128x384xf32>, vector<2000x384xf32> -> vector<2000x384xf32>
    %get3A_24 = arith.constant 0 : index
    %get3A_25 = arith.constant 0 : index
    %get3A_26 = vector.load %arg6[%get3A_24, %get3A_25] : memref<1x384xf32, #tpu.memory_space<vmem>>, vector<1x384xf32>
    %add3A_27 = vector.broadcast %get3A_26 : vector<1x384xf32> to vector<2000x384xf32>
    %add3A_28 = arith.addf %dot_general3A_23, %add3A_27 : vector<2000x384xf32>
    %get3A_29 = arith.constant 0 : index
    %get3A_30 = arith.constant 0 : index
    %get3A_31 = vector.load %arg7[%get3A_29, %get3A_30] : memref<1x384xf32, #tpu.memory_space<vmem>>, vector<1x384xf32>
    %slice3A_32 = vector.extract_strided_slice %add3A_28 {offsets = [0, 0], sizes = [2000, 128], strides = [1, 1]} : vector<2000x384xf32> to vector<2000x128xf32>
    %slice3A_33 = vector.extract_strided_slice %get3A_31 {offsets = [0, 0], sizes = [1, 128], strides = [1, 1]} : vector<1x384xf32> to vector<1x128xf32>
    %add3A_34 = vector.broadcast %slice3A_33 : vector<1x128xf32> to vector<2000x128xf32>
    %add3A_35 = arith.addf %slice3A_32, %add3A_34 : vector<2000x128xf32>
    %logistic3A = arith.negf %add3A_35 : vector<2000x128xf32>
    %logistic3A_36 = math.exp %logistic3A : vector<2000x128xf32>
    %logistic3A_37 = arith.constant 1.000000e+00 : f32
    %logistic3A_38 = vector.broadcast %logistic3A_37 : f32 to vector<2000x128xf32>
    %logistic3A_39 = arith.addf %logistic3A_38, %logistic3A_36 : vector<2000x128xf32>
    %logistic3A_40 = arith.divf %logistic3A_38, %logistic3A_39 : vector<2000x128xf32>
    %slice3A_41 = vector.extract_strided_slice %add3A_28 {offsets = [0, 128], sizes = [2000, 128], strides = [1, 1]} : vector<2000x384xf32> to vector<2000x128xf32>
    %slice3A_42 = vector.extract_strided_slice %get3A_31 {offsets = [0, 128], sizes = [1, 128], strides = [1, 1]} : vector<1x384xf32> to vector<1x128xf32>
    %add3A_43 = vector.broadcast %slice3A_42 : vector<1x128xf32> to vector<2000x128xf32>
    %add3A_44 = arith.addf %slice3A_41, %add3A_43 : vector<2000x128xf32>
    %logistic3A_45 = arith.negf %add3A_44 : vector<2000x128xf32>
    %logistic3A_46 = math.exp %logistic3A_45 : vector<2000x128xf32>
    %logistic3A_47 = arith.constant 1.000000e+00 : f32
    %logistic3A_48 = vector.broadcast %logistic3A_47 : f32 to vector<2000x128xf32>
    %logistic3A_49 = arith.addf %logistic3A_48, %logistic3A_46 : vector<2000x128xf32>
    %logistic3A_50 = arith.divf %logistic3A_48, %logistic3A_49 : vector<2000x128xf32>
    %slice3A_51 = vector.extract_strided_slice %add3A_28 {offsets = [0, 256], sizes = [2000, 128], strides = [1, 1]} : vector<2000x384xf32> to vector<2000x128xf32>
    %slice3A_52 = vector.extract_strided_slice %get3A_31 {offsets = [0, 256], sizes = [1, 128], strides = [1, 1]} : vector<1x384xf32> to vector<1x128xf32>
    %mul3A_53 = vector.broadcast %slice3A_52 : vector<1x128xf32> to vector<2000x128xf32>
    %mul3A_54 = arith.mulf %logistic3A_40, %mul3A_53 : vector<2000x128xf32>
    %add3A_55 = arith.addf %slice3A_51, %mul3A_54 : vector<2000x128xf32>
    %tanh3A = math.tanh %add3A_55 : vector<2000x128xf32>
    %sub3A = arith.constant 1.000000e+00 : f32
    %sub3A_56 = vector.broadcast %sub3A : f32 to vector<2000x128xf32>
    %sub3A_57 = arith.subf %sub3A_56, %logistic3A_50 : vector<2000x128xf32>
    %mul3A_58 = arith.mulf %sub3A_57, %tanh3A : vector<2000x128xf32>
    %get3A_59 = arith.constant 0 : index
    %get3A_60 = arith.constant 0 : index
    %get3A_61 = vector.load %arg8[%get3A_59, %get3A_60] : memref<128x128xf32, #tpu.memory_space<vmem>>, vector<128x128xf32>
    %dot_general3A_62 = arith.constant dense<0.000000e+00> : vector<2000x128xf32>
    %dot_general3A_63 = tpu.matmul %mul3A_58, %get3A_61, %dot_general3A_62 {dimension_numbers = #tpu.dot_dimension_numbers<[1], [0], [0], [1], [0, 0, 1, 1], [], []>, transpose_lhs_hint = false} : vector<2000x128xf32>, vector<128x128xf32>, vector<2000x128xf32> -> vector<2000x128xf32>
    %get3A_64 = arith.constant 0 : index
    %get3A_65 = arith.constant 0 : index
    %get3A_66 = vector.load %arg9[%get3A_64, %get3A_65] : memref<1x128xf32, #tpu.memory_space<vmem>>, vector<1x128xf32>
    %add3A_67 = vector.broadcast %get3A_66 : vector<1x128xf32> to vector<2000x128xf32>
    %add3A_68 = arith.addf %dot_general3A_63, %add3A_67 : vector<2000x128xf32>
    %get3A_69 = arith.constant 0 : index
    %get3A_70 = arith.constant 0 : index
    %get3A_71 = vector.load %arg10[%get3A_69, %get3A_70] : memref<1x128xf32, #tpu.memory_space<vmem>>, vector<1x128xf32>
    %get3A_72 = arith.constant 0 : index
    %get3A_73 = arith.constant 0 : index
    %get3A_74 = vector.load %arg11[%get3A_72, %get3A_73] : memref<1x128xf32, #tpu.memory_space<vmem>>, vector<1x128xf32>
    %reduce_sum3A = arith.constant dense<0.000000e+00> : vector<2000xf32>
    %reduce_sum3A_75 = vector.multi_reduction <add>, %add3A_68, %reduce_sum3A [1] : vector<2000x128xf32> to vector<2000xf32>
    %broadcast_in_dim3A = vector.shape_cast %reduce_sum3A_75 : vector<2000xf32> to vector<2000x1xf32>
    %div3A = arith.constant 1.280000e+02 : f32
    %div3A_76 = vector.broadcast %div3A : f32 to vector<2000x1xf32>
    %div3A_77 = arith.divf %broadcast_in_dim3A, %div3A_76 : vector<2000x1xf32>
    %sub3A_78 = vector.broadcast %div3A_77 : vector<2000x1xf32> to vector<2000x128xf32>
    %sub3A_79 = arith.subf %add3A_68, %sub3A_78 : vector<2000x128xf32>
    %integer_pow3A = arith.mulf %sub3A_79, %sub3A_79 : vector<2000x128xf32>
    %reduce_sum3A_80 = arith.constant dense<0.000000e+00> : vector<2000xf32>
    %reduce_sum3A_81 = vector.multi_reduction <add>, %integer_pow3A, %reduce_sum3A_80 [1] : vector<2000x128xf32> to vector<2000xf32>
    %broadcast_in_dim3A_82 = vector.shape_cast %reduce_sum3A_81 : vector<2000xf32> to vector<2000x1xf32>
    %div3A_83 = arith.constant 1.280000e+02 : f32
    %div3A_84 = vector.broadcast %div3A_83 : f32 to vector<2000x1xf32>
    %div3A_85 = arith.divf %broadcast_in_dim3A_82, %div3A_84 : vector<2000x1xf32>
    %sub3A_86 = vector.broadcast %div3A_77 : vector<2000x1xf32> to vector<2000x128xf32>
    %sub3A_87 = arith.subf %add3A_68, %sub3A_86 : vector<2000x128xf32>
    %add3A_88 = arith.constant 9.99999974E-6 : f32
    %add3A_89 = vector.broadcast %add3A_88 : f32 to vector<2000x1xf32>
    %add3A_90 = arith.addf %div3A_85, %add3A_89 : vector<2000x1xf32>
    %sqrt3A = math.sqrt %add3A_90 : vector<2000x1xf32>
    %div3A_91 = vector.broadcast %sqrt3A : vector<2000x1xf32> to vector<2000x128xf32>
    %div3A_92 = arith.divf %sub3A_87, %div3A_91 : vector<2000x128xf32>
    %mul3A_93 = vector.broadcast %get3A_71 : vector<1x128xf32> to vector<2000x128xf32>
    %mul3A_94 = arith.mulf %div3A_92, %mul3A_93 : vector<2000x128xf32>
    %add3A_95 = vector.broadcast %get3A_74 : vector<1x128xf32> to vector<2000x128xf32>
    %add3A_96 = arith.addf %mul3A_94, %add3A_95 : vector<2000x128xf32>
    %max3A_97 = arith.constant 0.000000e+00 : f32
    %max3A_98 = vector.broadcast %max3A_97 : f32 to vector<2000x128xf32>
    %max3A_99 = arith.maximumf %add3A_96, %max3A_98 : vector<2000x128xf32>
    %get3A_100 = arith.constant 0 : index
    %get3A_101 = arith.constant 0 : index
    %get3A_102 = vector.load %arg12[%get3A_100, %get3A_101] : memref<128x128xf32, #tpu.memory_space<vmem>>, vector<128x128xf32>
    %dot_general3A_103 = arith.constant dense<0.000000e+00> : vector<2000x128xf32>
    %dot_general3A_104 = tpu.matmul %max3A_99, %get3A_102, %dot_general3A_103 {dimension_numbers = #tpu.dot_dimension_numbers<[1], [0], [0], [1], [0, 0, 1, 1], [], []>, transpose_lhs_hint = false} : vector<2000x128xf32>, vector<128x128xf32>, vector<2000x128xf32> -> vector<2000x128xf32>
    %get3A_105 = arith.constant 0 : index
    %get3A_106 = arith.constant 0 : index
    %get3A_107 = vector.load %arg13[%get3A_105, %get3A_106] : memref<1x128xf32, #tpu.memory_space<vmem>>, vector<1x128xf32>
    %add3A_108 = vector.broadcast %get3A_107 : vector<1x128xf32> to vector<2000x128xf32>
    %add3A_109 = arith.addf %dot_general3A_104, %add3A_108 : vector<2000x128xf32>
    %get3A_110 = arith.constant 0 : index
    %get3A_111 = arith.constant 0 : index
    %get3A_112 = vector.load %arg14[%get3A_110, %get3A_111] : memref<1x128xf32, #tpu.memory_space<vmem>>, vector<1x128xf32>
    %get3A_113 = arith.constant 0 : index
    %get3A_114 = arith.constant 0 : index
    %get3A_115 = vector.load %arg15[%get3A_113, %get3A_114] : memref<1x128xf32, #tpu.memory_space<vmem>>, vector<1x128xf32>
    %reduce_sum3A_116 = arith.constant dense<0.000000e+00> : vector<2000xf32>
    %reduce_sum3A_117 = vector.multi_reduction <add>, %add3A_109, %reduce_sum3A_116 [1] : vector<2000x128xf32> to vector<2000xf32>
    %broadcast_in_dim3A_118 = vector.shape_cast %reduce_sum3A_117 : vector<2000xf32> to vector<2000x1xf32>
    %div3A_119 = arith.constant 1.280000e+02 : f32
    %div3A_120 = vector.broadcast %div3A_119 : f32 to vector<2000x1xf32>
    %div3A_121 = arith.divf %broadcast_in_dim3A_118, %div3A_120 : vector<2000x1xf32>
    %sub3A_122 = vector.broadcast %div3A_121 : vector<2000x1xf32> to vector<2000x128xf32>
    %sub3A_123 = arith.subf %add3A_109, %sub3A_122 : vector<2000x128xf32>
    %integer_pow3A_124 = arith.mulf %sub3A_123, %sub3A_123 : vector<2000x128xf32>
    %reduce_sum3A_125 = arith.constant dense<0.000000e+00> : vector<2000xf32>
    %reduce_sum3A_126 = vector.multi_reduction <add>, %integer_pow3A_124, %reduce_sum3A_125 [1] : vector<2000x128xf32> to vector<2000xf32>
    %broadcast_in_dim3A_127 = vector.shape_cast %reduce_sum3A_126 : vector<2000xf32> to vector<2000x1xf32>
    %div3A_128 = arith.constant 1.280000e+02 : f32
    %div3A_129 = vector.broadcast %div3A_128 : f32 to vector<2000x1xf32>
    %div3A_130 = arith.divf %broadcast_in_dim3A_127, %div3A_129 : vector<2000x1xf32>
    %sub3A_131 = vector.broadcast %div3A_121 : vector<2000x1xf32> to vector<2000x128xf32>
    %sub3A_132 = arith.subf %add3A_109, %sub3A_131 : vector<2000x128xf32>
    %add3A_133 = arith.constant 9.99999974E-6 : f32
    %add3A_134 = vector.broadcast %add3A_133 : f32 to vector<2000x1xf32>
    %add3A_135 = arith.addf %div3A_130, %add3A_134 : vector<2000x1xf32>
    %sqrt3A_136 = math.sqrt %add3A_135 : vector<2000x1xf32>
    %div3A_137 = vector.broadcast %sqrt3A_136 : vector<2000x1xf32> to vector<2000x128xf32>
    %div3A_138 = arith.divf %sub3A_132, %div3A_137 : vector<2000x128xf32>
    %mul3A_139 = vector.broadcast %get3A_112 : vector<1x128xf32> to vector<2000x128xf32>
    %mul3A_140 = arith.mulf %div3A_138, %mul3A_139 : vector<2000x128xf32>
    %add3A_141 = vector.broadcast %get3A_115 : vector<1x128xf32> to vector<2000x128xf32>
    %add3A_142 = arith.addf %mul3A_140, %add3A_141 : vector<2000x128xf32>
    %max3A_143 = arith.constant 0.000000e+00 : f32
    %max3A_144 = vector.broadcast %max3A_143 : f32 to vector<2000x128xf32>
    %max3A_145 = arith.maximumf %add3A_142, %max3A_144 : vector<2000x128xf32>
    %get3A_146 = arith.constant 0 : index
    %get3A_147 = arith.constant 0 : index
    %get3A_148 = vector.load %arg16[%get3A_146, %get3A_147] : memref<128x1xf32, #tpu.memory_space<vmem>>, vector<128x1xf32>
    %dot_general3A_149 = arith.constant dense<0.000000e+00> : vector<2000x1xf32>
    %dot_general3A_150 = tpu.matmul %max3A_145, %get3A_148, %dot_general3A_149 {dimension_numbers = #tpu.dot_dimension_numbers<[1], [0], [0], [1], [0, 0, 1, 1], [], []>, transpose_lhs_hint = false} : vector<2000x128xf32>, vector<128x1xf32>, vector<2000x1xf32> -> vector<2000x1xf32>
    %get3A_151 = arith.constant 0 : index
    %get3A_152 = arith.constant 0 : index
    %get3A_153 = vector.load %arg17[%get3A_151, %get3A_152] : memref<1x1xf32, #tpu.memory_space<vmem>>, vector<1x1xf32>
    %add3A_154 = vector.broadcast %get3A_153 : vector<1x1xf32> to vector<2000x1xf32>
    %add3A_155 = arith.addf %dot_general3A_150, %add3A_154 : vector<2000x1xf32>
    %swap3A = arith.constant 0 : index
    %swap3A_156 = arith.constant 0 : index
    %swap3A_157 = vector.load %arg18[%swap3A, %swap3A_156] : memref<2000x1xf32, #tpu.memory_space<vmem>>, vector<2000x1xf32>
    tpu.vector_store %arg18[%swap3A, %swap3A_156], %add3A_155 {strides = array<i32>} : memref<2000x1xf32, #tpu.memory_space<vmem>>, vector<2000x1xf32>,
    return
  }
  func.func @transform_0(%arg0: i32) -> (i32, i32) {
    %c0_i32 = arith.constant 0 : i32
    %c0_i32_0 = arith.constant 0 : i32
    return %arg0, %c0_i32 : i32, i32
  }
  func.func @transform_1(%arg0: i32) -> (i32, i32, i32) {
    %c0_i32 = arith.constant 0 : i32
    %c0_i32_0 = arith.constant 0 : i32
    %c0_i32_1 = arith.constant 0 : i32
    return %c0_i32, %arg0, %c0_i32_0 : i32, i32, i32
  }
  func.func @transform_2(%arg0: i32) -> (i32, i32) {
    %c0_i32 = arith.constant 0 : i32
    %c0_i32_0 = arith.constant 0 : i32
    return %arg0, %c0_i32 : i32, i32
  }
  func.func @transform_3(%arg0: i32) -> (i32, i32) {
    %c0_i32 = arith.constant 0 : i32
    %c0_i32_0 = arith.constant 0 : i32
    %c0_i32_1 = arith.constant 0 : i32
    return %c0_i32, %c0_i32_0 : i32, i32
  }
  func.func @transform_4(%arg0: i32) -> (i32, i32) {
    %c0_i32 = arith.constant 0 : i32
    %c0_i32_0 = arith.constant 0 : i32
    %c0_i32_1 = arith.constant 0 : i32
    return %c0_i32, %c0_i32_0 : i32, i32
  }
  func.func @transform_5(%arg0: i32) -> (i32, i32) {
    %c0_i32 = arith.constant 0 : i32
    %c0_i32_0 = arith.constant 0 : i32
    %c0_i32_1 = arith.constant 0 : i32
    return %c0_i32, %c0_i32_0 : i32, i32
  }
  func.func @transform_6(%arg0: i32) -> (i32, i32) {
    %c0_i32 = arith.constant 0 : i32
    %c0_i32_0 = arith.constant 0 : i32
    %c0_i32_1 = arith.constant 0 : i32
    return %c0_i32, %c0_i32_0 : i32, i32
  }
  func.func @transform_7(%arg0: i32) -> (i32, i32) {
    %c0_i32 = arith.constant 0 : i32
    %c0_i32_0 = arith.constant 0 : i32
    %c0_i32_1 = arith.constant 0 : i32
    return %c0_i32, %c0_i32_0 : i32, i32
  }
  func.func @transform_8(%arg0: i32) -> (i32, i32) {
    %c0_i32 = arith.constant 0 : i32
    %c0_i32_0 = arith.constant 0 : i32
    %c0_i32_1 = arith.constant 0 : i32
    return %c0_i32, %c0_i32_0 : i32, i32
  }
  func.func @transform_9(%arg0: i32) -> (i32, i32) {
    %c0_i32 = arith.constant 0 : i32
    %c0_i32_0 = arith.constant 0 : i32
    %c0_i32_1 = arith.constant 0 : i32
    return %c0_i32, %c0_i32_0 : i32, i32
  }
  func.func @transform_10(%arg0: i32) -> (i32, i32) {
    %c0_i32 = arith.constant 0 : i32
    %c0_i32_0 = arith.constant 0 : i32
    %c0_i32_1 = arith.constant 0 : i32
    return %c0_i32, %c0_i32_0 : i32, i32
  }
  func.func @transform_11(%arg0: i32) -> (i32, i32) {
    %c0_i32 = arith.constant 0 : i32
    %c0_i32_0 = arith.constant 0 : i32
    %c0_i32_1 = arith.constant 0 : i32
    return %c0_i32, %c0_i32_0 : i32, i32
  }
  func.func @transform_12(%arg0: i32) -> (i32, i32) {
    %c0_i32 = arith.constant 0 : i32
    %c0_i32_0 = arith.constant 0 : i32
    %c0_i32_1 = arith.constant 0 : i32
    return %c0_i32, %c0_i32_0 : i32, i32
  }
  func.func @transform_13(%arg0: i32) -> (i32, i32) {
    %c0_i32 = arith.constant 0 : i32
    %c0_i32_0 = arith.constant 0 : i32
    %c0_i32_1 = arith.constant 0 : i32
    return %c0_i32, %c0_i32_0 : i32, i32
  }
  func.func @transform_14(%arg0: i32) -> (i32, i32) {
    %c0_i32 = arith.constant 0 : i32
    %c0_i32_0 = arith.constant 0 : i32
    %c0_i32_1 = arith.constant 0 : i32
    return %c0_i32, %c0_i32_0 : i32, i32
  }
  func.func @transform_15(%arg0: i32) -> (i32, i32) {
    %c0_i32 = arith.constant 0 : i32
    %c0_i32_0 = arith.constant 0 : i32
    %c0_i32_1 = arith.constant 0 : i32
    return %c0_i32, %c0_i32_0 : i32, i32
  }
  func.func @transform_16(%arg0: i32) -> (i32, i32) {
    %c0_i32 = arith.constant 0 : i32
    %c0_i32_0 = arith.constant 0 : i32
    %c0_i32_1 = arith.constant 0 : i32
    return %c0_i32, %c0_i32_0 : i32, i32
  }
  func.func @transform_17(%arg0: i32) -> (i32, i32) {
    %c0_i32 = arith.constant 0 : i32
    %c0_i32_0 = arith.constant 0 : i32
    return %arg0, %c0_i32 : i32, i32
  }
}

</mosaic_0001>

<sc_bundles>
// kernel: kernel.12.cloned.1.call-start
scs
__scs_entry_jumppad:
0x0: {  	(pc) =	sbr.rel $0x88, $3  }
0x1: {  	(tag) =	ssettag $0x0;
	lr =	simm.s32 $0x1  }
0x2: {  	[smem:$0x3F8C] =	sst lr;
	_ =	strace $0xD0000000  }
0x3: {  	_ = 	snop  }
0x4: {  	_ = 	snop  }
0x5: {  	_ = 	snop  }
0x6: {  	_ = 	snop  }
0x7: {  	_ = 	snop  }
__scs_overlays_trampoline_lowered:
0x8: {  	[smem:$0x3F9B] =	sst s0  }
0x9: {  	[smem:$0x3F9C] =	sst s1  }
0xa: {  	[smem:$0x3F9D] =	sst s2  }
0xb: {  	[smem:$0x3F9E] =	sst s3  }
0xc: {  	[smem:$0x3F9F] =	sst s4  }
0xd: {  	[smem:$0x3FA0] =	sst s5  }
0xe: {  	[smem:$0x3FA1] =	sst s6  }
0xf: {  	[smem:$0x3FA2] =	sst s7  }
0x10: {  	[smem:$0x3FA3] =	sst s8  }
0x11: {  	[smem:$0x3FA4] =	sst s9;
	s0 =	simm.s32 @!p0 $0x0  }
0x12: {  	s1 =	sld [smem:$0x3F8A];
	s0 =	simm.s32 @p0 $0x1  }
0x13: {  	[smem:$0x3FA5] =	sst s0;
	s0 =	simm.s32 @!p1 $0x0  }
0x14: {  	s2 =	sld [smem:$0x3F89];
	s0 =	simm.s32 @p1 $0x1  }
0x15: {  	[smem:$0x3FA6] =	sst s0;
	s0 =	simm.s32 @!p2 $0x0  }
0x16: {  	s3 =	sld [smem:$0x3FDB];
	s0 =	simm.s32 @p2 $0x1  }
0x17: {  	s4 =	simm.s32 $0x1BF5;
	[smem:$0x3FA8] =	sst s0  }
0x18: {  	s0 =	sld [smem:$0x3F8B];
	_ =	swait.ge [sflag:s4], $0x0  }
0x19: {  	s7 =	sld [smem:$0x3F8C]  }
0x1a: {  	s8 =	sadd.s32 $0xFFFFE003, lr  }
0x1b: {  	s9 =	sadd.s32 $0xFFFFFEF7, lr;
	s5 =	simm.s32 $0xFFFFFFFF;
	p2 =	slt.u32 s8, $0xFFFFF086  }
0x1c: {  	p1 =	slt.u32 s9, $0xF7A;
	s5 =	simm.s32 @!p2 $0x0  }
0x1d: {  	s5 =	simm.s32 @p1 $0x1;
	p0 =	seq.s32 s7, s2  }
0x1e: {  	s7 =	smul.u32 @!p0 $0xF7A, s2;
	p2 =	seq.s32 @!p0 s5, $0x0  }
0x1f: {  	s9 =	smul.u32 $0xF7A, s1;
	s8 =	simm.s32 @!p0 $0x1BF5;
	p2 =	por !p2, p0  }
0x20: {  	[sflag:s8] =	ssyncset.s32 @!p0 $0xFFFFF086;
	s6 =	sadd.s32 @!p0 s3, s7;
	s7 =	simm.s32 @!p0 $0x108  }
0x21: {  	s3 =	sadd.s32 s3, s9;
	s6 =	sadd.s32 @!p0 $0x88, s6;
	s7 =	simm.s32 @p2 $0x1082  }
0x22: {  	[simem:s7], [sflag:s8] =	dma.local @!p0 [hbm:s6], $0xF7A  }
0x23: {  	s9 =	sor.u32 $0xD0000000, s2;
	s6 =	simm.s32 $0x108;
	_ =	swait.ge @!p0 [sflag:s8], $0x0  }
0x24: {  	s3 =	sadd.s32 $0x88, s3;
	s6 =	simm.s32 @!p1 $0x1082;
	[sflag:s4] =	ssyncset.s32 $0xFFFFF086  }
0x25: {  	[simem:s6], [sflag:s4] =	dma.local [hbm:s3], $0xF7A  }
0x26: {  	[smem:$0x3F8C] =	sst s1;
	(tag) =	ssettag s2;
	_ =	strace s9  }
0x27: {  	s1 =	sld [smem:$0x3F9C]  }
0x28: {  	s2 =	sld [smem:$0x3F9D]  }
0x29: {  	s4 =	sld [smem:$0x3F9F]  }
0x2a: {  	p0 =	seq.s32 s5, $0x0;
	s5 =	sld [smem:$0x3FA0]  }
0x2b: {  	s6 =	sld [smem:$0x3FA1]  }
0x2c: {  	s7 =	sld [smem:$0x3FA2]  }
0x2d: {  	s3 =	simm.s32 $0x108;
	s8 =	sld [smem:$0x3FA3]  }
0x2e: {  	s3 =	simm.s32 @!p0 $0x1082;
	s9 =	sld [smem:$0x3FA4]  }
0x2f: {  	lr =	sadd.s32 s0, s3;
	s0 =	sld [smem:$0x3F9B]  }
0x30: {  	s3 =	sld [smem:$0x3F9E]  }
0x31: {  	[smem:$0x3FA7] =	sst s10  }
0x32: {  	s10 =	sld [smem:$0x3FA5];
	_ =	sdelay $0x3  }
0x33: {  	p0 =	seq.s32 s10, $0x1;
	s10 =	sld [smem:$0x3FA7];
	_ =	sdelay $0x3  }
0x34: {  	[smem:$0x3FA7] =	sst s10  }
0x35: {  	s10 =	sld [smem:$0x3FA6];
	_ =	sdelay $0x3  }
0x36: {  	p1 =	seq.s32 s10, $0x1;
	s10 =	sld [smem:$0x3FA7];
	_ =	sdelay $0x3  }
0x37: {  	[smem:$0x3FA7] =	sst s10  }
0x38: {  	s10 =	sld [smem:$0x3FA8]  }
0x39: {  	_ = 	snop;
	(pc) =	sbr.ind lr, $3  }
0x3a: {  	_ = 	snop  }
0x3b: {  	_ = 	snop  }
0x3c: {  	p2 =	seq.s32 s10, $0x1;
	s10 =	sld [smem:$0x3FA7]  }
0x3d: {  	_ =	shalt  }
0x3e: {  	_ =	shalt  }
0x3f: {  	_ =	shalt  }
0x40: {  	_ =	shalt  }
0x41: {  	_ =	shalt  }
0x42: {  	_ =	shalt  }
0x43: {  	_ =	shalt  }
0x44: {  	_ =	shalt  }
0x45: {  	_ =	shalt  }
0x46: {  	_ =	shalt  }
0x47: {  	_ =	shalt  }
0x48: {  	_ =	shalt  }
0x49: {  	_ =	shalt  }
0x4a: {  	_ =	shalt  }
0x4b: {  	_ =	shalt  }
0x4c: {  	_ =	shalt  }
0x4d: {  	_ =	shalt  }
0x4e: {  	_ =	shalt  }
0x4f: {  	_ =	shalt  }
0x50: {  	_ =	shalt  }
0x51: {  	_ =	shalt  }
0x52: {  	_ =	shalt  }
0x53: {  	_ =	shalt  }
0x54: {  	_ =	shalt  }
0x55: {  	_ =	shalt  }
0x56: {  	_ =	shalt  }
0x57: {  	_ =	shalt  }
0x58: {  	_ =	shalt  }
0x59: {  	_ =	shalt  }
0x5a: {  	_ =	shalt  }
0x5b: {  	_ =	shalt  }
0x5c: {  	_ =	shalt  }
0x5d: {  	_ =	shalt  }
0x5e: {  	_ =	shalt  }
0x5f: {  	_ =	shalt  }
0x60: {  	_ =	shalt  }
0x61: {  	_ =	shalt  }
0x62: {  	_ =	shalt  }
0x63: {  	_ =	shalt  }
0x64: {  	_ =	shalt  }
0x65: {  	_ =	shalt  }
0x66: {  	_ =	shalt  }
0x67: {  	_ =	shalt  }
0x68: {  	_ =	shalt  }
0x69: {  	_ =	shalt  }
0x6a: {  	_ =	shalt  }
0x6b: {  	_ =	shalt  }
0x6c: {  	_ =	shalt  }
0x6d: {  	_ =	shalt  }
0x6e: {  	_ =	shalt  }
0x6f: {  	_ =	shalt  }
0x70: {  	_ =	shalt  }
0x71: {  	_ =	shalt  }
0x72: {  	_ =	shalt  }
0x73: {  	_ =	shalt  }
0x74: {  	_ =	shalt  }
0x75: {  	_ =	shalt  }
0x76: {  	_ =	shalt  }
0x77: {  	_ =	shalt  }
0x78: {  	_ =	shalt  }
0x79: {  	_ =	shalt  }
0x7a: {  	_ =	shalt  }
0x7b: {  	_ =	shalt  }
0x7c: {  	_ =	shalt  }
0x7d: {  	_ =	shalt  }
0x7e: {  	_ =	shalt  }
0x7f: {  	_ =	shalt  }
0x80: {  	_ =	shalt  }
0x81: {  	_ =	shalt  }
0x82: {  	_ =	shalt  }
0x83: {  	_ =	shalt  }
0x84: {  	_ =	shalt  }
0x85: {  	_ =	shalt  }
0x86: {  	_ =	shalt  }
0x87: {  	_ =	shalt  }
.Lfunc_end0:
.L_simem_size_0:
called_computation.1_lowered:
.L_overlay_start_0:
0x88: {  	s2 =	sld [smem:$0x3FD9]  }
0x89: {  	s3 =	sld [smem:$0x3FFE];
	_ =	sdelay $0x1  }
0x8a: {  	s1 =	srdreg.scid  }
0x8b: {  	s0 =	sand.u32 $0x1, s1  }
0x8c: {  	s16 =	sshll.u32 s0, $0xA;
	s2 =	sadd.s32 s3, s2  }
0x8d: {  	s2 =	sadd.s32 s2, s16  }
0x8e: {  	[smem:$0x3FB3] =	sst s2  }
0x8f: {  	_ = 	snop  }
0x90: {  	(tm) =	ssettm $0x1  }
0x91: {  	s17 =	sld [smem:$0x3FFB];
	_ =	sdelay $0x3  }
0x92: {  	_ =	strace s17  }
0x93: {  	s2 =	sld [smem:$0x3FFC];
	_ =	sdelay $0x3  }
0x94: {  	_ =	strace s2  }
0x95: {  	s2 =	sld [smem:$0x3FFD];
	_ =	sdelay $0x3  }
0x96: {  	_ =	strace s2  }
0x97: {  	_ =	strace $0x8FFFFFFF  }
0x98: {  	s18 =	sld [smem:$0x3FDB];
	_ =	sdelay $0x1  }
0x99: {  	s19 =	simm.s32 $_scs_section_size  }
0x9a: {  	s4 =	simm.s32 $_size__tile_overlayer_lowered;
	s5 =	simm.s32 $_tile_overlayer_lowered  }
0x9b: {  	s22 =	simm.s32 $0x1BFF;
	s21 =	sshll.u32 s5, $0x1;
	s2 =	sadd.s32 s19, s18  }
0x9c: {  	s6 =	simm.s32 $0x0;
	s20 =	sshll.u32 s4, $0x1;
	s4 =	sadd.s32 s21, s2  }
0x9d: {  	[timem:s6], [sflag:s22] =	dma.local [hbm:s4], s20  }
0x9e: {  	_ =	swait.ge [sflag:s22], s20  }
0x9f: {  	s3 =	ssub.s32 $0x0, s20;
	[sflag:s22] =	ssyncset.done $0x0  }
0xa0: {  	[sflag:s22] =	ssyncadd.s32 s3;
	_ =	sdelay $0x1  }
0xa1: {  	s23 =	simm.s32 $0x1B8B  }
0xa2: {  	_ =	swait.ge [sflag:s23], $0x1  }
0xa3: {  	[sflag:s23] =	ssyncset.done $0x0  }
0xa4: {  	s25 =	simm.s32 $0x1B8E;
	s24 =	sld [smem:$0x3FFE];
	[sflag:s23] =	ssyncadd.s32 $0xFFFFFFFF  }
0xa5: {  	s26 =	simm.s32 $execute0_lowered;
	[smem:$0x3FD2] =	sst s25  }
0xa6: {  	s4 =	sshll.u32 s26, $0x1;
	_ =	strace $0x80000049;
	[dreg:$0x1] =	wrdreg $0xFFFFFFFF  }
0xa7: {  	s28 =	simm.s32 $_size_execute0_lowered;
	s2 =	sadd.s32 s2, s4;
	[dreg:$0x0] =	wrdreg $0x0  }
0xa8: {  	s4 =	sshll.u32 s28, $0x1;
	[dreg:$0x2] =	wrdreg s2  }
0xa9: {  	[dreg:$0x3] =	wrdreg s4  }
0xaa: {  	[dreg:$0x4] =	wrdreg $0xC0  }
0xab: {  	_ =	task [dreg:s6], $0x5FFFF  }
0xac: {  	[dreg:$0x1] =	wrdreg $0xFFFFFFFF  }
0xad: {  	[dreg:$0x0] =	wrdreg $0x60  }
0xae: {  	[dreg:$0x2] =	wrdreg s24  }
0xaf: {  	[dreg:$0x3] =	wrdreg $0x0  }
0xb0: {  	[dreg:$0x4] =	wrdreg $0x9  }
0xb1: {  	_ =	task.clear_ibuf [dreg:s6], $0x5FFFF;
	_ =	strace $0x90000049  }
0xb2: {  	s29 =	simm.s32 $0x9;
	_ =	strace $0x8000004B  }
0xb3: {  	_ =	swait.ge [sflag:s29], $0x1  }
0xb4: {  	[sflag:s29] =	ssyncadd.s32 $0xFFFFFFFF  }
0xb5: {  	_ =	strace $0x9000004B  }
0xb6: {  	_ =	sfence  }
0xb7: {  	s30 =	sld [smem:$0x0];
	_ =	sdelay $0x2  }
0xb8: {  	s31 =	sshll.u32 s1, $0xD;
	s1 =	sshrl.u32 s1, $0x2  }
0xb9: {  	s3 =	sand.u32 $0x4000, s31;
	s1 =	sadd.s32 s1, s30  }
0xba: {  	s0 =	sor.u32 s3, s0;
	s1 =	sshll.u32 s1, $0x11  }
0xbb: {  	s0 =	sor.u32 s1, s0  }
0xbc: {  	s0 =	sadd.s32 $0x8F2B, s0  }
0xbd: {  	[sflag:s0] =	ssyncadd.remote.s32 $0x1  }
0xbe: {  	_ =	sfence.sel $0xFFFF  }
0xbf: {  	[dreg:$0x0] =	wrdreg $0xFFFFFFFF;
	(pc) =	sbr.abs _section_cstart, $3  }
0xc0: {  	[dreg:$0x1] =	wrdreg $0xFFFFFFFF  }
0xc1: {  	_ =	task.clear_ibuf [dreg:s6], $0x2FFFF;
	_ =	strace $0x9FFFFFFF  }
0xc2: {  	(tm) =	ssettm $0x7FFFFFFF  }
0xc3: {  	_ =	shalt  }
tec
execute0_lowered:
.L_overlay_start_1:
0x0: {  	(tag) =	ssettag $0x1  }
0x1: {  	s0 =	rddreg [dreg:$0x0]  }
0x2: {  	s1 =	rddreg [dreg:$0x1];
	s2 =	srdreg.scid;
	s3 =	simm.s32 $0x0  }
0x3: {  	s11 =	stileid.u32;
	s15 =	simm.s32 $0x14000;
	s16 =	simm.s32 $0x4  }
0x4: {  	s17 =	simm.s32 $0x14280;
	s18 =	simm.s32 $0x50;
	s19 =	simm.s32 $0x14500  }
0x5: {  	s28 =	simm.s32 $0x1E500;
	s29 =	simm.s32 $0x1;
	s30 =	simm.s32 $0x2  }
0x6: {  	s31 =	simm.s32 $0x3;
	s2 =	sand.u32 $0x1, s2;
	s12 =	smul.u32 $0x14000, s11  }
0x7: {  	[smem:$0x7FF] =	sst s3;
	s5 =	sshll.u32 s11, $0x1;
	s9 =	smul.u32 $0x4E20, s11  }
0x8: {  	s4 =	sadd.s32 $0x17A00, s0;
	s21 =	sshll.u32 s11, $0xB;
	s6 =	smul.u32 $0x140000, s2  }
0x9: {  	s7 =	sor.u32 s2, s5;
	s8 =	ssub.s32 $0x2, s2;
	s2 =	smul.u32 $0x2710, s2  }
0xa: {  	_ =	strace $0x8000004A;
	s5 =	sadd.s32 $0x4000, s0;
	s7 =	smul.u32 $0x2710, s7  }
0xb: {  	s10 =	sshrl.u32 s8, $0x1;
	s25 =	sadd.s32 s12, s1;
	s6 =	sadd.s32 s12, s6  }
0xc: {  	s13 =	ssub.s32 s8, s10;
	s2 =	sadd.s32 s2, s9;
	s8 =	sadd.s32 s21, s1  }
0xd: {  	s21 =	simm.s32 $0x16D00;
	s25 =	sshrl.u32 s25, $0x3;
	s6 =	sshrl.u32 s6, $0x3  }
0xe: {  	s7 =	sshrl.u32 s7, $0x3;
	s14 =	sadd.s32 $0x4E340, s2;
	s26 =	smax.u32 s13, $0x1  }
0xf: {  	s20 =	sadd.s32 $0x140, s2;
	s0 =	sadd.s32 s6, s0;
	s6 =	sadd.s32 s5, s7  }
.Ltmp0:
0x10: {  	[dreg:$0x7] =	wrdreg s26;
	s7 =	sadd.s32 $0x9C40, s6;
	(pc) =	sbr.rel .LBB2_1-.Ltmp0, $4  }
0x11: {  	s24 =	sshrl.u32 s14, $0x3;
	s22 =	sadd.s32 $0x4D8, s6;
	[dreg:$0x3] =	wrdreg s7  }
0x12: {  	s26 =	simm.s32 $0x1BD00;
	s23 =	sadd.s32 $0xA118, s6;
	[dreg:$0x4] =	wrdreg s22  }
0x13: {  	s0 =	sadd.s32 $0x3EC00, s0;
	s24 =	sadd.s32 s24, s5;
	[dreg:$0x5] =	wrdreg s23  }
0x14: {  	v0 =	vimm.f32 $0.0e+00;
	[dreg:$0x6] =	wrdreg s0;
	s23 =	simm.s32 $0x19500;
	s0 =	simm.s32 $0x0  }
.LBB2_5:
0x15: {  	_ =	swait.ge [sflag:s30], $0x2800  }
0x16: {  	[sflag:s30] =	ssyncset.done $0x0  }
0x17: {  	[sflag:s30] =	ssyncadd.s32 $0xFFFFD800  }
0x18: {  	_ =	swait.ge [sflag:s30], $0x2800  }
0x19: {  	[sflag:s30] =	ssyncset.done $0x0  }
0x1a: {  	[sflag:s30] =	ssyncadd.s32 $0xFFFFD800  }
0x1b: {  	_ =	swait.ge [sflag:s30], $0x2800  }
0x1c: {  	[sflag:s30] =	ssyncset.done $0x0  }
0x1d: {  	[sflag:s30] =	ssyncadd.s32 $0xFFFFD800  }
0x1e: {  	_ =	swait.ge [sflag:s30], $0x2800  }
0x1f: {  	[sflag:s30] =	ssyncset.done $0x0  }
0x20: {  	[sflag:s30] =	ssyncadd.s32 $0xFFFFD800  }
.LBB2_7:
0x21: {  	s2 =	rddreg [dreg:$0x4]  }
0x22: {  	[tilespmem:s15], [sflag:$0x4] =	stream.linear.gather [hbm4b:s2+s3], $0x50, $0x38;
	[tilespmem:$0x1ED00] =	vst v63  }
0x23: {  	_ =	swait.ge [sflag:s16], $0x50  }
0x24: {  	[sflag:s16] =	ssyncset.done $0x0  }
0x25: {  	s13 =	rddreg [dreg:$0x5];
	[sflag:s16] =	ssyncadd.s32 $0xFFFFFFB0  }
0x26: {  	[tilespmem:s17], [sflag:$0x4] =	stream.linear.gather [hbm4b:s13+s3], $0x50, $0x38;
	[tilespmem:$0x1ED00] =	vst v63  }
0x27: {  	_ =	swait.ge [sflag:s16], $0x50  }
0x28: {  	[sflag:s16] =	ssyncset.done $0x0  }
0x29: {  	[sflag:s16] =	ssyncadd.s32 $0xFFFFFFB0  }
0x2a: {  	[tilespmem:s19], [sflag:$0x1] =	stream.indirect.gather [hbm4b:s4+s18], $0x80, s15, s18, $0xb8;
	[tilespmem:$0x1ED00] =	vst v63  }
0x2b: {  	_ =	swait.ge [sflag:s29], $0x2800  }
0x2c: {  	[sflag:s29] =	ssyncset.done $0x0  }
0x2d: {  	[sflag:s29] =	ssyncadd.s32 $0xFFFFD800  }
0x2e: {  	[spmem:s1] =	stream.indirect.scatter.add.f32 [tilespmem:s19], [sflag:$0x2], $0x80, s17, s18, $0xb8;
	[tilespmem:$0x1ED00] =	vst v63  }
0x2f: {  	_ =	swait.ge [sflag:s30], $0x2800  }
0x30: {  	[sflag:s30] =	ssyncset.done $0x0  }
0x31: {  	s14 =	stileid.u32;
	[sflag:s30] =	ssyncadd.s32 $0xFFFFD800  }
0x32: {  	s2 =	sshll.u32 s14, $0x6;
	[bflag:$0x0] =	sbarrier.arrive $0xFFFF  }
0x33: {  	s2 =	sor.u32 $0x1C04, s2;
	s7 =	rddreg [dreg:$0x6]  }
0x34: {  	[hbm:s7], [sflag:s2] =	dma.local [spmem:s25], $0x2800  }
0x35: {  	_ =	swait.ge [sflag:s16], $0x2800  }
0x36: {  	s0 =	sadd.s32 $0x1, s0;
	s22 =	rddreg [dreg:$0x7]  }
0x37: {  	p0 =	sne.s32 s0, s22  }
.Ltmp1:
0x38: {  	_ = 	snop;
	(pc) =	sbr.rel @!p0 .LBB2_8-.Ltmp1, $3  }
0x39: {  	_ =	sdelay $0x1  }
0x3a: {  	[sflag:s16] =	ssyncset.done $0x0  }
0x3b: {  	[sflag:s16] =	ssyncadd.s32 $0xFFFFD800  }
.LBB2_1:
0x3c: {  	[tilespmem:s15], [sflag:$0x4] =	stream.linear.gather [hbm4b:s6+s3], $0x140, $0x38;
	[tilespmem:$0x1ED00] =	vst v63  }
0x3d: {  	_ =	swait.ge [sflag:s16], $0x140  }
0x3e: {  	[sflag:s16] =	ssyncset.done $0x0  }
0x3f: {  	s2 =	rddreg [dreg:$0x3];
	[sflag:s16] =	ssyncadd.s32 $0xFFFFFEC0  }
0x40: {  	[tilespmem:s17], [sflag:$0x4] =	stream.linear.gather [hbm4b:s2+s3], $0x140, $0x38;
	[tilespmem:$0x1ED00] =	vst v63  }
0x41: {  	_ =	swait.ge [sflag:s16], $0x140  }
0x42: {  	[sflag:s16] =	ssyncset.done $0x0  }
0x43: {  	[sflag:s16] =	ssyncadd.s32 $0xFFFFFEC0  }
0x44: {  	[tilespmem:s19], [sflag:$0x1] =	stream.indirect.gather [hbm4b:s4+s18], $0x80, s15, s18, $0xb8;
	[tilespmem:$0x1ED00] =	vst v63  }
0x45: {  	s12 =	simm.s32 $0x14050  }
0x46: {  	[tilespmem:s21], [sflag:$0x1] =	stream.indirect.gather [hbm4b:s4+s18], $0x80, s12, s18, $0xb8;
	[tilespmem:$0x1ED00] =	vst v63  }
0x47: {  	s13 =	simm.s32 $0x140A0  }
0x48: {  	[tilespmem:s23], [sflag:$0x1] =	stream.indirect.gather [hbm4b:s4+s18], $0x80, s13, s18, $0xb8;
	[tilespmem:$0x1ED00] =	vst v63  }
0x49: {  	s14 =	simm.s32 $0x140F0  }
0x4a: {  	[tilespmem:s26], [sflag:$0x1] =	stream.indirect.gather [hbm4b:s4+s18], $0x80, s14, s18, $0xb8;
	[tilespmem:$0x1ED00] =	vst v63  }
0x4b: {  	[tilespmem:$0x1E500] =	vst v0  }
0x4c: {  	[tilespmem:$0x1E510] =	vst v0  }
0x4d: {  	[tilespmem:$0x1E520] =	vst v0  }
0x4e: {  	[tilespmem:$0x1E530] =	vst v0  }
0x4f: {  	[tilespmem:$0x1E540] =	vst v0  }
0x50: {  	[tilespmem:$0x1E550] =	vst v0  }
0x51: {  	[tilespmem:$0x1E560] =	vst v0  }
0x52: {  	[tilespmem:$0x1E570] =	vst v0  }
0x53: {  	[tilespmem:$0x1E580] =	vst v0  }
0x54: {  	[tilespmem:$0x1E590] =	vst v0  }
0x55: {  	[tilespmem:$0x1E5A0] =	vst v0  }
0x56: {  	[tilespmem:$0x1E5B0] =	vst v0  }
0x57: {  	[tilespmem:$0x1E5C0] =	vst v0  }
0x58: {  	[tilespmem:$0x1E5D0] =	vst v0  }
0x59: {  	[tilespmem:$0x1E5E0] =	vst v0  }
0x5a: {  	[tilespmem:$0x1E5F0] =	vst v0  }
0x5b: {  	[tilespmem:$0x1E600] =	vst v0  }
0x5c: {  	[tilespmem:$0x1E610] =	vst v0  }
0x5d: {  	[tilespmem:$0x1E620] =	vst v0  }
0x5e: {  	[tilespmem:$0x1E630] =	vst v0  }
0x5f: {  	[tilespmem:$0x1E640] =	vst v0  }
0x60: {  	[tilespmem:$0x1E650] =	vst v0  }
0x61: {  	[tilespmem:$0x1E660] =	vst v0  }
0x62: {  	[tilespmem:$0x1E670] =	vst v0  }
0x63: {  	[tilespmem:$0x1E680] =	vst v0  }
0x64: {  	[tilespmem:$0x1E690] =	vst v0  }
0x65: {  	[tilespmem:$0x1E6A0] =	vst v0  }
0x66: {  	[tilespmem:$0x1E6B0] =	vst v0  }
0x67: {  	[tilespmem:$0x1E6C0] =	vst v0  }
0x68: {  	[tilespmem:$0x1E6D0] =	vst v0  }
0x69: {  	[tilespmem:$0x1E6E0] =	vst v0  }
0x6a: {  	[tilespmem:$0x1E6F0] =	vst v0  }
0x6b: {  	[tilespmem:$0x1E700] =	vst v0  }
0x6c: {  	[tilespmem:$0x1E710] =	vst v0  }
0x6d: {  	[tilespmem:$0x1E720] =	vst v0  }
0x6e: {  	[tilespmem:$0x1E730] =	vst v0  }
0x6f: {  	[tilespmem:$0x1E740] =	vst v0  }
0x70: {  	[tilespmem:$0x1E750] =	vst v0  }
0x71: {  	[tilespmem:$0x1E760] =	vst v0  }
0x72: {  	[tilespmem:$0x1E770] =	vst v0  }
0x73: {  	[tilespmem:$0x1E780] =	vst v0  }
0x74: {  	[tilespmem:$0x1E790] =	vst v0  }
0x75: {  	[tilespmem:$0x1E7A0] =	vst v0  }
0x76: {  	[tilespmem:$0x1E7B0] =	vst v0  }
0x77: {  	[tilespmem:$0x1E7C0] =	vst v0  }
0x78: {  	[tilespmem:$0x1E7D0] =	vst v0  }
0x79: {  	[tilespmem:$0x1E7E0] =	vst v0  }
0x7a: {  	[tilespmem:$0x1E7F0] =	vst v0  }
0x7b: {  	[tilespmem:$0x1E800] =	vst v0  }
0x7c: {  	[tilespmem:$0x1E810] =	vst v0  }
0x7d: {  	[tilespmem:$0x1E820] =	vst v0  }
0x7e: {  	[tilespmem:$0x1E830] =	vst v0  }
0x7f: {  	[tilespmem:$0x1E840] =	vst v0  }
0x80: {  	[tilespmem:$0x1E850] =	vst v0  }
0x81: {  	[tilespmem:$0x1E860] =	vst v0  }
0x82: {  	[tilespmem:$0x1E870] =	vst v0  }
0x83: {  	[tilespmem:$0x1E880] =	vst v0  }
0x84: {  	[tilespmem:$0x1E890] =	vst v0  }
0x85: {  	[tilespmem:$0x1E8A0] =	vst v0  }
0x86: {  	[tilespmem:$0x1E8B0] =	vst v0  }
0x87: {  	[tilespmem:$0x1E8C0] =	vst v0  }
0x88: {  	[tilespmem:$0x1E8D0] =	vst v0  }
0x89: {  	[tilespmem:$0x1E8E0] =	vst v0  }
0x8a: {  	[tilespmem:$0x1E8F0] =	vst v0  }
0x8b: {  	[tilespmem:$0x1E900] =	vst v0  }
0x8c: {  	[tilespmem:$0x1E910] =	vst v0  }
0x8d: {  	[tilespmem:$0x1E920] =	vst v0  }
0x8e: {  	[tilespmem:$0x1E930] =	vst v0  }
0x8f: {  	[tilespmem:$0x1E940] =	vst v0  }
0x90: {  	[tilespmem:$0x1E950] =	vst v0  }
0x91: {  	[tilespmem:$0x1E960] =	vst v0  }
0x92: {  	[tilespmem:$0x1E970] =	vst v0  }
0x93: {  	[tilespmem:$0x1E980] =	vst v0  }
0x94: {  	[tilespmem:$0x1E990] =	vst v0  }
0x95: {  	[tilespmem:$0x1E9A0] =	vst v0  }
0x96: {  	[tilespmem:$0x1E9B0] =	vst v0  }
0x97: {  	[tilespmem:$0x1E9C0] =	vst v0  }
0x98: {  	[tilespmem:$0x1E9D0] =	vst v0  }
0x99: {  	[tilespmem:$0x1E9E0] =	vst v0  }
0x9a: {  	[tilespmem:$0x1E9F0] =	vst v0  }
0x9b: {  	[tilespmem:$0x1EA00] =	vst v0  }
0x9c: {  	[tilespmem:$0x1EA10] =	vst v0  }
0x9d: {  	[tilespmem:$0x1EA20] =	vst v0  }
0x9e: {  	[tilespmem:$0x1EA30] =	vst v0  }
0x9f: {  	[tilespmem:$0x1EA40] =	vst v0  }
0xa0: {  	[tilespmem:$0x1EA50] =	vst v0  }
0xa1: {  	[tilespmem:$0x1EA60] =	vst v0  }
0xa2: {  	[tilespmem:$0x1EA70] =	vst v0  }
0xa3: {  	[tilespmem:$0x1EA80] =	vst v0  }
0xa4: {  	[tilespmem:$0x1EA90] =	vst v0  }
0xa5: {  	[tilespmem:$0x1EAA0] =	vst v0  }
0xa6: {  	[tilespmem:$0x1EAB0] =	vst v0  }
0xa7: {  	[tilespmem:$0x1EAC0] =	vst v0  }
0xa8: {  	[tilespmem:$0x1EAD0] =	vst v0  }
0xa9: {  	[tilespmem:$0x1EAE0] =	vst v0  }
0xaa: {  	[tilespmem:$0x1EAF0] =	vst v0  }
0xab: {  	[tilespmem:$0x1EB00] =	vst v0  }
0xac: {  	[tilespmem:$0x1EB10] =	vst v0  }
0xad: {  	[tilespmem:$0x1EB20] =	vst v0  }
0xae: {  	[tilespmem:$0x1EB30] =	vst v0  }
0xaf: {  	[tilespmem:$0x1EB40] =	vst v0  }
0xb0: {  	[tilespmem:$0x1EB50] =	vst v0  }
0xb1: {  	[tilespmem:$0x1EB60] =	vst v0  }
0xb2: {  	[tilespmem:$0x1EB70] =	vst v0  }
0xb3: {  	[tilespmem:$0x1EB80] =	vst v0  }
0xb4: {  	[tilespmem:$0x1EB90] =	vst v0  }
0xb5: {  	[tilespmem:$0x1EBA0] =	vst v0  }
0xb6: {  	[tilespmem:$0x1EBB0] =	vst v0  }
0xb7: {  	[tilespmem:$0x1EBC0] =	vst v0  }
0xb8: {  	[tilespmem:$0x1EBD0] =	vst v0  }
0xb9: {  	[tilespmem:$0x1EBE0] =	vst v0  }
0xba: {  	[tilespmem:$0x1EBF0] =	vst v0  }
0xbb: {  	[tilespmem:$0x1EC00] =	vst v0  }
0xbc: {  	[tilespmem:$0x1EC10] =	vst v0  }
0xbd: {  	[tilespmem:$0x1EC20] =	vst v0  }
0xbe: {  	[tilespmem:$0x1EC30] =	vst v0  }
0xbf: {  	[tilespmem:$0x1EC40] =	vst v0  }
0xc0: {  	[tilespmem:$0x1EC50] =	vst v0  }
0xc1: {  	[tilespmem:$0x1EC60] =	vst v0  }
0xc2: {  	[tilespmem:$0x1EC70] =	vst v0  }
0xc3: {  	[tilespmem:$0x1EC80] =	vst v0  }
0xc4: {  	[tilespmem:$0x1EC90] =	vst v0  }
0xc5: {  	[tilespmem:$0x1ECA0] =	vst v0  }
0xc6: {  	[tilespmem:$0x1ECB0] =	vst v0  }
0xc7: {  	[tilespmem:$0x1ECC0] =	vst v0  }
0xc8: {  	[tilespmem:$0x1ECD0] =	vst v0  }
0xc9: {  	[tilespmem:$0x1ECE0] =	vst v0  }
0xca: {  	s22 =	sadd.s32 $0x0, s8;
	[tilespmem:$0x1ECF0] =	vst v0  }
0xcb: {  	[spmem:s22] =	stream.linear.scatter [tilespmem:s28], [sflag:$0x4], $0x800, $0x38;
	[tilespmem:$0x1ED00] =	vst v63  }
0xcc: {  	s2 =	simm.s32 $0x20000;
	_ =	swait.ge [sflag:s16], $0x800  }
.LBB2_2:
0xcd: {  	s13 =	sshra.s32 s2, $0x2;
	[sflag:s16] =	ssyncset.done $0x0;
	p0 =	sne.s32 s2, $0x4E0000  }
.Ltmp2:
0xce: {  	s13 =	sadd.s32 s13, s8;
	[sflag:s16] =	ssyncadd.s32 $0xFFFFF800;
	(pc) =	sbr.rel @p0 .LBB2_2-.Ltmp2, $3  }
0xcf: {  	[spmem:s13] =	stream.linear.scatter [tilespmem:s28], [sflag:$0x4], $0x800, $0x38;
	[tilespmem:$0x1ED00] =	vst v63  }
0xd0: {  	s2 =	sadd.s32 $0x20000, s2;
	_ =	sdelay $0x1  }
0xd1: {  	_ =	swait.ge [sflag:s16], $0x800  }
0xd2: {  	[sflag:s16] =	ssyncset.done $0x0  }
0xd3: {  	s7 =	simm.s32 $0x0;
	[sflag:s16] =	ssyncadd.s32 $0xFFFFF800  }
0xd4: {  	s14 =	smov.u32 s20;
	s13 =	smov.u32 s24;
	[bflag:$0x0] =	sbarrier.arrive $0xFFFF  }
.LBB2_4:
0xd5: {  	s22 =	smov.u32 s7;
	s7 =	sadd.s32 $0x1, s7  }
0xd6: {  	s2 =	sand.u32 $0x1, s7;
	p0 =	seq.s32 s22, $0x1E  }
0xd7: {  	s9 =	smul.u32 @!p0 $0x140, s2  }
0xd8: {  	s10 =	sshrl.u32 @!p0 s14, $0x3  }
0xd9: {  	s12 =	simm.s32 @!p0 $0x0;
	s10 =	sadd.s32 @!p0 s5, s10;
	s11 =	sor.u32 @!p0 $0x14000, s9  }
0xda: {  	[tilespmem:s11], [sflag:$0x3] =	stream.linear.gather @!p0 [hbm4b:s10+s12], $0x140, $0x38;
	[tilespmem:$0x1ED00] =	vst v63  }
0xdb: {  	s9 =	sadd.s32 @!p0 $0x14280, s9;
	s11 =	sand.u32 $0x1, s22  }
0xdc: {  	[tilespmem:s9], [sflag:$0x3] =	stream.linear.gather @!p0 [hbm4b:s13+s12], $0x140, $0x38;
	[tilespmem:$0x1ED00] =	vst v63  }
0xdd: {  	p0 =	seq.s32 s11, $0x1;
	s9 =	simm.s32 $0x140;
	_ =	swait.ge [sflag:s29], $0x2800  }
0xde: {  	s9 =	simm.s32 @!p0 $0x0;
	[sflag:s29] =	ssyncset.done $0x0  }
0xdf: {  	s12 =	sor.u32 $0x14280, s9;
	[sflag:s29] =	ssyncadd.s32 $0xFFFFD800  }
0xe0: {  	[spmem:s1] =	stream.indirect.scatter.add.f32 [tilespmem:s19], [sflag:$0x2], $0x80, s12, s18, $0xb8;
	[tilespmem:$0x1ED00] =	vst v63  }
0xe1: {  	_ =	swait.ge [sflag:s29], $0x2800  }
0xe2: {  	[sflag:s29] =	ssyncset.done $0x0  }
0xe3: {  	s11 =	sadd.s32 $0x142D0, s9;
	[sflag:s29] =	ssyncadd.s32 $0xFFFFD800  }
0xe4: {  	[spmem:s1] =	stream.indirect.scatter.add.f32 [tilespmem:s21], [sflag:$0x2], $0x80, s11, s18, $0xb8;
	[tilespmem:$0x1ED00] =	vst v63  }
0xe5: {  	_ =	swait.ge [sflag:s29], $0x2800  }
0xe6: {  	[sflag:s29] =	ssyncset.done $0x0  }
0xe7: {  	p0 =	sne.s32 s22, $0x1E;
	s12 =	sadd.s32 $0x14320, s9;
	[sflag:s29] =	ssyncadd.s32 $0xFFFFD800  }
0xe8: {  	[spmem:s1] =	stream.indirect.scatter.add.f32 [tilespmem:s23], [sflag:$0x2], $0x80, s12, s18, $0xb8;
	[tilespmem:$0x1ED00] =	vst v63  }
.Ltmp3:
0xe9: {  	_ = 	snop;
	(pc) =	sbr.rel @!p0 .LBB2_5-.Ltmp3, $4  }
0xea: {  	_ =	swait.ge [sflag:s29], $0x2800  }
0xeb: {  	[sflag:s29] =	ssyncset.done $0x0  }
0xec: {  	s9 =	sadd.s32 $0x14370, s9;
	[sflag:s29] =	ssyncadd.s32 $0xFFFFD800  }
0xed: {  	[spmem:s1] =	stream.indirect.scatter.add.f32 [tilespmem:s26], [sflag:$0x2], $0x80, s9, s18, $0xb8;
	[tilespmem:$0x1ED00] =	vst v63  }
0xee: {  	_ =	swait.ge [sflag:s31], $0x140  }
0xef: {  	[sflag:s31] =	ssyncset.done $0x0  }
0xf0: {  	[sflag:s31] =	ssyncadd.s32 $0xFFFFFEC0  }
0xf1: {  	_ =	swait.ge [sflag:s31], $0x140  }
0xf2: {  	[sflag:s31] =	ssyncset.done $0x0  }
0xf3: {  	s2 =	smul.u32 $0x500, s2;
	[sflag:s31] =	ssyncadd.s32 $0xFFFFFEC0  }
0xf4: {  	_ =	swait.ge [sflag:s30], $0x2800  }
0xf5: {  	s2 =	sshrl.u32 s2, $0x2;
	[sflag:s30] =	ssyncset.done $0x0  }
0xf6: {  	s9 =	sor.u32 $0x14000, s2;
	[sflag:s30] =	ssyncadd.s32 $0xFFFFD800  }
0xf7: {  	[tilespmem:s19], [sflag:$0x1] =	stream.indirect.gather [hbm4b:s4+s18], $0x80, s9, s18, $0xb8;
	[tilespmem:$0x1ED00] =	vst v63  }
0xf8: {  	_ =	swait.ge [sflag:s30], $0x2800  }
0xf9: {  	[sflag:s30] =	ssyncset.done $0x0  }
0xfa: {  	s12 =	sadd.s32 $0x14050, s2;
	[sflag:s30] =	ssyncadd.s32 $0xFFFFD800  }
0xfb: {  	[tilespmem:s21], [sflag:$0x1] =	stream.indirect.gather [hbm4b:s4+s18], $0x80, s12, s18, $0xb8;
	[tilespmem:$0x1ED00] =	vst v63  }
0xfc: {  	_ =	swait.ge [sflag:s30], $0x2800  }
0xfd: {  	[sflag:s30] =	ssyncset.done $0x0  }
0xfe: {  	p0 =	sne.s32 s7, $0x1F;
	s22 =	sadd.s32 $0x140A0, s2;
	[sflag:s30] =	ssyncadd.s32 $0xFFFFD800  }
0xff: {  	[tilespmem:s23], [sflag:$0x1] =	stream.indirect.gather [hbm4b:s4+s18], $0x80, s22, s18, $0xb8;
	[tilespmem:$0x1ED00] =	vst v63  }
.Ltmp4:
0x100: {  	_ = 	snop;
	(pc) =	sbr.rel @p0 .LBB2_4-.Ltmp4, $4  }
.Ltmp5:
0x101: {  	_ =	swait.ge [sflag:s30], $0x2800;
	(pc) =	sbr.rel @!p0 .LBB2_7-.Ltmp5, $4  }
0x102: {  	s13 =	sadd.s32 $0x28, s13;
	[sflag:s30] =	ssyncset.done $0x0  }
0x103: {  	s14 =	sadd.s32 $0x140, s14;
	s2 =	sadd.s32 $0x140F0, s2;
	[sflag:s30] =	ssyncadd.s32 $0xFFFFD800  }
0x104: {  	[tilespmem:s26], [sflag:$0x1] =	stream.indirect.gather [hbm4b:s4+s18], $0x80, s2, s18, $0xb8;
	[tilespmem:$0x1ED00] =	vst v63  }
0x105: {  	_ = 	snop  }
.LBB2_8:
0x106: {  	_ =	sfence.sel $0x180000  }
0x107: {  	[bflag:$0x0] =	sbarrier.arrive $0xFFFF  }
0x108: {  	_ =	strace $0x9000004A  }
0x109: {  	s0 =	stileid.u32;
	[bflag:$0x2] =	sbarrier.arrive $0xFFFF  }
0x10a: {  	p0 =	sne.s32 s0, $0x0;
	s0 =	rddreg [dreg:$0x2]  }
0x10b: {  	s0 =	sadd.s32 @!p0 $0x100000, s0  }
0x10c: {  	[sflag:s0] =	ssyncadd.tile.s32 @!p0 $0x1;
	_ =	shalt  }
.Lfunc_end2:
_tile_overlayer_lowered:
.L_overlay_start_2:
0x10d: {  	(tag) =	ssettag $0x2  }
0x10e: {  	s0 =	rddreg [dreg:$0x0];
	s2 =	stileid.u32  }
0x10f: {  	s1 =	rddreg [dreg:$0x1];
	p0 =	sne.s32 s2, $0x0  }
0x110: {  	s3 =	rddreg [dreg:$0x2];
	[bflag:$0x3] =	sbarrier.arrive $0xFFFF;
	s2 =	simm.s32 @!p0 $0x1C04  }
0x111: {  	[timem:s3], [sflag:s2] =	dma.local @!p0 [hbm:s0], s1  }
0x112: {  	s0 =	simm.s32 @!p0 $0x4  }
0x113: {  	_ =	swait.ge @!p0 [sflag:s0], s1  }
0x114: {  	s1 =	ssub.s32 @!p0 $0x0, s1;
	[sflag:s0] =	ssyncset.done @!p0 $0x0  }
0x115: {  	[sflag:s0] =	ssyncadd.s32 @!p0 s1  }
0x116: {  	[bflag:$0x3] =	sbarrier.arrive $0xFFFF  }
0x117: {  	_ =	shalt  }

// kernel: kernel.15.cloned.1.call-start
scs
__scs_entry_jumppad:
0x0: {  	(pc) =	sbr.rel $0x88, $3  }
0x1: {  	(tag) =	ssettag $0x0;
	lr =	simm.s32 $0x1  }
0x2: {  	[smem:$0x3F8C] =	sst lr;
	_ =	strace $0xD0000000  }
0x3: {  	_ = 	snop  }
0x4: {  	_ = 	snop  }
0x5: {  	_ = 	snop  }
0x6: {  	_ = 	snop  }
0x7: {  	_ = 	snop  }
__scs_overlays_trampoline_lowered:
0x8: {  	[smem:$0x3F9B] =	sst s0  }
0x9: {  	[smem:$0x3F9C] =	sst s1  }
0xa: {  	[smem:$0x3F9D] =	sst s2  }
0xb: {  	[smem:$0x3F9E] =	sst s3  }
0xc: {  	[smem:$0x3F9F] =	sst s4  }
0xd: {  	[smem:$0x3FA0] =	sst s5  }
0xe: {  	[smem:$0x3FA1] =	sst s6  }
0xf: {  	[smem:$0x3FA2] =	sst s7  }
0x10: {  	[smem:$0x3FA3] =	sst s8  }
0x11: {  	[smem:$0x3FA4] =	sst s9;
	s0 =	simm.s32 @!p0 $0x0  }
0x12: {  	s1 =	sld [smem:$0x3F8A];
	s0 =	simm.s32 @p0 $0x1  }
0x13: {  	[smem:$0x3FA5] =	sst s0;
	s0 =	simm.s32 @!p1 $0x0  }
0x14: {  	s2 =	sld [smem:$0x3F89];
	s0 =	simm.s32 @p1 $0x1  }
0x15: {  	[smem:$0x3FA6] =	sst s0;
	s0 =	simm.s32 @!p2 $0x0  }
0x16: {  	s3 =	sld [smem:$0x3FDB];
	s0 =	simm.s32 @p2 $0x1  }
0x17: {  	s4 =	simm.s32 $0x1BF5;
	[smem:$0x3FA8] =	sst s0  }
0x18: {  	s0 =	sld [smem:$0x3F8B];
	_ =	swait.ge [sflag:s4], $0x0  }
0x19: {  	s7 =	sld [smem:$0x3F8C]  }
0x1a: {  	s8 =	sadd.s32 $0xFFFFE003, lr  }
0x1b: {  	s9 =	sadd.s32 $0xFFFFFEF7, lr;
	s5 =	simm.s32 $0xFFFFFFFF;
	p2 =	slt.u32 s8, $0xFFFFF086  }
0x1c: {  	p1 =	slt.u32 s9, $0xF7A;
	s5 =	simm.s32 @!p2 $0x0  }
0x1d: {  	s5 =	simm.s32 @p1 $0x1;
	p0 =	seq.s32 s7, s2  }
0x1e: {  	s7 =	smul.u32 @!p0 $0xF7A, s2;
	p2 =	seq.s32 @!p0 s5, $0x0  }
0x1f: {  	s9 =	smul.u32 $0xF7A, s1;
	s8 =	simm.s32 @!p0 $0x1BF5;
	p2 =	por !p2, p0  }
0x20: {  	[sflag:s8] =	ssyncset.s32 @!p0 $0xFFFFF086;
	s6 =	sadd.s32 @!p0 s3, s7;
	s7 =	simm.s32 @!p0 $0x108  }
0x21: {  	s3 =	sadd.s32 s3, s9;
	s6 =	sadd.s32 @!p0 $0x88, s6;
	s7 =	simm.s32 @p2 $0x1082  }
0x22: {  	[simem:s7], [sflag:s8] =	dma.local @!p0 [hbm:s6], $0xF7A  }
0x23: {  	s9 =	sor.u32 $0xD0000000, s2;
	s6 =	simm.s32 $0x108;
	_ =	swait.ge @!p0 [sflag:s8], $0x0  }
0x24: {  	s3 =	sadd.s32 $0x88, s3;
	s6 =	simm.s32 @!p1 $0x1082;
	[sflag:s4] =	ssyncset.s32 $0xFFFFF086  }
0x25: {  	[simem:s6], [sflag:s4] =	dma.local [hbm:s3], $0xF7A  }
0x26: {  	[smem:$0x3F8C] =	sst s1;
	(tag) =	ssettag s2;
	_ =	strace s9  }
0x27: {  	s1 =	sld [smem:$0x3F9C]  }
0x28: {  	s2 =	sld [smem:$0x3F9D]  }
0x29: {  	s4 =	sld [smem:$0x3F9F]  }
0x2a: {  	p0 =	seq.s32 s5, $0x0;
	s5 =	sld [smem:$0x3FA0]  }
0x2b: {  	s6 =	sld [smem:$0x3FA1]  }
0x2c: {  	s7 =	sld [smem:$0x3FA2]  }
0x2d: {  	s3 =	simm.s32 $0x108;
	s8 =	sld [smem:$0x3FA3]  }
0x2e: {  	s3 =	simm.s32 @!p0 $0x1082;
	s9 =	sld [smem:$0x3FA4]  }
0x2f: {  	lr =	sadd.s32 s0, s3;
	s0 =	sld [smem:$0x3F9B]  }
0x30: {  	s3 =	sld [smem:$0x3F9E]  }
0x31: {  	[smem:$0x3FA7] =	sst s10  }
0x32: {  	s10 =	sld [smem:$0x3FA5];
	_ =	sdelay $0x3  }
0x33: {  	p0 =	seq.s32 s10, $0x1;
	s10 =	sld [smem:$0x3FA7];
	_ =	sdelay $0x3  }
0x34: {  	[smem:$0x3FA7] =	sst s10  }
0x35: {  	s10 =	sld [smem:$0x3FA6];
	_ =	sdelay $0x3  }
0x36: {  	p1 =	seq.s32 s10, $0x1;
	s10 =	sld [smem:$0x3FA7];
	_ =	sdelay $0x3  }
0x37: {  	[smem:$0x3FA7] =	sst s10  }
0x38: {  	s10 =	sld [smem:$0x3FA8]  }
0x39: {  	_ = 	snop;
	(pc) =	sbr.ind lr, $3  }
0x3a: {  	_ = 	snop  }
0x3b: {  	_ = 	snop  }
0x3c: {  	p2 =	seq.s32 s10, $0x1;
	s10 =	sld [smem:$0x3FA7]  }
0x3d: {  	_ =	shalt  }
0x3e: {  	_ =	shalt  }
0x3f: {  	_ =	shalt  }
0x40: {  	_ =	shalt  }
0x41: {  	_ =	shalt  }
0x42: {  	_ =	shalt  }
0x43: {  	_ =	shalt  }
0x44: {  	_ =	shalt  }
0x45: {  	_ =	shalt  }
0x46: {  	_ =	shalt  }
0x47: {  	_ =	shalt  }
0x48: {  	_ =	shalt  }
0x49: {  	_ =	shalt  }
0x4a: {  	_ =	shalt  }
0x4b: {  	_ =	shalt  }
0x4c: {  	_ =	shalt  }
0x4d: {  	_ =	shalt  }
0x4e: {  	_ =	shalt  }
0x4f: {  	_ =	shalt  }
0x50: {  	_ =	shalt  }
0x51: {  	_ =	shalt  }
0x52: {  	_ =	shalt  }
0x53: {  	_ =	shalt  }
0x54: {  	_ =	shalt  }
0x55: {  	_ =	shalt  }
0x56: {  	_ =	shalt  }
0x57: {  	_ =	shalt  }
0x58: {  	_ =	shalt  }
0x59: {  	_ =	shalt  }
0x5a: {  	_ =	shalt  }
0x5b: {  	_ =	shalt  }
0x5c: {  	_ =	shalt  }
0x5d: {  	_ =	shalt  }
0x5e: {  	_ =	shalt  }
0x5f: {  	_ =	shalt  }
0x60: {  	_ =	shalt  }
0x61: {  	_ =	shalt  }
0x62: {  	_ =	shalt  }
0x63: {  	_ =	shalt  }
0x64: {  	_ =	shalt  }
0x65: {  	_ =	shalt  }
0x66: {  	_ =	shalt  }
0x67: {  	_ =	shalt  }
0x68: {  	_ =	shalt  }
0x69: {  	_ =	shalt  }
0x6a: {  	_ =	shalt  }
0x6b: {  	_ =	shalt  }
0x6c: {  	_ =	shalt  }
0x6d: {  	_ =	shalt  }
0x6e: {  	_ =	shalt  }
0x6f: {  	_ =	shalt  }
0x70: {  	_ =	shalt  }
0x71: {  	_ =	shalt  }
0x72: {  	_ =	shalt  }
0x73: {  	_ =	shalt  }
0x74: {  	_ =	shalt  }
0x75: {  	_ =	shalt  }
0x76: {  	_ =	shalt  }
0x77: {  	_ =	shalt  }
0x78: {  	_ =	shalt  }
0x79: {  	_ =	shalt  }
0x7a: {  	_ =	shalt  }
0x7b: {  	_ =	shalt  }
0x7c: {  	_ =	shalt  }
0x7d: {  	_ =	shalt  }
0x7e: {  	_ =	shalt  }
0x7f: {  	_ =	shalt  }
0x80: {  	_ =	shalt  }
0x81: {  	_ =	shalt  }
0x82: {  	_ =	shalt  }
0x83: {  	_ =	shalt  }
0x84: {  	_ =	shalt  }
0x85: {  	_ =	shalt  }
0x86: {  	_ =	shalt  }
0x87: {  	_ =	shalt  }
.Lfunc_end0:
.L_simem_size_0:
called_computation.2_lowered:
.L_overlay_start_0:
0x88: {  	s2 =	sld [smem:$0x3FD9]  }
0x89: {  	s3 =	sld [smem:$0x3FFE];
	_ =	sdelay $0x1  }
0x8a: {  	s1 =	srdreg.scid  }
0x8b: {  	s0 =	sand.u32 $0x1, s1  }
0x8c: {  	s16 =	sshll.u32 s0, $0xA;
	s2 =	sadd.s32 s3, s2  }
0x8d: {  	s2 =	sadd.s32 s2, s16  }
0x8e: {  	[smem:$0x3FB3] =	sst s2  }
0x8f: {  	_ = 	snop  }
0x90: {  	(tm) =	ssettm $0x1  }
0x91: {  	s17 =	sld [smem:$0x3FFB];
	_ =	sdelay $0x3  }
0x92: {  	_ =	strace s17  }
0x93: {  	s2 =	sld [smem:$0x3FFC];
	_ =	sdelay $0x3  }
0x94: {  	_ =	strace s2  }
0x95: {  	s2 =	sld [smem:$0x3FFD];
	_ =	sdelay $0x3  }
0x96: {  	_ =	strace s2  }
0x97: {  	_ =	strace $0x8FFFFFFF  }
0x98: {  	s18 =	sld [smem:$0x3FDB];
	_ =	sdelay $0x1  }
0x99: {  	s19 =	simm.s32 $_scs_section_size  }
0x9a: {  	s4 =	simm.s32 $_size__tile_overlayer_lowered;
	s5 =	simm.s32 $_tile_overlayer_lowered  }
0x9b: {  	s22 =	simm.s32 $0x1BFF;
	s21 =	sshll.u32 s5, $0x1;
	s2 =	sadd.s32 s19, s18  }
0x9c: {  	s6 =	simm.s32 $0x0;
	s20 =	sshll.u32 s4, $0x1;
	s4 =	sadd.s32 s21, s2  }
0x9d: {  	[timem:s6], [sflag:s22] =	dma.local [hbm:s4], s20  }
0x9e: {  	_ =	swait.ge [sflag:s22], s20  }
0x9f: {  	s3 =	ssub.s32 $0x0, s20;
	[sflag:s22] =	ssyncset.done $0x0  }
0xa0: {  	[sflag:s22] =	ssyncadd.s32 s3;
	_ =	sdelay $0x1  }
0xa1: {  	s23 =	simm.s32 $0x1B8B  }
0xa2: {  	_ =	swait.ge [sflag:s23], $0x1  }
0xa3: {  	[sflag:s23] =	ssyncset.done $0x0  }
0xa4: {  	s25 =	simm.s32 $0x1B8E;
	s24 =	sld [smem:$0x3FFE];
	[sflag:s23] =	ssyncadd.s32 $0xFFFFFFFF  }
0xa5: {  	s26 =	simm.s32 $execute0_lowered;
	[smem:$0x3FD2] =	sst s25  }
0xa6: {  	s4 =	sshll.u32 s26, $0x1;
	_ =	strace $0x8000004C;
	[dreg:$0x1] =	wrdreg $0xFFFFFFFF  }
0xa7: {  	s28 =	simm.s32 $_size_execute0_lowered;
	s2 =	sadd.s32 s2, s4;
	[dreg:$0x0] =	wrdreg $0x0  }
0xa8: {  	s4 =	sshll.u32 s28, $0x1;
	[dreg:$0x2] =	wrdreg s2  }
0xa9: {  	[dreg:$0x3] =	wrdreg s4  }
0xaa: {  	[dreg:$0x4] =	wrdreg $0xC0  }
0xab: {  	_ =	task [dreg:s6], $0x5FFFF  }
0xac: {  	[dreg:$0x1] =	wrdreg $0xFFFFFFFF  }
0xad: {  	[dreg:$0x0] =	wrdreg $0x60  }
0xae: {  	[dreg:$0x2] =	wrdreg s24  }
0xaf: {  	[dreg:$0x3] =	wrdreg $0x0  }
0xb0: {  	[dreg:$0x4] =	wrdreg $0x9  }
0xb1: {  	_ =	task.clear_ibuf [dreg:s6], $0x5FFFF;
	_ =	strace $0x9000004C  }
0xb2: {  	s29 =	simm.s32 $0x9;
	_ =	strace $0x8000004E  }
0xb3: {  	_ =	swait.ge [sflag:s29], $0x1  }
0xb4: {  	[sflag:s29] =	ssyncadd.s32 $0xFFFFFFFF  }
0xb5: {  	_ =	strace $0x9000004E  }
0xb6: {  	_ =	sfence  }
0xb7: {  	s30 =	sld [smem:$0x0];
	_ =	sdelay $0x2  }
0xb8: {  	s31 =	sshll.u32 s1, $0xD;
	s1 =	sshrl.u32 s1, $0x2  }
0xb9: {  	s3 =	sand.u32 $0x4000, s31;
	s1 =	sadd.s32 s1, s30  }
0xba: {  	s0 =	sor.u32 s3, s0;
	s1 =	sshll.u32 s1, $0x11  }
0xbb: {  	s0 =	sor.u32 s1, s0  }
0xbc: {  	s0 =	sadd.s32 $0x8F2B, s0  }
0xbd: {  	[sflag:s0] =	ssyncadd.remote.s32 $0x1  }
0xbe: {  	_ =	sfence.sel $0xFFFF  }
0xbf: {  	[dreg:$0x0] =	wrdreg $0xFFFFFFFF;
	(pc) =	sbr.abs _section_cstart, $3  }
0xc0: {  	[dreg:$0x1] =	wrdreg $0xFFFFFFFF  }
0xc1: {  	_ =	task.clear_ibuf [dreg:s6], $0x2FFFF;
	_ =	strace $0x9FFFFFFF  }
0xc2: {  	(tm) =	ssettm $0x7FFFFFFF  }
0xc3: {  	_ =	shalt  }
tec
execute0_lowered:
.L_overlay_start_1:
0x0: {  	(tag) =	ssettag $0x1  }
0x1: {  	s0 =	rddreg [dreg:$0x0]  }
0x2: {  	s1 =	rddreg [dreg:$0x1];
	s2 =	srdreg.scid;
	s3 =	simm.s32 $0x0  }
0x3: {  	s11 =	stileid.u32;
	s15 =	simm.s32 $0x14000;
	s16 =	simm.s32 $0x4  }
0x4: {  	s17 =	simm.s32 $0x14280;
	s18 =	simm.s32 $0x50;
	s19 =	simm.s32 $0x14500  }
0x5: {  	s28 =	simm.s32 $0x1E500;
	s29 =	simm.s32 $0x1;
	s30 =	simm.s32 $0x2  }
0x6: {  	s31 =	simm.s32 $0x3;
	s2 =	sand.u32 $0x1, s2;
	s12 =	smul.u32 $0x14000, s11  }
0x7: {  	[smem:$0x7FF] =	sst s3;
	s5 =	sshll.u32 s11, $0x1;
	s9 =	smul.u32 $0x4E20, s11  }
0x8: {  	s4 =	sadd.s32 $0x17A00, s0;
	s21 =	sshll.u32 s11, $0xB;
	s6 =	smul.u32 $0x140000, s2  }
0x9: {  	s7 =	sor.u32 s2, s5;
	s8 =	ssub.s32 $0x2, s2;
	s2 =	smul.u32 $0x2710, s2  }
0xa: {  	_ =	strace $0x8000004D;
	s5 =	sadd.s32 $0x4000, s0;
	s7 =	smul.u32 $0x2710, s7  }
0xb: {  	s10 =	sshrl.u32 s8, $0x1;
	s25 =	sadd.s32 s12, s1;
	s6 =	sadd.s32 s12, s6  }
0xc: {  	s13 =	ssub.s32 s8, s10;
	s2 =	sadd.s32 s2, s9;
	s8 =	sadd.s32 s21, s1  }
0xd: {  	s21 =	simm.s32 $0x16D00;
	s25 =	sshrl.u32 s25, $0x3;
	s6 =	sshrl.u32 s6, $0x3  }
0xe: {  	s7 =	sshrl.u32 s7, $0x3;
	s14 =	sadd.s32 $0x4E340, s2;
	s26 =	smax.u32 s13, $0x1  }
0xf: {  	s20 =	sadd.s32 $0x140, s2;
	s0 =	sadd.s32 s6, s0;
	s6 =	sadd.s32 s5, s7  }
.Ltmp0:
0x10: {  	[dreg:$0x7] =	wrdreg s26;
	s7 =	sadd.s32 $0x9C40, s6;
	(pc) =	sbr.rel .LBB2_1-.Ltmp0, $4  }
0x11: {  	s24 =	sshrl.u32 s14, $0x3;
	s22 =	sadd.s32 $0x4D8, s6;
	[dreg:$0x3] =	wrdreg s7  }
0x12: {  	s26 =	simm.s32 $0x1BD00;
	s23 =	sadd.s32 $0xA118, s6;
	[dreg:$0x4] =	wrdreg s22  }
0x13: {  	s0 =	sadd.s32 $0x3EC00, s0;
	s24 =	sadd.s32 s24, s5;
	[dreg:$0x5] =	wrdreg s23  }
0x14: {  	v0 =	vimm.f32 $0.0e+00;
	[dreg:$0x6] =	wrdreg s0;
	s23 =	simm.s32 $0x19500;
	s0 =	simm.s32 $0x0  }
.LBB2_5:
0x15: {  	_ =	swait.ge [sflag:s30], $0x2800  }
0x16: {  	[sflag:s30] =	ssyncset.done $0x0  }
0x17: {  	[sflag:s30] =	ssyncadd.s32 $0xFFFFD800  }
0x18: {  	_ =	swait.ge [sflag:s30], $0x2800  }
0x19: {  	[sflag:s30] =	ssyncset.done $0x0  }
0x1a: {  	[sflag:s30] =	ssyncadd.s32 $0xFFFFD800  }
0x1b: {  	_ =	swait.ge [sflag:s30], $0x2800  }
0x1c: {  	[sflag:s30] =	ssyncset.done $0x0  }
0x1d: {  	[sflag:s30] =	ssyncadd.s32 $0xFFFFD800  }
0x1e: {  	_ =	swait.ge [sflag:s30], $0x2800  }
0x1f: {  	[sflag:s30] =	ssyncset.done $0x0  }
0x20: {  	[sflag:s30] =	ssyncadd.s32 $0xFFFFD800  }
.LBB2_7:
0x21: {  	s2 =	rddreg [dreg:$0x4]  }
0x22: {  	[tilespmem:s15], [sflag:$0x4] =	stream.linear.gather [hbm4b:s2+s3], $0x50, $0x38;
	[tilespmem:$0x1ED00] =	vst v63  }
0x23: {  	_ =	swait.ge [sflag:s16], $0x50  }
0x24: {  	[sflag:s16] =	ssyncset.done $0x0  }
0x25: {  	s13 =	rddreg [dreg:$0x5];
	[sflag:s16] =	ssyncadd.s32 $0xFFFFFFB0  }
0x26: {  	[tilespmem:s17], [sflag:$0x4] =	stream.linear.gather [hbm4b:s13+s3], $0x50, $0x38;
	[tilespmem:$0x1ED00] =	vst v63  }
0x27: {  	_ =	swait.ge [sflag:s16], $0x50  }
0x28: {  	[sflag:s16] =	ssyncset.done $0x0  }
0x29: {  	[sflag:s16] =	ssyncadd.s32 $0xFFFFFFB0  }
0x2a: {  	[tilespmem:s19], [sflag:$0x1] =	stream.indirect.gather [hbm4b:s4+s18], $0x80, s15, s18, $0xb8;
	[tilespmem:$0x1ED00] =	vst v63  }
0x2b: {  	_ =	swait.ge [sflag:s29], $0x2800  }
0x2c: {  	[sflag:s29] =	ssyncset.done $0x0  }
0x2d: {  	[sflag:s29] =	ssyncadd.s32 $0xFFFFD800  }
0x2e: {  	[spmem:s1] =	stream.indirect.scatter.add.f32 [tilespmem:s19], [sflag:$0x2], $0x80, s17, s18, $0xb8;
	[tilespmem:$0x1ED00] =	vst v63  }
0x2f: {  	_ =	swait.ge [sflag:s30], $0x2800  }
0x30: {  	[sflag:s30] =	ssyncset.done $0x0  }
0x31: {  	s14 =	stileid.u32;
	[sflag:s30] =	ssyncadd.s32 $0xFFFFD800  }
0x32: {  	s2 =	sshll.u32 s14, $0x6;
	[bflag:$0x0] =	sbarrier.arrive $0xFFFF  }
0x33: {  	s2 =	sor.u32 $0x1C04, s2;
	s7 =	rddreg [dreg:$0x6]  }
0x34: {  	[hbm:s7], [sflag:s2] =	dma.local [spmem:s25], $0x2800  }
0x35: {  	_ =	swait.ge [sflag:s16], $0x2800  }
0x36: {  	s0 =	sadd.s32 $0x1, s0;
	s22 =	rddreg [dreg:$0x7]  }
0x37: {  	p0 =	sne.s32 s0, s22  }
.Ltmp1:
0x38: {  	_ = 	snop;
	(pc) =	sbr.rel @!p0 .LBB2_8-.Ltmp1, $3  }
0x39: {  	_ =	sdelay $0x1  }
0x3a: {  	[sflag:s16] =	ssyncset.done $0x0  }
0x3b: {  	[sflag:s16] =	ssyncadd.s32 $0xFFFFD800  }
.LBB2_1:
0x3c: {  	[tilespmem:s15], [sflag:$0x4] =	stream.linear.gather [hbm4b:s6+s3], $0x140, $0x38;
	[tilespmem:$0x1ED00] =	vst v63  }
0x3d: {  	_ =	swait.ge [sflag:s16], $0x140  }
0x3e: {  	[sflag:s16] =	ssyncset.done $0x0  }
0x3f: {  	s2 =	rddreg [dreg:$0x3];
	[sflag:s16] =	ssyncadd.s32 $0xFFFFFEC0  }
0x40: {  	[tilespmem:s17], [sflag:$0x4] =	stream.linear.gather [hbm4b:s2+s3], $0x140, $0x38;
	[tilespmem:$0x1ED00] =	vst v63  }
0x41: {  	_ =	swait.ge [sflag:s16], $0x140  }
0x42: {  	[sflag:s16] =	ssyncset.done $0x0  }
0x43: {  	[sflag:s16] =	ssyncadd.s32 $0xFFFFFEC0  }
0x44: {  	[tilespmem:s19], [sflag:$0x1] =	stream.indirect.gather [hbm4b:s4+s18], $0x80, s15, s18, $0xb8;
	[tilespmem:$0x1ED00] =	vst v63  }
0x45: {  	s12 =	simm.s32 $0x14050  }
0x46: {  	[tilespmem:s21], [sflag:$0x1] =	stream.indirect.gather [hbm4b:s4+s18], $0x80, s12, s18, $0xb8;
	[tilespmem:$0x1ED00] =	vst v63  }
0x47: {  	s13 =	simm.s32 $0x140A0  }
0x48: {  	[tilespmem:s23], [sflag:$0x1] =	stream.indirect.gather [hbm4b:s4+s18], $0x80, s13, s18, $0xb8;
	[tilespmem:$0x1ED00] =	vst v63  }
0x49: {  	s14 =	simm.s32 $0x140F0  }
0x4a: {  	[tilespmem:s26], [sflag:$0x1] =	stream.indirect.gather [hbm4b:s4+s18], $0x80, s14, s18, $0xb8;
	[tilespmem:$0x1ED00] =	vst v63  }
0x4b: {  	[tilespmem:$0x1E500] =	vst v0  }
0x4c: {  	[tilespmem:$0x1E510] =	vst v0  }
0x4d: {  	[tilespmem:$0x1E520] =	vst v0  }
0x4e: {  	[tilespmem:$0x1E530] =	vst v0  }
0x4f: {  	[tilespmem:$0x1E540] =	vst v0  }
0x50: {  	[tilespmem:$0x1E550] =	vst v0  }
0x51: {  	[tilespmem:$0x1E560] =	vst v0  }
0x52: {  	[tilespmem:$0x1E570] =	vst v0  }
0x53: {  	[tilespmem:$0x1E580] =	vst v0  }
0x54: {  	[tilespmem:$0x1E590] =	vst v0  }
0x55: {  	[tilespmem:$0x1E5A0] =	vst v0  }
0x56: {  	[tilespmem:$0x1E5B0] =	vst v0  }
0x57: {  	[tilespmem:$0x1E5C0] =	vst v0  }
0x58: {  	[tilespmem:$0x1E5D0] =	vst v0  }
0x59: {  	[tilespmem:$0x1E5E0] =	vst v0  }
0x5a: {  	[tilespmem:$0x1E5F0] =	vst v0  }
0x5b: {  	[tilespmem:$0x1E600] =	vst v0  }
0x5c: {  	[tilespmem:$0x1E610] =	vst v0  }
0x5d: {  	[tilespmem:$0x1E620] =	vst v0  }
0x5e: {  	[tilespmem:$0x1E630] =	vst v0  }
0x5f: {  	[tilespmem:$0x1E640] =	vst v0  }
0x60: {  	[tilespmem:$0x1E650] =	vst v0  }
0x61: {  	[tilespmem:$0x1E660] =	vst v0  }
0x62: {  	[tilespmem:$0x1E670] =	vst v0  }
0x63: {  	[tilespmem:$0x1E680] =	vst v0  }
0x64: {  	[tilespmem:$0x1E690] =	vst v0  }
0x65: {  	[tilespmem:$0x1E6A0] =	vst v0  }
0x66: {  	[tilespmem:$0x1E6B0] =	vst v0  }
0x67: {  	[tilespmem:$0x1E6C0] =	vst v0  }
0x68: {  	[tilespmem:$0x1E6D0] =	vst v0  }
0x69: {  	[tilespmem:$0x1E6E0] =	vst v0  }
0x6a: {  	[tilespmem:$0x1E6F0] =	vst v0  }
0x6b: {  	[tilespmem:$0x1E700] =	vst v0  }
0x6c: {  	[tilespmem:$0x1E710] =	vst v0  }
0x6d: {  	[tilespmem:$0x1E720] =	vst v0  }
0x6e: {  	[tilespmem:$0x1E730] =	vst v0  }
0x6f: {  	[tilespmem:$0x1E740] =	vst v0  }
0x70: {  	[tilespmem:$0x1E750] =	vst v0  }
0x71: {  	[tilespmem:$0x1E760] =	vst v0  }
0x72: {  	[tilespmem:$0x1E770] =	vst v0  }
0x73: {  	[tilespmem:$0x1E780] =	vst v0  }
0x74: {  	[tilespmem:$0x1E790] =	vst v0  }
0x75: {  	[tilespmem:$0x1E7A0] =	vst v0  }
0x76: {  	[tilespmem:$0x1E7B0] =	vst v0  }
0x77: {  	[tilespmem:$0x1E7C0] =	vst v0  }
0x78: {  	[tilespmem:$0x1E7D0] =	vst v0  }
0x79: {  	[tilespmem:$0x1E7E0] =	vst v0  }
0x7a: {  	[tilespmem:$0x1E7F0] =	vst v0  }
0x7b: {  	[tilespmem:$0x1E800] =	vst v0  }
0x7c: {  	[tilespmem:$0x1E810] =	vst v0  }
0x7d: {  	[tilespmem:$0x1E820] =	vst v0  }
0x7e: {  	[tilespmem:$0x1E830] =	vst v0  }
0x7f: {  	[tilespmem:$0x1E840] =	vst v0  }
0x80: {  	[tilespmem:$0x1E850] =	vst v0  }
0x81: {  	[tilespmem:$0x1E860] =	vst v0  }
0x82: {  	[tilespmem:$0x1E870] =	vst v0  }
0x83: {  	[tilespmem:$0x1E880] =	vst v0  }
0x84: {  	[tilespmem:$0x1E890] =	vst v0  }
0x85: {  	[tilespmem:$0x1E8A0] =	vst v0  }
0x86: {  	[tilespmem:$0x1E8B0] =	vst v0  }
0x87: {  	[tilespmem:$0x1E8C0] =	vst v0  }
0x88: {  	[tilespmem:$0x1E8D0] =	vst v0  }
0x89: {  	[tilespmem:$0x1E8E0] =	vst v0  }
0x8a: {  	[tilespmem:$0x1E8F0] =	vst v0  }
0x8b: {  	[tilespmem:$0x1E900] =	vst v0  }
0x8c: {  	[tilespmem:$0x1E910] =	vst v0  }
0x8d: {  	[tilespmem:$0x1E920] =	vst v0  }
0x8e: {  	[tilespmem:$0x1E930] =	vst v0  }
0x8f: {  	[tilespmem:$0x1E940] =	vst v0  }
0x90: {  	[tilespmem:$0x1E950] =	vst v0  }
0x91: {  	[tilespmem:$0x1E960] =	vst v0  }
0x92: {  	[tilespmem:$0x1E970] =	vst v0  }
0x93: {  	[tilespmem:$0x1E980] =	vst v0  }
0x94: {  	[tilespmem:$0x1E990] =	vst v0  }
0x95: {  	[tilespmem:$0x1E9A0] =	vst v0  }
0x96: {  	[tilespmem:$0x1E9B0] =	vst v0  }
0x97: {  	[tilespmem:$0x1E9C0] =	vst v0  }
0x98: {  	[tilespmem:$0x1E9D0] =	vst v0  }
0x99: {  	[tilespmem:$0x1E9E0] =	vst v0  }
0x9a: {  	[tilespmem:$0x1E9F0] =	vst v0  }
0x9b: {  	[tilespmem:$0x1EA00] =	vst v0  }
0x9c: {  	[tilespmem:$0x1EA10] =	vst v0  }
0x9d: {  	[tilespmem:$0x1EA20] =	vst v0  }
0x9e: {  	[tilespmem:$0x1EA30] =	vst v0  }
0x9f: {  	[tilespmem:$0x1EA40] =	vst v0  }
0xa0: {  	[tilespmem:$0x1EA50] =	vst v0  }
0xa1: {  	[tilespmem:$0x1EA60] =	vst v0  }
0xa2: {  	[tilespmem:$0x1EA70] =	vst v0  }
0xa3: {  	[tilespmem:$0x1EA80] =	vst v0  }
0xa4: {  	[tilespmem:$0x1EA90] =	vst v0  }
0xa5: {  	[tilespmem:$0x1EAA0] =	vst v0  }
0xa6: {  	[tilespmem:$0x1EAB0] =	vst v0  }
0xa7: {  	[tilespmem:$0x1EAC0] =	vst v0  }
0xa8: {  	[tilespmem:$0x1EAD0] =	vst v0  }
0xa9: {  	[tilespmem:$0x1EAE0] =	vst v0  }
0xaa: {  	[tilespmem:$0x1EAF0] =	vst v0  }
0xab: {  	[tilespmem:$0x1EB00] =	vst v0  }
0xac: {  	[tilespmem:$0x1EB10] =	vst v0  }
0xad: {  	[tilespmem:$0x1EB20] =	vst v0  }
0xae: {  	[tilespmem:$0x1EB30] =	vst v0  }
0xaf: {  	[tilespmem:$0x1EB40] =	vst v0  }
0xb0: {  	[tilespmem:$0x1EB50] =	vst v0  }
0xb1: {  	[tilespmem:$0x1EB60] =	vst v0  }
0xb2: {  	[tilespmem:$0x1EB70] =	vst v0  }
0xb3: {  	[tilespmem:$0x1EB80] =	vst v0  }
0xb4: {  	[tilespmem:$0x1EB90] =	vst v0  }
0xb5: {  	[tilespmem:$0x1EBA0] =	vst v0  }
0xb6: {  	[tilespmem:$0x1EBB0] =	vst v0  }
0xb7: {  	[tilespmem:$0x1EBC0] =	vst v0  }
0xb8: {  	[tilespmem:$0x1EBD0] =	vst v0  }
0xb9: {  	[tilespmem:$0x1EBE0] =	vst v0  }
0xba: {  	[tilespmem:$0x1EBF0] =	vst v0  }
0xbb: {  	[tilespmem:$0x1EC00] =	vst v0  }
0xbc: {  	[tilespmem:$0x1EC10] =	vst v0  }
0xbd: {  	[tilespmem:$0x1EC20] =	vst v0  }
0xbe: {  	[tilespmem:$0x1EC30] =	vst v0  }
0xbf: {  	[tilespmem:$0x1EC40] =	vst v0  }
0xc0: {  	[tilespmem:$0x1EC50] =	vst v0  }
0xc1: {  	[tilespmem:$0x1EC60] =	vst v0  }
0xc2: {  	[tilespmem:$0x1EC70] =	vst v0  }
0xc3: {  	[tilespmem:$0x1EC80] =	vst v0  }
0xc4: {  	[tilespmem:$0x1EC90] =	vst v0  }
0xc5: {  	[tilespmem:$0x1ECA0] =	vst v0  }
0xc6: {  	[tilespmem:$0x1ECB0] =	vst v0  }
0xc7: {  	[tilespmem:$0x1ECC0] =	vst v0  }
0xc8: {  	[tilespmem:$0x1ECD0] =	vst v0  }
0xc9: {  	[tilespmem:$0x1ECE0] =	vst v0  }
0xca: {  	s22 =	sadd.s32 $0x0, s8;
	[tilespmem:$0x1ECF0] =	vst v0  }
0xcb: {  	[spmem:s22] =	stream.linear.scatter [tilespmem:s28], [sflag:$0x4], $0x800, $0x38;
	[tilespmem:$0x1ED00] =	vst v63  }
0xcc: {  	s2 =	simm.s32 $0x20000;
	_ =	swait.ge [sflag:s16], $0x800  }
.LBB2_2:
0xcd: {  	s13 =	sshra.s32 s2, $0x2;
	[sflag:s16] =	ssyncset.done $0x0;
	p0 =	sne.s32 s2, $0x4E0000  }
.Ltmp2:
0xce: {  	s13 =	sadd.s32 s13, s8;
	[sflag:s16] =	ssyncadd.s32 $0xFFFFF800;
	(pc) =	sbr.rel @p0 .LBB2_2-.Ltmp2, $3  }
0xcf: {  	[spmem:s13] =	stream.linear.scatter [tilespmem:s28], [sflag:$0x4], $0x800, $0x38;
	[tilespmem:$0x1ED00] =	vst v63  }
0xd0: {  	s2 =	sadd.s32 $0x20000, s2;
	_ =	sdelay $0x1  }
0xd1: {  	_ =	swait.ge [sflag:s16], $0x800  }
0xd2: {  	[sflag:s16] =	ssyncset.done $0x0  }
0xd3: {  	s7 =	simm.s32 $0x0;
	[sflag:s16] =	ssyncadd.s32 $0xFFFFF800  }
0xd4: {  	s14 =	smov.u32 s20;
	s13 =	smov.u32 s24;
	[bflag:$0x0] =	sbarrier.arrive $0xFFFF  }
.LBB2_4:
0xd5: {  	s22 =	smov.u32 s7;
	s7 =	sadd.s32 $0x1, s7  }
0xd6: {  	s2 =	sand.u32 $0x1, s7;
	p0 =	seq.s32 s22, $0x1E  }
0xd7: {  	s9 =	smul.u32 @!p0 $0x140, s2  }
0xd8: {  	s10 =	sshrl.u32 @!p0 s14, $0x3  }
0xd9: {  	s12 =	simm.s32 @!p0 $0x0;
	s10 =	sadd.s32 @!p0 s5, s10;
	s11 =	sor.u32 @!p0 $0x14000, s9  }
0xda: {  	[tilespmem:s11], [sflag:$0x3] =	stream.linear.gather @!p0 [hbm4b:s10+s12], $0x140, $0x38;
	[tilespmem:$0x1ED00] =	vst v63  }
0xdb: {  	s9 =	sadd.s32 @!p0 $0x14280, s9;
	s11 =	sand.u32 $0x1, s22  }
0xdc: {  	[tilespmem:s9], [sflag:$0x3] =	stream.linear.gather @!p0 [hbm4b:s13+s12], $0x140, $0x38;
	[tilespmem:$0x1ED00] =	vst v63  }
0xdd: {  	p0 =	seq.s32 s11, $0x1;
	s9 =	simm.s32 $0x140;
	_ =	swait.ge [sflag:s29], $0x2800  }
0xde: {  	s9 =	simm.s32 @!p0 $0x0;
	[sflag:s29] =	ssyncset.done $0x0  }
0xdf: {  	s12 =	sor.u32 $0x14280, s9;
	[sflag:s29] =	ssyncadd.s32 $0xFFFFD800  }
0xe0: {  	[spmem:s1] =	stream.indirect.scatter.add.f32 [tilespmem:s19], [sflag:$0x2], $0x80, s12, s18, $0xb8;
	[tilespmem:$0x1ED00] =	vst v63  }
0xe1: {  	_ =	swait.ge [sflag:s29], $0x2800  }
0xe2: {  	[sflag:s29] =	ssyncset.done $0x0  }
0xe3: {  	s11 =	sadd.s32 $0x142D0, s9;
	[sflag:s29] =	ssyncadd.s32 $0xFFFFD800  }
0xe4: {  	[spmem:s1] =	stream.indirect.scatter.add.f32 [tilespmem:s21], [sflag:$0x2], $0x80, s11, s18, $0xb8;
	[tilespmem:$0x1ED00] =	vst v63  }
0xe5: {  	_ =	swait.ge [sflag:s29], $0x2800  }
0xe6: {  	[sflag:s29] =	ssyncset.done $0x0  }
0xe7: {  	p0 =	sne.s32 s22, $0x1E;
	s12 =	sadd.s32 $0x14320, s9;
	[sflag:s29] =	ssyncadd.s32 $0xFFFFD800  }
0xe8: {  	[spmem:s1] =	stream.indirect.scatter.add.f32 [tilespmem:s23], [sflag:$0x2], $0x80, s12, s18, $0xb8;
	[tilespmem:$0x1ED00] =	vst v63  }
.Ltmp3:
0xe9: {  	_ = 	snop;
	(pc) =	sbr.rel @!p0 .LBB2_5-.Ltmp3, $4  }
0xea: {  	_ =	swait.ge [sflag:s29], $0x2800  }
0xeb: {  	[sflag:s29] =	ssyncset.done $0x0  }
0xec: {  	s9 =	sadd.s32 $0x14370, s9;
	[sflag:s29] =	ssyncadd.s32 $0xFFFFD800  }
0xed: {  	[spmem:s1] =	stream.indirect.scatter.add.f32 [tilespmem:s26], [sflag:$0x2], $0x80, s9, s18, $0xb8;
	[tilespmem:$0x1ED00] =	vst v63  }
0xee: {  	_ =	swait.ge [sflag:s31], $0x140  }
0xef: {  	[sflag:s31] =	ssyncset.done $0x0  }
0xf0: {  	[sflag:s31] =	ssyncadd.s32 $0xFFFFFEC0  }
0xf1: {  	_ =	swait.ge [sflag:s31], $0x140  }
0xf2: {  	[sflag:s31] =	ssyncset.done $0x0  }
0xf3: {  	s2 =	smul.u32 $0x500, s2;
	[sflag:s31] =	ssyncadd.s32 $0xFFFFFEC0  }
0xf4: {  	_ =	swait.ge [sflag:s30], $0x2800  }
0xf5: {  	s2 =	sshrl.u32 s2, $0x2;
	[sflag:s30] =	ssyncset.done $0x0  }
0xf6: {  	s9 =	sor.u32 $0x14000, s2;
	[sflag:s30] =	ssyncadd.s32 $0xFFFFD800  }
0xf7: {  	[tilespmem:s19], [sflag:$0x1] =	stream.indirect.gather [hbm4b:s4+s18], $0x80, s9, s18, $0xb8;
	[tilespmem:$0x1ED00] =	vst v63  }
0xf8: {  	_ =	swait.ge [sflag:s30], $0x2800  }
0xf9: {  	[sflag:s30] =	ssyncset.done $0x0  }
0xfa: {  	s12 =	sadd.s32 $0x14050, s2;
	[sflag:s30] =	ssyncadd.s32 $0xFFFFD800  }
0xfb: {  	[tilespmem:s21], [sflag:$0x1] =	stream.indirect.gather [hbm4b:s4+s18], $0x80, s12, s18, $0xb8;
	[tilespmem:$0x1ED00] =	vst v63  }
0xfc: {  	_ =	swait.ge [sflag:s30], $0x2800  }
0xfd: {  	[sflag:s30] =	ssyncset.done $0x0  }
0xfe: {  	p0 =	sne.s32 s7, $0x1F;
	s22 =	sadd.s32 $0x140A0, s2;
	[sflag:s30] =	ssyncadd.s32 $0xFFFFD800  }
0xff: {  	[tilespmem:s23], [sflag:$0x1] =	stream.indirect.gather [hbm4b:s4+s18], $0x80, s22, s18, $0xb8;
	[tilespmem:$0x1ED00] =	vst v63  }
.Ltmp4:
0x100: {  	_ = 	snop;
	(pc) =	sbr.rel @p0 .LBB2_4-.Ltmp4, $4  }
.Ltmp5:
0x101: {  	_ =	swait.ge [sflag:s30], $0x2800;
	(pc) =	sbr.rel @!p0 .LBB2_7-.Ltmp5, $4  }
0x102: {  	s13 =	sadd.s32 $0x28, s13;
	[sflag:s30] =	ssyncset.done $0x0  }
0x103: {  	s14 =	sadd.s32 $0x140, s14;
	s2 =	sadd.s32 $0x140F0, s2;
	[sflag:s30] =	ssyncadd.s32 $0xFFFFD800  }
0x104: {  	[tilespmem:s26], [sflag:$0x1] =	stream.indirect.gather [hbm4b:s4+s18], $0x80, s2, s18, $0xb8;
	[tilespmem:$0x1ED00] =	vst v63  }
0x105: {  	_ = 	snop  }
.LBB2_8:
0x106: {  	_ =	sfence.sel $0x180000  }
0x107: {  	[bflag:$0x0] =	sbarrier.arrive $0xFFFF  }
0x108: {  	_ =	strace $0x9000004D  }
0x109: {  	s0 =	stileid.u32;
	[bflag:$0x2] =	sbarrier.arrive $0xFFFF  }
0x10a: {  	p0 =	sne.s32 s0, $0x0;
	s0 =	rddreg [dreg:$0x2]  }
0x10b: {  	s0 =	sadd.s32 @!p0 $0x100000, s0  }
0x10c: {  	[sflag:s0] =	ssyncadd.tile.s32 @!p0 $0x1;
	_ =	shalt  }
.Lfunc_end2:
_tile_overlayer_lowered:
.L_overlay_start_2:
0x10d: {  	(tag) =	ssettag $0x2  }
0x10e: {  	s0 =	rddreg [dreg:$0x0];
	s2 =	stileid.u32  }
0x10f: {  	s1 =	rddreg [dreg:$0x1];
	p0 =	sne.s32 s2, $0x0  }
0x110: {  	s3 =	rddreg [dreg:$0x2];
	[bflag:$0x3] =	sbarrier.arrive $0xFFFF;
	s2 =	simm.s32 @!p0 $0x1C04  }
0x111: {  	[timem:s3], [sflag:s2] =	dma.local @!p0 [hbm:s0], s1  }
0x112: {  	s0 =	simm.s32 @!p0 $0x4  }
0x113: {  	_ =	swait.ge @!p0 [sflag:s0], s1  }
0x114: {  	s1 =	ssub.s32 @!p0 $0x0, s1;
	[sflag:s0] =	ssyncset.done @!p0 $0x0  }
0x115: {  	[sflag:s0] =	ssyncadd.s32 @!p0 s1  }
0x116: {  	[bflag:$0x3] =	sbarrier.arrive $0xFFFF  }
0x117: {  	_ =	shalt  }

// kernel: kernel.9.cloned.1.call-start
scs
__scs_entry_jumppad:
0x0: {  	(pc) =	sbr.rel $0x88, $3  }
0x1: {  	(tag) =	ssettag $0x0;
	lr =	simm.s32 $0x1  }
0x2: {  	[smem:$0x3F8C] =	sst lr;
	_ =	strace $0xD0000000  }
0x3: {  	_ = 	snop  }
0x4: {  	_ = 	snop  }
0x5: {  	_ = 	snop  }
0x6: {  	_ = 	snop  }
0x7: {  	_ = 	snop  }
__scs_overlays_trampoline_lowered:
0x8: {  	[smem:$0x3F9B] =	sst s0  }
0x9: {  	[smem:$0x3F9C] =	sst s1  }
0xa: {  	[smem:$0x3F9D] =	sst s2  }
0xb: {  	[smem:$0x3F9E] =	sst s3  }
0xc: {  	[smem:$0x3F9F] =	sst s4  }
0xd: {  	[smem:$0x3FA0] =	sst s5  }
0xe: {  	[smem:$0x3FA1] =	sst s6  }
0xf: {  	[smem:$0x3FA2] =	sst s7  }
0x10: {  	[smem:$0x3FA3] =	sst s8  }
0x11: {  	[smem:$0x3FA4] =	sst s9;
	s0 =	simm.s32 @!p0 $0x0  }
0x12: {  	s1 =	sld [smem:$0x3F8A];
	s0 =	simm.s32 @p0 $0x1  }
0x13: {  	[smem:$0x3FA5] =	sst s0;
	s0 =	simm.s32 @!p1 $0x0  }
0x14: {  	s2 =	sld [smem:$0x3F89];
	s0 =	simm.s32 @p1 $0x1  }
0x15: {  	[smem:$0x3FA6] =	sst s0;
	s0 =	simm.s32 @!p2 $0x0  }
0x16: {  	s3 =	sld [smem:$0x3FDB];
	s0 =	simm.s32 @p2 $0x1  }
0x17: {  	s4 =	simm.s32 $0x1BF5;
	[smem:$0x3FA8] =	sst s0  }
0x18: {  	s0 =	sld [smem:$0x3F8B];
	_ =	swait.ge [sflag:s4], $0x0  }
0x19: {  	s7 =	sld [smem:$0x3F8C]  }
0x1a: {  	s8 =	sadd.s32 $0xFFFFE003, lr  }
0x1b: {  	s9 =	sadd.s32 $0xFFFFFEF7, lr;
	s5 =	simm.s32 $0xFFFFFFFF;
	p2 =	slt.u32 s8, $0xFFFFF086  }
0x1c: {  	p1 =	slt.u32 s9, $0xF7A;
	s5 =	simm.s32 @!p2 $0x0  }
0x1d: {  	s5 =	simm.s32 @p1 $0x1;
	p0 =	seq.s32 s7, s2  }
0x1e: {  	s7 =	smul.u32 @!p0 $0xF7A, s2;
	p2 =	seq.s32 @!p0 s5, $0x0  }
0x1f: {  	s9 =	smul.u32 $0xF7A, s1;
	s8 =	simm.s32 @!p0 $0x1BF5;
	p2 =	por !p2, p0  }
0x20: {  	[sflag:s8] =	ssyncset.s32 @!p0 $0xFFFFF086;
	s6 =	sadd.s32 @!p0 s3, s7;
	s7 =	simm.s32 @!p0 $0x108  }
0x21: {  	s3 =	sadd.s32 s3, s9;
	s6 =	sadd.s32 @!p0 $0x88, s6;
	s7 =	simm.s32 @p2 $0x1082  }
0x22: {  	[simem:s7], [sflag:s8] =	dma.local @!p0 [hbm:s6], $0xF7A  }
0x23: {  	s9 =	sor.u32 $0xD0000000, s2;
	s6 =	simm.s32 $0x108;
	_ =	swait.ge @!p0 [sflag:s8], $0x0  }
0x24: {  	s3 =	sadd.s32 $0x88, s3;
	s6 =	simm.s32 @!p1 $0x1082;
	[sflag:s4] =	ssyncset.s32 $0xFFFFF086  }
0x25: {  	[simem:s6], [sflag:s4] =	dma.local [hbm:s3], $0xF7A  }
0x26: {  	[smem:$0x3F8C] =	sst s1;
	(tag) =	ssettag s2;
	_ =	strace s9  }
0x27: {  	s1 =	sld [smem:$0x3F9C]  }
0x28: {  	s2 =	sld [smem:$0x3F9D]  }
0x29: {  	s4 =	sld [smem:$0x3F9F]  }
0x2a: {  	p0 =	seq.s32 s5, $0x0;
	s5 =	sld [smem:$0x3FA0]  }
0x2b: {  	s6 =	sld [smem:$0x3FA1]  }
0x2c: {  	s7 =	sld [smem:$0x3FA2]  }
0x2d: {  	s3 =	simm.s32 $0x108;
	s8 =	sld [smem:$0x3FA3]  }
0x2e: {  	s3 =	simm.s32 @!p0 $0x1082;
	s9 =	sld [smem:$0x3FA4]  }
0x2f: {  	lr =	sadd.s32 s0, s3;
	s0 =	sld [smem:$0x3F9B]  }
0x30: {  	s3 =	sld [smem:$0x3F9E]  }
0x31: {  	[smem:$0x3FA7] =	sst s10  }
0x32: {  	s10 =	sld [smem:$0x3FA5];
	_ =	sdelay $0x3  }
0x33: {  	p0 =	seq.s32 s10, $0x1;
	s10 =	sld [smem:$0x3FA7];
	_ =	sdelay $0x3  }
0x34: {  	[smem:$0x3FA7] =	sst s10  }
0x35: {  	s10 =	sld [smem:$0x3FA6];
	_ =	sdelay $0x3  }
0x36: {  	p1 =	seq.s32 s10, $0x1;
	s10 =	sld [smem:$0x3FA7];
	_ =	sdelay $0x3  }
0x37: {  	[smem:$0x3FA7] =	sst s10  }
0x38: {  	s10 =	sld [smem:$0x3FA8]  }
0x39: {  	_ = 	snop;
	(pc) =	sbr.ind lr, $3  }
0x3a: {  	_ = 	snop  }
0x3b: {  	_ = 	snop  }
0x3c: {  	p2 =	seq.s32 s10, $0x1;
	s10 =	sld [smem:$0x3FA7]  }
0x3d: {  	_ =	shalt  }
0x3e: {  	_ =	shalt  }
0x3f: {  	_ =	shalt  }
0x40: {  	_ =	shalt  }
0x41: {  	_ =	shalt  }
0x42: {  	_ =	shalt  }
0x43: {  	_ =	shalt  }
0x44: {  	_ =	shalt  }
0x45: {  	_ =	shalt  }
0x46: {  	_ =	shalt  }
0x47: {  	_ =	shalt  }
0x48: {  	_ =	shalt  }
0x49: {  	_ =	shalt  }
0x4a: {  	_ =	shalt  }
0x4b: {  	_ =	shalt  }
0x4c: {  	_ =	shalt  }
0x4d: {  	_ =	shalt  }
0x4e: {  	_ =	shalt  }
0x4f: {  	_ =	shalt  }
0x50: {  	_ =	shalt  }
0x51: {  	_ =	shalt  }
0x52: {  	_ =	shalt  }
0x53: {  	_ =	shalt  }
0x54: {  	_ =	shalt  }
0x55: {  	_ =	shalt  }
0x56: {  	_ =	shalt  }
0x57: {  	_ =	shalt  }
0x58: {  	_ =	shalt  }
0x59: {  	_ =	shalt  }
0x5a: {  	_ =	shalt  }
0x5b: {  	_ =	shalt  }
0x5c: {  	_ =	shalt  }
0x5d: {  	_ =	shalt  }
0x5e: {  	_ =	shalt  }
0x5f: {  	_ =	shalt  }
0x60: {  	_ =	shalt  }
0x61: {  	_ =	shalt  }
0x62: {  	_ =	shalt  }
0x63: {  	_ =	shalt  }
0x64: {  	_ =	shalt  }
0x65: {  	_ =	shalt  }
0x66: {  	_ =	shalt  }
0x67: {  	_ =	shalt  }
0x68: {  	_ =	shalt  }
0x69: {  	_ =	shalt  }
0x6a: {  	_ =	shalt  }
0x6b: {  	_ =	shalt  }
0x6c: {  	_ =	shalt  }
0x6d: {  	_ =	shalt  }
0x6e: {  	_ =	shalt  }
0x6f: {  	_ =	shalt  }
0x70: {  	_ =	shalt  }
0x71: {  	_ =	shalt  }
0x72: {  	_ =	shalt  }
0x73: {  	_ =	shalt  }
0x74: {  	_ =	shalt  }
0x75: {  	_ =	shalt  }
0x76: {  	_ =	shalt  }
0x77: {  	_ =	shalt  }
0x78: {  	_ =	shalt  }
0x79: {  	_ =	shalt  }
0x7a: {  	_ =	shalt  }
0x7b: {  	_ =	shalt  }
0x7c: {  	_ =	shalt  }
0x7d: {  	_ =	shalt  }
0x7e: {  	_ =	shalt  }
0x7f: {  	_ =	shalt  }
0x80: {  	_ =	shalt  }
0x81: {  	_ =	shalt  }
0x82: {  	_ =	shalt  }
0x83: {  	_ =	shalt  }
0x84: {  	_ =	shalt  }
0x85: {  	_ =	shalt  }
0x86: {  	_ =	shalt  }
0x87: {  	_ =	shalt  }
.Lfunc_end0:
.L_simem_size_0:
called_computation_lowered:
.L_overlay_start_0:
0x88: {  	s2 =	sld [smem:$0x3FD9]  }
0x89: {  	s3 =	sld [smem:$0x3FFE];
	_ =	sdelay $0x1  }
0x8a: {  	s1 =	srdreg.scid  }
0x8b: {  	s0 =	sand.u32 $0x1, s1  }
0x8c: {  	s16 =	sshll.u32 s0, $0xA;
	s2 =	sadd.s32 s3, s2  }
0x8d: {  	s2 =	sadd.s32 s2, s16  }
0x8e: {  	[smem:$0x3FB3] =	sst s2  }
0x8f: {  	_ = 	snop  }
0x90: {  	(tm) =	ssettm $0x1  }
0x91: {  	s17 =	sld [smem:$0x3FFB];
	_ =	sdelay $0x3  }
0x92: {  	_ =	strace s17  }
0x93: {  	s2 =	sld [smem:$0x3FFC];
	_ =	sdelay $0x3  }
0x94: {  	_ =	strace s2  }
0x95: {  	s2 =	sld [smem:$0x3FFD];
	_ =	sdelay $0x3  }
0x96: {  	_ =	strace s2  }
0x97: {  	_ =	strace $0x8FFFFFFF  }
0x98: {  	s18 =	sld [smem:$0x3FDB];
	_ =	sdelay $0x1  }
0x99: {  	s19 =	simm.s32 $_scs_section_size  }
0x9a: {  	s4 =	simm.s32 $_size__tile_overlayer_lowered;
	s5 =	simm.s32 $_tile_overlayer_lowered  }
0x9b: {  	s22 =	simm.s32 $0x1BFF;
	s21 =	sshll.u32 s5, $0x1;
	s2 =	sadd.s32 s19, s18  }
0x9c: {  	s6 =	simm.s32 $0x0;
	s20 =	sshll.u32 s4, $0x1;
	s4 =	sadd.s32 s21, s2  }
0x9d: {  	[timem:s6], [sflag:s22] =	dma.local [hbm:s4], s20  }
0x9e: {  	_ =	swait.ge [sflag:s22], s20  }
0x9f: {  	s3 =	ssub.s32 $0x0, s20;
	[sflag:s22] =	ssyncset.done $0x0  }
0xa0: {  	[sflag:s22] =	ssyncadd.s32 s3;
	_ =	sdelay $0x1  }
0xa1: {  	s23 =	simm.s32 $0x1B8B  }
0xa2: {  	_ =	swait.ge [sflag:s23], $0x1  }
0xa3: {  	[sflag:s23] =	ssyncset.done $0x0  }
0xa4: {  	s25 =	simm.s32 $0x1B8E;
	s24 =	sld [smem:$0x3FFE];
	[sflag:s23] =	ssyncadd.s32 $0xFFFFFFFF  }
0xa5: {  	s26 =	simm.s32 $execute0_lowered;
	[smem:$0x3FD2] =	sst s25  }
0xa6: {  	s4 =	sshll.u32 s26, $0x1;
	_ =	strace $0x80000046;
	[dreg:$0x1] =	wrdreg $0xFFFFFFFF  }
0xa7: {  	s28 =	simm.s32 $_size_execute0_lowered;
	s2 =	sadd.s32 s2, s4;
	[dreg:$0x0] =	wrdreg $0x0  }
0xa8: {  	s4 =	sshll.u32 s28, $0x1;
	[dreg:$0x2] =	wrdreg s2  }
0xa9: {  	[dreg:$0x3] =	wrdreg s4  }
0xaa: {  	[dreg:$0x4] =	wrdreg $0xC0  }
0xab: {  	_ =	task [dreg:s6], $0x5FFFF  }
0xac: {  	[dreg:$0x1] =	wrdreg $0xFFFFFFFF  }
0xad: {  	[dreg:$0x0] =	wrdreg $0x60  }
0xae: {  	[dreg:$0x2] =	wrdreg s24  }
0xaf: {  	[dreg:$0x3] =	wrdreg $0x9  }
0xb0: {  	_ =	task.clear_ibuf [dreg:s6], $0x4FFFF;
	_ =	strace $0x90000046  }
0xb1: {  	s29 =	simm.s32 $0x9;
	_ =	strace $0x80000048  }
0xb2: {  	_ =	swait.ge [sflag:s29], $0x1  }
0xb3: {  	[sflag:s29] =	ssyncadd.s32 $0xFFFFFFFF  }
0xb4: {  	_ =	strace $0x90000048  }
0xb5: {  	_ =	sfence  }
0xb6: {  	s30 =	sld [smem:$0x0];
	_ =	sdelay $0x2  }
0xb7: {  	s31 =	sshll.u32 s1, $0xD;
	s1 =	sshrl.u32 s1, $0x2  }
0xb8: {  	s3 =	sand.u32 $0x4000, s31;
	s1 =	sadd.s32 s1, s30  }
0xb9: {  	s0 =	sor.u32 s3, s0;
	s1 =	sshll.u32 s1, $0x11  }
0xba: {  	s0 =	sor.u32 s1, s0  }
0xbb: {  	s0 =	sadd.s32 $0x8F2B, s0  }
0xbc: {  	[sflag:s0] =	ssyncadd.remote.s32 $0x1  }
0xbd: {  	_ =	sfence.sel $0xFFFF  }
0xbe: {  	[dreg:$0x0] =	wrdreg $0xFFFFFFFF;
	(pc) =	sbr.abs _section_cstart, $3  }
0xbf: {  	[dreg:$0x1] =	wrdreg $0xFFFFFFFF  }
0xc0: {  	_ =	task.clear_ibuf [dreg:s6], $0x2FFFF;
	_ =	strace $0x9FFFFFFF  }
0xc1: {  	(tm) =	ssettm $0x7FFFFFFF  }
tec
execute0_lowered:
.L_overlay_start_1:
0x0: {  	(tag) =	ssettag $0x1  }
0x1: {  	s1 =	srdreg.scid;
	s0 =	stileid.u32  }
0x2: {  	s3 =	sand.u32 $0x1, s1;
	s30 =	sshll.u32 s0, $0x1  }
0x3: {  	s4 =	rddreg [dreg:$0x0];
	s5 =	sor.u32 s3, s30  }
0x4: {  	s2 =	simm.s32 $0x0;
	s8 =	simm.s32 $0x0;
	s6 =	smul.u32 $0x2710, s5  }
0x5: {  	[smem:$0x7FF] =	sst s2;
	s3 =	ssub.s32 $0x2, s3;
	s5 =	smul.u32 $0x500, s5  }
0x6: {  	s1 =	rddreg [dreg:$0x1];
	_ =	strace $0x80000047;
	s7 =	sshrl.u32 s3, $0x1  }
0x7: {  	s7 =	ssub.s32 s3, s7;
	s6 =	sshrl.u32 s6, $0x3;
	s5 =	sadd.s32 s5, s4  }
0x8: {  	s31 =	sadd.s32 s4, s6;
	s4 =	sadd.s32 $0x17A00, s5;
	s5 =	smax.u32 s7, $0x1  }
0x9: {  	v0 =	vimm.f32 $0.0e+00;
	v1 =	vimm.f32 $1.000000000e+00;
	s6 =	simm.s32 $0x2800;
	s7 =	simm.s32 $0x1;
	s3 =	sadd.s32 $0xDC40, s31  }
.LBB2_1:
0xa: {  	s9 =	simm.s32 $0x40;
	s10 =	simm.s32 $0x0  }
.LBB2_2:
0xb: {  	p0 =	sne.s32 s9, $0x9FC0;
	[tilespmem:s10+$0x0] =	vst v0;
	s10 =	smov.u32 s9;
	s9 =	sadd.s32 $0x40, s9  }
.Ltmp0:
0xc: {  	(pc) =	sbr.rel @p0 .LBB2_2-.Ltmp0, $2  }
0xd: {  	_ =	sdelay $0x2  }
0xe: {  	s10 =	sshra.s32 s10, $0x2  }
0xf: {  	s9 =	simm.s32 $0x0  }
0x10: {  	s11 =	smul.u32 $0xCCCD, s9;
	_ =	sdelay $0x1  }
0x11: {  	s11 =	sshrl.u32 s11, $0x12  }
0x12: {  	[tilespmem:s10+$0x0] =	vst v0;
	s28 =	smul.u32 $0x5, s11  }
0x13: {  	[tilespmem:s6], [sflag:$0x1] =	stream.linear.gather [hbm4b:s3+s9], $0x2710, $0x38;
	[tilespmem:$0x4F10] =	vst v63  }
0x14: {  	s30 =	smul.u32 $0x140, s11;
	s29 =	ssub.s32 $0x0, s28  }
0x15: {  	_ =	swait.ge [sflag:s7], $0x2710;
	s9 =	sand.u32 $0xFFFF, s29  }
0x16: {  	[sflag:s7] =	ssyncset.done $0x0;
	s10 =	sshrl.u32 s30, $0x2;
	s31 =	sshll.u32 s9, $0x4  }
0x17: {  	[sflag:s7] =	ssyncadd.s32 $0xFFFFD8F0;
	s9 =	simm.s32 $0x1;
	s12 =	sadd.s32 s31, s10  }
0x18: {  	s11 =	smul.u32 $0xCCCD, s9;
	s10 =	simm.s32 $0x2;
	v2 =	vld [tilespmem:s12+$0x2800]  }
.LBB2_4:
0x19: {  	p0 =	sne.s32 s10, $0x270  }
0x1a: {  	s11 =	sshrl.u32 s11, $0x12  }
0x1b: {  	s12 =	smul.u32 $0x5, s11  }
0x1c: {  	s11 =	smul.u32 $0x140, s11  }
.Ltmp1:
0x1d: {  	s9 =	ssub.s32 s9, s12;
	(pc) =	sbr.rel @p0 .LBB2_4-.Ltmp1, $4  }
0x1e: {  	s12 =	sand.u32 $0xFFFF, s9;
	s9 =	smov.u32 s10  }
0x1f: {  	s11 =	sshrl.u32 s11, $0x2;
	s12 =	sshll.u32 s12, $0x4  }
0x20: {  	s12 =	sadd.s32 s12, s11;
	[tilespmem:v2+s2+$0x0] =	vst.idx.add.f32.msk $0xffff, v1  }
0x21: {  	s10 =	sadd.s32 $0x1, s10;
	s11 =	smul.u32 $0xCCCD, s9;
	v2 =	vld [tilespmem:s12+$0x2800]  }
0x22: {  	_ =	sdelay $0x1  }
0x23: {  	s10 =	sshrl.u32 s11, $0x12  }
0x24: {  	s11 =	smul.u32 $0x5, s10;
	_ =	sdelay $0x1  }
0x25: {  	s10 =	smul.u32 $0x140, s10;
	s9 =	ssub.s32 s9, s11  }
0x26: {  	s9 =	sand.u32 $0xFFFF, s9  }
0x27: {  	s10 =	sshrl.u32 s10, $0x2;
	s9 =	sshll.u32 s9, $0x4  }
0x28: {  	[tilespmem:v2+s2+$0x0] =	vst.idx.add.f32.msk $0xffff, v1;
	s9 =	sadd.s32 s9, s10  }
0x29: {  	v2 =	vld [tilespmem:s9+$0x2800];
	_ =	sdelay $0x5  }
0x2a: {  	s8 =	sadd.s32 $0x1, s8  }
0x2b: {  	p0 =	sne.s32 s8, s5  }
.Ltmp2:
0x2c: {  	[tilespmem:v2+s2+$0x0] =	vst.idx.add.f32.msk $0xffff, v1;
	(pc) =	sbr.rel @p0 .LBB2_1-.Ltmp2, $4  }
0x2d: {  	[hbm4b:s4+s2] =	stream.linear.scatter [tilespmem:s2], [sflag:$0x1], $0x2800, $0x38;
	[tilespmem:$0x4F10] =	vst v63  }
0x2e: {  	_ =	swait.ge [sflag:s7], $0x2800  }
0x2f: {  	[sflag:s7] =	ssyncset.done $0x0  }
0x30: {  	[sflag:s7] =	ssyncadd.s32 $0xFFFFD800  }
0x31: {  	_ =	sfence.sel $0x180000  }
0x32: {  	[bflag:$0x0] =	sbarrier.arrive $0xFFFF  }
0x33: {  	p0 =	sne.s32 s0, $0x0;
	_ =	strace $0x90000047  }
0x34: {  	s0 =	sadd.s32 @!p0 $0x100000, s1;
	[bflag:$0x2] =	sbarrier.arrive $0xFFFF  }
0x35: {  	[sflag:s0] =	ssyncadd.tile.s32 @!p0 $0x1;
	_ =	shalt  }
.Lfunc_end2:
_tile_overlayer_lowered:
.L_overlay_start_2:
0x36: {  	(tag) =	ssettag $0x2  }
0x37: {  	s0 =	rddreg [dreg:$0x0];
	s2 =	stileid.u32  }
0x38: {  	s1 =	rddreg [dreg:$0x1];
	p0 =	sne.s32 s2, $0x0  }
0x39: {  	s3 =	rddreg [dreg:$0x2];
	[bflag:$0x3] =	sbarrier.arrive $0xFFFF;
	s2 =	simm.s32 @!p0 $0x1C01  }
0x3a: {  	[timem:s3], [sflag:s2] =	dma.local @!p0 [hbm:s0], s1  }
0x3b: {  	s0 =	simm.s32 @!p0 $0x1  }
0x3c: {  	_ =	swait.ge @!p0 [sflag:s0], s1  }
0x3d: {  	s1 =	ssub.s32 @!p0 $0x0, s1;
	[sflag:s0] =	ssyncset.done @!p0 $0x0  }
0x3e: {  	[sflag:s0] =	ssyncadd.s32 @!p0 s1  }
0x3f: {  	[bflag:$0x3] =	sbarrier.arrive $0xFFFF  }
0x40: {  	_ =	shalt  }

</sc_bundles>
